<compile_context>
chip_gen: v7x
topology: tpu7x:2x2x1
jax: 0.10.2.dev20260603
libtpu: 0.0.44.dev20260713+nightly
codegen_flags: <defaults>
</compile_context>

<pallas_src>
import functools

import jax
import jax.numpy as jnp
from jax import lax
from jax.experimental import pallas as pl
from jax.experimental.pallas import tpu as pltpu
from jax.experimental.pallas import tpu_sc as plsc

_N = 10000
_E = 320000
_D = 128

_B = 128
_NB_ALL = _E // _B
_NW = 32
_NB_MAIN = _NB_ALL // _NW
_NB_REM = _NB_ALL - _NB_MAIN * _NW
_ROWS_PER_TILE = 624
_TAIL_ROWS = _N - 16 * _ROWS_PER_TILE


def _matmul_body(x_ref, w_ref, o_ref):
    o_ref[...] = jnp.dot(x_ref[...], w_ref[...],
                         preferred_element_type=jnp.float32)


def _matmul(x, W):
    blk = 1000
    return pl.pallas_call(
        _matmul_body,
        grid=(_N // blk,),
        in_specs=[
            pl.BlockSpec((blk, _D), lambda i: (i, 0)),
            pl.BlockSpec((_D, _D), lambda i: (0, 0)),
        ],
        out_specs=pl.BlockSpec((blk, _D), lambda i: (i, 0)),
        out_shape=jax.ShapeDtypeStruct((_N, _D), jnp.float32),
    )(x, W)


def _combine_body(a_ref, b_ref, o_ref):
    o_ref[...] = a_ref[...] + b_ref[...]


def _combine(p0, p1):
    blk = 1000
    return pl.pallas_call(
        _combine_body,
        grid=(_N // blk,),
        in_specs=[
            pl.BlockSpec((blk, _D), lambda i: (i, 0)),
            pl.BlockSpec((blk, _D), lambda i: (i, 0)),
        ],
        out_specs=pl.BlockSpec((blk, _D), lambda i: (i, 0)),
        out_shape=jax.ShapeDtypeStruct((_N, _D), jnp.float32),
    )(p0, p1)


def _sc_aggregate(support, col2d, row2d, adj2d):
    mesh = plsc.VectorSubcoreMesh(core_axis_name="c", subcore_axis_name="s")

    @functools.partial(
        pl.kernel,
        out_type=jax.ShapeDtypeStruct((2, _N, _D), jnp.float32),
        mesh=mesh,
        scratch_types=[
            pltpu.VMEM((_B,), jnp.int32),
            pltpu.VMEM((_B,), jnp.int32),
            pltpu.VMEM((_B,), jnp.float32),
            pltpu.VMEM((_B, _D), jnp.float32),
            pltpu.VMEM_SHARED((_N, _D), jnp.float32),
            pltpu.SemaphoreType.DMA,
        ],
    )
    def agg(support_hbm, col_hbm, row_hbm, adj_hbm, out_hbm,
            col_buf, row_buf, adj_buf, rows_buf, acc, sem):
        c = lax.axis_index("c")
        s = lax.axis_index("s")
        wid = c * 16 + s

        @pl.loop(0, _B)
        def _zero(e):
            for cc in range(8):
                rows_buf[e, pl.ds(cc * 16, 16)] = jnp.zeros((16,), jnp.float32)

        base_row = s * _ROWS_PER_TILE
        for kk in range(4):
            pltpu.sync_copy(rows_buf, acc.at[pl.ds(base_row + kk * _B, _B)])
        pltpu.sync_copy(rows_buf.at[pl.ds(0, _ROWS_PER_TILE - 4 * _B)],
                        acc.at[pl.ds(base_row + 4 * _B,
                                     _ROWS_PER_TILE - 4 * _B)])

        @pl.when(s == 0)
        def _zero_tail():
            pltpu.sync_copy(rows_buf.at[pl.ds(0, _TAIL_ROWS)],
                            acc.at[pl.ds(16 * _ROWS_PER_TILE, _TAIL_ROWS)])

        plsc.subcore_barrier()

        def do_batch(r):
            pltpu.sync_copy(col_hbm.at[r], col_buf)
            pltpu.sync_copy(row_hbm.at[r], row_buf)
            pltpu.sync_copy(adj_hbm.at[r], adj_buf)
            pltpu.async_copy(support_hbm.at[col_buf], rows_buf, sem).wait()

            @pl.loop(0, _B // 16)
            def _scale(g16):
                av16 = adj_buf[pl.ds(g16 * 16, 16)]
                for i in range(16):
                    e = g16 * 16 + i
                    av = jnp.full((16,), av16[i], jnp.float32)
                    for cc in range(8):
                        sl = pl.ds(cc * 16, 16)
                        rows_buf[e, sl] = rows_buf[e, sl] * av

            pltpu.sync_copy(rows_buf, acc.at[row_buf], add=True)

        @pl.loop(0, _NB_MAIN)
        def _main(g):
            do_batch(wid * _NB_MAIN + g)

        @pl.when(wid < _NB_REM)
        def _rem():
            do_batch(_NW * _NB_MAIN + wid)

        plsc.subcore_barrier()
        pltpu.sync_copy(acc.at[pl.ds(base_row, _ROWS_PER_TILE)],
                        out_hbm.at[c, pl.ds(base_row, _ROWS_PER_TILE)])

        @pl.when(s == 0)
        def _out_tail():
            pltpu.sync_copy(acc.at[pl.ds(16 * _ROWS_PER_TILE, _TAIL_ROWS)],
                            out_hbm.at[c, pl.ds(16 * _ROWS_PER_TILE,
                                                _TAIL_ROWS)])

    return agg(support, col2d, row2d, adj2d)


def kernel(x, edge_index, adj_values, W):
    support = _matmul(x, W)
    col2d = edge_index[1].reshape(_NB_ALL, _B)
    row2d = edge_index[0].reshape(_NB_ALL, _B)
    adj2d = adj_values.reshape(_NB_ALL, _B)
    partial = _sc_aggregate(support, col2d, row2d, adj2d)
    return _combine(partial[0], partial[1])

# --- scband reference (transcript-rebuilt; emitter-appended) ---
"""Pipeline reference for scband-gcn-layer-1949915153216 (READ-ONLY COPY).

The authoritative reference and input builder live on the scoring server;
editing this copy changes nothing except your own understanding.
"""

import jax, jax.numpy as jnp
import numpy as np

N = 10000
E = 320000
D_IN = 128
D_OUT = 128


def setup_inputs(seed: int = 0) -> dict:
    key = jax.random.key(seed)
    k1, k2, k3, k4 = jax.random.split(key, 4)
    x = jax.random.normal(k1, (N, D_IN), dtype=jnp.float32)
    edge_index = jax.random.randint(k2, (2, E), 0, N, dtype=jnp.int32)
    adj_values = jax.random.uniform(k3, (E,), dtype=jnp.float32)
    # xavier-normal init for weight, matching nn.init.xavier_normal_
    std = np.sqrt(2.0 / (D_IN + D_OUT))
    W = jax.random.normal(k4, (D_IN, D_OUT), dtype=jnp.float32) * std
    return {"x": x, "edge_index": edge_index, "adj_values": adj_values, "W": W}


def reference(x, edge_index, adj_values, W):
    # support = x @ W  (dense mm)
    support = jnp.dot(x, W)
    # output = torch.sparse.mm(adj, support): adj given in COO form
    # (edge_index[0]=row/output idx, edge_index[1]=col/input idx, adj_values)
    row = edge_index[0]
    col = edge_index[1]
    msgs = adj_values[:, None] * jnp.take(support, col, axis=0)
    output = jax.ops.segment_sum(msgs, row, num_segments=N)
    # bias=False in this configuration
    return output

if __name__ == "__main__":
    import jax
    _d = setup_inputs()
    print(jax.jit(kernel)(*tuple(_d.values())))

</pallas_src>

<mosaic_0001>
#map = affine_map<(d0, d1) -> (0, 0)>
#map1 = affine_map<(d0, d1) -> (0, 0, 0)>
module attributes {stable_mosaic.version = 14 : i64} {
  func.func @agg(%arg0: i32, %arg1: i32, %arg2: memref<10000x128xf32, #tpu.memory_space<hbm>>, %arg3: memref<2500x128xi32, #tpu.memory_space<hbm>>, %arg4: memref<2500x128xi32, #tpu.memory_space<hbm>>, %arg5: memref<2500x128xf32, #tpu.memory_space<hbm>>, %arg6: memref<2x10000x128xf32, #tpu.memory_space<hbm>>, %arg7: memref<128xi32, #tpu.memory_space<vmem>>, %arg8: memref<128xi32, #tpu.memory_space<vmem>>, %arg9: memref<128xf32, #tpu.memory_space<vmem>>, %arg10: memref<128x128xf32, #tpu.memory_space<vmem>>, %arg11: memref<10000x128xf32, #tpu.memory_space<vmem_shared>>, %arg12: memref<!tpu.dma_semaphore, #tpu.memory_space<semaphore_mem>>) attributes {dimension_semantics = [#tpu.dimension_semantics<core_parallel>, #tpu.dimension_semantics<subcore_parallel>], iteration_bounds = array<i64: 2, 16>, scalar_prefetch = 0 : i64, scratch_operands = 6 : i64, tpu.core_type = #tpu.core_type<sc_vector_subcore>, window_params = [{transform_indices = #map}, {transform_indices = #map}, {transform_indices = #map}, {transform_indices = #map}, {transform_indices = #map1}]} {
    %mul3A = arith.constant 16 : i32
    %mul3A_0 = arith.muli %arg0, %mul3A : i32
    %add3A = arith.addi %mul3A_0, %arg1 : i32
    %scan3A = arith.constant 0 : i32
    %scan3A_1 = arith.constant 128 : i32
    %scan3A_2 = arith.addi %scan3A, %scan3A_1 : i32
    %scan3A_3 = arith.constant 1 : i32
    scf.for %scan3A_34 = %scan3A to %scan3A_2 step %scan3A_3  : i32 {
      %mul3A_35 = arith.constant 1 : i32
      %mul3A_36 = arith.muli %scan3A_34, %mul3A_35 : i32
      %add3A_37 = arith.constant 0 : i32
      %add3A_38 = arith.addi %add3A_37, %mul3A_36 : i32
      %broadcast_in_dim3A = arith.constant 0.000000e+00 : f32
      %broadcast_in_dim3A_39 = vector.broadcast %broadcast_in_dim3A : f32 to vector<16xf32>
      %swap3A = arith.index_cast %add3A_38 : i32 to index
      %swap3A_40 = arith.constant 0 : index
      %swap3A_41 = tpu.vector_load %arg10[%swap3A, %swap3A_40] {strides = array<i32>} : memref<128x128xf32, #tpu.memory_space<vmem>>, vector<1x16xf32>,
      %swap3A_42 = vector.shape_cast %swap3A_41 : vector<1x16xf32> to vector<16xf32>
      %swap3A_43 = vector.shape_cast %broadcast_in_dim3A_39 : vector<16xf32> to vector<1x16xf32>
      tpu.vector_store %arg10[%swap3A, %swap3A_40], %swap3A_43 {strides = array<i32>} : memref<128x128xf32, #tpu.memory_space<vmem>>, vector<1x16xf32>,
      %broadcast_in_dim3A_44 = arith.constant 0.000000e+00 : f32
      %broadcast_in_dim3A_45 = vector.broadcast %broadcast_in_dim3A_44 : f32 to vector<16xf32>
      %swap3A_46 = arith.index_cast %add3A_38 : i32 to index
      %swap3A_47 = arith.constant 16 : index
      %swap3A_48 = tpu.vector_load %arg10[%swap3A_46, %swap3A_47] {strides = array<i32>} : memref<128x128xf32, #tpu.memory_space<vmem>>, vector<1x16xf32>,
      %swap3A_49 = vector.shape_cast %swap3A_48 : vector<1x16xf32> to vector<16xf32>
      %swap3A_50 = vector.shape_cast %broadcast_in_dim3A_45 : vector<16xf32> to vector<1x16xf32>
      tpu.vector_store %arg10[%swap3A_46, %swap3A_47], %swap3A_50 {strides = array<i32>} : memref<128x128xf32, #tpu.memory_space<vmem>>, vector<1x16xf32>,
      %broadcast_in_dim3A_51 = arith.constant 0.000000e+00 : f32
      %broadcast_in_dim3A_52 = vector.broadcast %broadcast_in_dim3A_51 : f32 to vector<16xf32>
      %swap3A_53 = arith.index_cast %add3A_38 : i32 to index
      %swap3A_54 = arith.constant 32 : index
      %swap3A_55 = tpu.vector_load %arg10[%swap3A_53, %swap3A_54] {strides = array<i32>} : memref<128x128xf32, #tpu.memory_space<vmem>>, vector<1x16xf32>,
      %swap3A_56 = vector.shape_cast %swap3A_55 : vector<1x16xf32> to vector<16xf32>
      %swap3A_57 = vector.shape_cast %broadcast_in_dim3A_52 : vector<16xf32> to vector<1x16xf32>
      tpu.vector_store %arg10[%swap3A_53, %swap3A_54], %swap3A_57 {strides = array<i32>} : memref<128x128xf32, #tpu.memory_space<vmem>>, vector<1x16xf32>,
      %broadcast_in_dim3A_58 = arith.constant 0.000000e+00 : f32
      %broadcast_in_dim3A_59 = vector.broadcast %broadcast_in_dim3A_58 : f32 to vector<16xf32>
      %swap3A_60 = arith.index_cast %add3A_38 : i32 to index
      %swap3A_61 = arith.constant 48 : index
      %swap3A_62 = tpu.vector_load %arg10[%swap3A_60, %swap3A_61] {strides = array<i32>} : memref<128x128xf32, #tpu.memory_space<vmem>>, vector<1x16xf32>,
      %swap3A_63 = vector.shape_cast %swap3A_62 : vector<1x16xf32> to vector<16xf32>
      %swap3A_64 = vector.shape_cast %broadcast_in_dim3A_59 : vector<16xf32> to vector<1x16xf32>
      tpu.vector_store %arg10[%swap3A_60, %swap3A_61], %swap3A_64 {strides = array<i32>} : memref<128x128xf32, #tpu.memory_space<vmem>>, vector<1x16xf32>,
      %broadcast_in_dim3A_65 = arith.constant 0.000000e+00 : f32
      %broadcast_in_dim3A_66 = vector.broadcast %broadcast_in_dim3A_65 : f32 to vector<16xf32>
      %swap3A_67 = arith.index_cast %add3A_38 : i32 to index
      %swap3A_68 = arith.constant 64 : index
      %swap3A_69 = tpu.vector_load %arg10[%swap3A_67, %swap3A_68] {strides = array<i32>} : memref<128x128xf32, #tpu.memory_space<vmem>>, vector<1x16xf32>,
      %swap3A_70 = vector.shape_cast %swap3A_69 : vector<1x16xf32> to vector<16xf32>
      %swap3A_71 = vector.shape_cast %broadcast_in_dim3A_66 : vector<16xf32> to vector<1x16xf32>
      tpu.vector_store %arg10[%swap3A_67, %swap3A_68], %swap3A_71 {strides = array<i32>} : memref<128x128xf32, #tpu.memory_space<vmem>>, vector<1x16xf32>,
      %broadcast_in_dim3A_72 = arith.constant 0.000000e+00 : f32
      %broadcast_in_dim3A_73 = vector.broadcast %broadcast_in_dim3A_72 : f32 to vector<16xf32>
      %swap3A_74 = arith.index_cast %add3A_38 : i32 to index
      %swap3A_75 = arith.constant 80 : index
      %swap3A_76 = tpu.vector_load %arg10[%swap3A_74, %swap3A_75] {strides = array<i32>} : memref<128x128xf32, #tpu.memory_space<vmem>>, vector<1x16xf32>,
      %swap3A_77 = vector.shape_cast %swap3A_76 : vector<1x16xf32> to vector<16xf32>
      %swap3A_78 = vector.shape_cast %broadcast_in_dim3A_73 : vector<16xf32> to vector<1x16xf32>
      tpu.vector_store %arg10[%swap3A_74, %swap3A_75], %swap3A_78 {strides = array<i32>} : memref<128x128xf32, #tpu.memory_space<vmem>>, vector<1x16xf32>,
      %broadcast_in_dim3A_79 = arith.constant 0.000000e+00 : f32
      %broadcast_in_dim3A_80 = vector.broadcast %broadcast_in_dim3A_79 : f32 to vector<16xf32>
      %swap3A_81 = arith.index_cast %add3A_38 : i32 to index
      %swap3A_82 = arith.constant 96 : index
      %swap3A_83 = tpu.vector_load %arg10[%swap3A_81, %swap3A_82] {strides = array<i32>} : memref<128x128xf32, #tpu.memory_space<vmem>>, vector<1x16xf32>,
      %swap3A_84 = vector.shape_cast %swap3A_83 : vector<1x16xf32> to vector<16xf32>
      %swap3A_85 = vector.shape_cast %broadcast_in_dim3A_80 : vector<16xf32> to vector<1x16xf32>
      tpu.vector_store %arg10[%swap3A_81, %swap3A_82], %swap3A_85 {strides = array<i32>} : memref<128x128xf32, #tpu.memory_space<vmem>>, vector<1x16xf32>,
      %broadcast_in_dim3A_86 = arith.constant 0.000000e+00 : f32
      %broadcast_in_dim3A_87 = vector.broadcast %broadcast_in_dim3A_86 : f32 to vector<16xf32>
      %swap3A_88 = arith.index_cast %add3A_38 : i32 to index
      %swap3A_89 = arith.constant 112 : index
      %swap3A_90 = tpu.vector_load %arg10[%swap3A_88, %swap3A_89] {strides = array<i32>} : memref<128x128xf32, #tpu.memory_space<vmem>>, vector<1x16xf32>,
      %swap3A_91 = vector.shape_cast %swap3A_90 : vector<1x16xf32> to vector<16xf32>
      %swap3A_92 = vector.shape_cast %broadcast_in_dim3A_87 : vector<16xf32> to vector<1x16xf32>
      tpu.vector_store %arg10[%swap3A_88, %swap3A_89], %swap3A_92 {strides = array<i32>} : memref<128x128xf32, #tpu.memory_space<vmem>>, vector<1x16xf32>,
    }
    %scan3A_4 = arith.constant 128 : i32
    %mul3A_5 = arith.constant 624 : i32
    %mul3A_6 = arith.muli %arg1, %mul3A_5 : i32
    %add3A_7 = arith.constant 0 : i32
    %add3A_8 = arith.addi %mul3A_6, %add3A_7 : i32
    "tpu.region"() ({
      %run_scoped3A = tpu.sem_alloc : memref<!tpu.dma_semaphore, #tpu.memory_space<semaphore_mem>>
      %dma_start3A = arith.constant 0 : i32
      %dma_start3A_34 = tpu.memref_slice %arg11[%add3A_8, %dma_start3A] : memref<10000x128xf32, #tpu.memory_space<vmem_shared>> -> memref<128x128xf32, #tpu.memory_space<vmem_shared>>
      %dma_start3A_35 = arith.constant 0 : i32
      %dma_start3A_36 = tpu.memref_slice %arg11[%add3A_8, %dma_start3A_35] : memref<10000x128xf32, #tpu.memory_space<vmem_shared>> -> memref<128x128xf32, #tpu.memory_space<vmem_shared>>
      tpu.enqueue_dma source(%arg10 : memref<128x128xf32, #tpu.memory_space<vmem>>) target(%dma_start3A_36 : memref<128x128xf32, #tpu.memory_space<vmem_shared>>) target_semaphore(%run_scoped3A : memref<!tpu.dma_semaphore, #tpu.memory_space<semaphore_mem>>)
      %dma_wait3A = arith.constant 0 : i32
      %dma_wait3A_37 = tpu.memref_slice %arg11[%add3A_8, %dma_wait3A] : memref<10000x128xf32, #tpu.memory_space<vmem_shared>> -> memref<128x128xf32, #tpu.memory_space<vmem_shared>>
      %dma_wait3A_38 = arith.constant 0 : i32
      %dma_wait3A_39 = tpu.memref_slice %arg11[%add3A_8, %dma_wait3A_38] : memref<10000x128xf32, #tpu.memory_space<vmem_shared>> -> memref<128x128xf32, #tpu.memory_space<vmem_shared>>
      tpu.wait_dma2 semaphore(%run_scoped3A : memref<!tpu.dma_semaphore, #tpu.memory_space<semaphore_mem>>) src(%arg10 : memref<128x128xf32, #tpu.memory_space<vmem>>) dst(%dma_wait3A_39 : memref<128x128xf32, #tpu.memory_space<vmem_shared>>)
      tpu.yield
    }) : () -> ()
    %add3A_9 = arith.constant 128 : i32
    %add3A_10 = arith.addi %mul3A_6, %add3A_9 : i32
    "tpu.region"() ({
      %run_scoped3A = tpu.sem_alloc : memref<!tpu.dma_semaphore, #tpu.memory_space<semaphore_mem>>
      %dma_start3A = arith.constant 0 : i32
      %dma_start3A_34 = tpu.memref_slice %arg11[%add3A_10, %dma_start3A] : memref<10000x128xf32, #tpu.memory_space<vmem_shared>> -> memref<128x128xf32, #tpu.memory_space<vmem_shared>>
      %dma_start3A_35 = arith.constant 0 : i32
      %dma_start3A_36 = tpu.memref_slice %arg11[%add3A_10, %dma_start3A_35] : memref<10000x128xf32, #tpu.memory_space<vmem_shared>> -> memref<128x128xf32, #tpu.memory_space<vmem_shared>>
      tpu.enqueue_dma source(%arg10 : memref<128x128xf32, #tpu.memory_space<vmem>>) target(%dma_start3A_36 : memref<128x128xf32, #tpu.memory_space<vmem_shared>>) target_semaphore(%run_scoped3A : memref<!tpu.dma_semaphore, #tpu.memory_space<semaphore_mem>>)
      %dma_wait3A = arith.constant 0 : i32
      %dma_wait3A_37 = tpu.memref_slice %arg11[%add3A_10, %dma_wait3A] : memref<10000x128xf32, #tpu.memory_space<vmem_shared>> -> memref<128x128xf32, #tpu.memory_space<vmem_shared>>
      %dma_wait3A_38 = arith.constant 0 : i32
      %dma_wait3A_39 = tpu.memref_slice %arg11[%add3A_10, %dma_wait3A_38] : memref<10000x128xf32, #tpu.memory_space<vmem_shared>> -> memref<128x128xf32, #tpu.memory_space<vmem_shared>>
      tpu.wait_dma2 semaphore(%run_scoped3A : memref<!tpu.dma_semaphore, #tpu.memory_space<semaphore_mem>>) src(%arg10 : memref<128x128xf32, #tpu.memory_space<vmem>>) dst(%dma_wait3A_39 : memref<128x128xf32, #tpu.memory_space<vmem_shared>>)
      tpu.yield
    }) : () -> ()
    %add3A_11 = arith.constant 256 : i32
    %add3A_12 = arith.addi %mul3A_6, %add3A_11 : i32
    "tpu.region"() ({
      %run_scoped3A = tpu.sem_alloc : memref<!tpu.dma_semaphore, #tpu.memory_space<semaphore_mem>>
      %dma_start3A = arith.constant 0 : i32
      %dma_start3A_34 = tpu.memref_slice %arg11[%add3A_12, %dma_start3A] : memref<10000x128xf32, #tpu.memory_space<vmem_shared>> -> memref<128x128xf32, #tpu.memory_space<vmem_shared>>
      %dma_start3A_35 = arith.constant 0 : i32
      %dma_start3A_36 = tpu.memref_slice %arg11[%add3A_12, %dma_start3A_35] : memref<10000x128xf32, #tpu.memory_space<vmem_shared>> -> memref<128x128xf32, #tpu.memory_space<vmem_shared>>
      tpu.enqueue_dma source(%arg10 : memref<128x128xf32, #tpu.memory_space<vmem>>) target(%dma_start3A_36 : memref<128x128xf32, #tpu.memory_space<vmem_shared>>) target_semaphore(%run_scoped3A : memref<!tpu.dma_semaphore, #tpu.memory_space<semaphore_mem>>)
      %dma_wait3A = arith.constant 0 : i32
      %dma_wait3A_37 = tpu.memref_slice %arg11[%add3A_12, %dma_wait3A] : memref<10000x128xf32, #tpu.memory_space<vmem_shared>> -> memref<128x128xf32, #tpu.memory_space<vmem_shared>>
      %dma_wait3A_38 = arith.constant 0 : i32
      %dma_wait3A_39 = tpu.memref_slice %arg11[%add3A_12, %dma_wait3A_38] : memref<10000x128xf32, #tpu.memory_space<vmem_shared>> -> memref<128x128xf32, #tpu.memory_space<vmem_shared>>
      tpu.wait_dma2 semaphore(%run_scoped3A : memref<!tpu.dma_semaphore, #tpu.memory_space<semaphore_mem>>) src(%arg10 : memref<128x128xf32, #tpu.memory_space<vmem>>) dst(%dma_wait3A_39 : memref<128x128xf32, #tpu.memory_space<vmem_shared>>)
      tpu.yield
    }) : () -> ()
    %add3A_13 = arith.constant 384 : i32
    %add3A_14 = arith.addi %mul3A_6, %add3A_13 : i32
    "tpu.region"() ({
      %run_scoped3A = tpu.sem_alloc : memref<!tpu.dma_semaphore, #tpu.memory_space<semaphore_mem>>
      %dma_start3A = arith.constant 0 : i32
      %dma_start3A_34 = tpu.memref_slice %arg11[%add3A_14, %dma_start3A] : memref<10000x128xf32, #tpu.memory_space<vmem_shared>> -> memref<128x128xf32, #tpu.memory_space<vmem_shared>>
      %dma_start3A_35 = arith.constant 0 : i32
      %dma_start3A_36 = tpu.memref_slice %arg11[%add3A_14, %dma_start3A_35] : memref<10000x128xf32, #tpu.memory_space<vmem_shared>> -> memref<128x128xf32, #tpu.memory_space<vmem_shared>>
      tpu.enqueue_dma source(%arg10 : memref<128x128xf32, #tpu.memory_space<vmem>>) target(%dma_start3A_36 : memref<128x128xf32, #tpu.memory_space<vmem_shared>>) target_semaphore(%run_scoped3A : memref<!tpu.dma_semaphore, #tpu.memory_space<semaphore_mem>>)
      %dma_wait3A = arith.constant 0 : i32
      %dma_wait3A_37 = tpu.memref_slice %arg11[%add3A_14, %dma_wait3A] : memref<10000x128xf32, #tpu.memory_space<vmem_shared>> -> memref<128x128xf32, #tpu.memory_space<vmem_shared>>
      %dma_wait3A_38 = arith.constant 0 : i32
      %dma_wait3A_39 = tpu.memref_slice %arg11[%add3A_14, %dma_wait3A_38] : memref<10000x128xf32, #tpu.memory_space<vmem_shared>> -> memref<128x128xf32, #tpu.memory_space<vmem_shared>>
      tpu.wait_dma2 semaphore(%run_scoped3A : memref<!tpu.dma_semaphore, #tpu.memory_space<semaphore_mem>>) src(%arg10 : memref<128x128xf32, #tpu.memory_space<vmem>>) dst(%dma_wait3A_39 : memref<128x128xf32, #tpu.memory_space<vmem_shared>>)
      tpu.yield
    }) : () -> ()
    %add3A_15 = arith.constant 512 : i32
    %add3A_16 = arith.addi %mul3A_6, %add3A_15 : i32
    "tpu.region"() ({
      %run_scoped3A = tpu.sem_alloc : memref<!tpu.dma_semaphore, #tpu.memory_space<semaphore_mem>>
      %dma_start3A = arith.constant 0 : i32
      %dma_start3A_34 = arith.constant 0 : i32
      %dma_start3A_35 = tpu.memref_slice %arg10[%dma_start3A, %dma_start3A_34] : memref<128x128xf32, #tpu.memory_space<vmem>> -> memref<112x128xf32, #tpu.memory_space<vmem>>
      %dma_start3A_36 = arith.constant 0 : i32
      %dma_start3A_37 = tpu.memref_slice %arg11[%add3A_16, %dma_start3A_36] : memref<10000x128xf32, #tpu.memory_space<vmem_shared>> -> memref<112x128xf32, #tpu.memory_space<vmem_shared>>
      %dma_start3A_38 = arith.constant 0 : i32
      %dma_start3A_39 = tpu.memref_slice %arg11[%add3A_16, %dma_start3A_38] : memref<10000x128xf32, #tpu.memory_space<vmem_shared>> -> memref<112x128xf32, #tpu.memory_space<vmem_shared>>
      %dma_start3A_40 = arith.constant 0 : i32
      %dma_start3A_41 = arith.constant 0 : i32
      %dma_start3A_42 = tpu.memref_slice %arg10[%dma_start3A_40, %dma_start3A_41] : memref<128x128xf32, #tpu.memory_space<vmem>> -> memref<112x128xf32, #tpu.memory_space<vmem>>
      tpu.enqueue_dma source(%dma_start3A_42 : memref<112x128xf32, #tpu.memory_space<vmem>>) target(%dma_start3A_39 : memref<112x128xf32, #tpu.memory_space<vmem_shared>>) target_semaphore(%run_scoped3A : memref<!tpu.dma_semaphore, #tpu.memory_space<semaphore_mem>>)
      %dma_wait3A = arith.constant 0 : i32
      %dma_wait3A_43 = arith.constant 0 : i32
      %dma_wait3A_44 = tpu.memref_slice %arg10[%dma_wait3A, %dma_wait3A_43] : memref<128x128xf32, #tpu.memory_space<vmem>> -> memref<112x128xf32, #tpu.memory_space<vmem>>
      %dma_wait3A_45 = arith.constant 0 : i32
      %dma_wait3A_46 = tpu.memref_slice %arg11[%add3A_16, %dma_wait3A_45] : memref<10000x128xf32, #tpu.memory_space<vmem_shared>> -> memref<112x128xf32, #tpu.memory_space<vmem_shared>>
      %dma_wait3A_47 = arith.constant 0 : i32
      %dma_wait3A_48 = tpu.memref_slice %arg11[%add3A_16, %dma_wait3A_47] : memref<10000x128xf32, #tpu.memory_space<vmem_shared>> -> memref<112x128xf32, #tpu.memory_space<vmem_shared>>
      %dma_wait3A_49 = arith.constant 0 : i32
      %dma_wait3A_50 = arith.constant 0 : i32
      %dma_wait3A_51 = tpu.memref_slice %arg10[%dma_wait3A_49, %dma_wait3A_50] : memref<128x128xf32, #tpu.memory_space<vmem>> -> memref<112x128xf32, #tpu.memory_space<vmem>>
      tpu.wait_dma2 semaphore(%run_scoped3A : memref<!tpu.dma_semaphore, #tpu.memory_space<semaphore_mem>>) src(%dma_wait3A_51 : memref<112x128xf32, #tpu.memory_space<vmem>>) dst(%dma_wait3A_48 : memref<112x128xf32, #tpu.memory_space<vmem_shared>>)
      tpu.yield
    }) : () -> ()
    %eq3A = arith.constant 0 : i32
    %eq3A_17 = arith.cmpi eq, %arg1, %eq3A : i32
    %convert_element_type3A = arith.extui %eq3A_17 : i1 to i32
    %cond3A = arith.constant 0 : i32
    %cond3A_18 = arith.cmpi ne, %convert_element_type3A, %cond3A : i32
    scf.if %cond3A_18 {
      "tpu.region"() ({
        %run_scoped3A = tpu.sem_alloc : memref<!tpu.dma_semaphore, #tpu.memory_space<semaphore_mem>>
        %dma_start3A = arith.constant 0 : i32
        %dma_start3A_34 = arith.constant 0 : i32
        %dma_start3A_35 = tpu.memref_slice %arg10[%dma_start3A, %dma_start3A_34] : memref<128x128xf32, #tpu.memory_space<vmem>> -> memref<16x128xf32, #tpu.memory_space<vmem>>
        %dma_start3A_36 = arith.constant 9984 : i32
        %dma_start3A_37 = arith.constant 0 : i32
        %dma_start3A_38 = tpu.memref_slice %arg11[%dma_start3A_36, %dma_start3A_37] : memref<10000x128xf32, #tpu.memory_space<vmem_shared>> -> memref<16x128xf32, #tpu.memory_space<vmem_shared>>
        %dma_start3A_39 = arith.constant 9984 : i32
        %dma_start3A_40 = arith.constant 0 : i32
        %dma_start3A_41 = tpu.memref_slice %arg11[%dma_start3A_39, %dma_start3A_40] : memref<10000x128xf32, #tpu.memory_space<vmem_shared>> -> memref<16x128xf32, #tpu.memory_space<vmem_shared>>
        %dma_start3A_42 = arith.constant 0 : i32
        %dma_start3A_43 = arith.constant 0 : i32
        %dma_start3A_44 = tpu.memref_slice %arg10[%dma_start3A_42, %dma_start3A_43] : memref<128x128xf32, #tpu.memory_space<vmem>> -> memref<16x128xf32, #tpu.memory_space<vmem>>
        tpu.enqueue_dma source(%dma_start3A_44 : memref<16x128xf32, #tpu.memory_space<vmem>>) target(%dma_start3A_41 : memref<16x128xf32, #tpu.memory_space<vmem_shared>>) target_semaphore(%run_scoped3A : memref<!tpu.dma_semaphore, #tpu.memory_space<semaphore_mem>>)
        %dma_wait3A = arith.constant 0 : i32
        %dma_wait3A_45 = arith.constant 0 : i32
        %dma_wait3A_46 = tpu.memref_slice %arg10[%dma_wait3A, %dma_wait3A_45] : memref<128x128xf32, #tpu.memory_space<vmem>> -> memref<16x128xf32, #tpu.memory_space<vmem>>
        %dma_wait3A_47 = arith.constant 9984 : i32
        %dma_wait3A_48 = arith.constant 0 : i32
        %dma_wait3A_49 = tpu.memref_slice %arg11[%dma_wait3A_47, %dma_wait3A_48] : memref<10000x128xf32, #tpu.memory_space<vmem_shared>> -> memref<16x128xf32, #tpu.memory_space<vmem_shared>>
        %dma_wait3A_50 = arith.constant 9984 : i32
        %dma_wait3A_51 = arith.constant 0 : i32
        %dma_wait3A_52 = tpu.memref_slice %arg11[%dma_wait3A_50, %dma_wait3A_51] : memref<10000x128xf32, #tpu.memory_space<vmem_shared>> -> memref<16x128xf32, #tpu.memory_space<vmem_shared>>
        %dma_wait3A_53 = arith.constant 0 : i32
        %dma_wait3A_54 = arith.constant 0 : i32
        %dma_wait3A_55 = tpu.memref_slice %arg10[%dma_wait3A_53, %dma_wait3A_54] : memref<128x128xf32, #tpu.memory_space<vmem>> -> memref<16x128xf32, #tpu.memory_space<vmem>>
        tpu.wait_dma2 semaphore(%run_scoped3A : memref<!tpu.dma_semaphore, #tpu.memory_space<semaphore_mem>>) src(%dma_wait3A_55 : memref<16x128xf32, #tpu.memory_space<vmem>>) dst(%dma_wait3A_52 : memref<16x128xf32, #tpu.memory_space<vmem_shared>>)
        tpu.yield
      }) : () -> ()
    } else {
    }
    %barrier3A = arith.constant 0 : index
    tpu.barrier barrier_id(%barrier3A)
    %scan3A_19 = arith.constant 0 : i32
    %scan3A_20 = arith.constant 78 : i32
    %scan3A_21 = arith.addi %scan3A_19, %scan3A_20 : i32
    %scan3A_22 = arith.constant 1 : i32
    scf.for %scan3A_34 = %scan3A_19 to %scan3A_21 step %scan3A_22  : i32 {
      %mul3A_35 = arith.constant 1 : i32
      %mul3A_36 = arith.muli %scan3A_34, %mul3A_35 : i32
      %add3A_37 = arith.constant 0 : i32
      %add3A_38 = arith.addi %add3A_37, %mul3A_36 : i32
      %mul3A_39 = arith.constant 78 : i32
      %mul3A_40 = arith.muli %add3A, %mul3A_39 : i32
      %add3A_41 = arith.addi %mul3A_40, %add3A_38 : i32
      "tpu.region"() ({
        %run_scoped3A = tpu.sem_alloc : memref<!tpu.dma_semaphore, #tpu.memory_space<semaphore_mem>>
        %dma_start3A_51 = arith.constant 0 : i32
        %dma_start3A_52 = tpu.memref_slice %arg3[%add3A_41, %dma_start3A_51] : memref<2500x128xi32, #tpu.memory_space<hbm>> -> memref<1x128xi32, #tpu.memory_space<hbm>>
        %dma_start3A_53 = tpu.memref_squeeze %dma_start3A_52 : memref<1x128xi32, #tpu.memory_space<hbm>> -> memref<128xi32, #tpu.memory_space<hbm>>
        %dma_start3A_54 = arith.constant 0 : i32
        %dma_start3A_55 = tpu.memref_slice %arg3[%add3A_41, %dma_start3A_54] : memref<2500x128xi32, #tpu.memory_space<hbm>> -> memref<1x128xi32, #tpu.memory_space<hbm>>
        %dma_start3A_56 = tpu.memref_squeeze %dma_start3A_55 : memref<1x128xi32, #tpu.memory_space<hbm>> -> memref<128xi32, #tpu.memory_space<hbm>>
        tpu.enqueue_dma source(%dma_start3A_56 : memref<128xi32, #tpu.memory_space<hbm>>) target(%arg7 : memref<128xi32, #tpu.memory_space<vmem>>) target_semaphore(%run_scoped3A : memref<!tpu.dma_semaphore, #tpu.memory_space<semaphore_mem>>)
        %dma_wait3A_57 = arith.constant 0 : i32
        %dma_wait3A_58 = tpu.memref_slice %arg3[%add3A_41, %dma_wait3A_57] : memref<2500x128xi32, #tpu.memory_space<hbm>> -> memref<1x128xi32, #tpu.memory_space<hbm>>
        %dma_wait3A_59 = tpu.memref_squeeze %dma_wait3A_58 : memref<1x128xi32, #tpu.memory_space<hbm>> -> memref<128xi32, #tpu.memory_space<hbm>>
        %dma_wait3A_60 = arith.constant 0 : i32
        %dma_wait3A_61 = tpu.memref_slice %arg3[%add3A_41, %dma_wait3A_60] : memref<2500x128xi32, #tpu.memory_space<hbm>> -> memref<1x128xi32, #tpu.memory_space<hbm>>
        %dma_wait3A_62 = tpu.memref_squeeze %dma_wait3A_61 : memref<1x128xi32, #tpu.memory_space<hbm>> -> memref<128xi32, #tpu.memory_space<hbm>>
        tpu.wait_dma2 semaphore(%run_scoped3A : memref<!tpu.dma_semaphore, #tpu.memory_space<semaphore_mem>>) src(%dma_wait3A_62 : memref<128xi32, #tpu.memory_space<hbm>>) dst(%arg7 : memref<128xi32, #tpu.memory_space<vmem>>)
        tpu.yield
      }) : () -> ()
      "tpu.region"() ({
        %run_scoped3A = tpu.sem_alloc : memref<!tpu.dma_semaphore, #tpu.memory_space<semaphore_mem>>
        %dma_start3A_51 = arith.constant 0 : i32
        %dma_start3A_52 = tpu.memref_slice %arg4[%add3A_41, %dma_start3A_51] : memref<2500x128xi32, #tpu.memory_space<hbm>> -> memref<1x128xi32, #tpu.memory_space<hbm>>
        %dma_start3A_53 = tpu.memref_squeeze %dma_start3A_52 : memref<1x128xi32, #tpu.memory_space<hbm>> -> memref<128xi32, #tpu.memory_space<hbm>>
        %dma_start3A_54 = arith.constant 0 : i32
        %dma_start3A_55 = tpu.memref_slice %arg4[%add3A_41, %dma_start3A_54] : memref<2500x128xi32, #tpu.memory_space<hbm>> -> memref<1x128xi32, #tpu.memory_space<hbm>>
        %dma_start3A_56 = tpu.memref_squeeze %dma_start3A_55 : memref<1x128xi32, #tpu.memory_space<hbm>> -> memref<128xi32, #tpu.memory_space<hbm>>
        tpu.enqueue_dma source(%dma_start3A_56 : memref<128xi32, #tpu.memory_space<hbm>>) target(%arg8 : memref<128xi32, #tpu.memory_space<vmem>>) target_semaphore(%run_scoped3A : memref<!tpu.dma_semaphore, #tpu.memory_space<semaphore_mem>>)
        %dma_wait3A_57 = arith.constant 0 : i32
        %dma_wait3A_58 = tpu.memref_slice %arg4[%add3A_41, %dma_wait3A_57] : memref<2500x128xi32, #tpu.memory_space<hbm>> -> memref<1x128xi32, #tpu.memory_space<hbm>>
        %dma_wait3A_59 = tpu.memref_squeeze %dma_wait3A_58 : memref<1x128xi32, #tpu.memory_space<hbm>> -> memref<128xi32, #tpu.memory_space<hbm>>
        %dma_wait3A_60 = arith.constant 0 : i32
        %dma_wait3A_61 = tpu.memref_slice %arg4[%add3A_41, %dma_wait3A_60] : memref<2500x128xi32, #tpu.memory_space<hbm>> -> memref<1x128xi32, #tpu.memory_space<hbm>>
        %dma_wait3A_62 = tpu.memref_squeeze %dma_wait3A_61 : memref<1x128xi32, #tpu.memory_space<hbm>> -> memref<128xi32, #tpu.memory_space<hbm>>
        tpu.wait_dma2 semaphore(%run_scoped3A : memref<!tpu.dma_semaphore, #tpu.memory_space<semaphore_mem>>) src(%dma_wait3A_62 : memref<128xi32, #tpu.memory_space<hbm>>) dst(%arg8 : memref<128xi32, #tpu.memory_space<vmem>>)
        tpu.yield
      }) : () -> ()
      "tpu.region"() ({
        %run_scoped3A = tpu.sem_alloc : memref<!tpu.dma_semaphore, #tpu.memory_space<semaphore_mem>>
        %dma_start3A_51 = arith.constant 0 : i32
        %dma_start3A_52 = tpu.memref_slice %arg5[%add3A_41, %dma_start3A_51] : memref<2500x128xf32, #tpu.memory_space<hbm>> -> memref<1x128xf32, #tpu.memory_space<hbm>>
        %dma_start3A_53 = tpu.memref_squeeze %dma_start3A_52 : memref<1x128xf32, #tpu.memory_space<hbm>> -> memref<128xf32, #tpu.memory_space<hbm>>
        %dma_start3A_54 = arith.constant 0 : i32
        %dma_start3A_55 = tpu.memref_slice %arg5[%add3A_41, %dma_start3A_54] : memref<2500x128xf32, #tpu.memory_space<hbm>> -> memref<1x128xf32, #tpu.memory_space<hbm>>
        %dma_start3A_56 = tpu.memref_squeeze %dma_start3A_55 : memref<1x128xf32, #tpu.memory_space<hbm>> -> memref<128xf32, #tpu.memory_space<hbm>>
        tpu.enqueue_dma source(%dma_start3A_56 : memref<128xf32, #tpu.memory_space<hbm>>) target(%arg9 : memref<128xf32, #tpu.memory_space<vmem>>) target_semaphore(%run_scoped3A : memref<!tpu.dma_semaphore, #tpu.memory_space<semaphore_mem>>)
        %dma_wait3A_57 = arith.constant 0 : i32
        %dma_wait3A_58 = tpu.memref_slice %arg5[%add3A_41, %dma_wait3A_57] : memref<2500x128xf32, #tpu.memory_space<hbm>> -> memref<1x128xf32, #tpu.memory_space<hbm>>
        %dma_wait3A_59 = tpu.memref_squeeze %dma_wait3A_58 : memref<1x128xf32, #tpu.memory_space<hbm>> -> memref<128xf32, #tpu.memory_space<hbm>>
        %dma_wait3A_60 = arith.constant 0 : i32
        %dma_wait3A_61 = tpu.memref_slice %arg5[%add3A_41, %dma_wait3A_60] : memref<2500x128xf32, #tpu.memory_space<hbm>> -> memref<1x128xf32, #tpu.memory_space<hbm>>
        %dma_wait3A_62 = tpu.memref_squeeze %dma_wait3A_61 : memref<1x128xf32, #tpu.memory_space<hbm>> -> memref<128xf32, #tpu.memory_space<hbm>>
        tpu.wait_dma2 semaphore(%run_scoped3A : memref<!tpu.dma_semaphore, #tpu.memory_space<semaphore_mem>>) src(%dma_wait3A_62 : memref<128xf32, #tpu.memory_space<hbm>>) dst(%arg9 : memref<128xf32, #tpu.memory_space<vmem>>)
        tpu.yield
      }) : () -> ()
      %dma_start3A = arith.constant 0 : i32
      %dma_start3A_42 = arith.constant 0 : i32
      %dma_start3A_43 = tpu.memref_slice %arg2[%dma_start3A, %dma_start3A_42] : memref<10000x128xf32, #tpu.memory_space<hbm>> -> memref<10000x128xf32, #tpu.memory_space<hbm>>
      tpu.enqueue_indirect_dma source(%dma_start3A_43 : memref<10000x128xf32, #tpu.memory_space<hbm>>) target(%arg10 : memref<128x128xf32, #tpu.memory_space<vmem>>) offsets(%arg7 : memref<128xi32, #tpu.memory_space<vmem>>) semaphore(%arg12 : memref<!tpu.dma_semaphore, #tpu.memory_space<semaphore_mem>>)
      %dma_wait3A = arith.constant 0 : i32
      %dma_wait3A_44 = arith.constant 0 : i32
      %dma_wait3A_45 = tpu.memref_slice %arg2[%dma_wait3A, %dma_wait3A_44] : memref<10000x128xf32, #tpu.memory_space<hbm>> -> memref<10000x128xf32, #tpu.memory_space<hbm>>
      tpu.wait_indirect_dma semaphore(%arg12 : memref<!tpu.dma_semaphore, #tpu.memory_space<semaphore_mem>>) src(%dma_wait3A_45 : memref<10000x128xf32, #tpu.memory_space<hbm>>) dst(%arg10 : memref<128x128xf32, #tpu.memory_space<vmem>>)
      %scan3A_46 = arith.constant 0 : i32
      %scan3A_47 = arith.constant 8 : i32
      %scan3A_48 = arith.addi %scan3A_46, %scan3A_47 : i32
      %scan3A_49 = arith.constant 1 : i32
      scf.for %scan3A_51 = %scan3A_46 to %scan3A_48 step %scan3A_49  : i32 {
        %mul3A_52 = arith.constant 1 : i32
        %mul3A_53 = arith.muli %scan3A_51, %mul3A_52 : i32
        %add3A_54 = arith.constant 0 : i32
        %add3A_55 = arith.addi %add3A_54, %mul3A_53 : i32
        %mul3A_56 = arith.constant 16 : i32
        %mul3A_57 = arith.muli %add3A_55, %mul3A_56 : i32
        %get3A = arith.index_cast %mul3A_57 : i32 to index
        %get3A_58 = tpu.vector_load %arg9[%get3A] {strides = array<i32>} : memref<128xf32, #tpu.memory_space<vmem>>, vector<16xf32>,
        %get3A_59 = vector.shape_cast %get3A_58 : vector<16xf32> to vector<16xf32>
        %mul3A_60 = arith.constant 16 : i32
        %mul3A_61 = arith.muli %add3A_55, %mul3A_60 : i32
        %add3A_62 = arith.constant 0 : i32
        %add3A_63 = arith.addi %mul3A_61, %add3A_62 : i32
        %slice3A = vector.extract_strided_slice %get3A_59 {offsets = [0], sizes = [1], strides = [1]} : vector<16xf32> to vector<1xf32>
        %squeeze3A = vector.extract %slice3A[0] : f32 from vector<1xf32>
        %broadcast_in_dim3A = vector.broadcast %squeeze3A : f32 to vector<16xf32>
        %get3A_64 = arith.index_cast %add3A_63 : i32 to index
        %get3A_65 = arith.constant 0 : index
        %get3A_66 = tpu.vector_load %arg10[%get3A_64, %get3A_65] {strides = array<i32>} : memref<128x128xf32, #tpu.memory_space<vmem>>, vector<1x16xf32>,
        %get3A_67 = vector.shape_cast %get3A_66 : vector<1x16xf32> to vector<16xf32>
        %mul3A_68 = arith.mulf %get3A_67, %broadcast_in_dim3A : vector<16xf32>
        %swap3A = arith.index_cast %add3A_63 : i32 to index
        %swap3A_69 = arith.constant 0 : index
        %swap3A_70 = tpu.vector_load %arg10[%swap3A, %swap3A_69] {strides = array<i32>} : memref<128x128xf32, #tpu.memory_space<vmem>>, vector<1x16xf32>,
        %swap3A_71 = vector.shape_cast %swap3A_70 : vector<1x16xf32> to vector<16xf32>
        %swap3A_72 = vector.shape_cast %mul3A_68 : vector<16xf32> to vector<1x16xf32>
        tpu.vector_store %arg10[%swap3A, %swap3A_69], %swap3A_72 {strides = array<i32>} : memref<128x128xf32, #tpu.memory_space<vmem>>, vector<1x16xf32>,
        %get3A_73 = arith.index_cast %add3A_63 : i32 to index
        %get3A_74 = arith.constant 16 : index
        %get3A_75 = tpu.vector_load %arg10[%get3A_73, %get3A_74] {strides = array<i32>} : memref<128x128xf32, #tpu.memory_space<vmem>>, vector<1x16xf32>,
        %get3A_76 = vector.shape_cast %get3A_75 : vector<1x16xf32> to vector<16xf32>
        %mul3A_77 = arith.mulf %get3A_76, %broadcast_in_dim3A : vector<16xf32>
        %swap3A_78 = arith.index_cast %add3A_63 : i32 to index
        %swap3A_79 = arith.constant 16 : index
        %swap3A_80 = tpu.vector_load %arg10[%swap3A_78, %swap3A_79] {strides = array<i32>} : memref<128x128xf32, #tpu.memory_space<vmem>>, vector<1x16xf32>,
        %swap3A_81 = vector.shape_cast %swap3A_80 : vector<1x16xf32> to vector<16xf32>
        %swap3A_82 = vector.shape_cast %mul3A_77 : vector<16xf32> to vector<1x16xf32>
        tpu.vector_store %arg10[%swap3A_78, %swap3A_79], %swap3A_82 {strides = array<i32>} : memref<128x128xf32, #tpu.memory_space<vmem>>, vector<1x16xf32>,
        %get3A_83 = arith.index_cast %add3A_63 : i32 to index
        %get3A_84 = arith.constant 32 : index
        %get3A_85 = tpu.vector_load %arg10[%get3A_83, %get3A_84] {strides = array<i32>} : memref<128x128xf32, #tpu.memory_space<vmem>>, vector<1x16xf32>,
        %get3A_86 = vector.shape_cast %get3A_85 : vector<1x16xf32> to vector<16xf32>
        %mul3A_87 = arith.mulf %get3A_86, %broadcast_in_dim3A : vector<16xf32>
        %swap3A_88 = arith.index_cast %add3A_63 : i32 to index
        %swap3A_89 = arith.constant 32 : index
        %swap3A_90 = tpu.vector_load %arg10[%swap3A_88, %swap3A_89] {strides = array<i32>} : memref<128x128xf32, #tpu.memory_space<vmem>>, vector<1x16xf32>,
        %swap3A_91 = vector.shape_cast %swap3A_90 : vector<1x16xf32> to vector<16xf32>
        %swap3A_92 = vector.shape_cast %mul3A_87 : vector<16xf32> to vector<1x16xf32>
        tpu.vector_store %arg10[%swap3A_88, %swap3A_89], %swap3A_92 {strides = array<i32>} : memref<128x128xf32, #tpu.memory_space<vmem>>, vector<1x16xf32>,
        %get3A_93 = arith.index_cast %add3A_63 : i32 to index
        %get3A_94 = arith.constant 48 : index
        %get3A_95 = tpu.vector_load %arg10[%get3A_93, %get3A_94] {strides = array<i32>} : memref<128x128xf32, #tpu.memory_space<vmem>>, vector<1x16xf32>,
        %get3A_96 = vector.shape_cast %get3A_95 : vector<1x16xf32> to vector<16xf32>
        %mul3A_97 = arith.mulf %get3A_96, %broadcast_in_dim3A : vector<16xf32>
        %swap3A_98 = arith.index_cast %add3A_63 : i32 to index
        %swap3A_99 = arith.constant 48 : index
        %swap3A_100 = tpu.vector_load %arg10[%swap3A_98, %swap3A_99] {strides = array<i32>} : memref<128x128xf32, #tpu.memory_space<vmem>>, vector<1x16xf32>,
        %swap3A_101 = vector.shape_cast %swap3A_100 : vector<1x16xf32> to vector<16xf32>
        %swap3A_102 = vector.shape_cast %mul3A_97 : vector<16xf32> to vector<1x16xf32>
        tpu.vector_store %arg10[%swap3A_98, %swap3A_99], %swap3A_102 {strides = array<i32>} : memref<128x128xf32, #tpu.memory_space<vmem>>, vector<1x16xf32>,
        %get3A_103 = arith.index_cast %add3A_63 : i32 to index
        %get3A_104 = arith.constant 64 : index
        %get3A_105 = tpu.vector_load %arg10[%get3A_103, %get3A_104] {strides = array<i32>} : memref<128x128xf32, #tpu.memory_space<vmem>>, vector<1x16xf32>,
        %get3A_106 = vector.shape_cast %get3A_105 : vector<1x16xf32> to vector<16xf32>
        %mul3A_107 = arith.mulf %get3A_106, %broadcast_in_dim3A : vector<16xf32>
        %swap3A_108 = arith.index_cast %add3A_63 : i32 to index
        %swap3A_109 = arith.constant 64 : index
        %swap3A_110 = tpu.vector_load %arg10[%swap3A_108, %swap3A_109] {strides = array<i32>} : memref<128x128xf32, #tpu.memory_space<vmem>>, vector<1x16xf32>,
        %swap3A_111 = vector.shape_cast %swap3A_110 : vector<1x16xf32> to vector<16xf32>
        %swap3A_112 = vector.shape_cast %mul3A_107 : vector<16xf32> to vector<1x16xf32>
        tpu.vector_store %arg10[%swap3A_108, %swap3A_109], %swap3A_112 {strides = array<i32>} : memref<128x128xf32, #tpu.memory_space<vmem>>, vector<1x16xf32>,
        %get3A_113 = arith.index_cast %add3A_63 : i32 to index
        %get3A_114 = arith.constant 80 : index
        %get3A_115 = tpu.vector_load %arg10[%get3A_113, %get3A_114] {strides = array<i32>} : memref<128x128xf32, #tpu.memory_space<vmem>>, vector<1x16xf32>,
        %get3A_116 = vector.shape_cast %get3A_115 : vector<1x16xf32> to vector<16xf32>
        %mul3A_117 = arith.mulf %get3A_116, %broadcast_in_dim3A : vector<16xf32>
        %swap3A_118 = arith.index_cast %add3A_63 : i32 to index
        %swap3A_119 = arith.constant 80 : index
        %swap3A_120 = tpu.vector_load %arg10[%swap3A_118, %swap3A_119] {strides = array<i32>} : memref<128x128xf32, #tpu.memory_space<vmem>>, vector<1x16xf32>,
        %swap3A_121 = vector.shape_cast %swap3A_120 : vector<1x16xf32> to vector<16xf32>
        %swap3A_122 = vector.shape_cast %mul3A_117 : vector<16xf32> to vector<1x16xf32>
        tpu.vector_store %arg10[%swap3A_118, %swap3A_119], %swap3A_122 {strides = array<i32>} : memref<128x128xf32, #tpu.memory_space<vmem>>, vector<1x16xf32>,
        %get3A_123 = arith.index_cast %add3A_63 : i32 to index
        %get3A_124 = arith.constant 96 : index
        %get3A_125 = tpu.vector_load %arg10[%get3A_123, %get3A_124] {strides = array<i32>} : memref<128x128xf32, #tpu.memory_space<vmem>>, vector<1x16xf32>,
        %get3A_126 = vector.shape_cast %get3A_125 : vector<1x16xf32> to vector<16xf32>
        %mul3A_127 = arith.mulf %get3A_126, %broadcast_in_dim3A : vector<16xf32>
        %swap3A_128 = arith.index_cast %add3A_63 : i32 to index
        %swap3A_129 = arith.constant 96 : index
        %swap3A_130 = tpu.vector_load %arg10[%swap3A_128, %swap3A_129] {strides = array<i32>} : memref<128x128xf32, #tpu.memory_space<vmem>>, vector<1x16xf32>,
        %swap3A_131 = vector.shape_cast %swap3A_130 : vector<1x16xf32> to vector<16xf32>
        %swap3A_132 = vector.shape_cast %mul3A_127 : vector<16xf32> to vector<1x16xf32>
        tpu.vector_store %arg10[%swap3A_128, %swap3A_129], %swap3A_132 {strides = array<i32>} : memref<128x128xf32, #tpu.memory_space<vmem>>, vector<1x16xf32>,
        %get3A_133 = arith.index_cast %add3A_63 : i32 to index
        %get3A_134 = arith.constant 112 : index
        %get3A_135 = tpu.vector_load %arg10[%get3A_133, %get3A_134] {strides = array<i32>} : memref<128x128xf32, #tpu.memory_space<vmem>>, vector<1x16xf32>,
        %get3A_136 = vector.shape_cast %get3A_135 : vector<1x16xf32> to vector<16xf32>
        %mul3A_137 = arith.mulf %get3A_136, %broadcast_in_dim3A : vector<16xf32>
        %swap3A_138 = arith.index_cast %add3A_63 : i32 to index
        %swap3A_139 = arith.constant 112 : index
        %swap3A_140 = tpu.vector_load %arg10[%swap3A_138, %swap3A_139] {strides = array<i32>} : memref<128x128xf32, #tpu.memory_space<vmem>>, vector<1x16xf32>,
        %swap3A_141 = vector.shape_cast %swap3A_140 : vector<1x16xf32> to vector<16xf32>
        %swap3A_142 = vector.shape_cast %mul3A_137 : vector<16xf32> to vector<1x16xf32>
        tpu.vector_store %arg10[%swap3A_138, %swap3A_139], %swap3A_142 {strides = array<i32>} : memref<128x128xf32, #tpu.memory_space<vmem>>, vector<1x16xf32>,
        %mul3A_143 = arith.constant 16 : i32
        %mul3A_144 = arith.muli %add3A_55, %mul3A_143 : i32
        %add3A_145 = arith.constant 1 : i32
        %add3A_146 = arith.addi %mul3A_144, %add3A_145 : i32
        %slice3A_147 = vector.extract_strided_slice %get3A_59 {offsets = [1], sizes = [1], strides = [1]} : vector<16xf32> to vector<1xf32>
        %squeeze3A_148 = vector.extract %slice3A_147[0] : f32 from vector<1xf32>
        %broadcast_in_dim3A_149 = vector.broadcast %squeeze3A_148 : f32 to vector<16xf32>
        %get3A_150 = arith.index_cast %add3A_146 : i32 to index
        %get3A_151 = arith.constant 0 : index
        %get3A_152 = tpu.vector_load %arg10[%get3A_150, %get3A_151] {strides = array<i32>} : memref<128x128xf32, #tpu.memory_space<vmem>>, vector<1x16xf32>,
        %get3A_153 = vector.shape_cast %get3A_152 : vector<1x16xf32> to vector<16xf32>
        %mul3A_154 = arith.mulf %get3A_153, %broadcast_in_dim3A_149 : vector<16xf32>
        %swap3A_155 = arith.index_cast %add3A_146 : i32 to index
        %swap3A_156 = arith.constant 0 : index
        %swap3A_157 = tpu.vector_load %arg10[%swap3A_155, %swap3A_156] {strides = array<i32>} : memref<128x128xf32, #tpu.memory_space<vmem>>, vector<1x16xf32>,
        %swap3A_158 = vector.shape_cast %swap3A_157 : vector<1x16xf32> to vector<16xf32>
        %swap3A_159 = vector.shape_cast %mul3A_154 : vector<16xf32> to vector<1x16xf32>
        tpu.vector_store %arg10[%swap3A_155, %swap3A_156], %swap3A_159 {strides = array<i32>} : memref<128x128xf32, #tpu.memory_space<vmem>>, vector<1x16xf32>,
        %get3A_160 = arith.index_cast %add3A_146 : i32 to index
        %get3A_161 = arith.constant 16 : index
        %get3A_162 = tpu.vector_load %arg10[%get3A_160, %get3A_161] {strides = array<i32>} : memref<128x128xf32, #tpu.memory_space<vmem>>, vector<1x16xf32>,
        %get3A_163 = vector.shape_cast %get3A_162 : vector<1x16xf32> to vector<16xf32>
        %mul3A_164 = arith.mulf %get3A_163, %broadcast_in_dim3A_149 : vector<16xf32>
        %swap3A_165 = arith.index_cast %add3A_146 : i32 to index
        %swap3A_166 = arith.constant 16 : index
        %swap3A_167 = tpu.vector_load %arg10[%swap3A_165, %swap3A_166] {strides = array<i32>} : memref<128x128xf32, #tpu.memory_space<vmem>>, vector<1x16xf32>,
        %swap3A_168 = vector.shape_cast %swap3A_167 : vector<1x16xf32> to vector<16xf32>
        %swap3A_169 = vector.shape_cast %mul3A_164 : vector<16xf32> to vector<1x16xf32>
        tpu.vector_store %arg10[%swap3A_165, %swap3A_166], %swap3A_169 {strides = array<i32>} : memref<128x128xf32, #tpu.memory_space<vmem>>, vector<1x16xf32>,
        %get3A_170 = arith.index_cast %add3A_146 : i32 to index
        %get3A_171 = arith.constant 32 : index
        %get3A_172 = tpu.vector_load %arg10[%get3A_170, %get3A_171] {strides = array<i32>} : memref<128x128xf32, #tpu.memory_space<vmem>>, vector<1x16xf32>,
        %get3A_173 = vector.shape_cast %get3A_172 : vector<1x16xf32> to vector<16xf32>
        %mul3A_174 = arith.mulf %get3A_173, %broadcast_in_dim3A_149 : vector<16xf32>
        %swap3A_175 = arith.index_cast %add3A_146 : i32 to index
        %swap3A_176 = arith.constant 32 : index
        %swap3A_177 = tpu.vector_load %arg10[%swap3A_175, %swap3A_176] {strides = array<i32>} : memref<128x128xf32, #tpu.memory_space<vmem>>, vector<1x16xf32>,
        %swap3A_178 = vector.shape_cast %swap3A_177 : vector<1x16xf32> to vector<16xf32>
        %swap3A_179 = vector.shape_cast %mul3A_174 : vector<16xf32> to vector<1x16xf32>
        tpu.vector_store %arg10[%swap3A_175, %swap3A_176], %swap3A_179 {strides = array<i32>} : memref<128x128xf32, #tpu.memory_space<vmem>>, vector<1x16xf32>,
        %get3A_180 = arith.index_cast %add3A_146 : i32 to index
        %get3A_181 = arith.constant 48 : index
        %get3A_182 = tpu.vector_load %arg10[%get3A_180, %get3A_181] {strides = array<i32>} : memref<128x128xf32, #tpu.memory_space<vmem>>, vector<1x16xf32>,
        %get3A_183 = vector.shape_cast %get3A_182 : vector<1x16xf32> to vector<16xf32>
        %mul3A_184 = arith.mulf %get3A_183, %broadcast_in_dim3A_149 : vector<16xf32>
        %swap3A_185 = arith.index_cast %add3A_146 : i32 to index
        %swap3A_186 = arith.constant 48 : index
        %swap3A_187 = tpu.vector_load %arg10[%swap3A_185, %swap3A_186] {strides = array<i32>} : memref<128x128xf32, #tpu.memory_space<vmem>>, vector<1x16xf32>,
        %swap3A_188 = vector.shape_cast %swap3A_187 : vector<1x16xf32> to vector<16xf32>
        %swap3A_189 = vector.shape_cast %mul3A_184 : vector<16xf32> to vector<1x16xf32>
        tpu.vector_store %arg10[%swap3A_185, %swap3A_186], %swap3A_189 {strides = array<i32>} : memref<128x128xf32, #tpu.memory_space<vmem>>, vector<1x16xf32>,
        %get3A_190 = arith.index_cast %add3A_146 : i32 to index
        %get3A_191 = arith.constant 64 : index
        %get3A_192 = tpu.vector_load %arg10[%get3A_190, %get3A_191] {strides = array<i32>} : memref<128x128xf32, #tpu.memory_space<vmem>>, vector<1x16xf32>,
        %get3A_193 = vector.shape_cast %get3A_192 : vector<1x16xf32> to vector<16xf32>
        %mul3A_194 = arith.mulf %get3A_193, %broadcast_in_dim3A_149 : vector<16xf32>
        %swap3A_195 = arith.index_cast %add3A_146 : i32 to index
        %swap3A_196 = arith.constant 64 : index
        %swap3A_197 = tpu.vector_load %arg10[%swap3A_195, %swap3A_196] {strides = array<i32>} : memref<128x128xf32, #tpu.memory_space<vmem>>, vector<1x16xf32>,
        %swap3A_198 = vector.shape_cast %swap3A_197 : vector<1x16xf32> to vector<16xf32>
        %swap3A_199 = vector.shape_cast %mul3A_194 : vector<16xf32> to vector<1x16xf32>
        tpu.vector_store %arg10[%swap3A_195, %swap3A_196], %swap3A_199 {strides = array<i32>} : memref<128x128xf32, #tpu.memory_space<vmem>>, vector<1x16xf32>,
        %get3A_200 = arith.index_cast %add3A_146 : i32 to index
        %get3A_201 = arith.constant 80 : index
        %get3A_202 = tpu.vector_load %arg10[%get3A_200, %get3A_201] {strides = array<i32>} : memref<128x128xf32, #tpu.memory_space<vmem>>, vector<1x16xf32>,
        %get3A_203 = vector.shape_cast %get3A_202 : vector<1x16xf32> to vector<16xf32>
        %mul3A_204 = arith.mulf %get3A_203, %broadcast_in_dim3A_149 : vector<16xf32>
        %swap3A_205 = arith.index_cast %add3A_146 : i32 to index
        %swap3A_206 = arith.constant 80 : index
        %swap3A_207 = tpu.vector_load %arg10[%swap3A_205, %swap3A_206] {strides = array<i32>} : memref<128x128xf32, #tpu.memory_space<vmem>>, vector<1x16xf32>,
        %swap3A_208 = vector.shape_cast %swap3A_207 : vector<1x16xf32> to vector<16xf32>
        %swap3A_209 = vector.shape_cast %mul3A_204 : vector<16xf32> to vector<1x16xf32>
        tpu.vector_store %arg10[%swap3A_205, %swap3A_206], %swap3A_209 {strides = array<i32>} : memref<128x128xf32, #tpu.memory_space<vmem>>, vector<1x16xf32>,
        %get3A_210 = arith.index_cast %add3A_146 : i32 to index
        %get3A_211 = arith.constant 96 : index
        %get3A_212 = tpu.vector_load %arg10[%get3A_210, %get3A_211] {strides = array<i32>} : memref<128x128xf32, #tpu.memory_space<vmem>>, vector<1x16xf32>,
        %get3A_213 = vector.shape_cast %get3A_212 : vector<1x16xf32> to vector<16xf32>
        %mul3A_214 = arith.mulf %get3A_213, %broadcast_in_dim3A_149 : vector<16xf32>
        %swap3A_215 = arith.index_cast %add3A_146 : i32 to index
        %swap3A_216 = arith.constant 96 : index
        %swap3A_217 = tpu.vector_load %arg10[%swap3A_215, %swap3A_216] {strides = array<i32>} : memref<128x128xf32, #tpu.memory_space<vmem>>, vector<1x16xf32>,
        %swap3A_218 = vector.shape_cast %swap3A_217 : vector<1x16xf32> to vector<16xf32>
        %swap3A_219 = vector.shape_cast %mul3A_214 : vector<16xf32> to vector<1x16xf32>
        tpu.vector_store %arg10[%swap3A_215, %swap3A_216], %swap3A_219 {strides = array<i32>} : memref<128x128xf32, #tpu.memory_space<vmem>>, vector<1x16xf32>,
        %get3A_220 = arith.index_cast %add3A_146 : i32 to index
        %get3A_221 = arith.constant 112 : index
        %get3A_222 = tpu.vector_load %arg10[%get3A_220, %get3A_221] {strides = array<i32>} : memref<128x128xf32, #tpu.memory_space<vmem>>, vector<1x16xf32>,
        %get3A_223 = vector.shape_cast %get3A_222 : vector<1x16xf32> to vector<16xf32>
        %mul3A_224 = arith.mulf %get3A_223, %broadcast_in_dim3A_149 : vector<16xf32>
        %swap3A_225 = arith.index_cast %add3A_146 : i32 to index
        %swap3A_226 = arith.constant 112 : index
        %swap3A_227 = tpu.vector_load %arg10[%swap3A_225, %swap3A_226] {strides = array<i32>} : memref<128x128xf32, #tpu.memory_space<vmem>>, vector<1x16xf32>,
        %swap3A_228 = vector.shape_cast %swap3A_227 : vector<1x16xf32> to vector<16xf32>
        %swap3A_229 = vector.shape_cast %mul3A_224 : vector<16xf32> to vector<1x16xf32>
        tpu.vector_store %arg10[%swap3A_225, %swap3A_226], %swap3A_229 {strides = array<i32>} : memref<128x128xf32, #tpu.memory_space<vmem>>, vector<1x16xf32>,
        %mul3A_230 = arith.constant 16 : i32
        %mul3A_231 = arith.muli %add3A_55, %mul3A_230 : i32
        %add3A_232 = arith.constant 2 : i32
        %add3A_233 = arith.addi %mul3A_231, %add3A_232 : i32
        %slice3A_234 = vector.extract_strided_slice %get3A_59 {offsets = [2], sizes = [1], strides = [1]} : vector<16xf32> to vector<1xf32>
        %squeeze3A_235 = vector.extract %slice3A_234[0] : f32 from vector<1xf32>
        %broadcast_in_dim3A_236 = vector.broadcast %squeeze3A_235 : f32 to vector<16xf32>
        %get3A_237 = arith.index_cast %add3A_233 : i32 to index
        %get3A_238 = arith.constant 0 : index
        %get3A_239 = tpu.vector_load %arg10[%get3A_237, %get3A_238] {strides = array<i32>} : memref<128x128xf32, #tpu.memory_space<vmem>>, vector<1x16xf32>,
        %get3A_240 = vector.shape_cast %get3A_239 : vector<1x16xf32> to vector<16xf32>
        %mul3A_241 = arith.mulf %get3A_240, %broadcast_in_dim3A_236 : vector<16xf32>
        %swap3A_242 = arith.index_cast %add3A_233 : i32 to index
        %swap3A_243 = arith.constant 0 : index
        %swap3A_244 = tpu.vector_load %arg10[%swap3A_242, %swap3A_243] {strides = array<i32>} : memref<128x128xf32, #tpu.memory_space<vmem>>, vector<1x16xf32>,
        %swap3A_245 = vector.shape_cast %swap3A_244 : vector<1x16xf32> to vector<16xf32>
        %swap3A_246 = vector.shape_cast %mul3A_241 : vector<16xf32> to vector<1x16xf32>
        tpu.vector_store %arg10[%swap3A_242, %swap3A_243], %swap3A_246 {strides = array<i32>} : memref<128x128xf32, #tpu.memory_space<vmem>>, vector<1x16xf32>,
        %get3A_247 = arith.index_cast %add3A_233 : i32 to index
        %get3A_248 = arith.constant 16 : index
        %get3A_249 = tpu.vector_load %arg10[%get3A_247, %get3A_248] {strides = array<i32>} : memref<128x128xf32, #tpu.memory_space<vmem>>, vector<1x16xf32>,
        %get3A_250 = vector.shape_cast %get3A_249 : vector<1x16xf32> to vector<16xf32>
        %mul3A_251 = arith.mulf %get3A_250, %broadcast_in_dim3A_236 : vector<16xf32>
        %swap3A_252 = arith.index_cast %add3A_233 : i32 to index
        %swap3A_253 = arith.constant 16 : index
        %swap3A_254 = tpu.vector_load %arg10[%swap3A_252, %swap3A_253] {strides = array<i32>} : memref<128x128xf32, #tpu.memory_space<vmem>>, vector<1x16xf32>,
        %swap3A_255 = vector.shape_cast %swap3A_254 : vector<1x16xf32> to vector<16xf32>
        %swap3A_256 = vector.shape_cast %mul3A_251 : vector<16xf32> to vector<1x16xf32>
        tpu.vector_store %arg10[%swap3A_252, %swap3A_253], %swap3A_256 {strides = array<i32>} : memref<128x128xf32, #tpu.memory_space<vmem>>, vector<1x16xf32>,
        %get3A_257 = arith.index_cast %add3A_233 : i32 to index
        %get3A_258 = arith.constant 32 : index
        %get3A_259 = tpu.vector_load %arg10[%get3A_257, %get3A_258] {strides = array<i32>} : memref<128x128xf32, #tpu.memory_space<vmem>>, vector<1x16xf32>,
        %get3A_260 = vector.shape_cast %get3A_259 : vector<1x16xf32> to vector<16xf32>
        %mul3A_261 = arith.mulf %get3A_260, %broadcast_in_dim3A_236 : vector<16xf32>
        %swap3A_262 = arith.index_cast %add3A_233 : i32 to index
        %swap3A_263 = arith.constant 32 : index
        %swap3A_264 = tpu.vector_load %arg10[%swap3A_262, %swap3A_263] {strides = array<i32>} : memref<128x128xf32, #tpu.memory_space<vmem>>, vector<1x16xf32>,
        %swap3A_265 = vector.shape_cast %swap3A_264 : vector<1x16xf32> to vector<16xf32>
        %swap3A_266 = vector.shape_cast %mul3A_261 : vector<16xf32> to vector<1x16xf32>
        tpu.vector_store %arg10[%swap3A_262, %swap3A_263], %swap3A_266 {strides = array<i32>} : memref<128x128xf32, #tpu.memory_space<vmem>>, vector<1x16xf32>,
        %get3A_267 = arith.index_cast %add3A_233 : i32 to index
        %get3A_268 = arith.constant 48 : index
        %get3A_269 = tpu.vector_load %arg10[%get3A_267, %get3A_268] {strides = array<i32>} : memref<128x128xf32, #tpu.memory_space<vmem>>, vector<1x16xf32>,
        %get3A_270 = vector.shape_cast %get3A_269 : vector<1x16xf32> to vector<16xf32>
        %mul3A_271 = arith.mulf %get3A_270, %broadcast_in_dim3A_236 : vector<16xf32>
        %swap3A_272 = arith.index_cast %add3A_233 : i32 to index
        %swap3A_273 = arith.constant 48 : index
        %swap3A_274 = tpu.vector_load %arg10[%swap3A_272, %swap3A_273] {strides = array<i32>} : memref<128x128xf32, #tpu.memory_space<vmem>>, vector<1x16xf32>,
        %swap3A_275 = vector.shape_cast %swap3A_274 : vector<1x16xf32> to vector<16xf32>
        %swap3A_276 = vector.shape_cast %mul3A_271 : vector<16xf32> to vector<1x16xf32>
        tpu.vector_store %arg10[%swap3A_272, %swap3A_273], %swap3A_276 {strides = array<i32>} : memref<128x128xf32, #tpu.memory_space<vmem>>, vector<1x16xf32>,
        %get3A_277 = arith.index_cast %add3A_233 : i32 to index
        %get3A_278 = arith.constant 64 : index
        %get3A_279 = tpu.vector_load %arg10[%get3A_277, %get3A_278] {strides = array<i32>} : memref<128x128xf32, #tpu.memory_space<vmem>>, vector<1x16xf32>,
        %get3A_280 = vector.shape_cast %get3A_279 : vector<1x16xf32> to vector<16xf32>
        %mul3A_281 = arith.mulf %get3A_280, %broadcast_in_dim3A_236 : vector<16xf32>
        %swap3A_282 = arith.index_cast %add3A_233 : i32 to index
        %swap3A_283 = arith.constant 64 : index
        %swap3A_284 = tpu.vector_load %arg10[%swap3A_282, %swap3A_283] {strides = array<i32>} : memref<128x128xf32, #tpu.memory_space<vmem>>, vector<1x16xf32>,
        %swap3A_285 = vector.shape_cast %swap3A_284 : vector<1x16xf32> to vector<16xf32>
        %swap3A_286 = vector.shape_cast %mul3A_281 : vector<16xf32> to vector<1x16xf32>
        tpu.vector_store %arg10[%swap3A_282, %swap3A_283], %swap3A_286 {strides = array<i32>} : memref<128x128xf32, #tpu.memory_space<vmem>>, vector<1x16xf32>,
        %get3A_287 = arith.index_cast %add3A_233 : i32 to index
        %get3A_288 = arith.constant 80 : index
        %get3A_289 = tpu.vector_load %arg10[%get3A_287, %get3A_288] {strides = array<i32>} : memref<128x128xf32, #tpu.memory_space<vmem>>, vector<1x16xf32>,
        %get3A_290 = vector.shape_cast %get3A_289 : vector<1x16xf32> to vector<16xf32>
        %mul3A_291 = arith.mulf %get3A_290, %broadcast_in_dim3A_236 : vector<16xf32>
        %swap3A_292 = arith.index_cast %add3A_233 : i32 to index
        %swap3A_293 = arith.constant 80 : index
        %swap3A_294 = tpu.vector_load %arg10[%swap3A_292, %swap3A_293] {strides = array<i32>} : memref<128x128xf32, #tpu.memory_space<vmem>>, vector<1x16xf32>,
        %swap3A_295 = vector.shape_cast %swap3A_294 : vector<1x16xf32> to vector<16xf32>
        %swap3A_296 = vector.shape_cast %mul3A_291 : vector<16xf32> to vector<1x16xf32>
        tpu.vector_store %arg10[%swap3A_292, %swap3A_293], %swap3A_296 {strides = array<i32>} : memref<128x128xf32, #tpu.memory_space<vmem>>, vector<1x16xf32>,
        %get3A_297 = arith.index_cast %add3A_233 : i32 to index
        %get3A_298 = arith.constant 96 : index
        %get3A_299 = tpu.vector_load %arg10[%get3A_297, %get3A_298] {strides = array<i32>} : memref<128x128xf32, #tpu.memory_space<vmem>>, vector<1x16xf32>,
        %get3A_300 = vector.shape_cast %get3A_299 : vector<1x16xf32> to vector<16xf32>
        %mul3A_301 = arith.mulf %get3A_300, %broadcast_in_dim3A_236 : vector<16xf32>
        %swap3A_302 = arith.index_cast %add3A_233 : i32 to index
        %swap3A_303 = arith.constant 96 : index
        %swap3A_304 = tpu.vector_load %arg10[%swap3A_302, %swap3A_303] {strides = array<i32>} : memref<128x128xf32, #tpu.memory_space<vmem>>, vector<1x16xf32>,
        %swap3A_305 = vector.shape_cast %swap3A_304 : vector<1x16xf32> to vector<16xf32>
        %swap3A_306 = vector.shape_cast %mul3A_301 : vector<16xf32> to vector<1x16xf32>
        tpu.vector_store %arg10[%swap3A_302, %swap3A_303], %swap3A_306 {strides = array<i32>} : memref<128x128xf32, #tpu.memory_space<vmem>>, vector<1x16xf32>,
        %get3A_307 = arith.index_cast %add3A_233 : i32 to index
        %get3A_308 = arith.constant 112 : index
        %get3A_309 = tpu.vector_load %arg10[%get3A_307, %get3A_308] {strides = array<i32>} : memref<128x128xf32, #tpu.memory_space<vmem>>, vector<1x16xf32>,
        %get3A_310 = vector.shape_cast %get3A_309 : vector<1x16xf32> to vector<16xf32>
        %mul3A_311 = arith.mulf %get3A_310, %broadcast_in_dim3A_236 : vector<16xf32>
        %swap3A_312 = arith.index_cast %add3A_233 : i32 to index
        %swap3A_313 = arith.constant 112 : index
        %swap3A_314 = tpu.vector_load %arg10[%swap3A_312, %swap3A_313] {strides = array<i32>} : memref<128x128xf32, #tpu.memory_space<vmem>>, vector<1x16xf32>,
        %swap3A_315 = vector.shape_cast %swap3A_314 : vector<1x16xf32> to vector<16xf32>
        %swap3A_316 = vector.shape_cast %mul3A_311 : vector<16xf32> to vector<1x16xf32>
        tpu.vector_store %arg10[%swap3A_312, %swap3A_313], %swap3A_316 {strides = array<i32>} : memref<128x128xf32, #tpu.memory_space<vmem>>, vector<1x16xf32>,
        %mul3A_317 = arith.constant 16 : i32
        %mul3A_318 = arith.muli %add3A_55, %mul3A_317 : i32
        %add3A_319 = arith.constant 3 : i32
        %add3A_320 = arith.addi %mul3A_318, %add3A_319 : i32
        %slice3A_321 = vector.extract_strided_slice %get3A_59 {offsets = [3], sizes = [1], strides = [1]} : vector<16xf32> to vector<1xf32>
        %squeeze3A_322 = vector.extract %slice3A_321[0] : f32 from vector<1xf32>
        %broadcast_in_dim3A_323 = vector.broadcast %squeeze3A_322 : f32 to vector<16xf32>
        %get3A_324 = arith.index_cast %add3A_320 : i32 to index
        %get3A_325 = arith.constant 0 : index
        %get3A_326 = tpu.vector_load %arg10[%get3A_324, %get3A_325] {strides = array<i32>} : memref<128x128xf32, #tpu.memory_space<vmem>>, vector<1x16xf32>,
        %get3A_327 = vector.shape_cast %get3A_326 : vector<1x16xf32> to vector<16xf32>
        %mul3A_328 = arith.mulf %get3A_327, %broadcast_in_dim3A_323 : vector<16xf32>
        %swap3A_329 = arith.index_cast %add3A_320 : i32 to index
        %swap3A_330 = arith.constant 0 : index
        %swap3A_331 = tpu.vector_load %arg10[%swap3A_329, %swap3A_330] {strides = array<i32>} : memref<128x128xf32, #tpu.memory_space<vmem>>, vector<1x16xf32>,
        %swap3A_332 = vector.shape_cast %swap3A_331 : vector<1x16xf32> to vector<16xf32>
        %swap3A_333 = vector.shape_cast %mul3A_328 : vector<16xf32> to vector<1x16xf32>
        tpu.vector_store %arg10[%swap3A_329, %swap3A_330], %swap3A_333 {strides = array<i32>} : memref<128x128xf32, #tpu.memory_space<vmem>>, vector<1x16xf32>,
        %get3A_334 = arith.index_cast %add3A_320 : i32 to index
        %get3A_335 = arith.constant 16 : index
        %get3A_336 = tpu.vector_load %arg10[%get3A_334, %get3A_335] {strides = array<i32>} : memref<128x128xf32, #tpu.memory_space<vmem>>, vector<1x16xf32>,
        %get3A_337 = vector.shape_cast %get3A_336 : vector<1x16xf32> to vector<16xf32>
        %mul3A_338 = arith.mulf %get3A_337, %broadcast_in_dim3A_323 : vector<16xf32>
        %swap3A_339 = arith.index_cast %add3A_320 : i32 to index
        %swap3A_340 = arith.constant 16 : index
        %swap3A_341 = tpu.vector_load %arg10[%swap3A_339, %swap3A_340] {strides = array<i32>} : memref<128x128xf32, #tpu.memory_space<vmem>>, vector<1x16xf32>,
        %swap3A_342 = vector.shape_cast %swap3A_341 : vector<1x16xf32> to vector<16xf32>
        %swap3A_343 = vector.shape_cast %mul3A_338 : vector<16xf32> to vector<1x16xf32>
        tpu.vector_store %arg10[%swap3A_339, %swap3A_340], %swap3A_343 {strides = array<i32>} : memref<128x128xf32, #tpu.memory_space<vmem>>, vector<1x16xf32>,
        %get3A_344 = arith.index_cast %add3A_320 : i32 to index
        %get3A_345 = arith.constant 32 : index
        %get3A_346 = tpu.vector_load %arg10[%get3A_344, %get3A_345] {strides = array<i32>} : memref<128x128xf32, #tpu.memory_space<vmem>>, vector<1x16xf32>,
        %get3A_347 = vector.shape_cast %get3A_346 : vector<1x16xf32> to vector<16xf32>
        %mul3A_348 = arith.mulf %get3A_347, %broadcast_in_dim3A_323 : vector<16xf32>
        %swap3A_349 = arith.index_cast %add3A_320 : i32 to index
        %swap3A_350 = arith.constant 32 : index
        %swap3A_351 = tpu.vector_load %arg10[%swap3A_349, %swap3A_350] {strides = array<i32>} : memref<128x128xf32, #tpu.memory_space<vmem>>, vector<1x16xf32>,
        %swap3A_352 = vector.shape_cast %swap3A_351 : vector<1x16xf32> to vector<16xf32>
        %swap3A_353 = vector.shape_cast %mul3A_348 : vector<16xf32> to vector<1x16xf32>
        tpu.vector_store %arg10[%swap3A_349, %swap3A_350], %swap3A_353 {strides = array<i32>} : memref<128x128xf32, #tpu.memory_space<vmem>>, vector<1x16xf32>,
        %get3A_354 = arith.index_cast %add3A_320 : i32 to index
        %get3A_355 = arith.constant 48 : index
        %get3A_356 = tpu.vector_load %arg10[%get3A_354, %get3A_355] {strides = array<i32>} : memref<128x128xf32, #tpu.memory_space<vmem>>, vector<1x16xf32>,
        %get3A_357 = vector.shape_cast %get3A_356 : vector<1x16xf32> to vector<16xf32>
        %mul3A_358 = arith.mulf %get3A_357, %broadcast_in_dim3A_323 : vector<16xf32>
        %swap3A_359 = arith.index_cast %add3A_320 : i32 to index
        %swap3A_360 = arith.constant 48 : index
        %swap3A_361 = tpu.vector_load %arg10[%swap3A_359, %swap3A_360] {strides = array<i32>} : memref<128x128xf32, #tpu.memory_space<vmem>>, vector<1x16xf32>,
        %swap3A_362 = vector.shape_cast %swap3A_361 : vector<1x16xf32> to vector<16xf32>
        %swap3A_363 = vector.shape_cast %mul3A_358 : vector<16xf32> to vector<1x16xf32>
        tpu.vector_store %arg10[%swap3A_359, %swap3A_360], %swap3A_363 {strides = array<i32>} : memref<128x128xf32, #tpu.memory_space<vmem>>, vector<1x16xf32>,
        %get3A_364 = arith.index_cast %add3A_320 : i32 to index
        %get3A_365 = arith.constant 64 : index
        %get3A_366 = tpu.vector_load %arg10[%get3A_364, %get3A_365] {strides = array<i32>} : memref<128x128xf32, #tpu.memory_space<vmem>>, vector<1x16xf32>,
        %get3A_367 = vector.shape_cast %get3A_366 : vector<1x16xf32> to vector<16xf32>
        %mul3A_368 = arith.mulf %get3A_367, %broadcast_in_dim3A_323 : vector<16xf32>
        %swap3A_369 = arith.index_cast %add3A_320 : i32 to index
        %swap3A_370 = arith.constant 64 : index
        %swap3A_371 = tpu.vector_load %arg10[%swap3A_369, %swap3A_370] {strides = array<i32>} : memref<128x128xf32, #tpu.memory_space<vmem>>, vector<1x16xf32>,
        %swap3A_372 = vector.shape_cast %swap3A_371 : vector<1x16xf32> to vector<16xf32>
        %swap3A_373 = vector.shape_cast %mul3A_368 : vector<16xf32> to vector<1x16xf32>
        tpu.vector_store %arg10[%swap3A_369, %swap3A_370], %swap3A_373 {strides = array<i32>} : memref<128x128xf32, #tpu.memory_space<vmem>>, vector<1x16xf32>,
        %get3A_374 = arith.index_cast %add3A_320 : i32 to index
        %get3A_375 = arith.constant 80 : index
        %get3A_376 = tpu.vector_load %arg10[%get3A_374, %get3A_375] {strides = array<i32>} : memref<128x128xf32, #tpu.memory_space<vmem>>, vector<1x16xf32>,
        %get3A_377 = vector.shape_cast %get3A_376 : vector<1x16xf32> to vector<16xf32>
        %mul3A_378 = arith.mulf %get3A_377, %broadcast_in_dim3A_323 : vector<16xf32>
        %swap3A_379 = arith.index_cast %add3A_320 : i32 to index
        %swap3A_380 = arith.constant 80 : index
        %swap3A_381 = tpu.vector_load %arg10[%swap3A_379, %swap3A_380] {strides = array<i32>} : memref<128x128xf32, #tpu.memory_space<vmem>>, vector<1x16xf32>,
        %swap3A_382 = vector.shape_cast %swap3A_381 : vector<1x16xf32> to vector<16xf32>
        %swap3A_383 = vector.shape_cast %mul3A_378 : vector<16xf32> to vector<1x16xf32>
        tpu.vector_store %arg10[%swap3A_379, %swap3A_380], %swap3A_383 {strides = array<i32>} : memref<128x128xf32, #tpu.memory_space<vmem>>, vector<1x16xf32>,
        %get3A_384 = arith.index_cast %add3A_320 : i32 to index
        %get3A_385 = arith.constant 96 : index
        %get3A_386 = tpu.vector_load %arg10[%get3A_384, %get3A_385] {strides = array<i32>} : memref<128x128xf32, #tpu.memory_space<vmem>>, vector<1x16xf32>,
        %get3A_387 = vector.shape_cast %get3A_386 : vector<1x16xf32> to vector<16xf32>
        %mul3A_388 = arith.mulf %get3A_387, %broadcast_in_dim3A_323 : vector<16xf32>
        %swap3A_389 = arith.index_cast %add3A_320 : i32 to index
        %swap3A_390 = arith.constant 96 : index
        %swap3A_391 = tpu.vector_load %arg10[%swap3A_389, %swap3A_390] {strides = array<i32>} : memref<128x128xf32, #tpu.memory_space<vmem>>, vector<1x16xf32>,
        %swap3A_392 = vector.shape_cast %swap3A_391 : vector<1x16xf32> to vector<16xf32>
        %swap3A_393 = vector.shape_cast %mul3A_388 : vector<16xf32> to vector<1x16xf32>
        tpu.vector_store %arg10[%swap3A_389, %swap3A_390], %swap3A_393 {strides = array<i32>} : memref<128x128xf32, #tpu.memory_space<vmem>>, vector<1x16xf32>,
        %get3A_394 = arith.index_cast %add3A_320 : i32 to index
        %get3A_395 = arith.constant 112 : index
        %get3A_396 = tpu.vector_load %arg10[%get3A_394, %get3A_395] {strides = array<i32>} : memref<128x128xf32, #tpu.memory_space<vmem>>, vector<1x16xf32>,
        %get3A_397 = vector.shape_cast %get3A_396 : vector<1x16xf32> to vector<16xf32>
        %mul3A_398 = arith.mulf %get3A_397, %broadcast_in_dim3A_323 : vector<16xf32>
        %swap3A_399 = arith.index_cast %add3A_320 : i32 to index
        %swap3A_400 = arith.constant 112 : index
        %swap3A_401 = tpu.vector_load %arg10[%swap3A_399, %swap3A_400] {strides = array<i32>} : memref<128x128xf32, #tpu.memory_space<vmem>>, vector<1x16xf32>,
        %swap3A_402 = vector.shape_cast %swap3A_401 : vector<1x16xf32> to vector<16xf32>
        %swap3A_403 = vector.shape_cast %mul3A_398 : vector<16xf32> to vector<1x16xf32>
        tpu.vector_store %arg10[%swap3A_399, %swap3A_400], %swap3A_403 {strides = array<i32>} : memref<128x128xf32, #tpu.memory_space<vmem>>, vector<1x16xf32>,
        %mul3A_404 = arith.constant 16 : i32
        %mul3A_405 = arith.muli %add3A_55, %mul3A_404 : i32
        %add3A_406 = arith.constant 4 : i32
        %add3A_407 = arith.addi %mul3A_405, %add3A_406 : i32
        %slice3A_408 = vector.extract_strided_slice %get3A_59 {offsets = [4], sizes = [1], strides = [1]} : vector<16xf32> to vector<1xf32>
        %squeeze3A_409 = vector.extract %slice3A_408[0] : f32 from vector<1xf32>
        %broadcast_in_dim3A_410 = vector.broadcast %squeeze3A_409 : f32 to vector<16xf32>
        %get3A_411 = arith.index_cast %add3A_407 : i32 to index
        %get3A_412 = arith.constant 0 : index
        %get3A_413 = tpu.vector_load %arg10[%get3A_411, %get3A_412] {strides = array<i32>} : memref<128x128xf32, #tpu.memory_space<vmem>>, vector<1x16xf32>,
        %get3A_414 = vector.shape_cast %get3A_413 : vector<1x16xf32> to vector<16xf32>
        %mul3A_415 = arith.mulf %get3A_414, %broadcast_in_dim3A_410 : vector<16xf32>
        %swap3A_416 = arith.index_cast %add3A_407 : i32 to index
        %swap3A_417 = arith.constant 0 : index
        %swap3A_418 = tpu.vector_load %arg10[%swap3A_416, %swap3A_417] {strides = array<i32>} : memref<128x128xf32, #tpu.memory_space<vmem>>, vector<1x16xf32>,
        %swap3A_419 = vector.shape_cast %swap3A_418 : vector<1x16xf32> to vector<16xf32>
        %swap3A_420 = vector.shape_cast %mul3A_415 : vector<16xf32> to vector<1x16xf32>
        tpu.vector_store %arg10[%swap3A_416, %swap3A_417], %swap3A_420 {strides = array<i32>} : memref<128x128xf32, #tpu.memory_space<vmem>>, vector<1x16xf32>,
        %get3A_421 = arith.index_cast %add3A_407 : i32 to index
        %get3A_422 = arith.constant 16 : index
        %get3A_423 = tpu.vector_load %arg10[%get3A_421, %get3A_422] {strides = array<i32>} : memref<128x128xf32, #tpu.memory_space<vmem>>, vector<1x16xf32>,
        %get3A_424 = vector.shape_cast %get3A_423 : vector<1x16xf32> to vector<16xf32>
        %mul3A_425 = arith.mulf %get3A_424, %broadcast_in_dim3A_410 : vector<16xf32>
        %swap3A_426 = arith.index_cast %add3A_407 : i32 to index
        %swap3A_427 = arith.constant 16 : index
        %swap3A_428 = tpu.vector_load %arg10[%swap3A_426, %swap3A_427] {strides = array<i32>} : memref<128x128xf32, #tpu.memory_space<vmem>>, vector<1x16xf32>,
        %swap3A_429 = vector.shape_cast %swap3A_428 : vector<1x16xf32> to vector<16xf32>
        %swap3A_430 = vector.shape_cast %mul3A_425 : vector<16xf32> to vector<1x16xf32>
        tpu.vector_store %arg10[%swap3A_426, %swap3A_427], %swap3A_430 {strides = array<i32>} : memref<128x128xf32, #tpu.memory_space<vmem>>, vector<1x16xf32>,
        %get3A_431 = arith.index_cast %add3A_407 : i32 to index
        %get3A_432 = arith.constant 32 : index
        %get3A_433 = tpu.vector_load %arg10[%get3A_431, %get3A_432] {strides = array<i32>} : memref<128x128xf32, #tpu.memory_space<vmem>>, vector<1x16xf32>,
        %get3A_434 = vector.shape_cast %get3A_433 : vector<1x16xf32> to vector<16xf32>
        %mul3A_435 = arith.mulf %get3A_434, %broadcast_in_dim3A_410 : vector<16xf32>
        %swap3A_436 = arith.index_cast %add3A_407 : i32 to index
        %swap3A_437 = arith.constant 32 : index
        %swap3A_438 = tpu.vector_load %arg10[%swap3A_436, %swap3A_437] {strides = array<i32>} : memref<128x128xf32, #tpu.memory_space<vmem>>, vector<1x16xf32>,
        %swap3A_439 = vector.shape_cast %swap3A_438 : vector<1x16xf32> to vector<16xf32>
        %swap3A_440 = vector.shape_cast %mul3A_435 : vector<16xf32> to vector<1x16xf32>
        tpu.vector_store %arg10[%swap3A_436, %swap3A_437], %swap3A_440 {strides = array<i32>} : memref<128x128xf32, #tpu.memory_space<vmem>>, vector<1x16xf32>,
        %get3A_441 = arith.index_cast %add3A_407 : i32 to index
        %get3A_442 = arith.constant 48 : index
        %get3A_443 = tpu.vector_load %arg10[%get3A_441, %get3A_442] {strides = array<i32>} : memref<128x128xf32, #tpu.memory_space<vmem>>, vector<1x16xf32>,
        %get3A_444 = vector.shape_cast %get3A_443 : vector<1x16xf32> to vector<16xf32>
        %mul3A_445 = arith.mulf %get3A_444, %broadcast_in_dim3A_410 : vector<16xf32>
        %swap3A_446 = arith.index_cast %add3A_407 : i32 to index
        %swap3A_447 = arith.constant 48 : index
        %swap3A_448 = tpu.vector_load %arg10[%swap3A_446, %swap3A_447] {strides = array<i32>} : memref<128x128xf32, #tpu.memory_space<vmem>>, vector<1x16xf32>,
        %swap3A_449 = vector.shape_cast %swap3A_448 : vector<1x16xf32> to vector<16xf32>
        %swap3A_450 = vector.shape_cast %mul3A_445 : vector<16xf32> to vector<1x16xf32>
        tpu.vector_store %arg10[%swap3A_446, %swap3A_447], %swap3A_450 {strides = array<i32>} : memref<128x128xf32, #tpu.memory_space<vmem>>, vector<1x16xf32>,
        %get3A_451 = arith.index_cast %add3A_407 : i32 to index
        %get3A_452 = arith.constant 64 : index
        %get3A_453 = tpu.vector_load %arg10[%get3A_451, %get3A_452] {strides = array<i32>} : memref<128x128xf32, #tpu.memory_space<vmem>>, vector<1x16xf32>,
        %get3A_454 = vector.shape_cast %get3A_453 : vector<1x16xf32> to vector<16xf32>
        %mul3A_455 = arith.mulf %get3A_454, %broadcast_in_dim3A_410 : vector<16xf32>
        %swap3A_456 = arith.index_cast %add3A_407 : i32 to index
        %swap3A_457 = arith.constant 64 : index
        %swap3A_458 = tpu.vector_load %arg10[%swap3A_456, %swap3A_457] {strides = array<i32>} : memref<128x128xf32, #tpu.memory_space<vmem>>, vector<1x16xf32>,
        %swap3A_459 = vector.shape_cast %swap3A_458 : vector<1x16xf32> to vector<16xf32>
        %swap3A_460 = vector.shape_cast %mul3A_455 : vector<16xf32> to vector<1x16xf32>
        tpu.vector_store %arg10[%swap3A_456, %swap3A_457], %swap3A_460 {strides = array<i32>} : memref<128x128xf32, #tpu.memory_space<vmem>>, vector<1x16xf32>,
        %get3A_461 = arith.index_cast %add3A_407 : i32 to index
        %get3A_462 = arith.constant 80 : index
        %get3A_463 = tpu.vector_load %arg10[%get3A_461, %get3A_462] {strides = array<i32>} : memref<128x128xf32, #tpu.memory_space<vmem>>, vector<1x16xf32>,
        %get3A_464 = vector.shape_cast %get3A_463 : vector<1x16xf32> to vector<16xf32>
        %mul3A_465 = arith.mulf %get3A_464, %broadcast_in_dim3A_410 : vector<16xf32>
        %swap3A_466 = arith.index_cast %add3A_407 : i32 to index
        %swap3A_467 = arith.constant 80 : index
        %swap3A_468 = tpu.vector_load %arg10[%swap3A_466, %swap3A_467] {strides = array<i32>} : memref<128x128xf32, #tpu.memory_space<vmem>>, vector<1x16xf32>,
        %swap3A_469 = vector.shape_cast %swap3A_468 : vector<1x16xf32> to vector<16xf32>
        %swap3A_470 = vector.shape_cast %mul3A_465 : vector<16xf32> to vector<1x16xf32>
        tpu.vector_store %arg10[%swap3A_466, %swap3A_467], %swap3A_470 {strides = array<i32>} : memref<128x128xf32, #tpu.memory_space<vmem>>, vector<1x16xf32>,
        %get3A_471 = arith.index_cast %add3A_407 : i32 to index
        %get3A_472 = arith.constant 96 : index
        %get3A_473 = tpu.vector_load %arg10[%get3A_471, %get3A_472] {strides = array<i32>} : memref<128x128xf32, #tpu.memory_space<vmem>>, vector<1x16xf32>,
        %get3A_474 = vector.shape_cast %get3A_473 : vector<1x16xf32> to vector<16xf32>
        %mul3A_475 = arith.mulf %get3A_474, %broadcast_in_dim3A_410 : vector<16xf32>
        %swap3A_476 = arith.index_cast %add3A_407 : i32 to index
        %swap3A_477 = arith.constant 96 : index
        %swap3A_478 = tpu.vector_load %arg10[%swap3A_476, %swap3A_477] {strides = array<i32>} : memref<128x128xf32, #tpu.memory_space<vmem>>, vector<1x16xf32>,
        %swap3A_479 = vector.shape_cast %swap3A_478 : vector<1x16xf32> to vector<16xf32>
        %swap3A_480 = vector.shape_cast %mul3A_475 : vector<16xf32> to vector<1x16xf32>
        tpu.vector_store %arg10[%swap3A_476, %swap3A_477], %swap3A_480 {strides = array<i32>} : memref<128x128xf32, #tpu.memory_space<vmem>>, vector<1x16xf32>,
        %get3A_481 = arith.index_cast %add3A_407 : i32 to index
        %get3A_482 = arith.constant 112 : index
        %get3A_483 = tpu.vector_load %arg10[%get3A_481, %get3A_482] {strides = array<i32>} : memref<128x128xf32, #tpu.memory_space<vmem>>, vector<1x16xf32>,
        %get3A_484 = vector.shape_cast %get3A_483 : vector<1x16xf32> to vector<16xf32>
        %mul3A_485 = arith.mulf %get3A_484, %broadcast_in_dim3A_410 : vector<16xf32>
        %swap3A_486 = arith.index_cast %add3A_407 : i32 to index
        %swap3A_487 = arith.constant 112 : index
        %swap3A_488 = tpu.vector_load %arg10[%swap3A_486, %swap3A_487] {strides = array<i32>} : memref<128x128xf32, #tpu.memory_space<vmem>>, vector<1x16xf32>,
        %swap3A_489 = vector.shape_cast %swap3A_488 : vector<1x16xf32> to vector<16xf32>
        %swap3A_490 = vector.shape_cast %mul3A_485 : vector<16xf32> to vector<1x16xf32>
        tpu.vector_store %arg10[%swap3A_486, %swap3A_487], %swap3A_490 {strides = array<i32>} : memref<128x128xf32, #tpu.memory_space<vmem>>, vector<1x16xf32>,
        %mul3A_491 = arith.constant 16 : i32
        %mul3A_492 = arith.muli %add3A_55, %mul3A_491 : i32
        %add3A_493 = arith.constant 5 : i32
        %add3A_494 = arith.addi %mul3A_492, %add3A_493 : i32
        %slice3A_495 = vector.extract_strided_slice %get3A_59 {offsets = [5], sizes = [1], strides = [1]} : vector<16xf32> to vector<1xf32>
        %squeeze3A_496 = vector.extract %slice3A_495[0] : f32 from vector<1xf32>
        %broadcast_in_dim3A_497 = vector.broadcast %squeeze3A_496 : f32 to vector<16xf32>
        %get3A_498 = arith.index_cast %add3A_494 : i32 to index
        %get3A_499 = arith.constant 0 : index
        %get3A_500 = tpu.vector_load %arg10[%get3A_498, %get3A_499] {strides = array<i32>} : memref<128x128xf32, #tpu.memory_space<vmem>>, vector<1x16xf32>,
        %get3A_501 = vector.shape_cast %get3A_500 : vector<1x16xf32> to vector<16xf32>
        %mul3A_502 = arith.mulf %get3A_501, %broadcast_in_dim3A_497 : vector<16xf32>
        %swap3A_503 = arith.index_cast %add3A_494 : i32 to index
        %swap3A_504 = arith.constant 0 : index
        %swap3A_505 = tpu.vector_load %arg10[%swap3A_503, %swap3A_504] {strides = array<i32>} : memref<128x128xf32, #tpu.memory_space<vmem>>, vector<1x16xf32>,
        %swap3A_506 = vector.shape_cast %swap3A_505 : vector<1x16xf32> to vector<16xf32>
        %swap3A_507 = vector.shape_cast %mul3A_502 : vector<16xf32> to vector<1x16xf32>
        tpu.vector_store %arg10[%swap3A_503, %swap3A_504], %swap3A_507 {strides = array<i32>} : memref<128x128xf32, #tpu.memory_space<vmem>>, vector<1x16xf32>,
        %get3A_508 = arith.index_cast %add3A_494 : i32 to index
        %get3A_509 = arith.constant 16 : index
        %get3A_510 = tpu.vector_load %arg10[%get3A_508, %get3A_509] {strides = array<i32>} : memref<128x128xf32, #tpu.memory_space<vmem>>, vector<1x16xf32>,
        %get3A_511 = vector.shape_cast %get3A_510 : vector<1x16xf32> to vector<16xf32>
        %mul3A_512 = arith.mulf %get3A_511, %broadcast_in_dim3A_497 : vector<16xf32>
        %swap3A_513 = arith.index_cast %add3A_494 : i32 to index
        %swap3A_514 = arith.constant 16 : index
        %swap3A_515 = tpu.vector_load %arg10[%swap3A_513, %swap3A_514] {strides = array<i32>} : memref<128x128xf32, #tpu.memory_space<vmem>>, vector<1x16xf32>,
        %swap3A_516 = vector.shape_cast %swap3A_515 : vector<1x16xf32> to vector<16xf32>
        %swap3A_517 = vector.shape_cast %mul3A_512 : vector<16xf32> to vector<1x16xf32>
        tpu.vector_store %arg10[%swap3A_513, %swap3A_514], %swap3A_517 {strides = array<i32>} : memref<128x128xf32, #tpu.memory_space<vmem>>, vector<1x16xf32>,
        %get3A_518 = arith.index_cast %add3A_494 : i32 to index
        %get3A_519 = arith.constant 32 : index
        %get3A_520 = tpu.vector_load %arg10[%get3A_518, %get3A_519] {strides = array<i32>} : memref<128x128xf32, #tpu.memory_space<vmem>>, vector<1x16xf32>,
        %get3A_521 = vector.shape_cast %get3A_520 : vector<1x16xf32> to vector<16xf32>
        %mul3A_522 = arith.mulf %get3A_521, %broadcast_in_dim3A_497 : vector<16xf32>
        %swap3A_523 = arith.index_cast %add3A_494 : i32 to index
        %swap3A_524 = arith.constant 32 : index
        %swap3A_525 = tpu.vector_load %arg10[%swap3A_523, %swap3A_524] {strides = array<i32>} : memref<128x128xf32, #tpu.memory_space<vmem>>, vector<1x16xf32>,
        %swap3A_526 = vector.shape_cast %swap3A_525 : vector<1x16xf32> to vector<16xf32>
        %swap3A_527 = vector.shape_cast %mul3A_522 : vector<16xf32> to vector<1x16xf32>
        tpu.vector_store %arg10[%swap3A_523, %swap3A_524], %swap3A_527 {strides = array<i32>} : memref<128x128xf32, #tpu.memory_space<vmem>>, vector<1x16xf32>,
        %get3A_528 = arith.index_cast %add3A_494 : i32 to index
        %get3A_529 = arith.constant 48 : index
        %get3A_530 = tpu.vector_load %arg10[%get3A_528, %get3A_529] {strides = array<i32>} : memref<128x128xf32, #tpu.memory_space<vmem>>, vector<1x16xf32>,
        %get3A_531 = vector.shape_cast %get3A_530 : vector<1x16xf32> to vector<16xf32>
        %mul3A_532 = arith.mulf %get3A_531, %broadcast_in_dim3A_497 : vector<16xf32>
        %swap3A_533 = arith.index_cast %add3A_494 : i32 to index
        %swap3A_534 = arith.constant 48 : index
        %swap3A_535 = tpu.vector_load %arg10[%swap3A_533, %swap3A_534] {strides = array<i32>} : memref<128x128xf32, #tpu.memory_space<vmem>>, vector<1x16xf32>,
        %swap3A_536 = vector.shape_cast %swap3A_535 : vector<1x16xf32> to vector<16xf32>
        %swap3A_537 = vector.shape_cast %mul3A_532 : vector<16xf32> to vector<1x16xf32>
        tpu.vector_store %arg10[%swap3A_533, %swap3A_534], %swap3A_537 {strides = array<i32>} : memref<128x128xf32, #tpu.memory_space<vmem>>, vector<1x16xf32>,
        %get3A_538 = arith.index_cast %add3A_494 : i32 to index
        %get3A_539 = arith.constant 64 : index
        %get3A_540 = tpu.vector_load %arg10[%get3A_538, %get3A_539] {strides = array<i32>} : memref<128x128xf32, #tpu.memory_space<vmem>>, vector<1x16xf32>,
        %get3A_541 = vector.shape_cast %get3A_540 : vector<1x16xf32> to vector<16xf32>
        %mul3A_542 = arith.mulf %get3A_541, %broadcast_in_dim3A_497 : vector<16xf32>
        %swap3A_543 = arith.index_cast %add3A_494 : i32 to index
        %swap3A_544 = arith.constant 64 : index
        %swap3A_545 = tpu.vector_load %arg10[%swap3A_543, %swap3A_544] {strides = array<i32>} : memref<128x128xf32, #tpu.memory_space<vmem>>, vector<1x16xf32>,
        %swap3A_546 = vector.shape_cast %swap3A_545 : vector<1x16xf32> to vector<16xf32>
        %swap3A_547 = vector.shape_cast %mul3A_542 : vector<16xf32> to vector<1x16xf32>
        tpu.vector_store %arg10[%swap3A_543, %swap3A_544], %swap3A_547 {strides = array<i32>} : memref<128x128xf32, #tpu.memory_space<vmem>>, vector<1x16xf32>,
        %get3A_548 = arith.index_cast %add3A_494 : i32 to index
        %get3A_549 = arith.constant 80 : index
        %get3A_550 = tpu.vector_load %arg10[%get3A_548, %get3A_549] {strides = array<i32>} : memref<128x128xf32, #tpu.memory_space<vmem>>, vector<1x16xf32>,
        %get3A_551 = vector.shape_cast %get3A_550 : vector<1x16xf32> to vector<16xf32>
        %mul3A_552 = arith.mulf %get3A_551, %broadcast_in_dim3A_497 : vector<16xf32>
        %swap3A_553 = arith.index_cast %add3A_494 : i32 to index
        %swap3A_554 = arith.constant 80 : index
        %swap3A_555 = tpu.vector_load %arg10[%swap3A_553, %swap3A_554] {strides = array<i32>} : memref<128x128xf32, #tpu.memory_space<vmem>>, vector<1x16xf32>,
        %swap3A_556 = vector.shape_cast %swap3A_555 : vector<1x16xf32> to vector<16xf32>
        %swap3A_557 = vector.shape_cast %mul3A_552 : vector<16xf32> to vector<1x16xf32>
        tpu.vector_store %arg10[%swap3A_553, %swap3A_554], %swap3A_557 {strides = array<i32>} : memref<128x128xf32, #tpu.memory_space<vmem>>, vector<1x16xf32>,
        %get3A_558 = arith.index_cast %add3A_494 : i32 to index
        %get3A_559 = arith.constant 96 : index
        %get3A_560 = tpu.vector_load %arg10[%get3A_558, %get3A_559] {strides = array<i32>} : memref<128x128xf32, #tpu.memory_space<vmem>>, vector<1x16xf32>,
        %get3A_561 = vector.shape_cast %get3A_560 : vector<1x16xf32> to vector<16xf32>
        %mul3A_562 = arith.mulf %get3A_561, %broadcast_in_dim3A_497 : vector<16xf32>
        %swap3A_563 = arith.index_cast %add3A_494 : i32 to index
        %swap3A_564 = arith.constant 96 : index
        %swap3A_565 = tpu.vector_load %arg10[%swap3A_563, %swap3A_564] {strides = array<i32>} : memref<128x128xf32, #tpu.memory_space<vmem>>, vector<1x16xf32>,
        %swap3A_566 = vector.shape_cast %swap3A_565 : vector<1x16xf32> to vector<16xf32>
        %swap3A_567 = vector.shape_cast %mul3A_562 : vector<16xf32> to vector<1x16xf32>
        tpu.vector_store %arg10[%swap3A_563, %swap3A_564], %swap3A_567 {strides = array<i32>} : memref<128x128xf32, #tpu.memory_space<vmem>>, vector<1x16xf32>,
        %get3A_568 = arith.index_cast %add3A_494 : i32 to index
        %get3A_569 = arith.constant 112 : index
        %get3A_570 = tpu.vector_load %arg10[%get3A_568, %get3A_569] {strides = array<i32>} : memref<128x128xf32, #tpu.memory_space<vmem>>, vector<1x16xf32>,
        %get3A_571 = vector.shape_cast %get3A_570 : vector<1x16xf32> to vector<16xf32>
        %mul3A_572 = arith.mulf %get3A_571, %broadcast_in_dim3A_497 : vector<16xf32>
        %swap3A_573 = arith.index_cast %add3A_494 : i32 to index
        %swap3A_574 = arith.constant 112 : index
        %swap3A_575 = tpu.vector_load %arg10[%swap3A_573, %swap3A_574] {strides = array<i32>} : memref<128x128xf32, #tpu.memory_space<vmem>>, vector<1x16xf32>,
        %swap3A_576 = vector.shape_cast %swap3A_575 : vector<1x16xf32> to vector<16xf32>
        %swap3A_577 = vector.shape_cast %mul3A_572 : vector<16xf32> to vector<1x16xf32>
        tpu.vector_store %arg10[%swap3A_573, %swap3A_574], %swap3A_577 {strides = array<i32>} : memref<128x128xf32, #tpu.memory_space<vmem>>, vector<1x16xf32>,
        %mul3A_578 = arith.constant 16 : i32
        %mul3A_579 = arith.muli %add3A_55, %mul3A_578 : i32
        %add3A_580 = arith.constant 6 : i32
        %add3A_581 = arith.addi %mul3A_579, %add3A_580 : i32
        %slice3A_582 = vector.extract_strided_slice %get3A_59 {offsets = [6], sizes = [1], strides = [1]} : vector<16xf32> to vector<1xf32>
        %squeeze3A_583 = vector.extract %slice3A_582[0] : f32 from vector<1xf32>
        %broadcast_in_dim3A_584 = vector.broadcast %squeeze3A_583 : f32 to vector<16xf32>
        %get3A_585 = arith.index_cast %add3A_581 : i32 to index
        %get3A_586 = arith.constant 0 : index
        %get3A_587 = tpu.vector_load %arg10[%get3A_585, %get3A_586] {strides = array<i32>} : memref<128x128xf32, #tpu.memory_space<vmem>>, vector<1x16xf32>,
        %get3A_588 = vector.shape_cast %get3A_587 : vector<1x16xf32> to vector<16xf32>
        %mul3A_589 = arith.mulf %get3A_588, %broadcast_in_dim3A_584 : vector<16xf32>
        %swap3A_590 = arith.index_cast %add3A_581 : i32 to index
        %swap3A_591 = arith.constant 0 : index
        %swap3A_592 = tpu.vector_load %arg10[%swap3A_590, %swap3A_591] {strides = array<i32>} : memref<128x128xf32, #tpu.memory_space<vmem>>, vector<1x16xf32>,
        %swap3A_593 = vector.shape_cast %swap3A_592 : vector<1x16xf32> to vector<16xf32>
        %swap3A_594 = vector.shape_cast %mul3A_589 : vector<16xf32> to vector<1x16xf32>
        tpu.vector_store %arg10[%swap3A_590, %swap3A_591], %swap3A_594 {strides = array<i32>} : memref<128x128xf32, #tpu.memory_space<vmem>>, vector<1x16xf32>,
        %get3A_595 = arith.index_cast %add3A_581 : i32 to index
        %get3A_596 = arith.constant 16 : index
        %get3A_597 = tpu.vector_load %arg10[%get3A_595, %get3A_596] {strides = array<i32>} : memref<128x128xf32, #tpu.memory_space<vmem>>, vector<1x16xf32>,
        %get3A_598 = vector.shape_cast %get3A_597 : vector<1x16xf32> to vector<16xf32>
        %mul3A_599 = arith.mulf %get3A_598, %broadcast_in_dim3A_584 : vector<16xf32>
        %swap3A_600 = arith.index_cast %add3A_581 : i32 to index
        %swap3A_601 = arith.constant 16 : index
        %swap3A_602 = tpu.vector_load %arg10[%swap3A_600, %swap3A_601] {strides = array<i32>} : memref<128x128xf32, #tpu.memory_space<vmem>>, vector<1x16xf32>,
        %swap3A_603 = vector.shape_cast %swap3A_602 : vector<1x16xf32> to vector<16xf32>
        %swap3A_604 = vector.shape_cast %mul3A_599 : vector<16xf32> to vector<1x16xf32>
        tpu.vector_store %arg10[%swap3A_600, %swap3A_601], %swap3A_604 {strides = array<i32>} : memref<128x128xf32, #tpu.memory_space<vmem>>, vector<1x16xf32>,
        %get3A_605 = arith.index_cast %add3A_581 : i32 to index
        %get3A_606 = arith.constant 32 : index
        %get3A_607 = tpu.vector_load %arg10[%get3A_605, %get3A_606] {strides = array<i32>} : memref<128x128xf32, #tpu.memory_space<vmem>>, vector<1x16xf32>,
        %get3A_608 = vector.shape_cast %get3A_607 : vector<1x16xf32> to vector<16xf32>
        %mul3A_609 = arith.mulf %get3A_608, %broadcast_in_dim3A_584 : vector<16xf32>
        %swap3A_610 = arith.index_cast %add3A_581 : i32 to index
        %swap3A_611 = arith.constant 32 : index
        %swap3A_612 = tpu.vector_load %arg10[%swap3A_610, %swap3A_611] {strides = array<i32>} : memref<128x128xf32, #tpu.memory_space<vmem>>, vector<1x16xf32>,
        %swap3A_613 = vector.shape_cast %swap3A_612 : vector<1x16xf32> to vector<16xf32>
        %swap3A_614 = vector.shape_cast %mul3A_609 : vector<16xf32> to vector<1x16xf32>
        tpu.vector_store %arg10[%swap3A_610, %swap3A_611], %swap3A_614 {strides = array<i32>} : memref<128x128xf32, #tpu.memory_space<vmem>>, vector<1x16xf32>,
        %get3A_615 = arith.index_cast %add3A_581 : i32 to index
        %get3A_616 = arith.constant 48 : index
        %get3A_617 = tpu.vector_load %arg10[%get3A_615, %get3A_616] {strides = array<i32>} : memref<128x128xf32, #tpu.memory_space<vmem>>, vector<1x16xf32>,
        %get3A_618 = vector.shape_cast %get3A_617 : vector<1x16xf32> to vector<16xf32>
        %mul3A_619 = arith.mulf %get3A_618, %broadcast_in_dim3A_584 : vector<16xf32>
        %swap3A_620 = arith.index_cast %add3A_581 : i32 to index
        %swap3A_621 = arith.constant 48 : index
        %swap3A_622 = tpu.vector_load %arg10[%swap3A_620, %swap3A_621] {strides = array<i32>} : memref<128x128xf32, #tpu.memory_space<vmem>>, vector<1x16xf32>,
        %swap3A_623 = vector.shape_cast %swap3A_622 : vector<1x16xf32> to vector<16xf32>
        %swap3A_624 = vector.shape_cast %mul3A_619 : vector<16xf32> to vector<1x16xf32>
        tpu.vector_store %arg10[%swap3A_620, %swap3A_621], %swap3A_624 {strides = array<i32>} : memref<128x128xf32, #tpu.memory_space<vmem>>, vector<1x16xf32>,
        %get3A_625 = arith.index_cast %add3A_581 : i32 to index
        %get3A_626 = arith.constant 64 : index
        %get3A_627 = tpu.vector_load %arg10[%get3A_625, %get3A_626] {strides = array<i32>} : memref<128x128xf32, #tpu.memory_space<vmem>>, vector<1x16xf32>,
        %get3A_628 = vector.shape_cast %get3A_627 : vector<1x16xf32> to vector<16xf32>
        %mul3A_629 = arith.mulf %get3A_628, %broadcast_in_dim3A_584 : vector<16xf32>
        %swap3A_630 = arith.index_cast %add3A_581 : i32 to index
        %swap3A_631 = arith.constant 64 : index
        %swap3A_632 = tpu.vector_load %arg10[%swap3A_630, %swap3A_631] {strides = array<i32>} : memref<128x128xf32, #tpu.memory_space<vmem>>, vector<1x16xf32>,
        %swap3A_633 = vector.shape_cast %swap3A_632 : vector<1x16xf32> to vector<16xf32>
        %swap3A_634 = vector.shape_cast %mul3A_629 : vector<16xf32> to vector<1x16xf32>
        tpu.vector_store %arg10[%swap3A_630, %swap3A_631], %swap3A_634 {strides = array<i32>} : memref<128x128xf32, #tpu.memory_space<vmem>>, vector<1x16xf32>,
        %get3A_635 = arith.index_cast %add3A_581 : i32 to index
        %get3A_636 = arith.constant 80 : index
        %get3A_637 = tpu.vector_load %arg10[%get3A_635, %get3A_636] {strides = array<i32>} : memref<128x128xf32, #tpu.memory_space<vmem>>, vector<1x16xf32>,
        %get3A_638 = vector.shape_cast %get3A_637 : vector<1x16xf32> to vector<16xf32>
        %mul3A_639 = arith.mulf %get3A_638, %broadcast_in_dim3A_584 : vector<16xf32>
        %swap3A_640 = arith.index_cast %add3A_581 : i32 to index
        %swap3A_641 = arith.constant 80 : index
        %swap3A_642 = tpu.vector_load %arg10[%swap3A_640, %swap3A_641] {strides = array<i32>} : memref<128x128xf32, #tpu.memory_space<vmem>>, vector<1x16xf32>,
        %swap3A_643 = vector.shape_cast %swap3A_642 : vector<1x16xf32> to vector<16xf32>
        %swap3A_644 = vector.shape_cast %mul3A_639 : vector<16xf32> to vector<1x16xf32>
        tpu.vector_store %arg10[%swap3A_640, %swap3A_641], %swap3A_644 {strides = array<i32>} : memref<128x128xf32, #tpu.memory_space<vmem>>, vector<1x16xf32>,
        %get3A_645 = arith.index_cast %add3A_581 : i32 to index
        %get3A_646 = arith.constant 96 : index
        %get3A_647 = tpu.vector_load %arg10[%get3A_645, %get3A_646] {strides = array<i32>} : memref<128x128xf32, #tpu.memory_space<vmem>>, vector<1x16xf32>,
        %get3A_648 = vector.shape_cast %get3A_647 : vector<1x16xf32> to vector<16xf32>
        %mul3A_649 = arith.mulf %get3A_648, %broadcast_in_dim3A_584 : vector<16xf32>
        %swap3A_650 = arith.index_cast %add3A_581 : i32 to index
        %swap3A_651 = arith.constant 96 : index
        %swap3A_652 = tpu.vector_load %arg10[%swap3A_650, %swap3A_651] {strides = array<i32>} : memref<128x128xf32, #tpu.memory_space<vmem>>, vector<1x16xf32>,
        %swap3A_653 = vector.shape_cast %swap3A_652 : vector<1x16xf32> to vector<16xf32>
        %swap3A_654 = vector.shape_cast %mul3A_649 : vector<16xf32> to vector<1x16xf32>
        tpu.vector_store %arg10[%swap3A_650, %swap3A_651], %swap3A_654 {strides = array<i32>} : memref<128x128xf32, #tpu.memory_space<vmem>>, vector<1x16xf32>,
        %get3A_655 = arith.index_cast %add3A_581 : i32 to index
        %get3A_656 = arith.constant 112 : index
        %get3A_657 = tpu.vector_load %arg10[%get3A_655, %get3A_656] {strides = array<i32>} : memref<128x128xf32, #tpu.memory_space<vmem>>, vector<1x16xf32>,
        %get3A_658 = vector.shape_cast %get3A_657 : vector<1x16xf32> to vector<16xf32>
        %mul3A_659 = arith.mulf %get3A_658, %broadcast_in_dim3A_584 : vector<16xf32>
        %swap3A_660 = arith.index_cast %add3A_581 : i32 to index
        %swap3A_661 = arith.constant 112 : index
        %swap3A_662 = tpu.vector_load %arg10[%swap3A_660, %swap3A_661] {strides = array<i32>} : memref<128x128xf32, #tpu.memory_space<vmem>>, vector<1x16xf32>,
        %swap3A_663 = vector.shape_cast %swap3A_662 : vector<1x16xf32> to vector<16xf32>
        %swap3A_664 = vector.shape_cast %mul3A_659 : vector<16xf32> to vector<1x16xf32>
        tpu.vector_store %arg10[%swap3A_660, %swap3A_661], %swap3A_664 {strides = array<i32>} : memref<128x128xf32, #tpu.memory_space<vmem>>, vector<1x16xf32>,
        %mul3A_665 = arith.constant 16 : i32
        %mul3A_666 = arith.muli %add3A_55, %mul3A_665 : i32
        %add3A_667 = arith.constant 7 : i32
        %add3A_668 = arith.addi %mul3A_666, %add3A_667 : i32
        %slice3A_669 = vector.extract_strided_slice %get3A_59 {offsets = [7], sizes = [1], strides = [1]} : vector<16xf32> to vector<1xf32>
        %squeeze3A_670 = vector.extract %slice3A_669[0] : f32 from vector<1xf32>
        %broadcast_in_dim3A_671 = vector.broadcast %squeeze3A_670 : f32 to vector<16xf32>
        %get3A_672 = arith.index_cast %add3A_668 : i32 to index
        %get3A_673 = arith.constant 0 : index
        %get3A_674 = tpu.vector_load %arg10[%get3A_672, %get3A_673] {strides = array<i32>} : memref<128x128xf32, #tpu.memory_space<vmem>>, vector<1x16xf32>,
        %get3A_675 = vector.shape_cast %get3A_674 : vector<1x16xf32> to vector<16xf32>
        %mul3A_676 = arith.mulf %get3A_675, %broadcast_in_dim3A_671 : vector<16xf32>
        %swap3A_677 = arith.index_cast %add3A_668 : i32 to index
        %swap3A_678 = arith.constant 0 : index
        %swap3A_679 = tpu.vector_load %arg10[%swap3A_677, %swap3A_678] {strides = array<i32>} : memref<128x128xf32, #tpu.memory_space<vmem>>, vector<1x16xf32>,
        %swap3A_680 = vector.shape_cast %swap3A_679 : vector<1x16xf32> to vector<16xf32>
        %swap3A_681 = vector.shape_cast %mul3A_676 : vector<16xf32> to vector<1x16xf32>
        tpu.vector_store %arg10[%swap3A_677, %swap3A_678], %swap3A_681 {strides = array<i32>} : memref<128x128xf32, #tpu.memory_space<vmem>>, vector<1x16xf32>,
        %get3A_682 = arith.index_cast %add3A_668 : i32 to index
        %get3A_683 = arith.constant 16 : index
        %get3A_684 = tpu.vector_load %arg10[%get3A_682, %get3A_683] {strides = array<i32>} : memref<128x128xf32, #tpu.memory_space<vmem>>, vector<1x16xf32>,
        %get3A_685 = vector.shape_cast %get3A_684 : vector<1x16xf32> to vector<16xf32>
        %mul3A_686 = arith.mulf %get3A_685, %broadcast_in_dim3A_671 : vector<16xf32>
        %swap3A_687 = arith.index_cast %add3A_668 : i32 to index
        %swap3A_688 = arith.constant 16 : index
        %swap3A_689 = tpu.vector_load %arg10[%swap3A_687, %swap3A_688] {strides = array<i32>} : memref<128x128xf32, #tpu.memory_space<vmem>>, vector<1x16xf32>,
        %swap3A_690 = vector.shape_cast %swap3A_689 : vector<1x16xf32> to vector<16xf32>
        %swap3A_691 = vector.shape_cast %mul3A_686 : vector<16xf32> to vector<1x16xf32>
        tpu.vector_store %arg10[%swap3A_687, %swap3A_688], %swap3A_691 {strides = array<i32>} : memref<128x128xf32, #tpu.memory_space<vmem>>, vector<1x16xf32>,
        %get3A_692 = arith.index_cast %add3A_668 : i32 to index
        %get3A_693 = arith.constant 32 : index
        %get3A_694 = tpu.vector_load %arg10[%get3A_692, %get3A_693] {strides = array<i32>} : memref<128x128xf32, #tpu.memory_space<vmem>>, vector<1x16xf32>,
        %get3A_695 = vector.shape_cast %get3A_694 : vector<1x16xf32> to vector<16xf32>
        %mul3A_696 = arith.mulf %get3A_695, %broadcast_in_dim3A_671 : vector<16xf32>
        %swap3A_697 = arith.index_cast %add3A_668 : i32 to index
        %swap3A_698 = arith.constant 32 : index
        %swap3A_699 = tpu.vector_load %arg10[%swap3A_697, %swap3A_698] {strides = array<i32>} : memref<128x128xf32, #tpu.memory_space<vmem>>, vector<1x16xf32>,
        %swap3A_700 = vector.shape_cast %swap3A_699 : vector<1x16xf32> to vector<16xf32>
        %swap3A_701 = vector.shape_cast %mul3A_696 : vector<16xf32> to vector<1x16xf32>
        tpu.vector_store %arg10[%swap3A_697, %swap3A_698], %swap3A_701 {strides = array<i32>} : memref<128x128xf32, #tpu.memory_space<vmem>>, vector<1x16xf32>,
        %get3A_702 = arith.index_cast %add3A_668 : i32 to index
        %get3A_703 = arith.constant 48 : index
        %get3A_704 = tpu.vector_load %arg10[%get3A_702, %get3A_703] {strides = array<i32>} : memref<128x128xf32, #tpu.memory_space<vmem>>, vector<1x16xf32>,
        %get3A_705 = vector.shape_cast %get3A_704 : vector<1x16xf32> to vector<16xf32>
        %mul3A_706 = arith.mulf %get3A_705, %broadcast_in_dim3A_671 : vector<16xf32>
        %swap3A_707 = arith.index_cast %add3A_668 : i32 to index
        %swap3A_708 = arith.constant 48 : index
        %swap3A_709 = tpu.vector_load %arg10[%swap3A_707, %swap3A_708] {strides = array<i32>} : memref<128x128xf32, #tpu.memory_space<vmem>>, vector<1x16xf32>,
        %swap3A_710 = vector.shape_cast %swap3A_709 : vector<1x16xf32> to vector<16xf32>
        %swap3A_711 = vector.shape_cast %mul3A_706 : vector<16xf32> to vector<1x16xf32>
        tpu.vector_store %arg10[%swap3A_707, %swap3A_708], %swap3A_711 {strides = array<i32>} : memref<128x128xf32, #tpu.memory_space<vmem>>, vector<1x16xf32>,
        %get3A_712 = arith.index_cast %add3A_668 : i32 to index
        %get3A_713 = arith.constant 64 : index
        %get3A_714 = tpu.vector_load %arg10[%get3A_712, %get3A_713] {strides = array<i32>} : memref<128x128xf32, #tpu.memory_space<vmem>>, vector<1x16xf32>,
        %get3A_715 = vector.shape_cast %get3A_714 : vector<1x16xf32> to vector<16xf32>
        %mul3A_716 = arith.mulf %get3A_715, %broadcast_in_dim3A_671 : vector<16xf32>
        %swap3A_717 = arith.index_cast %add3A_668 : i32 to index
        %swap3A_718 = arith.constant 64 : index
        %swap3A_719 = tpu.vector_load %arg10[%swap3A_717, %swap3A_718] {strides = array<i32>} : memref<128x128xf32, #tpu.memory_space<vmem>>, vector<1x16xf32>,
        %swap3A_720 = vector.shape_cast %swap3A_719 : vector<1x16xf32> to vector<16xf32>
        %swap3A_721 = vector.shape_cast %mul3A_716 : vector<16xf32> to vector<1x16xf32>
        tpu.vector_store %arg10[%swap3A_717, %swap3A_718], %swap3A_721 {strides = array<i32>} : memref<128x128xf32, #tpu.memory_space<vmem>>, vector<1x16xf32>,
        %get3A_722 = arith.index_cast %add3A_668 : i32 to index
        %get3A_723 = arith.constant 80 : index
        %get3A_724 = tpu.vector_load %arg10[%get3A_722, %get3A_723] {strides = array<i32>} : memref<128x128xf32, #tpu.memory_space<vmem>>, vector<1x16xf32>,
        %get3A_725 = vector.shape_cast %get3A_724 : vector<1x16xf32> to vector<16xf32>
        %mul3A_726 = arith.mulf %get3A_725, %broadcast_in_dim3A_671 : vector<16xf32>
        %swap3A_727 = arith.index_cast %add3A_668 : i32 to index
        %swap3A_728 = arith.constant 80 : index
        %swap3A_729 = tpu.vector_load %arg10[%swap3A_727, %swap3A_728] {strides = array<i32>} : memref<128x128xf32, #tpu.memory_space<vmem>>, vector<1x16xf32>,
        %swap3A_730 = vector.shape_cast %swap3A_729 : vector<1x16xf32> to vector<16xf32>
        %swap3A_731 = vector.shape_cast %mul3A_726 : vector<16xf32> to vector<1x16xf32>
        tpu.vector_store %arg10[%swap3A_727, %swap3A_728], %swap3A_731 {strides = array<i32>} : memref<128x128xf32, #tpu.memory_space<vmem>>, vector<1x16xf32>,
        %get3A_732 = arith.index_cast %add3A_668 : i32 to index
        %get3A_733 = arith.constant 96 : index
        %get3A_734 = tpu.vector_load %arg10[%get3A_732, %get3A_733] {strides = array<i32>} : memref<128x128xf32, #tpu.memory_space<vmem>>, vector<1x16xf32>,
        %get3A_735 = vector.shape_cast %get3A_734 : vector<1x16xf32> to vector<16xf32>
        %mul3A_736 = arith.mulf %get3A_735, %broadcast_in_dim3A_671 : vector<16xf32>
        %swap3A_737 = arith.index_cast %add3A_668 : i32 to index
        %swap3A_738 = arith.constant 96 : index
        %swap3A_739 = tpu.vector_load %arg10[%swap3A_737, %swap3A_738] {strides = array<i32>} : memref<128x128xf32, #tpu.memory_space<vmem>>, vector<1x16xf32>,
        %swap3A_740 = vector.shape_cast %swap3A_739 : vector<1x16xf32> to vector<16xf32>
        %swap3A_741 = vector.shape_cast %mul3A_736 : vector<16xf32> to vector<1x16xf32>
        tpu.vector_store %arg10[%swap3A_737, %swap3A_738], %swap3A_741 {strides = array<i32>} : memref<128x128xf32, #tpu.memory_space<vmem>>, vector<1x16xf32>,
        %get3A_742 = arith.index_cast %add3A_668 : i32 to index
        %get3A_743 = arith.constant 112 : index
        %get3A_744 = tpu.vector_load %arg10[%get3A_742, %get3A_743] {strides = array<i32>} : memref<128x128xf32, #tpu.memory_space<vmem>>, vector<1x16xf32>,
        %get3A_745 = vector.shape_cast %get3A_744 : vector<1x16xf32> to vector<16xf32>
        %mul3A_746 = arith.mulf %get3A_745, %broadcast_in_dim3A_671 : vector<16xf32>
        %swap3A_747 = arith.index_cast %add3A_668 : i32 to index
        %swap3A_748 = arith.constant 112 : index
        %swap3A_749 = tpu.vector_load %arg10[%swap3A_747, %swap3A_748] {strides = array<i32>} : memref<128x128xf32, #tpu.memory_space<vmem>>, vector<1x16xf32>,
        %swap3A_750 = vector.shape_cast %swap3A_749 : vector<1x16xf32> to vector<16xf32>
        %swap3A_751 = vector.shape_cast %mul3A_746 : vector<16xf32> to vector<1x16xf32>
        tpu.vector_store %arg10[%swap3A_747, %swap3A_748], %swap3A_751 {strides = array<i32>} : memref<128x128xf32, #tpu.memory_space<vmem>>, vector<1x16xf32>,
        %mul3A_752 = arith.constant 16 : i32
        %mul3A_753 = arith.muli %add3A_55, %mul3A_752 : i32
        %add3A_754 = arith.constant 8 : i32
        %add3A_755 = arith.addi %mul3A_753, %add3A_754 : i32
        %slice3A_756 = vector.extract_strided_slice %get3A_59 {offsets = [8], sizes = [1], strides = [1]} : vector<16xf32> to vector<1xf32>
        %squeeze3A_757 = vector.extract %slice3A_756[0] : f32 from vector<1xf32>
        %broadcast_in_dim3A_758 = vector.broadcast %squeeze3A_757 : f32 to vector<16xf32>
        %get3A_759 = arith.index_cast %add3A_755 : i32 to index
        %get3A_760 = arith.constant 0 : index
        %get3A_761 = tpu.vector_load %arg10[%get3A_759, %get3A_760] {strides = array<i32>} : memref<128x128xf32, #tpu.memory_space<vmem>>, vector<1x16xf32>,
        %get3A_762 = vector.shape_cast %get3A_761 : vector<1x16xf32> to vector<16xf32>
        %mul3A_763 = arith.mulf %get3A_762, %broadcast_in_dim3A_758 : vector<16xf32>
        %swap3A_764 = arith.index_cast %add3A_755 : i32 to index
        %swap3A_765 = arith.constant 0 : index
        %swap3A_766 = tpu.vector_load %arg10[%swap3A_764, %swap3A_765] {strides = array<i32>} : memref<128x128xf32, #tpu.memory_space<vmem>>, vector<1x16xf32>,
        %swap3A_767 = vector.shape_cast %swap3A_766 : vector<1x16xf32> to vector<16xf32>
        %swap3A_768 = vector.shape_cast %mul3A_763 : vector<16xf32> to vector<1x16xf32>
        tpu.vector_store %arg10[%swap3A_764, %swap3A_765], %swap3A_768 {strides = array<i32>} : memref<128x128xf32, #tpu.memory_space<vmem>>, vector<1x16xf32>,
        %get3A_769 = arith.index_cast %add3A_755 : i32 to index
        %get3A_770 = arith.constant 16 : index
        %get3A_771 = tpu.vector_load %arg10[%get3A_769, %get3A_770] {strides = array<i32>} : memref<128x128xf32, #tpu.memory_space<vmem>>, vector<1x16xf32>,
        %get3A_772 = vector.shape_cast %get3A_771 : vector<1x16xf32> to vector<16xf32>
        %mul3A_773 = arith.mulf %get3A_772, %broadcast_in_dim3A_758 : vector<16xf32>
        %swap3A_774 = arith.index_cast %add3A_755 : i32 to index
        %swap3A_775 = arith.constant 16 : index
        %swap3A_776 = tpu.vector_load %arg10[%swap3A_774, %swap3A_775] {strides = array<i32>} : memref<128x128xf32, #tpu.memory_space<vmem>>, vector<1x16xf32>,
        %swap3A_777 = vector.shape_cast %swap3A_776 : vector<1x16xf32> to vector<16xf32>
        %swap3A_778 = vector.shape_cast %mul3A_773 : vector<16xf32> to vector<1x16xf32>
        tpu.vector_store %arg10[%swap3A_774, %swap3A_775], %swap3A_778 {strides = array<i32>} : memref<128x128xf32, #tpu.memory_space<vmem>>, vector<1x16xf32>,
        %get3A_779 = arith.index_cast %add3A_755 : i32 to index
        %get3A_780 = arith.constant 32 : index
        %get3A_781 = tpu.vector_load %arg10[%get3A_779, %get3A_780] {strides = array<i32>} : memref<128x128xf32, #tpu.memory_space<vmem>>, vector<1x16xf32>,
        %get3A_782 = vector.shape_cast %get3A_781 : vector<1x16xf32> to vector<16xf32>
        %mul3A_783 = arith.mulf %get3A_782, %broadcast_in_dim3A_758 : vector<16xf32>
        %swap3A_784 = arith.index_cast %add3A_755 : i32 to index
        %swap3A_785 = arith.constant 32 : index
        %swap3A_786 = tpu.vector_load %arg10[%swap3A_784, %swap3A_785] {strides = array<i32>} : memref<128x128xf32, #tpu.memory_space<vmem>>, vector<1x16xf32>,
        %swap3A_787 = vector.shape_cast %swap3A_786 : vector<1x16xf32> to vector<16xf32>
        %swap3A_788 = vector.shape_cast %mul3A_783 : vector<16xf32> to vector<1x16xf32>
        tpu.vector_store %arg10[%swap3A_784, %swap3A_785], %swap3A_788 {strides = array<i32>} : memref<128x128xf32, #tpu.memory_space<vmem>>, vector<1x16xf32>,
        %get3A_789 = arith.index_cast %add3A_755 : i32 to index
        %get3A_790 = arith.constant 48 : index
        %get3A_791 = tpu.vector_load %arg10[%get3A_789, %get3A_790] {strides = array<i32>} : memref<128x128xf32, #tpu.memory_space<vmem>>, vector<1x16xf32>,
        %get3A_792 = vector.shape_cast %get3A_791 : vector<1x16xf32> to vector<16xf32>
        %mul3A_793 = arith.mulf %get3A_792, %broadcast_in_dim3A_758 : vector<16xf32>
        %swap3A_794 = arith.index_cast %add3A_755 : i32 to index
        %swap3A_795 = arith.constant 48 : index
        %swap3A_796 = tpu.vector_load %arg10[%swap3A_794, %swap3A_795] {strides = array<i32>} : memref<128x128xf32, #tpu.memory_space<vmem>>, vector<1x16xf32>,
        %swap3A_797 = vector.shape_cast %swap3A_796 : vector<1x16xf32> to vector<16xf32>
        %swap3A_798 = vector.shape_cast %mul3A_793 : vector<16xf32> to vector<1x16xf32>
        tpu.vector_store %arg10[%swap3A_794, %swap3A_795], %swap3A_798 {strides = array<i32>} : memref<128x128xf32, #tpu.memory_space<vmem>>, vector<1x16xf32>,
        %get3A_799 = arith.index_cast %add3A_755 : i32 to index
        %get3A_800 = arith.constant 64 : index
        %get3A_801 = tpu.vector_load %arg10[%get3A_799, %get3A_800] {strides = array<i32>} : memref<128x128xf32, #tpu.memory_space<vmem>>, vector<1x16xf32>,
        %get3A_802 = vector.shape_cast %get3A_801 : vector<1x16xf32> to vector<16xf32>
        %mul3A_803 = arith.mulf %get3A_802, %broadcast_in_dim3A_758 : vector<16xf32>
        %swap3A_804 = arith.index_cast %add3A_755 : i32 to index
        %swap3A_805 = arith.constant 64 : index
        %swap3A_806 = tpu.vector_load %arg10[%swap3A_804, %swap3A_805] {strides = array<i32>} : memref<128x128xf32, #tpu.memory_space<vmem>>, vector<1x16xf32>,
        %swap3A_807 = vector.shape_cast %swap3A_806 : vector<1x16xf32> to vector<16xf32>
        %swap3A_808 = vector.shape_cast %mul3A_803 : vector<16xf32> to vector<1x16xf32>
        tpu.vector_store %arg10[%swap3A_804, %swap3A_805], %swap3A_808 {strides = array<i32>} : memref<128x128xf32, #tpu.memory_space<vmem>>, vector<1x16xf32>,
        %get3A_809 = arith.index_cast %add3A_755 : i32 to index
        %get3A_810 = arith.constant 80 : index
        %get3A_811 = tpu.vector_load %arg10[%get3A_809, %get3A_810] {strides = array<i32>} : memref<128x128xf32, #tpu.memory_space<vmem>>, vector<1x16xf32>,
        %get3A_812 = vector.shape_cast %get3A_811 : vector<1x16xf32> to vector<16xf32>
        %mul3A_813 = arith.mulf %get3A_812, %broadcast_in_dim3A_758 : vector<16xf32>
        %swap3A_814 = arith.index_cast %add3A_755 : i32 to index
        %swap3A_815 = arith.constant 80 : index
        %swap3A_816 = tpu.vector_load %arg10[%swap3A_814, %swap3A_815] {strides = array<i32>} : memref<128x128xf32, #tpu.memory_space<vmem>>, vector<1x16xf32>,
        %swap3A_817 = vector.shape_cast %swap3A_816 : vector<1x16xf32> to vector<16xf32>
        %swap3A_818 = vector.shape_cast %mul3A_813 : vector<16xf32> to vector<1x16xf32>
        tpu.vector_store %arg10[%swap3A_814, %swap3A_815], %swap3A_818 {strides = array<i32>} : memref<128x128xf32, #tpu.memory_space<vmem>>, vector<1x16xf32>,
        %get3A_819 = arith.index_cast %add3A_755 : i32 to index
        %get3A_820 = arith.constant 96 : index
        %get3A_821 = tpu.vector_load %arg10[%get3A_819, %get3A_820] {strides = array<i32>} : memref<128x128xf32, #tpu.memory_space<vmem>>, vector<1x16xf32>,
        %get3A_822 = vector.shape_cast %get3A_821 : vector<1x16xf32> to vector<16xf32>
        %mul3A_823 = arith.mulf %get3A_822, %broadcast_in_dim3A_758 : vector<16xf32>
        %swap3A_824 = arith.index_cast %add3A_755 : i32 to index
        %swap3A_825 = arith.constant 96 : index
        %swap3A_826 = tpu.vector_load %arg10[%swap3A_824, %swap3A_825] {strides = array<i32>} : memref<128x128xf32, #tpu.memory_space<vmem>>, vector<1x16xf32>,
        %swap3A_827 = vector.shape_cast %swap3A_826 : vector<1x16xf32> to vector<16xf32>
        %swap3A_828 = vector.shape_cast %mul3A_823 : vector<16xf32> to vector<1x16xf32>
        tpu.vector_store %arg10[%swap3A_824, %swap3A_825], %swap3A_828 {strides = array<i32>} : memref<128x128xf32, #tpu.memory_space<vmem>>, vector<1x16xf32>,
        %get3A_829 = arith.index_cast %add3A_755 : i32 to index
        %get3A_830 = arith.constant 112 : index
        %get3A_831 = tpu.vector_load %arg10[%get3A_829, %get3A_830] {strides = array<i32>} : memref<128x128xf32, #tpu.memory_space<vmem>>, vector<1x16xf32>,
        %get3A_832 = vector.shape_cast %get3A_831 : vector<1x16xf32> to vector<16xf32>
        %mul3A_833 = arith.mulf %get3A_832, %broadcast_in_dim3A_758 : vector<16xf32>
        %swap3A_834 = arith.index_cast %add3A_755 : i32 to index
        %swap3A_835 = arith.constant 112 : index
        %swap3A_836 = tpu.vector_load %arg10[%swap3A_834, %swap3A_835] {strides = array<i32>} : memref<128x128xf32, #tpu.memory_space<vmem>>, vector<1x16xf32>,
        %swap3A_837 = vector.shape_cast %swap3A_836 : vector<1x16xf32> to vector<16xf32>
        %swap3A_838 = vector.shape_cast %mul3A_833 : vector<16xf32> to vector<1x16xf32>
        tpu.vector_store %arg10[%swap3A_834, %swap3A_835], %swap3A_838 {strides = array<i32>} : memref<128x128xf32, #tpu.memory_space<vmem>>, vector<1x16xf32>,
        %mul3A_839 = arith.constant 16 : i32
        %mul3A_840 = arith.muli %add3A_55, %mul3A_839 : i32
        %add3A_841 = arith.constant 9 : i32
        %add3A_842 = arith.addi %mul3A_840, %add3A_841 : i32
        %slice3A_843 = vector.extract_strided_slice %get3A_59 {offsets = [9], sizes = [1], strides = [1]} : vector<16xf32> to vector<1xf32>
        %squeeze3A_844 = vector.extract %slice3A_843[0] : f32 from vector<1xf32>
        %broadcast_in_dim3A_845 = vector.broadcast %squeeze3A_844 : f32 to vector<16xf32>
        %get3A_846 = arith.index_cast %add3A_842 : i32 to index
        %get3A_847 = arith.constant 0 : index
        %get3A_848 = tpu.vector_load %arg10[%get3A_846, %get3A_847] {strides = array<i32>} : memref<128x128xf32, #tpu.memory_space<vmem>>, vector<1x16xf32>,
        %get3A_849 = vector.shape_cast %get3A_848 : vector<1x16xf32> to vector<16xf32>
        %mul3A_850 = arith.mulf %get3A_849, %broadcast_in_dim3A_845 : vector<16xf32>
        %swap3A_851 = arith.index_cast %add3A_842 : i32 to index
        %swap3A_852 = arith.constant 0 : index
        %swap3A_853 = tpu.vector_load %arg10[%swap3A_851, %swap3A_852] {strides = array<i32>} : memref<128x128xf32, #tpu.memory_space<vmem>>, vector<1x16xf32>,
        %swap3A_854 = vector.shape_cast %swap3A_853 : vector<1x16xf32> to vector<16xf32>
        %swap3A_855 = vector.shape_cast %mul3A_850 : vector<16xf32> to vector<1x16xf32>
        tpu.vector_store %arg10[%swap3A_851, %swap3A_852], %swap3A_855 {strides = array<i32>} : memref<128x128xf32, #tpu.memory_space<vmem>>, vector<1x16xf32>,
        %get3A_856 = arith.index_cast %add3A_842 : i32 to index
        %get3A_857 = arith.constant 16 : index
        %get3A_858 = tpu.vector_load %arg10[%get3A_856, %get3A_857] {strides = array<i32>} : memref<128x128xf32, #tpu.memory_space<vmem>>, vector<1x16xf32>,
        %get3A_859 = vector.shape_cast %get3A_858 : vector<1x16xf32> to vector<16xf32>
        %mul3A_860 = arith.mulf %get3A_859, %broadcast_in_dim3A_845 : vector<16xf32>
        %swap3A_861 = arith.index_cast %add3A_842 : i32 to index
        %swap3A_862 = arith.constant 16 : index
        %swap3A_863 = tpu.vector_load %arg10[%swap3A_861, %swap3A_862] {strides = array<i32>} : memref<128x128xf32, #tpu.memory_space<vmem>>, vector<1x16xf32>,
        %swap3A_864 = vector.shape_cast %swap3A_863 : vector<1x16xf32> to vector<16xf32>
        %swap3A_865 = vector.shape_cast %mul3A_860 : vector<16xf32> to vector<1x16xf32>
        tpu.vector_store %arg10[%swap3A_861, %swap3A_862], %swap3A_865 {strides = array<i32>} : memref<128x128xf32, #tpu.memory_space<vmem>>, vector<1x16xf32>,
        %get3A_866 = arith.index_cast %add3A_842 : i32 to index
        %get3A_867 = arith.constant 32 : index
        %get3A_868 = tpu.vector_load %arg10[%get3A_866, %get3A_867] {strides = array<i32>} : memref<128x128xf32, #tpu.memory_space<vmem>>, vector<1x16xf32>,
        %get3A_869 = vector.shape_cast %get3A_868 : vector<1x16xf32> to vector<16xf32>
        %mul3A_870 = arith.mulf %get3A_869, %broadcast_in_dim3A_845 : vector<16xf32>
        %swap3A_871 = arith.index_cast %add3A_842 : i32 to index
        %swap3A_872 = arith.constant 32 : index
        %swap3A_873 = tpu.vector_load %arg10[%swap3A_871, %swap3A_872] {strides = array<i32>} : memref<128x128xf32, #tpu.memory_space<vmem>>, vector<1x16xf32>,
        %swap3A_874 = vector.shape_cast %swap3A_873 : vector<1x16xf32> to vector<16xf32>
        %swap3A_875 = vector.shape_cast %mul3A_870 : vector<16xf32> to vector<1x16xf32>
        tpu.vector_store %arg10[%swap3A_871, %swap3A_872], %swap3A_875 {strides = array<i32>} : memref<128x128xf32, #tpu.memory_space<vmem>>, vector<1x16xf32>,
        %get3A_876 = arith.index_cast %add3A_842 : i32 to index
        %get3A_877 = arith.constant 48 : index
        %get3A_878 = tpu.vector_load %arg10[%get3A_876, %get3A_877] {strides = array<i32>} : memref<128x128xf32, #tpu.memory_space<vmem>>, vector<1x16xf32>,
        %get3A_879 = vector.shape_cast %get3A_878 : vector<1x16xf32> to vector<16xf32>
        %mul3A_880 = arith.mulf %get3A_879, %broadcast_in_dim3A_845 : vector<16xf32>
        %swap3A_881 = arith.index_cast %add3A_842 : i32 to index
        %swap3A_882 = arith.constant 48 : index
        %swap3A_883 = tpu.vector_load %arg10[%swap3A_881, %swap3A_882] {strides = array<i32>} : memref<128x128xf32, #tpu.memory_space<vmem>>, vector<1x16xf32>,
        %swap3A_884 = vector.shape_cast %swap3A_883 : vector<1x16xf32> to vector<16xf32>
        %swap3A_885 = vector.shape_cast %mul3A_880 : vector<16xf32> to vector<1x16xf32>
        tpu.vector_store %arg10[%swap3A_881, %swap3A_882], %swap3A_885 {strides = array<i32>} : memref<128x128xf32, #tpu.memory_space<vmem>>, vector<1x16xf32>,
        %get3A_886 = arith.index_cast %add3A_842 : i32 to index
        %get3A_887 = arith.constant 64 : index
        %get3A_888 = tpu.vector_load %arg10[%get3A_886, %get3A_887] {strides = array<i32>} : memref<128x128xf32, #tpu.memory_space<vmem>>, vector<1x16xf32>,
        %get3A_889 = vector.shape_cast %get3A_888 : vector<1x16xf32> to vector<16xf32>
        %mul3A_890 = arith.mulf %get3A_889, %broadcast_in_dim3A_845 : vector<16xf32>
        %swap3A_891 = arith.index_cast %add3A_842 : i32 to index
        %swap3A_892 = arith.constant 64 : index
        %swap3A_893 = tpu.vector_load %arg10[%swap3A_891, %swap3A_892] {strides = array<i32>} : memref<128x128xf32, #tpu.memory_space<vmem>>, vector<1x16xf32>,
        %swap3A_894 = vector.shape_cast %swap3A_893 : vector<1x16xf32> to vector<16xf32>
        %swap3A_895 = vector.shape_cast %mul3A_890 : vector<16xf32> to vector<1x16xf32>
        tpu.vector_store %arg10[%swap3A_891, %swap3A_892], %swap3A_895 {strides = array<i32>} : memref<128x128xf32, #tpu.memory_space<vmem>>, vector<1x16xf32>,
        %get3A_896 = arith.index_cast %add3A_842 : i32 to index
        %get3A_897 = arith.constant 80 : index
        %get3A_898 = tpu.vector_load %arg10[%get3A_896, %get3A_897] {strides = array<i32>} : memref<128x128xf32, #tpu.memory_space<vmem>>, vector<1x16xf32>,
        %get3A_899 = vector.shape_cast %get3A_898 : vector<1x16xf32> to vector<16xf32>
        %mul3A_900 = arith.mulf %get3A_899, %broadcast_in_dim3A_845 : vector<16xf32>
        %swap3A_901 = arith.index_cast %add3A_842 : i32 to index
        %swap3A_902 = arith.constant 80 : index
        %swap3A_903 = tpu.vector_load %arg10[%swap3A_901, %swap3A_902] {strides = array<i32>} : memref<128x128xf32, #tpu.memory_space<vmem>>, vector<1x16xf32>,
        %swap3A_904 = vector.shape_cast %swap3A_903 : vector<1x16xf32> to vector<16xf32>
        %swap3A_905 = vector.shape_cast %mul3A_900 : vector<16xf32> to vector<1x16xf32>
        tpu.vector_store %arg10[%swap3A_901, %swap3A_902], %swap3A_905 {strides = array<i32>} : memref<128x128xf32, #tpu.memory_space<vmem>>, vector<1x16xf32>,
        %get3A_906 = arith.index_cast %add3A_842 : i32 to index
        %get3A_907 = arith.constant 96 : index
        %get3A_908 = tpu.vector_load %arg10[%get3A_906, %get3A_907] {strides = array<i32>} : memref<128x128xf32, #tpu.memory_space<vmem>>, vector<1x16xf32>,
        %get3A_909 = vector.shape_cast %get3A_908 : vector<1x16xf32> to vector<16xf32>
        %mul3A_910 = arith.mulf %get3A_909, %broadcast_in_dim3A_845 : vector<16xf32>
        %swap3A_911 = arith.index_cast %add3A_842 : i32 to index
        %swap3A_912 = arith.constant 96 : index
        %swap3A_913 = tpu.vector_load %arg10[%swap3A_911, %swap3A_912] {strides = array<i32>} : memref<128x128xf32, #tpu.memory_space<vmem>>, vector<1x16xf32>,
        %swap3A_914 = vector.shape_cast %swap3A_913 : vector<1x16xf32> to vector<16xf32>
        %swap3A_915 = vector.shape_cast %mul3A_910 : vector<16xf32> to vector<1x16xf32>
        tpu.vector_store %arg10[%swap3A_911, %swap3A_912], %swap3A_915 {strides = array<i32>} : memref<128x128xf32, #tpu.memory_space<vmem>>, vector<1x16xf32>,
        %get3A_916 = arith.index_cast %add3A_842 : i32 to index
        %get3A_917 = arith.constant 112 : index
        %get3A_918 = tpu.vector_load %arg10[%get3A_916, %get3A_917] {strides = array<i32>} : memref<128x128xf32, #tpu.memory_space<vmem>>, vector<1x16xf32>,
        %get3A_919 = vector.shape_cast %get3A_918 : vector<1x16xf32> to vector<16xf32>
        %mul3A_920 = arith.mulf %get3A_919, %broadcast_in_dim3A_845 : vector<16xf32>
        %swap3A_921 = arith.index_cast %add3A_842 : i32 to index
        %swap3A_922 = arith.constant 112 : index
        %swap3A_923 = tpu.vector_load %arg10[%swap3A_921, %swap3A_922] {strides = array<i32>} : memref<128x128xf32, #tpu.memory_space<vmem>>, vector<1x16xf32>,
        %swap3A_924 = vector.shape_cast %swap3A_923 : vector<1x16xf32> to vector<16xf32>
        %swap3A_925 = vector.shape_cast %mul3A_920 : vector<16xf32> to vector<1x16xf32>
        tpu.vector_store %arg10[%swap3A_921, %swap3A_922], %swap3A_925 {strides = array<i32>} : memref<128x128xf32, #tpu.memory_space<vmem>>, vector<1x16xf32>,
        %mul3A_926 = arith.constant 16 : i32
        %mul3A_927 = arith.muli %add3A_55, %mul3A_926 : i32
        %add3A_928 = arith.constant 10 : i32
        %add3A_929 = arith.addi %mul3A_927, %add3A_928 : i32
        %slice3A_930 = vector.extract_strided_slice %get3A_59 {offsets = [10], sizes = [1], strides = [1]} : vector<16xf32> to vector<1xf32>
        %squeeze3A_931 = vector.extract %slice3A_930[0] : f32 from vector<1xf32>
        %broadcast_in_dim3A_932 = vector.broadcast %squeeze3A_931 : f32 to vector<16xf32>
        %get3A_933 = arith.index_cast %add3A_929 : i32 to index
        %get3A_934 = arith.constant 0 : index
        %get3A_935 = tpu.vector_load %arg10[%get3A_933, %get3A_934] {strides = array<i32>} : memref<128x128xf32, #tpu.memory_space<vmem>>, vector<1x16xf32>,
        %get3A_936 = vector.shape_cast %get3A_935 : vector<1x16xf32> to vector<16xf32>
        %mul3A_937 = arith.mulf %get3A_936, %broadcast_in_dim3A_932 : vector<16xf32>
        %swap3A_938 = arith.index_cast %add3A_929 : i32 to index
        %swap3A_939 = arith.constant 0 : index
        %swap3A_940 = tpu.vector_load %arg10[%swap3A_938, %swap3A_939] {strides = array<i32>} : memref<128x128xf32, #tpu.memory_space<vmem>>, vector<1x16xf32>,
        %swap3A_941 = vector.shape_cast %swap3A_940 : vector<1x16xf32> to vector<16xf32>
        %swap3A_942 = vector.shape_cast %mul3A_937 : vector<16xf32> to vector<1x16xf32>
        tpu.vector_store %arg10[%swap3A_938, %swap3A_939], %swap3A_942 {strides = array<i32>} : memref<128x128xf32, #tpu.memory_space<vmem>>, vector<1x16xf32>,
        %get3A_943 = arith.index_cast %add3A_929 : i32 to index
        %get3A_944 = arith.constant 16 : index
        %get3A_945 = tpu.vector_load %arg10[%get3A_943, %get3A_944] {strides = array<i32>} : memref<128x128xf32, #tpu.memory_space<vmem>>, vector<1x16xf32>,
        %get3A_946 = vector.shape_cast %get3A_945 : vector<1x16xf32> to vector<16xf32>
        %mul3A_947 = arith.mulf %get3A_946, %broadcast_in_dim3A_932 : vector<16xf32>
        %swap3A_948 = arith.index_cast %add3A_929 : i32 to index
        %swap3A_949 = arith.constant 16 : index
        %swap3A_950 = tpu.vector_load %arg10[%swap3A_948, %swap3A_949] {strides = array<i32>} : memref<128x128xf32, #tpu.memory_space<vmem>>, vector<1x16xf32>,
        %swap3A_951 = vector.shape_cast %swap3A_950 : vector<1x16xf32> to vector<16xf32>
        %swap3A_952 = vector.shape_cast %mul3A_947 : vector<16xf32> to vector<1x16xf32>
        tpu.vector_store %arg10[%swap3A_948, %swap3A_949], %swap3A_952 {strides = array<i32>} : memref<128x128xf32, #tpu.memory_space<vmem>>, vector<1x16xf32>,
        %get3A_953 = arith.index_cast %add3A_929 : i32 to index
        %get3A_954 = arith.constant 32 : index
        %get3A_955 = tpu.vector_load %arg10[%get3A_953, %get3A_954] {strides = array<i32>} : memref<128x128xf32, #tpu.memory_space<vmem>>, vector<1x16xf32>,
        %get3A_956 = vector.shape_cast %get3A_955 : vector<1x16xf32> to vector<16xf32>
        %mul3A_957 = arith.mulf %get3A_956, %broadcast_in_dim3A_932 : vector<16xf32>
        %swap3A_958 = arith.index_cast %add3A_929 : i32 to index
        %swap3A_959 = arith.constant 32 : index
        %swap3A_960 = tpu.vector_load %arg10[%swap3A_958, %swap3A_959] {strides = array<i32>} : memref<128x128xf32, #tpu.memory_space<vmem>>, vector<1x16xf32>,
        %swap3A_961 = vector.shape_cast %swap3A_960 : vector<1x16xf32> to vector<16xf32>
        %swap3A_962 = vector.shape_cast %mul3A_957 : vector<16xf32> to vector<1x16xf32>
        tpu.vector_store %arg10[%swap3A_958, %swap3A_959], %swap3A_962 {strides = array<i32>} : memref<128x128xf32, #tpu.memory_space<vmem>>, vector<1x16xf32>,
        %get3A_963 = arith.index_cast %add3A_929 : i32 to index
        %get3A_964 = arith.constant 48 : index
        %get3A_965 = tpu.vector_load %arg10[%get3A_963, %get3A_964] {strides = array<i32>} : memref<128x128xf32, #tpu.memory_space<vmem>>, vector<1x16xf32>,
        %get3A_966 = vector.shape_cast %get3A_965 : vector<1x16xf32> to vector<16xf32>
        %mul3A_967 = arith.mulf %get3A_966, %broadcast_in_dim3A_932 : vector<16xf32>
        %swap3A_968 = arith.index_cast %add3A_929 : i32 to index
        %swap3A_969 = arith.constant 48 : index
        %swap3A_970 = tpu.vector_load %arg10[%swap3A_968, %swap3A_969] {strides = array<i32>} : memref<128x128xf32, #tpu.memory_space<vmem>>, vector<1x16xf32>,
        %swap3A_971 = vector.shape_cast %swap3A_970 : vector<1x16xf32> to vector<16xf32>
        %swap3A_972 = vector.shape_cast %mul3A_967 : vector<16xf32> to vector<1x16xf32>
        tpu.vector_store %arg10[%swap3A_968, %swap3A_969], %swap3A_972 {strides = array<i32>} : memref<128x128xf32, #tpu.memory_space<vmem>>, vector<1x16xf32>,
        %get3A_973 = arith.index_cast %add3A_929 : i32 to index
        %get3A_974 = arith.constant 64 : index
        %get3A_975 = tpu.vector_load %arg10[%get3A_973, %get3A_974] {strides = array<i32>} : memref<128x128xf32, #tpu.memory_space<vmem>>, vector<1x16xf32>,
        %get3A_976 = vector.shape_cast %get3A_975 : vector<1x16xf32> to vector<16xf32>
        %mul3A_977 = arith.mulf %get3A_976, %broadcast_in_dim3A_932 : vector<16xf32>
        %swap3A_978 = arith.index_cast %add3A_929 : i32 to index
        %swap3A_979 = arith.constant 64 : index
        %swap3A_980 = tpu.vector_load %arg10[%swap3A_978, %swap3A_979] {strides = array<i32>} : memref<128x128xf32, #tpu.memory_space<vmem>>, vector<1x16xf32>,
        %swap3A_981 = vector.shape_cast %swap3A_980 : vector<1x16xf32> to vector<16xf32>
        %swap3A_982 = vector.shape_cast %mul3A_977 : vector<16xf32> to vector<1x16xf32>
        tpu.vector_store %arg10[%swap3A_978, %swap3A_979], %swap3A_982 {strides = array<i32>} : memref<128x128xf32, #tpu.memory_space<vmem>>, vector<1x16xf32>,
        %get3A_983 = arith.index_cast %add3A_929 : i32 to index
        %get3A_984 = arith.constant 80 : index
        %get3A_985 = tpu.vector_load %arg10[%get3A_983, %get3A_984] {strides = array<i32>} : memref<128x128xf32, #tpu.memory_space<vmem>>, vector<1x16xf32>,
        %get3A_986 = vector.shape_cast %get3A_985 : vector<1x16xf32> to vector<16xf32>
        %mul3A_987 = arith.mulf %get3A_986, %broadcast_in_dim3A_932 : vector<16xf32>
        %swap3A_988 = arith.index_cast %add3A_929 : i32 to index
        %swap3A_989 = arith.constant 80 : index
        %swap3A_990 = tpu.vector_load %arg10[%swap3A_988, %swap3A_989] {strides = array<i32>} : memref<128x128xf32, #tpu.memory_space<vmem>>, vector<1x16xf32>,
        %swap3A_991 = vector.shape_cast %swap3A_990 : vector<1x16xf32> to vector<16xf32>
        %swap3A_992 = vector.shape_cast %mul3A_987 : vector<16xf32> to vector<1x16xf32>
        tpu.vector_store %arg10[%swap3A_988, %swap3A_989], %swap3A_992 {strides = array<i32>} : memref<128x128xf32, #tpu.memory_space<vmem>>, vector<1x16xf32>,
        %get3A_993 = arith.index_cast %add3A_929 : i32 to index
        %get3A_994 = arith.constant 96 : index
        %get3A_995 = tpu.vector_load %arg10[%get3A_993, %get3A_994] {strides = array<i32>} : memref<128x128xf32, #tpu.memory_space<vmem>>, vector<1x16xf32>,
        %get3A_996 = vector.shape_cast %get3A_995 : vector<1x16xf32> to vector<16xf32>
        %mul3A_997 = arith.mulf %get3A_996, %broadcast_in_dim3A_932 : vector<16xf32>
        %swap3A_998 = arith.index_cast %add3A_929 : i32 to index
        %swap3A_999 = arith.constant 96 : index
        %swap3A_1000 = tpu.vector_load %arg10[%swap3A_998, %swap3A_999] {strides = array<i32>} : memref<128x128xf32, #tpu.memory_space<vmem>>, vector<1x16xf32>,
        %swap3A_1001 = vector.shape_cast %swap3A_1000 : vector<1x16xf32> to vector<16xf32>
        %swap3A_1002 = vector.shape_cast %mul3A_997 : vector<16xf32> to vector<1x16xf32>
        tpu.vector_store %arg10[%swap3A_998, %swap3A_999], %swap3A_1002 {strides = array<i32>} : memref<128x128xf32, #tpu.memory_space<vmem>>, vector<1x16xf32>,
        %get3A_1003 = arith.index_cast %add3A_929 : i32 to index
        %get3A_1004 = arith.constant 112 : index
        %get3A_1005 = tpu.vector_load %arg10[%get3A_1003, %get3A_1004] {strides = array<i32>} : memref<128x128xf32, #tpu.memory_space<vmem>>, vector<1x16xf32>,
        %get3A_1006 = vector.shape_cast %get3A_1005 : vector<1x16xf32> to vector<16xf32>
        %mul3A_1007 = arith.mulf %get3A_1006, %broadcast_in_dim3A_932 : vector<16xf32>
        %swap3A_1008 = arith.index_cast %add3A_929 : i32 to index
        %swap3A_1009 = arith.constant 112 : index
        %swap3A_1010 = tpu.vector_load %arg10[%swap3A_1008, %swap3A_1009] {strides = array<i32>} : memref<128x128xf32, #tpu.memory_space<vmem>>, vector<1x16xf32>,
        %swap3A_1011 = vector.shape_cast %swap3A_1010 : vector<1x16xf32> to vector<16xf32>
        %swap3A_1012 = vector.shape_cast %mul3A_1007 : vector<16xf32> to vector<1x16xf32>
        tpu.vector_store %arg10[%swap3A_1008, %swap3A_1009], %swap3A_1012 {strides = array<i32>} : memref<128x128xf32, #tpu.memory_space<vmem>>, vector<1x16xf32>,
        %mul3A_1013 = arith.constant 16 : i32
        %mul3A_1014 = arith.muli %add3A_55, %mul3A_1013 : i32
        %add3A_1015 = arith.constant 11 : i32
        %add3A_1016 = arith.addi %mul3A_1014, %add3A_1015 : i32
        %slice3A_1017 = vector.extract_strided_slice %get3A_59 {offsets = [11], sizes = [1], strides = [1]} : vector<16xf32> to vector<1xf32>
        %squeeze3A_1018 = vector.extract %slice3A_1017[0] : f32 from vector<1xf32>
        %broadcast_in_dim3A_1019 = vector.broadcast %squeeze3A_1018 : f32 to vector<16xf32>
        %get3A_1020 = arith.index_cast %add3A_1016 : i32 to index
        %get3A_1021 = arith.constant 0 : index
        %get3A_1022 = tpu.vector_load %arg10[%get3A_1020, %get3A_1021] {strides = array<i32>} : memref<128x128xf32, #tpu.memory_space<vmem>>, vector<1x16xf32>,
        %get3A_1023 = vector.shape_cast %get3A_1022 : vector<1x16xf32> to vector<16xf32>
        %mul3A_1024 = arith.mulf %get3A_1023, %broadcast_in_dim3A_1019 : vector<16xf32>
        %swap3A_1025 = arith.index_cast %add3A_1016 : i32 to index
        %swap3A_1026 = arith.constant 0 : index
        %swap3A_1027 = tpu.vector_load %arg10[%swap3A_1025, %swap3A_1026] {strides = array<i32>} : memref<128x128xf32, #tpu.memory_space<vmem>>, vector<1x16xf32>,
        %swap3A_1028 = vector.shape_cast %swap3A_1027 : vector<1x16xf32> to vector<16xf32>
        %swap3A_1029 = vector.shape_cast %mul3A_1024 : vector<16xf32> to vector<1x16xf32>
        tpu.vector_store %arg10[%swap3A_1025, %swap3A_1026], %swap3A_1029 {strides = array<i32>} : memref<128x128xf32, #tpu.memory_space<vmem>>, vector<1x16xf32>,
        %get3A_1030 = arith.index_cast %add3A_1016 : i32 to index
        %get3A_1031 = arith.constant 16 : index
        %get3A_1032 = tpu.vector_load %arg10[%get3A_1030, %get3A_1031] {strides = array<i32>} : memref<128x128xf32, #tpu.memory_space<vmem>>, vector<1x16xf32>,
        %get3A_1033 = vector.shape_cast %get3A_1032 : vector<1x16xf32> to vector<16xf32>
        %mul3A_1034 = arith.mulf %get3A_1033, %broadcast_in_dim3A_1019 : vector<16xf32>
        %swap3A_1035 = arith.index_cast %add3A_1016 : i32 to index
        %swap3A_1036 = arith.constant 16 : index
        %swap3A_1037 = tpu.vector_load %arg10[%swap3A_1035, %swap3A_1036] {strides = array<i32>} : memref<128x128xf32, #tpu.memory_space<vmem>>, vector<1x16xf32>,
        %swap3A_1038 = vector.shape_cast %swap3A_1037 : vector<1x16xf32> to vector<16xf32>
        %swap3A_1039 = vector.shape_cast %mul3A_1034 : vector<16xf32> to vector<1x16xf32>
        tpu.vector_store %arg10[%swap3A_1035, %swap3A_1036], %swap3A_1039 {strides = array<i32>} : memref<128x128xf32, #tpu.memory_space<vmem>>, vector<1x16xf32>,
        %get3A_1040 = arith.index_cast %add3A_1016 : i32 to index
        %get3A_1041 = arith.constant 32 : index
        %get3A_1042 = tpu.vector_load %arg10[%get3A_1040, %get3A_1041] {strides = array<i32>} : memref<128x128xf32, #tpu.memory_space<vmem>>, vector<1x16xf32>,
        %get3A_1043 = vector.shape_cast %get3A_1042 : vector<1x16xf32> to vector<16xf32>
        %mul3A_1044 = arith.mulf %get3A_1043, %broadcast_in_dim3A_1019 : vector<16xf32>
        %swap3A_1045 = arith.index_cast %add3A_1016 : i32 to index
        %swap3A_1046 = arith.constant 32 : index
        %swap3A_1047 = tpu.vector_load %arg10[%swap3A_1045, %swap3A_1046] {strides = array<i32>} : memref<128x128xf32, #tpu.memory_space<vmem>>, vector<1x16xf32>,
        %swap3A_1048 = vector.shape_cast %swap3A_1047 : vector<1x16xf32> to vector<16xf32>
        %swap3A_1049 = vector.shape_cast %mul3A_1044 : vector<16xf32> to vector<1x16xf32>
        tpu.vector_store %arg10[%swap3A_1045, %swap3A_1046], %swap3A_1049 {strides = array<i32>} : memref<128x128xf32, #tpu.memory_space<vmem>>, vector<1x16xf32>,
        %get3A_1050 = arith.index_cast %add3A_1016 : i32 to index
        %get3A_1051 = arith.constant 48 : index
        %get3A_1052 = tpu.vector_load %arg10[%get3A_1050, %get3A_1051] {strides = array<i32>} : memref<128x128xf32, #tpu.memory_space<vmem>>, vector<1x16xf32>,
        %get3A_1053 = vector.shape_cast %get3A_1052 : vector<1x16xf32> to vector<16xf32>
        %mul3A_1054 = arith.mulf %get3A_1053, %broadcast_in_dim3A_1019 : vector<16xf32>
        %swap3A_1055 = arith.index_cast %add3A_1016 : i32 to index
        %swap3A_1056 = arith.constant 48 : index
        %swap3A_1057 = tpu.vector_load %arg10[%swap3A_1055, %swap3A_1056] {strides = array<i32>} : memref<128x128xf32, #tpu.memory_space<vmem>>, vector<1x16xf32>,
        %swap3A_1058 = vector.shape_cast %swap3A_1057 : vector<1x16xf32> to vector<16xf32>
        %swap3A_1059 = vector.shape_cast %mul3A_1054 : vector<16xf32> to vector<1x16xf32>
        tpu.vector_store %arg10[%swap3A_1055, %swap3A_1056], %swap3A_1059 {strides = array<i32>} : memref<128x128xf32, #tpu.memory_space<vmem>>, vector<1x16xf32>,
        %get3A_1060 = arith.index_cast %add3A_1016 : i32 to index
        %get3A_1061 = arith.constant 64 : index
        %get3A_1062 = tpu.vector_load %arg10[%get3A_1060, %get3A_1061] {strides = array<i32>} : memref<128x128xf32, #tpu.memory_space<vmem>>, vector<1x16xf32>,
        %get3A_1063 = vector.shape_cast %get3A_1062 : vector<1x16xf32> to vector<16xf32>
        %mul3A_1064 = arith.mulf %get3A_1063, %broadcast_in_dim3A_1019 : vector<16xf32>
        %swap3A_1065 = arith.index_cast %add3A_1016 : i32 to index
        %swap3A_1066 = arith.constant 64 : index
        %swap3A_1067 = tpu.vector_load %arg10[%swap3A_1065, %swap3A_1066] {strides = array<i32>} : memref<128x128xf32, #tpu.memory_space<vmem>>, vector<1x16xf32>,
        %swap3A_1068 = vector.shape_cast %swap3A_1067 : vector<1x16xf32> to vector<16xf32>
        %swap3A_1069 = vector.shape_cast %mul3A_1064 : vector<16xf32> to vector<1x16xf32>
        tpu.vector_store %arg10[%swap3A_1065, %swap3A_1066], %swap3A_1069 {strides = array<i32>} : memref<128x128xf32, #tpu.memory_space<vmem>>, vector<1x16xf32>,
        %get3A_1070 = arith.index_cast %add3A_1016 : i32 to index
        %get3A_1071 = arith.constant 80 : index
        %get3A_1072 = tpu.vector_load %arg10[%get3A_1070, %get3A_1071] {strides = array<i32>} : memref<128x128xf32, #tpu.memory_space<vmem>>, vector<1x16xf32>,
        %get3A_1073 = vector.shape_cast %get3A_1072 : vector<1x16xf32> to vector<16xf32>
        %mul3A_1074 = arith.mulf %get3A_1073, %broadcast_in_dim3A_1019 : vector<16xf32>
        %swap3A_1075 = arith.index_cast %add3A_1016 : i32 to index
        %swap3A_1076 = arith.constant 80 : index
        %swap3A_1077 = tpu.vector_load %arg10[%swap3A_1075, %swap3A_1076] {strides = array<i32>} : memref<128x128xf32, #tpu.memory_space<vmem>>, vector<1x16xf32>,
        %swap3A_1078 = vector.shape_cast %swap3A_1077 : vector<1x16xf32> to vector<16xf32>
        %swap3A_1079 = vector.shape_cast %mul3A_1074 : vector<16xf32> to vector<1x16xf32>
        tpu.vector_store %arg10[%swap3A_1075, %swap3A_1076], %swap3A_1079 {strides = array<i32>} : memref<128x128xf32, #tpu.memory_space<vmem>>, vector<1x16xf32>,
        %get3A_1080 = arith.index_cast %add3A_1016 : i32 to index
        %get3A_1081 = arith.constant 96 : index
        %get3A_1082 = tpu.vector_load %arg10[%get3A_1080, %get3A_1081] {strides = array<i32>} : memref<128x128xf32, #tpu.memory_space<vmem>>, vector<1x16xf32>,
        %get3A_1083 = vector.shape_cast %get3A_1082 : vector<1x16xf32> to vector<16xf32>
        %mul3A_1084 = arith.mulf %get3A_1083, %broadcast_in_dim3A_1019 : vector<16xf32>
        %swap3A_1085 = arith.index_cast %add3A_1016 : i32 to index
        %swap3A_1086 = arith.constant 96 : index
        %swap3A_1087 = tpu.vector_load %arg10[%swap3A_1085, %swap3A_1086] {strides = array<i32>} : memref<128x128xf32, #tpu.memory_space<vmem>>, vector<1x16xf32>,
        %swap3A_1088 = vector.shape_cast %swap3A_1087 : vector<1x16xf32> to vector<16xf32>
        %swap3A_1089 = vector.shape_cast %mul3A_1084 : vector<16xf32> to vector<1x16xf32>
        tpu.vector_store %arg10[%swap3A_1085, %swap3A_1086], %swap3A_1089 {strides = array<i32>} : memref<128x128xf32, #tpu.memory_space<vmem>>, vector<1x16xf32>,
        %get3A_1090 = arith.index_cast %add3A_1016 : i32 to index
        %get3A_1091 = arith.constant 112 : index
        %get3A_1092 = tpu.vector_load %arg10[%get3A_1090, %get3A_1091] {strides = array<i32>} : memref<128x128xf32, #tpu.memory_space<vmem>>, vector<1x16xf32>,
        %get3A_1093 = vector.shape_cast %get3A_1092 : vector<1x16xf32> to vector<16xf32>
        %mul3A_1094 = arith.mulf %get3A_1093, %broadcast_in_dim3A_1019 : vector<16xf32>
        %swap3A_1095 = arith.index_cast %add3A_1016 : i32 to index
        %swap3A_1096 = arith.constant 112 : index
        %swap3A_1097 = tpu.vector_load %arg10[%swap3A_1095, %swap3A_1096] {strides = array<i32>} : memref<128x128xf32, #tpu.memory_space<vmem>>, vector<1x16xf32>,
        %swap3A_1098 = vector.shape_cast %swap3A_1097 : vector<1x16xf32> to vector<16xf32>
        %swap3A_1099 = vector.shape_cast %mul3A_1094 : vector<16xf32> to vector<1x16xf32>
        tpu.vector_store %arg10[%swap3A_1095, %swap3A_1096], %swap3A_1099 {strides = array<i32>} : memref<128x128xf32, #tpu.memory_space<vmem>>, vector<1x16xf32>,
        %mul3A_1100 = arith.constant 16 : i32
        %mul3A_1101 = arith.muli %add3A_55, %mul3A_1100 : i32
        %add3A_1102 = arith.constant 12 : i32
        %add3A_1103 = arith.addi %mul3A_1101, %add3A_1102 : i32
        %slice3A_1104 = vector.extract_strided_slice %get3A_59 {offsets = [12], sizes = [1], strides = [1]} : vector<16xf32> to vector<1xf32>
        %squeeze3A_1105 = vector.extract %slice3A_1104[0] : f32 from vector<1xf32>
        %broadcast_in_dim3A_1106 = vector.broadcast %squeeze3A_1105 : f32 to vector<16xf32>
        %get3A_1107 = arith.index_cast %add3A_1103 : i32 to index
        %get3A_1108 = arith.constant 0 : index
        %get3A_1109 = tpu.vector_load %arg10[%get3A_1107, %get3A_1108] {strides = array<i32>} : memref<128x128xf32, #tpu.memory_space<vmem>>, vector<1x16xf32>,
        %get3A_1110 = vector.shape_cast %get3A_1109 : vector<1x16xf32> to vector<16xf32>
        %mul3A_1111 = arith.mulf %get3A_1110, %broadcast_in_dim3A_1106 : vector<16xf32>
        %swap3A_1112 = arith.index_cast %add3A_1103 : i32 to index
        %swap3A_1113 = arith.constant 0 : index
        %swap3A_1114 = tpu.vector_load %arg10[%swap3A_1112, %swap3A_1113] {strides = array<i32>} : memref<128x128xf32, #tpu.memory_space<vmem>>, vector<1x16xf32>,
        %swap3A_1115 = vector.shape_cast %swap3A_1114 : vector<1x16xf32> to vector<16xf32>
        %swap3A_1116 = vector.shape_cast %mul3A_1111 : vector<16xf32> to vector<1x16xf32>
        tpu.vector_store %arg10[%swap3A_1112, %swap3A_1113], %swap3A_1116 {strides = array<i32>} : memref<128x128xf32, #tpu.memory_space<vmem>>, vector<1x16xf32>,
        %get3A_1117 = arith.index_cast %add3A_1103 : i32 to index
        %get3A_1118 = arith.constant 16 : index
        %get3A_1119 = tpu.vector_load %arg10[%get3A_1117, %get3A_1118] {strides = array<i32>} : memref<128x128xf32, #tpu.memory_space<vmem>>, vector<1x16xf32>,
        %get3A_1120 = vector.shape_cast %get3A_1119 : vector<1x16xf32> to vector<16xf32>
        %mul3A_1121 = arith.mulf %get3A_1120, %broadcast_in_dim3A_1106 : vector<16xf32>
        %swap3A_1122 = arith.index_cast %add3A_1103 : i32 to index
        %swap3A_1123 = arith.constant 16 : index
        %swap3A_1124 = tpu.vector_load %arg10[%swap3A_1122, %swap3A_1123] {strides = array<i32>} : memref<128x128xf32, #tpu.memory_space<vmem>>, vector<1x16xf32>,
        %swap3A_1125 = vector.shape_cast %swap3A_1124 : vector<1x16xf32> to vector<16xf32>
        %swap3A_1126 = vector.shape_cast %mul3A_1121 : vector<16xf32> to vector<1x16xf32>
        tpu.vector_store %arg10[%swap3A_1122, %swap3A_1123], %swap3A_1126 {strides = array<i32>} : memref<128x128xf32, #tpu.memory_space<vmem>>, vector<1x16xf32>,
        %get3A_1127 = arith.index_cast %add3A_1103 : i32 to index
        %get3A_1128 = arith.constant 32 : index
        %get3A_1129 = tpu.vector_load %arg10[%get3A_1127, %get3A_1128] {strides = array<i32>} : memref<128x128xf32, #tpu.memory_space<vmem>>, vector<1x16xf32>,
        %get3A_1130 = vector.shape_cast %get3A_1129 : vector<1x16xf32> to vector<16xf32>
        %mul3A_1131 = arith.mulf %get3A_1130, %broadcast_in_dim3A_1106 : vector<16xf32>
        %swap3A_1132 = arith.index_cast %add3A_1103 : i32 to index
        %swap3A_1133 = arith.constant 32 : index
        %swap3A_1134 = tpu.vector_load %arg10[%swap3A_1132, %swap3A_1133] {strides = array<i32>} : memref<128x128xf32, #tpu.memory_space<vmem>>, vector<1x16xf32>,
        %swap3A_1135 = vector.shape_cast %swap3A_1134 : vector<1x16xf32> to vector<16xf32>
        %swap3A_1136 = vector.shape_cast %mul3A_1131 : vector<16xf32> to vector<1x16xf32>
        tpu.vector_store %arg10[%swap3A_1132, %swap3A_1133], %swap3A_1136 {strides = array<i32>} : memref<128x128xf32, #tpu.memory_space<vmem>>, vector<1x16xf32>,
        %get3A_1137 = arith.index_cast %add3A_1103 : i32 to index
        %get3A_1138 = arith.constant 48 : index
        %get3A_1139 = tpu.vector_load %arg10[%get3A_1137, %get3A_1138] {strides = array<i32>} : memref<128x128xf32, #tpu.memory_space<vmem>>, vector<1x16xf32>,
        %get3A_1140 = vector.shape_cast %get3A_1139 : vector<1x16xf32> to vector<16xf32>
        %mul3A_1141 = arith.mulf %get3A_1140, %broadcast_in_dim3A_1106 : vector<16xf32>
        %swap3A_1142 = arith.index_cast %add3A_1103 : i32 to index
        %swap3A_1143 = arith.constant 48 : index
        %swap3A_1144 = tpu.vector_load %arg10[%swap3A_1142, %swap3A_1143] {strides = array<i32>} : memref<128x128xf32, #tpu.memory_space<vmem>>, vector<1x16xf32>,
        %swap3A_1145 = vector.shape_cast %swap3A_1144 : vector<1x16xf32> to vector<16xf32>
        %swap3A_1146 = vector.shape_cast %mul3A_1141 : vector<16xf32> to vector<1x16xf32>
        tpu.vector_store %arg10[%swap3A_1142, %swap3A_1143], %swap3A_1146 {strides = array<i32>} : memref<128x128xf32, #tpu.memory_space<vmem>>, vector<1x16xf32>,
        %get3A_1147 = arith.index_cast %add3A_1103 : i32 to index
        %get3A_1148 = arith.constant 64 : index
        %get3A_1149 = tpu.vector_load %arg10[%get3A_1147, %get3A_1148] {strides = array<i32>} : memref<128x128xf32, #tpu.memory_space<vmem>>, vector<1x16xf32>,
        %get3A_1150 = vector.shape_cast %get3A_1149 : vector<1x16xf32> to vector<16xf32>
        %mul3A_1151 = arith.mulf %get3A_1150, %broadcast_in_dim3A_1106 : vector<16xf32>
        %swap3A_1152 = arith.index_cast %add3A_1103 : i32 to index
        %swap3A_1153 = arith.constant 64 : index
        %swap3A_1154 = tpu.vector_load %arg10[%swap3A_1152, %swap3A_1153] {strides = array<i32>} : memref<128x128xf32, #tpu.memory_space<vmem>>, vector<1x16xf32>,
        %swap3A_1155 = vector.shape_cast %swap3A_1154 : vector<1x16xf32> to vector<16xf32>
        %swap3A_1156 = vector.shape_cast %mul3A_1151 : vector<16xf32> to vector<1x16xf32>
        tpu.vector_store %arg10[%swap3A_1152, %swap3A_1153], %swap3A_1156 {strides = array<i32>} : memref<128x128xf32, #tpu.memory_space<vmem>>, vector<1x16xf32>,
        %get3A_1157 = arith.index_cast %add3A_1103 : i32 to index
        %get3A_1158 = arith.constant 80 : index
        %get3A_1159 = tpu.vector_load %arg10[%get3A_1157, %get3A_1158] {strides = array<i32>} : memref<128x128xf32, #tpu.memory_space<vmem>>, vector<1x16xf32>,
        %get3A_1160 = vector.shape_cast %get3A_1159 : vector<1x16xf32> to vector<16xf32>
        %mul3A_1161 = arith.mulf %get3A_1160, %broadcast_in_dim3A_1106 : vector<16xf32>
        %swap3A_1162 = arith.index_cast %add3A_1103 : i32 to index
        %swap3A_1163 = arith.constant 80 : index
        %swap3A_1164 = tpu.vector_load %arg10[%swap3A_1162, %swap3A_1163] {strides = array<i32>} : memref<128x128xf32, #tpu.memory_space<vmem>>, vector<1x16xf32>,
        %swap3A_1165 = vector.shape_cast %swap3A_1164 : vector<1x16xf32> to vector<16xf32>
        %swap3A_1166 = vector.shape_cast %mul3A_1161 : vector<16xf32> to vector<1x16xf32>
        tpu.vector_store %arg10[%swap3A_1162, %swap3A_1163], %swap3A_1166 {strides = array<i32>} : memref<128x128xf32, #tpu.memory_space<vmem>>, vector<1x16xf32>,
        %get3A_1167 = arith.index_cast %add3A_1103 : i32 to index
        %get3A_1168 = arith.constant 96 : index
        %get3A_1169 = tpu.vector_load %arg10[%get3A_1167, %get3A_1168] {strides = array<i32>} : memref<128x128xf32, #tpu.memory_space<vmem>>, vector<1x16xf32>,
        %get3A_1170 = vector.shape_cast %get3A_1169 : vector<1x16xf32> to vector<16xf32>
        %mul3A_1171 = arith.mulf %get3A_1170, %broadcast_in_dim3A_1106 : vector<16xf32>
        %swap3A_1172 = arith.index_cast %add3A_1103 : i32 to index
        %swap3A_1173 = arith.constant 96 : index
        %swap3A_1174 = tpu.vector_load %arg10[%swap3A_1172, %swap3A_1173] {strides = array<i32>} : memref<128x128xf32, #tpu.memory_space<vmem>>, vector<1x16xf32>,
        %swap3A_1175 = vector.shape_cast %swap3A_1174 : vector<1x16xf32> to vector<16xf32>
        %swap3A_1176 = vector.shape_cast %mul3A_1171 : vector<16xf32> to vector<1x16xf32>
        tpu.vector_store %arg10[%swap3A_1172, %swap3A_1173], %swap3A_1176 {strides = array<i32>} : memref<128x128xf32, #tpu.memory_space<vmem>>, vector<1x16xf32>,
        %get3A_1177 = arith.index_cast %add3A_1103 : i32 to index
        %get3A_1178 = arith.constant 112 : index
        %get3A_1179 = tpu.vector_load %arg10[%get3A_1177, %get3A_1178] {strides = array<i32>} : memref<128x128xf32, #tpu.memory_space<vmem>>, vector<1x16xf32>,
        %get3A_1180 = vector.shape_cast %get3A_1179 : vector<1x16xf32> to vector<16xf32>
        %mul3A_1181 = arith.mulf %get3A_1180, %broadcast_in_dim3A_1106 : vector<16xf32>
        %swap3A_1182 = arith.index_cast %add3A_1103 : i32 to index
        %swap3A_1183 = arith.constant 112 : index
        %swap3A_1184 = tpu.vector_load %arg10[%swap3A_1182, %swap3A_1183] {strides = array<i32>} : memref<128x128xf32, #tpu.memory_space<vmem>>, vector<1x16xf32>,
        %swap3A_1185 = vector.shape_cast %swap3A_1184 : vector<1x16xf32> to vector<16xf32>
        %swap3A_1186 = vector.shape_cast %mul3A_1181 : vector<16xf32> to vector<1x16xf32>
        tpu.vector_store %arg10[%swap3A_1182, %swap3A_1183], %swap3A_1186 {strides = array<i32>} : memref<128x128xf32, #tpu.memory_space<vmem>>, vector<1x16xf32>,
        %mul3A_1187 = arith.constant 16 : i32
        %mul3A_1188 = arith.muli %add3A_55, %mul3A_1187 : i32
        %add3A_1189 = arith.constant 13 : i32
        %add3A_1190 = arith.addi %mul3A_1188, %add3A_1189 : i32
        %slice3A_1191 = vector.extract_strided_slice %get3A_59 {offsets = [13], sizes = [1], strides = [1]} : vector<16xf32> to vector<1xf32>
        %squeeze3A_1192 = vector.extract %slice3A_1191[0] : f32 from vector<1xf32>
        %broadcast_in_dim3A_1193 = vector.broadcast %squeeze3A_1192 : f32 to vector<16xf32>
        %get3A_1194 = arith.index_cast %add3A_1190 : i32 to index
        %get3A_1195 = arith.constant 0 : index
        %get3A_1196 = tpu.vector_load %arg10[%get3A_1194, %get3A_1195] {strides = array<i32>} : memref<128x128xf32, #tpu.memory_space<vmem>>, vector<1x16xf32>,
        %get3A_1197 = vector.shape_cast %get3A_1196 : vector<1x16xf32> to vector<16xf32>
        %mul3A_1198 = arith.mulf %get3A_1197, %broadcast_in_dim3A_1193 : vector<16xf32>
        %swap3A_1199 = arith.index_cast %add3A_1190 : i32 to index
        %swap3A_1200 = arith.constant 0 : index
        %swap3A_1201 = tpu.vector_load %arg10[%swap3A_1199, %swap3A_1200] {strides = array<i32>} : memref<128x128xf32, #tpu.memory_space<vmem>>, vector<1x16xf32>,
        %swap3A_1202 = vector.shape_cast %swap3A_1201 : vector<1x16xf32> to vector<16xf32>
        %swap3A_1203 = vector.shape_cast %mul3A_1198 : vector<16xf32> to vector<1x16xf32>
        tpu.vector_store %arg10[%swap3A_1199, %swap3A_1200], %swap3A_1203 {strides = array<i32>} : memref<128x128xf32, #tpu.memory_space<vmem>>, vector<1x16xf32>,
        %get3A_1204 = arith.index_cast %add3A_1190 : i32 to index
        %get3A_1205 = arith.constant 16 : index
        %get3A_1206 = tpu.vector_load %arg10[%get3A_1204, %get3A_1205] {strides = array<i32>} : memref<128x128xf32, #tpu.memory_space<vmem>>, vector<1x16xf32>,
        %get3A_1207 = vector.shape_cast %get3A_1206 : vector<1x16xf32> to vector<16xf32>
        %mul3A_1208 = arith.mulf %get3A_1207, %broadcast_in_dim3A_1193 : vector<16xf32>
        %swap3A_1209 = arith.index_cast %add3A_1190 : i32 to index
        %swap3A_1210 = arith.constant 16 : index
        %swap3A_1211 = tpu.vector_load %arg10[%swap3A_1209, %swap3A_1210] {strides = array<i32>} : memref<128x128xf32, #tpu.memory_space<vmem>>, vector<1x16xf32>,
        %swap3A_1212 = vector.shape_cast %swap3A_1211 : vector<1x16xf32> to vector<16xf32>
        %swap3A_1213 = vector.shape_cast %mul3A_1208 : vector<16xf32> to vector<1x16xf32>
        tpu.vector_store %arg10[%swap3A_1209, %swap3A_1210], %swap3A_1213 {strides = array<i32>} : memref<128x128xf32, #tpu.memory_space<vmem>>, vector<1x16xf32>,
        %get3A_1214 = arith.index_cast %add3A_1190 : i32 to index
        %get3A_1215 = arith.constant 32 : index
        %get3A_1216 = tpu.vector_load %arg10[%get3A_1214, %get3A_1215] {strides = array<i32>} : memref<128x128xf32, #tpu.memory_space<vmem>>, vector<1x16xf32>,
        %get3A_1217 = vector.shape_cast %get3A_1216 : vector<1x16xf32> to vector<16xf32>
        %mul3A_1218 = arith.mulf %get3A_1217, %broadcast_in_dim3A_1193 : vector<16xf32>
        %swap3A_1219 = arith.index_cast %add3A_1190 : i32 to index
        %swap3A_1220 = arith.constant 32 : index
        %swap3A_1221 = tpu.vector_load %arg10[%swap3A_1219, %swap3A_1220] {strides = array<i32>} : memref<128x128xf32, #tpu.memory_space<vmem>>, vector<1x16xf32>,
        %swap3A_1222 = vector.shape_cast %swap3A_1221 : vector<1x16xf32> to vector<16xf32>
        %swap3A_1223 = vector.shape_cast %mul3A_1218 : vector<16xf32> to vector<1x16xf32>
        tpu.vector_store %arg10[%swap3A_1219, %swap3A_1220], %swap3A_1223 {strides = array<i32>} : memref<128x128xf32, #tpu.memory_space<vmem>>, vector<1x16xf32>,
        %get3A_1224 = arith.index_cast %add3A_1190 : i32 to index
        %get3A_1225 = arith.constant 48 : index
        %get3A_1226 = tpu.vector_load %arg10[%get3A_1224, %get3A_1225] {strides = array<i32>} : memref<128x128xf32, #tpu.memory_space<vmem>>, vector<1x16xf32>,
        %get3A_1227 = vector.shape_cast %get3A_1226 : vector<1x16xf32> to vector<16xf32>
        %mul3A_1228 = arith.mulf %get3A_1227, %broadcast_in_dim3A_1193 : vector<16xf32>
        %swap3A_1229 = arith.index_cast %add3A_1190 : i32 to index
        %swap3A_1230 = arith.constant 48 : index
        %swap3A_1231 = tpu.vector_load %arg10[%swap3A_1229, %swap3A_1230] {strides = array<i32>} : memref<128x128xf32, #tpu.memory_space<vmem>>, vector<1x16xf32>,
        %swap3A_1232 = vector.shape_cast %swap3A_1231 : vector<1x16xf32> to vector<16xf32>
        %swap3A_1233 = vector.shape_cast %mul3A_1228 : vector<16xf32> to vector<1x16xf32>
        tpu.vector_store %arg10[%swap3A_1229, %swap3A_1230], %swap3A_1233 {strides = array<i32>} : memref<128x128xf32, #tpu.memory_space<vmem>>, vector<1x16xf32>,
        %get3A_1234 = arith.index_cast %add3A_1190 : i32 to index
        %get3A_1235 = arith.constant 64 : index
        %get3A_1236 = tpu.vector_load %arg10[%get3A_1234, %get3A_1235] {strides = array<i32>} : memref<128x128xf32, #tpu.memory_space<vmem>>, vector<1x16xf32>,
        %get3A_1237 = vector.shape_cast %get3A_1236 : vector<1x16xf32> to vector<16xf32>
        %mul3A_1238 = arith.mulf %get3A_1237, %broadcast_in_dim3A_1193 : vector<16xf32>
        %swap3A_1239 = arith.index_cast %add3A_1190 : i32 to index
        %swap3A_1240 = arith.constant 64 : index
        %swap3A_1241 = tpu.vector_load %arg10[%swap3A_1239, %swap3A_1240] {strides = array<i32>} : memref<128x128xf32, #tpu.memory_space<vmem>>, vector<1x16xf32>,
        %swap3A_1242 = vector.shape_cast %swap3A_1241 : vector<1x16xf32> to vector<16xf32>
        %swap3A_1243 = vector.shape_cast %mul3A_1238 : vector<16xf32> to vector<1x16xf32>
        tpu.vector_store %arg10[%swap3A_1239, %swap3A_1240], %swap3A_1243 {strides = array<i32>} : memref<128x128xf32, #tpu.memory_space<vmem>>, vector<1x16xf32>,
        %get3A_1244 = arith.index_cast %add3A_1190 : i32 to index
        %get3A_1245 = arith.constant 80 : index
        %get3A_1246 = tpu.vector_load %arg10[%get3A_1244, %get3A_1245] {strides = array<i32>} : memref<128x128xf32, #tpu.memory_space<vmem>>, vector<1x16xf32>,
        %get3A_1247 = vector.shape_cast %get3A_1246 : vector<1x16xf32> to vector<16xf32>
        %mul3A_1248 = arith.mulf %get3A_1247, %broadcast_in_dim3A_1193 : vector<16xf32>
        %swap3A_1249 = arith.index_cast %add3A_1190 : i32 to index
        %swap3A_1250 = arith.constant 80 : index
        %swap3A_1251 = tpu.vector_load %arg10[%swap3A_1249, %swap3A_1250] {strides = array<i32>} : memref<128x128xf32, #tpu.memory_space<vmem>>, vector<1x16xf32>,
        %swap3A_1252 = vector.shape_cast %swap3A_1251 : vector<1x16xf32> to vector<16xf32>
        %swap3A_1253 = vector.shape_cast %mul3A_1248 : vector<16xf32> to vector<1x16xf32>
        tpu.vector_store %arg10[%swap3A_1249, %swap3A_1250], %swap3A_1253 {strides = array<i32>} : memref<128x128xf32, #tpu.memory_space<vmem>>, vector<1x16xf32>,
        %get3A_1254 = arith.index_cast %add3A_1190 : i32 to index
        %get3A_1255 = arith.constant 96 : index
        %get3A_1256 = tpu.vector_load %arg10[%get3A_1254, %get3A_1255] {strides = array<i32>} : memref<128x128xf32, #tpu.memory_space<vmem>>, vector<1x16xf32>,
        %get3A_1257 = vector.shape_cast %get3A_1256 : vector<1x16xf32> to vector<16xf32>
        %mul3A_1258 = arith.mulf %get3A_1257, %broadcast_in_dim3A_1193 : vector<16xf32>
        %swap3A_1259 = arith.index_cast %add3A_1190 : i32 to index
        %swap3A_1260 = arith.constant 96 : index
        %swap3A_1261 = tpu.vector_load %arg10[%swap3A_1259, %swap3A_1260] {strides = array<i32>} : memref<128x128xf32, #tpu.memory_space<vmem>>, vector<1x16xf32>,
        %swap3A_1262 = vector.shape_cast %swap3A_1261 : vector<1x16xf32> to vector<16xf32>
        %swap3A_1263 = vector.shape_cast %mul3A_1258 : vector<16xf32> to vector<1x16xf32>
        tpu.vector_store %arg10[%swap3A_1259, %swap3A_1260], %swap3A_1263 {strides = array<i32>} : memref<128x128xf32, #tpu.memory_space<vmem>>, vector<1x16xf32>,
        %get3A_1264 = arith.index_cast %add3A_1190 : i32 to index
        %get3A_1265 = arith.constant 112 : index
        %get3A_1266 = tpu.vector_load %arg10[%get3A_1264, %get3A_1265] {strides = array<i32>} : memref<128x128xf32, #tpu.memory_space<vmem>>, vector<1x16xf32>,
        %get3A_1267 = vector.shape_cast %get3A_1266 : vector<1x16xf32> to vector<16xf32>
        %mul3A_1268 = arith.mulf %get3A_1267, %broadcast_in_dim3A_1193 : vector<16xf32>
        %swap3A_1269 = arith.index_cast %add3A_1190 : i32 to index
        %swap3A_1270 = arith.constant 112 : index
        %swap3A_1271 = tpu.vector_load %arg10[%swap3A_1269, %swap3A_1270] {strides = array<i32>} : memref<128x128xf32, #tpu.memory_space<vmem>>, vector<1x16xf32>,
        %swap3A_1272 = vector.shape_cast %swap3A_1271 : vector<1x16xf32> to vector<16xf32>
        %swap3A_1273 = vector.shape_cast %mul3A_1268 : vector<16xf32> to vector<1x16xf32>
        tpu.vector_store %arg10[%swap3A_1269, %swap3A_1270], %swap3A_1273 {strides = array<i32>} : memref<128x128xf32, #tpu.memory_space<vmem>>, vector<1x16xf32>,
        %mul3A_1274 = arith.constant 16 : i32
        %mul3A_1275 = arith.muli %add3A_55, %mul3A_1274 : i32
        %add3A_1276 = arith.constant 14 : i32
        %add3A_1277 = arith.addi %mul3A_1275, %add3A_1276 : i32
        %slice3A_1278 = vector.extract_strided_slice %get3A_59 {offsets = [14], sizes = [1], strides = [1]} : vector<16xf32> to vector<1xf32>
        %squeeze3A_1279 = vector.extract %slice3A_1278[0] : f32 from vector<1xf32>
        %broadcast_in_dim3A_1280 = vector.broadcast %squeeze3A_1279 : f32 to vector<16xf32>
        %get3A_1281 = arith.index_cast %add3A_1277 : i32 to index
        %get3A_1282 = arith.constant 0 : index
        %get3A_1283 = tpu.vector_load %arg10[%get3A_1281, %get3A_1282] {strides = array<i32>} : memref<128x128xf32, #tpu.memory_space<vmem>>, vector<1x16xf32>,
        %get3A_1284 = vector.shape_cast %get3A_1283 : vector<1x16xf32> to vector<16xf32>
        %mul3A_1285 = arith.mulf %get3A_1284, %broadcast_in_dim3A_1280 : vector<16xf32>
        %swap3A_1286 = arith.index_cast %add3A_1277 : i32 to index
        %swap3A_1287 = arith.constant 0 : index
        %swap3A_1288 = tpu.vector_load %arg10[%swap3A_1286, %swap3A_1287] {strides = array<i32>} : memref<128x128xf32, #tpu.memory_space<vmem>>, vector<1x16xf32>,
        %swap3A_1289 = vector.shape_cast %swap3A_1288 : vector<1x16xf32> to vector<16xf32>
        %swap3A_1290 = vector.shape_cast %mul3A_1285 : vector<16xf32> to vector<1x16xf32>
        tpu.vector_store %arg10[%swap3A_1286, %swap3A_1287], %swap3A_1290 {strides = array<i32>} : memref<128x128xf32, #tpu.memory_space<vmem>>, vector<1x16xf32>,
        %get3A_1291 = arith.index_cast %add3A_1277 : i32 to index
        %get3A_1292 = arith.constant 16 : index
        %get3A_1293 = tpu.vector_load %arg10[%get3A_1291, %get3A_1292] {strides = array<i32>} : memref<128x128xf32, #tpu.memory_space<vmem>>, vector<1x16xf32>,
        %get3A_1294 = vector.shape_cast %get3A_1293 : vector<1x16xf32> to vector<16xf32>
        %mul3A_1295 = arith.mulf %get3A_1294, %broadcast_in_dim3A_1280 : vector<16xf32>
        %swap3A_1296 = arith.index_cast %add3A_1277 : i32 to index
        %swap3A_1297 = arith.constant 16 : index
        %swap3A_1298 = tpu.vector_load %arg10[%swap3A_1296, %swap3A_1297] {strides = array<i32>} : memref<128x128xf32, #tpu.memory_space<vmem>>, vector<1x16xf32>,
        %swap3A_1299 = vector.shape_cast %swap3A_1298 : vector<1x16xf32> to vector<16xf32>
        %swap3A_1300 = vector.shape_cast %mul3A_1295 : vector<16xf32> to vector<1x16xf32>
        tpu.vector_store %arg10[%swap3A_1296, %swap3A_1297], %swap3A_1300 {strides = array<i32>} : memref<128x128xf32, #tpu.memory_space<vmem>>, vector<1x16xf32>,
        %get3A_1301 = arith.index_cast %add3A_1277 : i32 to index
        %get3A_1302 = arith.constant 32 : index
        %get3A_1303 = tpu.vector_load %arg10[%get3A_1301, %get3A_1302] {strides = array<i32>} : memref<128x128xf32, #tpu.memory_space<vmem>>, vector<1x16xf32>,
        %get3A_1304 = vector.shape_cast %get3A_1303 : vector<1x16xf32> to vector<16xf32>
        %mul3A_1305 = arith.mulf %get3A_1304, %broadcast_in_dim3A_1280 : vector<16xf32>
        %swap3A_1306 = arith.index_cast %add3A_1277 : i32 to index
        %swap3A_1307 = arith.constant 32 : index
        %swap3A_1308 = tpu.vector_load %arg10[%swap3A_1306, %swap3A_1307] {strides = array<i32>} : memref<128x128xf32, #tpu.memory_space<vmem>>, vector<1x16xf32>,
        %swap3A_1309 = vector.shape_cast %swap3A_1308 : vector<1x16xf32> to vector<16xf32>
        %swap3A_1310 = vector.shape_cast %mul3A_1305 : vector<16xf32> to vector<1x16xf32>
        tpu.vector_store %arg10[%swap3A_1306, %swap3A_1307], %swap3A_1310 {strides = array<i32>} : memref<128x128xf32, #tpu.memory_space<vmem>>, vector<1x16xf32>,
        %get3A_1311 = arith.index_cast %add3A_1277 : i32 to index
        %get3A_1312 = arith.constant 48 : index
        %get3A_1313 = tpu.vector_load %arg10[%get3A_1311, %get3A_1312] {strides = array<i32>} : memref<128x128xf32, #tpu.memory_space<vmem>>, vector<1x16xf32>,
        %get3A_1314 = vector.shape_cast %get3A_1313 : vector<1x16xf32> to vector<16xf32>
        %mul3A_1315 = arith.mulf %get3A_1314, %broadcast_in_dim3A_1280 : vector<16xf32>
        %swap3A_1316 = arith.index_cast %add3A_1277 : i32 to index
        %swap3A_1317 = arith.constant 48 : index
        %swap3A_1318 = tpu.vector_load %arg10[%swap3A_1316, %swap3A_1317] {strides = array<i32>} : memref<128x128xf32, #tpu.memory_space<vmem>>, vector<1x16xf32>,
        %swap3A_1319 = vector.shape_cast %swap3A_1318 : vector<1x16xf32> to vector<16xf32>
        %swap3A_1320 = vector.shape_cast %mul3A_1315 : vector<16xf32> to vector<1x16xf32>
        tpu.vector_store %arg10[%swap3A_1316, %swap3A_1317], %swap3A_1320 {strides = array<i32>} : memref<128x128xf32, #tpu.memory_space<vmem>>, vector<1x16xf32>,
        %get3A_1321 = arith.index_cast %add3A_1277 : i32 to index
        %get3A_1322 = arith.constant 64 : index
        %get3A_1323 = tpu.vector_load %arg10[%get3A_1321, %get3A_1322] {strides = array<i32>} : memref<128x128xf32, #tpu.memory_space<vmem>>, vector<1x16xf32>,
        %get3A_1324 = vector.shape_cast %get3A_1323 : vector<1x16xf32> to vector<16xf32>
        %mul3A_1325 = arith.mulf %get3A_1324, %broadcast_in_dim3A_1280 : vector<16xf32>
        %swap3A_1326 = arith.index_cast %add3A_1277 : i32 to index
        %swap3A_1327 = arith.constant 64 : index
        %swap3A_1328 = tpu.vector_load %arg10[%swap3A_1326, %swap3A_1327] {strides = array<i32>} : memref<128x128xf32, #tpu.memory_space<vmem>>, vector<1x16xf32>,
        %swap3A_1329 = vector.shape_cast %swap3A_1328 : vector<1x16xf32> to vector<16xf32>
        %swap3A_1330 = vector.shape_cast %mul3A_1325 : vector<16xf32> to vector<1x16xf32>
        tpu.vector_store %arg10[%swap3A_1326, %swap3A_1327], %swap3A_1330 {strides = array<i32>} : memref<128x128xf32, #tpu.memory_space<vmem>>, vector<1x16xf32>,
        %get3A_1331 = arith.index_cast %add3A_1277 : i32 to index
        %get3A_1332 = arith.constant 80 : index
        %get3A_1333 = tpu.vector_load %arg10[%get3A_1331, %get3A_1332] {strides = array<i32>} : memref<128x128xf32, #tpu.memory_space<vmem>>, vector<1x16xf32>,
        %get3A_1334 = vector.shape_cast %get3A_1333 : vector<1x16xf32> to vector<16xf32>
        %mul3A_1335 = arith.mulf %get3A_1334, %broadcast_in_dim3A_1280 : vector<16xf32>
        %swap3A_1336 = arith.index_cast %add3A_1277 : i32 to index
        %swap3A_1337 = arith.constant 80 : index
        %swap3A_1338 = tpu.vector_load %arg10[%swap3A_1336, %swap3A_1337] {strides = array<i32>} : memref<128x128xf32, #tpu.memory_space<vmem>>, vector<1x16xf32>,
        %swap3A_1339 = vector.shape_cast %swap3A_1338 : vector<1x16xf32> to vector<16xf32>
        %swap3A_1340 = vector.shape_cast %mul3A_1335 : vector<16xf32> to vector<1x16xf32>
        tpu.vector_store %arg10[%swap3A_1336, %swap3A_1337], %swap3A_1340 {strides = array<i32>} : memref<128x128xf32, #tpu.memory_space<vmem>>, vector<1x16xf32>,
        %get3A_1341 = arith.index_cast %add3A_1277 : i32 to index
        %get3A_1342 = arith.constant 96 : index
        %get3A_1343 = tpu.vector_load %arg10[%get3A_1341, %get3A_1342] {strides = array<i32>} : memref<128x128xf32, #tpu.memory_space<vmem>>, vector<1x16xf32>,
        %get3A_1344 = vector.shape_cast %get3A_1343 : vector<1x16xf32> to vector<16xf32>
        %mul3A_1345 = arith.mulf %get3A_1344, %broadcast_in_dim3A_1280 : vector<16xf32>
        %swap3A_1346 = arith.index_cast %add3A_1277 : i32 to index
        %swap3A_1347 = arith.constant 96 : index
        %swap3A_1348 = tpu.vector_load %arg10[%swap3A_1346, %swap3A_1347] {strides = array<i32>} : memref<128x128xf32, #tpu.memory_space<vmem>>, vector<1x16xf32>,
        %swap3A_1349 = vector.shape_cast %swap3A_1348 : vector<1x16xf32> to vector<16xf32>
        %swap3A_1350 = vector.shape_cast %mul3A_1345 : vector<16xf32> to vector<1x16xf32>
        tpu.vector_store %arg10[%swap3A_1346, %swap3A_1347], %swap3A_1350 {strides = array<i32>} : memref<128x128xf32, #tpu.memory_space<vmem>>, vector<1x16xf32>,
        %get3A_1351 = arith.index_cast %add3A_1277 : i32 to index
        %get3A_1352 = arith.constant 112 : index
        %get3A_1353 = tpu.vector_load %arg10[%get3A_1351, %get3A_1352] {strides = array<i32>} : memref<128x128xf32, #tpu.memory_space<vmem>>, vector<1x16xf32>,
        %get3A_1354 = vector.shape_cast %get3A_1353 : vector<1x16xf32> to vector<16xf32>
        %mul3A_1355 = arith.mulf %get3A_1354, %broadcast_in_dim3A_1280 : vector<16xf32>
        %swap3A_1356 = arith.index_cast %add3A_1277 : i32 to index
        %swap3A_1357 = arith.constant 112 : index
        %swap3A_1358 = tpu.vector_load %arg10[%swap3A_1356, %swap3A_1357] {strides = array<i32>} : memref<128x128xf32, #tpu.memory_space<vmem>>, vector<1x16xf32>,
        %swap3A_1359 = vector.shape_cast %swap3A_1358 : vector<1x16xf32> to vector<16xf32>
        %swap3A_1360 = vector.shape_cast %mul3A_1355 : vector<16xf32> to vector<1x16xf32>
        tpu.vector_store %arg10[%swap3A_1356, %swap3A_1357], %swap3A_1360 {strides = array<i32>} : memref<128x128xf32, #tpu.memory_space<vmem>>, vector<1x16xf32>,
        %mul3A_1361 = arith.constant 16 : i32
        %mul3A_1362 = arith.muli %add3A_55, %mul3A_1361 : i32
        %add3A_1363 = arith.constant 15 : i32
        %add3A_1364 = arith.addi %mul3A_1362, %add3A_1363 : i32
        %slice3A_1365 = vector.extract_strided_slice %get3A_59 {offsets = [15], sizes = [1], strides = [1]} : vector<16xf32> to vector<1xf32>
        %squeeze3A_1366 = vector.extract %slice3A_1365[0] : f32 from vector<1xf32>
        %broadcast_in_dim3A_1367 = vector.broadcast %squeeze3A_1366 : f32 to vector<16xf32>
        %get3A_1368 = arith.index_cast %add3A_1364 : i32 to index
        %get3A_1369 = arith.constant 0 : index
        %get3A_1370 = tpu.vector_load %arg10[%get3A_1368, %get3A_1369] {strides = array<i32>} : memref<128x128xf32, #tpu.memory_space<vmem>>, vector<1x16xf32>,
        %get3A_1371 = vector.shape_cast %get3A_1370 : vector<1x16xf32> to vector<16xf32>
        %mul3A_1372 = arith.mulf %get3A_1371, %broadcast_in_dim3A_1367 : vector<16xf32>
        %swap3A_1373 = arith.index_cast %add3A_1364 : i32 to index
        %swap3A_1374 = arith.constant 0 : index
        %swap3A_1375 = tpu.vector_load %arg10[%swap3A_1373, %swap3A_1374] {strides = array<i32>} : memref<128x128xf32, #tpu.memory_space<vmem>>, vector<1x16xf32>,
        %swap3A_1376 = vector.shape_cast %swap3A_1375 : vector<1x16xf32> to vector<16xf32>
        %swap3A_1377 = vector.shape_cast %mul3A_1372 : vector<16xf32> to vector<1x16xf32>
        tpu.vector_store %arg10[%swap3A_1373, %swap3A_1374], %swap3A_1377 {strides = array<i32>} : memref<128x128xf32, #tpu.memory_space<vmem>>, vector<1x16xf32>,
        %get3A_1378 = arith.index_cast %add3A_1364 : i32 to index
        %get3A_1379 = arith.constant 16 : index
        %get3A_1380 = tpu.vector_load %arg10[%get3A_1378, %get3A_1379] {strides = array<i32>} : memref<128x128xf32, #tpu.memory_space<vmem>>, vector<1x16xf32>,
        %get3A_1381 = vector.shape_cast %get3A_1380 : vector<1x16xf32> to vector<16xf32>
        %mul3A_1382 = arith.mulf %get3A_1381, %broadcast_in_dim3A_1367 : vector<16xf32>
        %swap3A_1383 = arith.index_cast %add3A_1364 : i32 to index
        %swap3A_1384 = arith.constant 16 : index
        %swap3A_1385 = tpu.vector_load %arg10[%swap3A_1383, %swap3A_1384] {strides = array<i32>} : memref<128x128xf32, #tpu.memory_space<vmem>>, vector<1x16xf32>,
        %swap3A_1386 = vector.shape_cast %swap3A_1385 : vector<1x16xf32> to vector<16xf32>
        %swap3A_1387 = vector.shape_cast %mul3A_1382 : vector<16xf32> to vector<1x16xf32>
        tpu.vector_store %arg10[%swap3A_1383, %swap3A_1384], %swap3A_1387 {strides = array<i32>} : memref<128x128xf32, #tpu.memory_space<vmem>>, vector<1x16xf32>,
        %get3A_1388 = arith.index_cast %add3A_1364 : i32 to index
        %get3A_1389 = arith.constant 32 : index
        %get3A_1390 = tpu.vector_load %arg10[%get3A_1388, %get3A_1389] {strides = array<i32>} : memref<128x128xf32, #tpu.memory_space<vmem>>, vector<1x16xf32>,
        %get3A_1391 = vector.shape_cast %get3A_1390 : vector<1x16xf32> to vector<16xf32>
        %mul3A_1392 = arith.mulf %get3A_1391, %broadcast_in_dim3A_1367 : vector<16xf32>
        %swap3A_1393 = arith.index_cast %add3A_1364 : i32 to index
        %swap3A_1394 = arith.constant 32 : index
        %swap3A_1395 = tpu.vector_load %arg10[%swap3A_1393, %swap3A_1394] {strides = array<i32>} : memref<128x128xf32, #tpu.memory_space<vmem>>, vector<1x16xf32>,
        %swap3A_1396 = vector.shape_cast %swap3A_1395 : vector<1x16xf32> to vector<16xf32>
        %swap3A_1397 = vector.shape_cast %mul3A_1392 : vector<16xf32> to vector<1x16xf32>
        tpu.vector_store %arg10[%swap3A_1393, %swap3A_1394], %swap3A_1397 {strides = array<i32>} : memref<128x128xf32, #tpu.memory_space<vmem>>, vector<1x16xf32>,
        %get3A_1398 = arith.index_cast %add3A_1364 : i32 to index
        %get3A_1399 = arith.constant 48 : index
        %get3A_1400 = tpu.vector_load %arg10[%get3A_1398, %get3A_1399] {strides = array<i32>} : memref<128x128xf32, #tpu.memory_space<vmem>>, vector<1x16xf32>,
        %get3A_1401 = vector.shape_cast %get3A_1400 : vector<1x16xf32> to vector<16xf32>
        %mul3A_1402 = arith.mulf %get3A_1401, %broadcast_in_dim3A_1367 : vector<16xf32>
        %swap3A_1403 = arith.index_cast %add3A_1364 : i32 to index
        %swap3A_1404 = arith.constant 48 : index
        %swap3A_1405 = tpu.vector_load %arg10[%swap3A_1403, %swap3A_1404] {strides = array<i32>} : memref<128x128xf32, #tpu.memory_space<vmem>>, vector<1x16xf32>,
        %swap3A_1406 = vector.shape_cast %swap3A_1405 : vector<1x16xf32> to vector<16xf32>
        %swap3A_1407 = vector.shape_cast %mul3A_1402 : vector<16xf32> to vector<1x16xf32>
        tpu.vector_store %arg10[%swap3A_1403, %swap3A_1404], %swap3A_1407 {strides = array<i32>} : memref<128x128xf32, #tpu.memory_space<vmem>>, vector<1x16xf32>,
        %get3A_1408 = arith.index_cast %add3A_1364 : i32 to index
        %get3A_1409 = arith.constant 64 : index
        %get3A_1410 = tpu.vector_load %arg10[%get3A_1408, %get3A_1409] {strides = array<i32>} : memref<128x128xf32, #tpu.memory_space<vmem>>, vector<1x16xf32>,
        %get3A_1411 = vector.shape_cast %get3A_1410 : vector<1x16xf32> to vector<16xf32>
        %mul3A_1412 = arith.mulf %get3A_1411, %broadcast_in_dim3A_1367 : vector<16xf32>
        %swap3A_1413 = arith.index_cast %add3A_1364 : i32 to index
        %swap3A_1414 = arith.constant 64 : index
        %swap3A_1415 = tpu.vector_load %arg10[%swap3A_1413, %swap3A_1414] {strides = array<i32>} : memref<128x128xf32, #tpu.memory_space<vmem>>, vector<1x16xf32>,
        %swap3A_1416 = vector.shape_cast %swap3A_1415 : vector<1x16xf32> to vector<16xf32>
        %swap3A_1417 = vector.shape_cast %mul3A_1412 : vector<16xf32> to vector<1x16xf32>
        tpu.vector_store %arg10[%swap3A_1413, %swap3A_1414], %swap3A_1417 {strides = array<i32>} : memref<128x128xf32, #tpu.memory_space<vmem>>, vector<1x16xf32>,
        %get3A_1418 = arith.index_cast %add3A_1364 : i32 to index
        %get3A_1419 = arith.constant 80 : index
        %get3A_1420 = tpu.vector_load %arg10[%get3A_1418, %get3A_1419] {strides = array<i32>} : memref<128x128xf32, #tpu.memory_space<vmem>>, vector<1x16xf32>,
        %get3A_1421 = vector.shape_cast %get3A_1420 : vector<1x16xf32> to vector<16xf32>
        %mul3A_1422 = arith.mulf %get3A_1421, %broadcast_in_dim3A_1367 : vector<16xf32>
        %swap3A_1423 = arith.index_cast %add3A_1364 : i32 to index
        %swap3A_1424 = arith.constant 80 : index
        %swap3A_1425 = tpu.vector_load %arg10[%swap3A_1423, %swap3A_1424] {strides = array<i32>} : memref<128x128xf32, #tpu.memory_space<vmem>>, vector<1x16xf32>,
        %swap3A_1426 = vector.shape_cast %swap3A_1425 : vector<1x16xf32> to vector<16xf32>
        %swap3A_1427 = vector.shape_cast %mul3A_1422 : vector<16xf32> to vector<1x16xf32>
        tpu.vector_store %arg10[%swap3A_1423, %swap3A_1424], %swap3A_1427 {strides = array<i32>} : memref<128x128xf32, #tpu.memory_space<vmem>>, vector<1x16xf32>,
        %get3A_1428 = arith.index_cast %add3A_1364 : i32 to index
        %get3A_1429 = arith.constant 96 : index
        %get3A_1430 = tpu.vector_load %arg10[%get3A_1428, %get3A_1429] {strides = array<i32>} : memref<128x128xf32, #tpu.memory_space<vmem>>, vector<1x16xf32>,
        %get3A_1431 = vector.shape_cast %get3A_1430 : vector<1x16xf32> to vector<16xf32>
        %mul3A_1432 = arith.mulf %get3A_1431, %broadcast_in_dim3A_1367 : vector<16xf32>
        %swap3A_1433 = arith.index_cast %add3A_1364 : i32 to index
        %swap3A_1434 = arith.constant 96 : index
        %swap3A_1435 = tpu.vector_load %arg10[%swap3A_1433, %swap3A_1434] {strides = array<i32>} : memref<128x128xf32, #tpu.memory_space<vmem>>, vector<1x16xf32>,
        %swap3A_1436 = vector.shape_cast %swap3A_1435 : vector<1x16xf32> to vector<16xf32>
        %swap3A_1437 = vector.shape_cast %mul3A_1432 : vector<16xf32> to vector<1x16xf32>
        tpu.vector_store %arg10[%swap3A_1433, %swap3A_1434], %swap3A_1437 {strides = array<i32>} : memref<128x128xf32, #tpu.memory_space<vmem>>, vector<1x16xf32>,
        %get3A_1438 = arith.index_cast %add3A_1364 : i32 to index
        %get3A_1439 = arith.constant 112 : index
        %get3A_1440 = tpu.vector_load %arg10[%get3A_1438, %get3A_1439] {strides = array<i32>} : memref<128x128xf32, #tpu.memory_space<vmem>>, vector<1x16xf32>,
        %get3A_1441 = vector.shape_cast %get3A_1440 : vector<1x16xf32> to vector<16xf32>
        %mul3A_1442 = arith.mulf %get3A_1441, %broadcast_in_dim3A_1367 : vector<16xf32>
        %swap3A_1443 = arith.index_cast %add3A_1364 : i32 to index
        %swap3A_1444 = arith.constant 112 : index
        %swap3A_1445 = tpu.vector_load %arg10[%swap3A_1443, %swap3A_1444] {strides = array<i32>} : memref<128x128xf32, #tpu.memory_space<vmem>>, vector<1x16xf32>,
        %swap3A_1446 = vector.shape_cast %swap3A_1445 : vector<1x16xf32> to vector<16xf32>
        %swap3A_1447 = vector.shape_cast %mul3A_1442 : vector<16xf32> to vector<1x16xf32>
        tpu.vector_store %arg10[%swap3A_1443, %swap3A_1444], %swap3A_1447 {strides = array<i32>} : memref<128x128xf32, #tpu.memory_space<vmem>>, vector<1x16xf32>,
      }
      %scan3A_50 = arith.constant 8 : i32
      "tpu.region"() ({
        %run_scoped3A = tpu.sem_alloc : memref<!tpu.dma_semaphore, #tpu.memory_space<semaphore_mem>>
        %dma_start3A_51 = arith.constant 0 : i32
        %dma_start3A_52 = arith.constant 0 : i32
        %dma_start3A_53 = tpu.memref_slice %arg11[%dma_start3A_51, %dma_start3A_52] : memref<10000x128xf32, #tpu.memory_space<vmem_shared>> -> memref<10000x128xf32, #tpu.memory_space<vmem_shared>>
        tpu.enqueue_indirect_dma source(%arg10 : memref<128x128xf32, #tpu.memory_space<vmem>>) target(%dma_start3A_53 : memref<10000x128xf32, #tpu.memory_space<vmem_shared>>) offsets(%arg8 : memref<128xi32, #tpu.memory_space<vmem>>) semaphore(%run_scoped3A : memref<!tpu.dma_semaphore, #tpu.memory_space<semaphore_mem>>) {add = true}
        %dma_wait3A_54 = arith.constant 0 : i32
        %dma_wait3A_55 = arith.constant 0 : i32
        %dma_wait3A_56 = tpu.memref_slice %arg11[%dma_wait3A_54, %dma_wait3A_55] : memref<10000x128xf32, #tpu.memory_space<vmem_shared>> -> memref<10000x128xf32, #tpu.memory_space<vmem_shared>>
        tpu.wait_indirect_dma semaphore(%run_scoped3A : memref<!tpu.dma_semaphore, #tpu.memory_space<semaphore_mem>>) src(%arg10 : memref<128x128xf32, #tpu.memory_space<vmem>>) dst(%dma_wait3A_56 : memref<10000x128xf32, #tpu.memory_space<vmem_shared>>)
        tpu.yield
      }) : () -> ()
    }
    %scan3A_23 = arith.constant 78 : i32
    %lt3A = arith.constant 4 : i32
    %lt3A_24 = arith.cmpi slt, %add3A, %lt3A : i32
    %convert_element_type3A_25 = arith.extui %lt3A_24 : i1 to i32
    %cond3A_26 = arith.constant 0 : i32
    %cond3A_27 = arith.cmpi ne, %convert_element_type3A_25, %cond3A_26 : i32
    scf.if %cond3A_27 {
      %add3A_34 = arith.constant 2496 : i32
      %add3A_35 = arith.addi %add3A_34, %add3A : i32
      "tpu.region"() ({
        %run_scoped3A = tpu.sem_alloc : memref<!tpu.dma_semaphore, #tpu.memory_space<semaphore_mem>>
        %dma_start3A_45 = arith.constant 0 : i32
        %dma_start3A_46 = tpu.memref_slice %arg3[%add3A_35, %dma_start3A_45] : memref<2500x128xi32, #tpu.memory_space<hbm>> -> memref<1x128xi32, #tpu.memory_space<hbm>>
        %dma_start3A_47 = tpu.memref_squeeze %dma_start3A_46 : memref<1x128xi32, #tpu.memory_space<hbm>> -> memref<128xi32, #tpu.memory_space<hbm>>
        %dma_start3A_48 = arith.constant 0 : i32
        %dma_start3A_49 = tpu.memref_slice %arg3[%add3A_35, %dma_start3A_48] : memref<2500x128xi32, #tpu.memory_space<hbm>> -> memref<1x128xi32, #tpu.memory_space<hbm>>
        %dma_start3A_50 = tpu.memref_squeeze %dma_start3A_49 : memref<1x128xi32, #tpu.memory_space<hbm>> -> memref<128xi32, #tpu.memory_space<hbm>>
        tpu.enqueue_dma source(%dma_start3A_50 : memref<128xi32, #tpu.memory_space<hbm>>) target(%arg7 : memref<128xi32, #tpu.memory_space<vmem>>) target_semaphore(%run_scoped3A : memref<!tpu.dma_semaphore, #tpu.memory_space<semaphore_mem>>)
        %dma_wait3A_51 = arith.constant 0 : i32
        %dma_wait3A_52 = tpu.memref_slice %arg3[%add3A_35, %dma_wait3A_51] : memref<2500x128xi32, #tpu.memory_space<hbm>> -> memref<1x128xi32, #tpu.memory_space<hbm>>
        %dma_wait3A_53 = tpu.memref_squeeze %dma_wait3A_52 : memref<1x128xi32, #tpu.memory_space<hbm>> -> memref<128xi32, #tpu.memory_space<hbm>>
        %dma_wait3A_54 = arith.constant 0 : i32
        %dma_wait3A_55 = tpu.memref_slice %arg3[%add3A_35, %dma_wait3A_54] : memref<2500x128xi32, #tpu.memory_space<hbm>> -> memref<1x128xi32, #tpu.memory_space<hbm>>
        %dma_wait3A_56 = tpu.memref_squeeze %dma_wait3A_55 : memref<1x128xi32, #tpu.memory_space<hbm>> -> memref<128xi32, #tpu.memory_space<hbm>>
        tpu.wait_dma2 semaphore(%run_scoped3A : memref<!tpu.dma_semaphore, #tpu.memory_space<semaphore_mem>>) src(%dma_wait3A_56 : memref<128xi32, #tpu.memory_space<hbm>>) dst(%arg7 : memref<128xi32, #tpu.memory_space<vmem>>)
        tpu.yield
      }) : () -> ()
      "tpu.region"() ({
        %run_scoped3A = tpu.sem_alloc : memref<!tpu.dma_semaphore, #tpu.memory_space<semaphore_mem>>
        %dma_start3A_45 = arith.constant 0 : i32
        %dma_start3A_46 = tpu.memref_slice %arg4[%add3A_35, %dma_start3A_45] : memref<2500x128xi32, #tpu.memory_space<hbm>> -> memref<1x128xi32, #tpu.memory_space<hbm>>
        %dma_start3A_47 = tpu.memref_squeeze %dma_start3A_46 : memref<1x128xi32, #tpu.memory_space<hbm>> -> memref<128xi32, #tpu.memory_space<hbm>>
        %dma_start3A_48 = arith.constant 0 : i32
        %dma_start3A_49 = tpu.memref_slice %arg4[%add3A_35, %dma_start3A_48] : memref<2500x128xi32, #tpu.memory_space<hbm>> -> memref<1x128xi32, #tpu.memory_space<hbm>>
        %dma_start3A_50 = tpu.memref_squeeze %dma_start3A_49 : memref<1x128xi32, #tpu.memory_space<hbm>> -> memref<128xi32, #tpu.memory_space<hbm>>
        tpu.enqueue_dma source(%dma_start3A_50 : memref<128xi32, #tpu.memory_space<hbm>>) target(%arg8 : memref<128xi32, #tpu.memory_space<vmem>>) target_semaphore(%run_scoped3A : memref<!tpu.dma_semaphore, #tpu.memory_space<semaphore_mem>>)
        %dma_wait3A_51 = arith.constant 0 : i32
        %dma_wait3A_52 = tpu.memref_slice %arg4[%add3A_35, %dma_wait3A_51] : memref<2500x128xi32, #tpu.memory_space<hbm>> -> memref<1x128xi32, #tpu.memory_space<hbm>>
        %dma_wait3A_53 = tpu.memref_squeeze %dma_wait3A_52 : memref<1x128xi32, #tpu.memory_space<hbm>> -> memref<128xi32, #tpu.memory_space<hbm>>
        %dma_wait3A_54 = arith.constant 0 : i32
        %dma_wait3A_55 = tpu.memref_slice %arg4[%add3A_35, %dma_wait3A_54] : memref<2500x128xi32, #tpu.memory_space<hbm>> -> memref<1x128xi32, #tpu.memory_space<hbm>>
        %dma_wait3A_56 = tpu.memref_squeeze %dma_wait3A_55 : memref<1x128xi32, #tpu.memory_space<hbm>> -> memref<128xi32, #tpu.memory_space<hbm>>
        tpu.wait_dma2 semaphore(%run_scoped3A : memref<!tpu.dma_semaphore, #tpu.memory_space<semaphore_mem>>) src(%dma_wait3A_56 : memref<128xi32, #tpu.memory_space<hbm>>) dst(%arg8 : memref<128xi32, #tpu.memory_space<vmem>>)
        tpu.yield
      }) : () -> ()
      "tpu.region"() ({
        %run_scoped3A = tpu.sem_alloc : memref<!tpu.dma_semaphore, #tpu.memory_space<semaphore_mem>>
        %dma_start3A_45 = arith.constant 0 : i32
        %dma_start3A_46 = tpu.memref_slice %arg5[%add3A_35, %dma_start3A_45] : memref<2500x128xf32, #tpu.memory_space<hbm>> -> memref<1x128xf32, #tpu.memory_space<hbm>>
        %dma_start3A_47 = tpu.memref_squeeze %dma_start3A_46 : memref<1x128xf32, #tpu.memory_space<hbm>> -> memref<128xf32, #tpu.memory_space<hbm>>
        %dma_start3A_48 = arith.constant 0 : i32
        %dma_start3A_49 = tpu.memref_slice %arg5[%add3A_35, %dma_start3A_48] : memref<2500x128xf32, #tpu.memory_space<hbm>> -> memref<1x128xf32, #tpu.memory_space<hbm>>
        %dma_start3A_50 = tpu.memref_squeeze %dma_start3A_49 : memref<1x128xf32, #tpu.memory_space<hbm>> -> memref<128xf32, #tpu.memory_space<hbm>>
        tpu.enqueue_dma source(%dma_start3A_50 : memref<128xf32, #tpu.memory_space<hbm>>) target(%arg9 : memref<128xf32, #tpu.memory_space<vmem>>) target_semaphore(%run_scoped3A : memref<!tpu.dma_semaphore, #tpu.memory_space<semaphore_mem>>)
        %dma_wait3A_51 = arith.constant 0 : i32
        %dma_wait3A_52 = tpu.memref_slice %arg5[%add3A_35, %dma_wait3A_51] : memref<2500x128xf32, #tpu.memory_space<hbm>> -> memref<1x128xf32, #tpu.memory_space<hbm>>
        %dma_wait3A_53 = tpu.memref_squeeze %dma_wait3A_52 : memref<1x128xf32, #tpu.memory_space<hbm>> -> memref<128xf32, #tpu.memory_space<hbm>>
        %dma_wait3A_54 = arith.constant 0 : i32
        %dma_wait3A_55 = tpu.memref_slice %arg5[%add3A_35, %dma_wait3A_54] : memref<2500x128xf32, #tpu.memory_space<hbm>> -> memref<1x128xf32, #tpu.memory_space<hbm>>
        %dma_wait3A_56 = tpu.memref_squeeze %dma_wait3A_55 : memref<1x128xf32, #tpu.memory_space<hbm>> -> memref<128xf32, #tpu.memory_space<hbm>>
        tpu.wait_dma2 semaphore(%run_scoped3A : memref<!tpu.dma_semaphore, #tpu.memory_space<semaphore_mem>>) src(%dma_wait3A_56 : memref<128xf32, #tpu.memory_space<hbm>>) dst(%arg9 : memref<128xf32, #tpu.memory_space<vmem>>)
        tpu.yield
      }) : () -> ()
      %dma_start3A = arith.constant 0 : i32
      %dma_start3A_36 = arith.constant 0 : i32
      %dma_start3A_37 = tpu.memref_slice %arg2[%dma_start3A, %dma_start3A_36] : memref<10000x128xf32, #tpu.memory_space<hbm>> -> memref<10000x128xf32, #tpu.memory_space<hbm>>
      tpu.enqueue_indirect_dma source(%dma_start3A_37 : memref<10000x128xf32, #tpu.memory_space<hbm>>) target(%arg10 : memref<128x128xf32, #tpu.memory_space<vmem>>) offsets(%arg7 : memref<128xi32, #tpu.memory_space<vmem>>) semaphore(%arg12 : memref<!tpu.dma_semaphore, #tpu.memory_space<semaphore_mem>>)
      %dma_wait3A = arith.constant 0 : i32
      %dma_wait3A_38 = arith.constant 0 : i32
      %dma_wait3A_39 = tpu.memref_slice %arg2[%dma_wait3A, %dma_wait3A_38] : memref<10000x128xf32, #tpu.memory_space<hbm>> -> memref<10000x128xf32, #tpu.memory_space<hbm>>
      tpu.wait_indirect_dma semaphore(%arg12 : memref<!tpu.dma_semaphore, #tpu.memory_space<semaphore_mem>>) src(%dma_wait3A_39 : memref<10000x128xf32, #tpu.memory_space<hbm>>) dst(%arg10 : memref<128x128xf32, #tpu.memory_space<vmem>>)
      %scan3A_40 = arith.constant 0 : i32
      %scan3A_41 = arith.constant 8 : i32
      %scan3A_42 = arith.addi %scan3A_40, %scan3A_41 : i32
      %scan3A_43 = arith.constant 1 : i32
      scf.for %scan3A_45 = %scan3A_40 to %scan3A_42 step %scan3A_43  : i32 {
        %mul3A_46 = arith.constant 1 : i32
        %mul3A_47 = arith.muli %scan3A_45, %mul3A_46 : i32
        %add3A_48 = arith.constant 0 : i32
        %add3A_49 = arith.addi %add3A_48, %mul3A_47 : i32
        %mul3A_50 = arith.constant 16 : i32
        %mul3A_51 = arith.muli %add3A_49, %mul3A_50 : i32
        %get3A = arith.index_cast %mul3A_51 : i32 to index
        %get3A_52 = tpu.vector_load %arg9[%get3A] {strides = array<i32>} : memref<128xf32, #tpu.memory_space<vmem>>, vector<16xf32>,
        %get3A_53 = vector.shape_cast %get3A_52 : vector<16xf32> to vector<16xf32>
        %mul3A_54 = arith.constant 16 : i32
        %mul3A_55 = arith.muli %add3A_49, %mul3A_54 : i32
        %add3A_56 = arith.constant 0 : i32
        %add3A_57 = arith.addi %mul3A_55, %add3A_56 : i32
        %slice3A = vector.extract_strided_slice %get3A_53 {offsets = [0], sizes = [1], strides = [1]} : vector<16xf32> to vector<1xf32>
        %squeeze3A = vector.extract %slice3A[0] : f32 from vector<1xf32>
        %broadcast_in_dim3A = vector.broadcast %squeeze3A : f32 to vector<16xf32>
        %get3A_58 = arith.index_cast %add3A_57 : i32 to index
        %get3A_59 = arith.constant 0 : index
        %get3A_60 = tpu.vector_load %arg10[%get3A_58, %get3A_59] {strides = array<i32>} : memref<128x128xf32, #tpu.memory_space<vmem>>, vector<1x16xf32>,
        %get3A_61 = vector.shape_cast %get3A_60 : vector<1x16xf32> to vector<16xf32>
        %mul3A_62 = arith.mulf %get3A_61, %broadcast_in_dim3A : vector<16xf32>
        %swap3A = arith.index_cast %add3A_57 : i32 to index
        %swap3A_63 = arith.constant 0 : index
        %swap3A_64 = tpu.vector_load %arg10[%swap3A, %swap3A_63] {strides = array<i32>} : memref<128x128xf32, #tpu.memory_space<vmem>>, vector<1x16xf32>,
        %swap3A_65 = vector.shape_cast %swap3A_64 : vector<1x16xf32> to vector<16xf32>
        %swap3A_66 = vector.shape_cast %mul3A_62 : vector<16xf32> to vector<1x16xf32>
        tpu.vector_store %arg10[%swap3A, %swap3A_63], %swap3A_66 {strides = array<i32>} : memref<128x128xf32, #tpu.memory_space<vmem>>, vector<1x16xf32>,
        %get3A_67 = arith.index_cast %add3A_57 : i32 to index
        %get3A_68 = arith.constant 16 : index
        %get3A_69 = tpu.vector_load %arg10[%get3A_67, %get3A_68] {strides = array<i32>} : memref<128x128xf32, #tpu.memory_space<vmem>>, vector<1x16xf32>,
        %get3A_70 = vector.shape_cast %get3A_69 : vector<1x16xf32> to vector<16xf32>
        %mul3A_71 = arith.mulf %get3A_70, %broadcast_in_dim3A : vector<16xf32>
        %swap3A_72 = arith.index_cast %add3A_57 : i32 to index
        %swap3A_73 = arith.constant 16 : index
        %swap3A_74 = tpu.vector_load %arg10[%swap3A_72, %swap3A_73] {strides = array<i32>} : memref<128x128xf32, #tpu.memory_space<vmem>>, vector<1x16xf32>,
        %swap3A_75 = vector.shape_cast %swap3A_74 : vector<1x16xf32> to vector<16xf32>
        %swap3A_76 = vector.shape_cast %mul3A_71 : vector<16xf32> to vector<1x16xf32>
        tpu.vector_store %arg10[%swap3A_72, %swap3A_73], %swap3A_76 {strides = array<i32>} : memref<128x128xf32, #tpu.memory_space<vmem>>, vector<1x16xf32>,
        %get3A_77 = arith.index_cast %add3A_57 : i32 to index
        %get3A_78 = arith.constant 32 : index
        %get3A_79 = tpu.vector_load %arg10[%get3A_77, %get3A_78] {strides = array<i32>} : memref<128x128xf32, #tpu.memory_space<vmem>>, vector<1x16xf32>,
        %get3A_80 = vector.shape_cast %get3A_79 : vector<1x16xf32> to vector<16xf32>
        %mul3A_81 = arith.mulf %get3A_80, %broadcast_in_dim3A : vector<16xf32>
        %swap3A_82 = arith.index_cast %add3A_57 : i32 to index
        %swap3A_83 = arith.constant 32 : index
        %swap3A_84 = tpu.vector_load %arg10[%swap3A_82, %swap3A_83] {strides = array<i32>} : memref<128x128xf32, #tpu.memory_space<vmem>>, vector<1x16xf32>,
        %swap3A_85 = vector.shape_cast %swap3A_84 : vector<1x16xf32> to vector<16xf32>
        %swap3A_86 = vector.shape_cast %mul3A_81 : vector<16xf32> to vector<1x16xf32>
        tpu.vector_store %arg10[%swap3A_82, %swap3A_83], %swap3A_86 {strides = array<i32>} : memref<128x128xf32, #tpu.memory_space<vmem>>, vector<1x16xf32>,
        %get3A_87 = arith.index_cast %add3A_57 : i32 to index
        %get3A_88 = arith.constant 48 : index
        %get3A_89 = tpu.vector_load %arg10[%get3A_87, %get3A_88] {strides = array<i32>} : memref<128x128xf32, #tpu.memory_space<vmem>>, vector<1x16xf32>,
        %get3A_90 = vector.shape_cast %get3A_89 : vector<1x16xf32> to vector<16xf32>
        %mul3A_91 = arith.mulf %get3A_90, %broadcast_in_dim3A : vector<16xf32>
        %swap3A_92 = arith.index_cast %add3A_57 : i32 to index
        %swap3A_93 = arith.constant 48 : index
        %swap3A_94 = tpu.vector_load %arg10[%swap3A_92, %swap3A_93] {strides = array<i32>} : memref<128x128xf32, #tpu.memory_space<vmem>>, vector<1x16xf32>,
        %swap3A_95 = vector.shape_cast %swap3A_94 : vector<1x16xf32> to vector<16xf32>
        %swap3A_96 = vector.shape_cast %mul3A_91 : vector<16xf32> to vector<1x16xf32>
        tpu.vector_store %arg10[%swap3A_92, %swap3A_93], %swap3A_96 {strides = array<i32>} : memref<128x128xf32, #tpu.memory_space<vmem>>, vector<1x16xf32>,
        %get3A_97 = arith.index_cast %add3A_57 : i32 to index
        %get3A_98 = arith.constant 64 : index
        %get3A_99 = tpu.vector_load %arg10[%get3A_97, %get3A_98] {strides = array<i32>} : memref<128x128xf32, #tpu.memory_space<vmem>>, vector<1x16xf32>,
        %get3A_100 = vector.shape_cast %get3A_99 : vector<1x16xf32> to vector<16xf32>
        %mul3A_101 = arith.mulf %get3A_100, %broadcast_in_dim3A : vector<16xf32>
        %swap3A_102 = arith.index_cast %add3A_57 : i32 to index
        %swap3A_103 = arith.constant 64 : index
        %swap3A_104 = tpu.vector_load %arg10[%swap3A_102, %swap3A_103] {strides = array<i32>} : memref<128x128xf32, #tpu.memory_space<vmem>>, vector<1x16xf32>,
        %swap3A_105 = vector.shape_cast %swap3A_104 : vector<1x16xf32> to vector<16xf32>
        %swap3A_106 = vector.shape_cast %mul3A_101 : vector<16xf32> to vector<1x16xf32>
        tpu.vector_store %arg10[%swap3A_102, %swap3A_103], %swap3A_106 {strides = array<i32>} : memref<128x128xf32, #tpu.memory_space<vmem>>, vector<1x16xf32>,
        %get3A_107 = arith.index_cast %add3A_57 : i32 to index
        %get3A_108 = arith.constant 80 : index
        %get3A_109 = tpu.vector_load %arg10[%get3A_107, %get3A_108] {strides = array<i32>} : memref<128x128xf32, #tpu.memory_space<vmem>>, vector<1x16xf32>,
        %get3A_110 = vector.shape_cast %get3A_109 : vector<1x16xf32> to vector<16xf32>
        %mul3A_111 = arith.mulf %get3A_110, %broadcast_in_dim3A : vector<16xf32>
        %swap3A_112 = arith.index_cast %add3A_57 : i32 to index
        %swap3A_113 = arith.constant 80 : index
        %swap3A_114 = tpu.vector_load %arg10[%swap3A_112, %swap3A_113] {strides = array<i32>} : memref<128x128xf32, #tpu.memory_space<vmem>>, vector<1x16xf32>,
        %swap3A_115 = vector.shape_cast %swap3A_114 : vector<1x16xf32> to vector<16xf32>
        %swap3A_116 = vector.shape_cast %mul3A_111 : vector<16xf32> to vector<1x16xf32>
        tpu.vector_store %arg10[%swap3A_112, %swap3A_113], %swap3A_116 {strides = array<i32>} : memref<128x128xf32, #tpu.memory_space<vmem>>, vector<1x16xf32>,
        %get3A_117 = arith.index_cast %add3A_57 : i32 to index
        %get3A_118 = arith.constant 96 : index
        %get3A_119 = tpu.vector_load %arg10[%get3A_117, %get3A_118] {strides = array<i32>} : memref<128x128xf32, #tpu.memory_space<vmem>>, vector<1x16xf32>,
        %get3A_120 = vector.shape_cast %get3A_119 : vector<1x16xf32> to vector<16xf32>
        %mul3A_121 = arith.mulf %get3A_120, %broadcast_in_dim3A : vector<16xf32>
        %swap3A_122 = arith.index_cast %add3A_57 : i32 to index
        %swap3A_123 = arith.constant 96 : index
        %swap3A_124 = tpu.vector_load %arg10[%swap3A_122, %swap3A_123] {strides = array<i32>} : memref<128x128xf32, #tpu.memory_space<vmem>>, vector<1x16xf32>,
        %swap3A_125 = vector.shape_cast %swap3A_124 : vector<1x16xf32> to vector<16xf32>
        %swap3A_126 = vector.shape_cast %mul3A_121 : vector<16xf32> to vector<1x16xf32>
        tpu.vector_store %arg10[%swap3A_122, %swap3A_123], %swap3A_126 {strides = array<i32>} : memref<128x128xf32, #tpu.memory_space<vmem>>, vector<1x16xf32>,
        %get3A_127 = arith.index_cast %add3A_57 : i32 to index
        %get3A_128 = arith.constant 112 : index
        %get3A_129 = tpu.vector_load %arg10[%get3A_127, %get3A_128] {strides = array<i32>} : memref<128x128xf32, #tpu.memory_space<vmem>>, vector<1x16xf32>,
        %get3A_130 = vector.shape_cast %get3A_129 : vector<1x16xf32> to vector<16xf32>
        %mul3A_131 = arith.mulf %get3A_130, %broadcast_in_dim3A : vector<16xf32>
        %swap3A_132 = arith.index_cast %add3A_57 : i32 to index
        %swap3A_133 = arith.constant 112 : index
        %swap3A_134 = tpu.vector_load %arg10[%swap3A_132, %swap3A_133] {strides = array<i32>} : memref<128x128xf32, #tpu.memory_space<vmem>>, vector<1x16xf32>,
        %swap3A_135 = vector.shape_cast %swap3A_134 : vector<1x16xf32> to vector<16xf32>
        %swap3A_136 = vector.shape_cast %mul3A_131 : vector<16xf32> to vector<1x16xf32>
        tpu.vector_store %arg10[%swap3A_132, %swap3A_133], %swap3A_136 {strides = array<i32>} : memref<128x128xf32, #tpu.memory_space<vmem>>, vector<1x16xf32>,
        %mul3A_137 = arith.constant 16 : i32
        %mul3A_138 = arith.muli %add3A_49, %mul3A_137 : i32
        %add3A_139 = arith.constant 1 : i32
        %add3A_140 = arith.addi %mul3A_138, %add3A_139 : i32
        %slice3A_141 = vector.extract_strided_slice %get3A_53 {offsets = [1], sizes = [1], strides = [1]} : vector<16xf32> to vector<1xf32>
        %squeeze3A_142 = vector.extract %slice3A_141[0] : f32 from vector<1xf32>
        %broadcast_in_dim3A_143 = vector.broadcast %squeeze3A_142 : f32 to vector<16xf32>
        %get3A_144 = arith.index_cast %add3A_140 : i32 to index
        %get3A_145 = arith.constant 0 : index
        %get3A_146 = tpu.vector_load %arg10[%get3A_144, %get3A_145] {strides = array<i32>} : memref<128x128xf32, #tpu.memory_space<vmem>>, vector<1x16xf32>,
        %get3A_147 = vector.shape_cast %get3A_146 : vector<1x16xf32> to vector<16xf32>
        %mul3A_148 = arith.mulf %get3A_147, %broadcast_in_dim3A_143 : vector<16xf32>
        %swap3A_149 = arith.index_cast %add3A_140 : i32 to index
        %swap3A_150 = arith.constant 0 : index
        %swap3A_151 = tpu.vector_load %arg10[%swap3A_149, %swap3A_150] {strides = array<i32>} : memref<128x128xf32, #tpu.memory_space<vmem>>, vector<1x16xf32>,
        %swap3A_152 = vector.shape_cast %swap3A_151 : vector<1x16xf32> to vector<16xf32>
        %swap3A_153 = vector.shape_cast %mul3A_148 : vector<16xf32> to vector<1x16xf32>
        tpu.vector_store %arg10[%swap3A_149, %swap3A_150], %swap3A_153 {strides = array<i32>} : memref<128x128xf32, #tpu.memory_space<vmem>>, vector<1x16xf32>,
        %get3A_154 = arith.index_cast %add3A_140 : i32 to index
        %get3A_155 = arith.constant 16 : index
        %get3A_156 = tpu.vector_load %arg10[%get3A_154, %get3A_155] {strides = array<i32>} : memref<128x128xf32, #tpu.memory_space<vmem>>, vector<1x16xf32>,
        %get3A_157 = vector.shape_cast %get3A_156 : vector<1x16xf32> to vector<16xf32>
        %mul3A_158 = arith.mulf %get3A_157, %broadcast_in_dim3A_143 : vector<16xf32>
        %swap3A_159 = arith.index_cast %add3A_140 : i32 to index
        %swap3A_160 = arith.constant 16 : index
        %swap3A_161 = tpu.vector_load %arg10[%swap3A_159, %swap3A_160] {strides = array<i32>} : memref<128x128xf32, #tpu.memory_space<vmem>>, vector<1x16xf32>,
        %swap3A_162 = vector.shape_cast %swap3A_161 : vector<1x16xf32> to vector<16xf32>
        %swap3A_163 = vector.shape_cast %mul3A_158 : vector<16xf32> to vector<1x16xf32>
        tpu.vector_store %arg10[%swap3A_159, %swap3A_160], %swap3A_163 {strides = array<i32>} : memref<128x128xf32, #tpu.memory_space<vmem>>, vector<1x16xf32>,
        %get3A_164 = arith.index_cast %add3A_140 : i32 to index
        %get3A_165 = arith.constant 32 : index
        %get3A_166 = tpu.vector_load %arg10[%get3A_164, %get3A_165] {strides = array<i32>} : memref<128x128xf32, #tpu.memory_space<vmem>>, vector<1x16xf32>,
        %get3A_167 = vector.shape_cast %get3A_166 : vector<1x16xf32> to vector<16xf32>
        %mul3A_168 = arith.mulf %get3A_167, %broadcast_in_dim3A_143 : vector<16xf32>
        %swap3A_169 = arith.index_cast %add3A_140 : i32 to index
        %swap3A_170 = arith.constant 32 : index
        %swap3A_171 = tpu.vector_load %arg10[%swap3A_169, %swap3A_170] {strides = array<i32>} : memref<128x128xf32, #tpu.memory_space<vmem>>, vector<1x16xf32>,
        %swap3A_172 = vector.shape_cast %swap3A_171 : vector<1x16xf32> to vector<16xf32>
        %swap3A_173 = vector.shape_cast %mul3A_168 : vector<16xf32> to vector<1x16xf32>
        tpu.vector_store %arg10[%swap3A_169, %swap3A_170], %swap3A_173 {strides = array<i32>} : memref<128x128xf32, #tpu.memory_space<vmem>>, vector<1x16xf32>,
        %get3A_174 = arith.index_cast %add3A_140 : i32 to index
        %get3A_175 = arith.constant 48 : index
        %get3A_176 = tpu.vector_load %arg10[%get3A_174, %get3A_175] {strides = array<i32>} : memref<128x128xf32, #tpu.memory_space<vmem>>, vector<1x16xf32>,
        %get3A_177 = vector.shape_cast %get3A_176 : vector<1x16xf32> to vector<16xf32>
        %mul3A_178 = arith.mulf %get3A_177, %broadcast_in_dim3A_143 : vector<16xf32>
        %swap3A_179 = arith.index_cast %add3A_140 : i32 to index
        %swap3A_180 = arith.constant 48 : index
        %swap3A_181 = tpu.vector_load %arg10[%swap3A_179, %swap3A_180] {strides = array<i32>} : memref<128x128xf32, #tpu.memory_space<vmem>>, vector<1x16xf32>,
        %swap3A_182 = vector.shape_cast %swap3A_181 : vector<1x16xf32> to vector<16xf32>
        %swap3A_183 = vector.shape_cast %mul3A_178 : vector<16xf32> to vector<1x16xf32>
        tpu.vector_store %arg10[%swap3A_179, %swap3A_180], %swap3A_183 {strides = array<i32>} : memref<128x128xf32, #tpu.memory_space<vmem>>, vector<1x16xf32>,
        %get3A_184 = arith.index_cast %add3A_140 : i32 to index
        %get3A_185 = arith.constant 64 : index
        %get3A_186 = tpu.vector_load %arg10[%get3A_184, %get3A_185] {strides = array<i32>} : memref<128x128xf32, #tpu.memory_space<vmem>>, vector<1x16xf32>,
        %get3A_187 = vector.shape_cast %get3A_186 : vector<1x16xf32> to vector<16xf32>
        %mul3A_188 = arith.mulf %get3A_187, %broadcast_in_dim3A_143 : vector<16xf32>
        %swap3A_189 = arith.index_cast %add3A_140 : i32 to index
        %swap3A_190 = arith.constant 64 : index
        %swap3A_191 = tpu.vector_load %arg10[%swap3A_189, %swap3A_190] {strides = array<i32>} : memref<128x128xf32, #tpu.memory_space<vmem>>, vector<1x16xf32>,
        %swap3A_192 = vector.shape_cast %swap3A_191 : vector<1x16xf32> to vector<16xf32>
        %swap3A_193 = vector.shape_cast %mul3A_188 : vector<16xf32> to vector<1x16xf32>
        tpu.vector_store %arg10[%swap3A_189, %swap3A_190], %swap3A_193 {strides = array<i32>} : memref<128x128xf32, #tpu.memory_space<vmem>>, vector<1x16xf32>,
        %get3A_194 = arith.index_cast %add3A_140 : i32 to index
        %get3A_195 = arith.constant 80 : index
        %get3A_196 = tpu.vector_load %arg10[%get3A_194, %get3A_195] {strides = array<i32>} : memref<128x128xf32, #tpu.memory_space<vmem>>, vector<1x16xf32>,
        %get3A_197 = vector.shape_cast %get3A_196 : vector<1x16xf32> to vector<16xf32>
        %mul3A_198 = arith.mulf %get3A_197, %broadcast_in_dim3A_143 : vector<16xf32>
        %swap3A_199 = arith.index_cast %add3A_140 : i32 to index
        %swap3A_200 = arith.constant 80 : index
        %swap3A_201 = tpu.vector_load %arg10[%swap3A_199, %swap3A_200] {strides = array<i32>} : memref<128x128xf32, #tpu.memory_space<vmem>>, vector<1x16xf32>,
        %swap3A_202 = vector.shape_cast %swap3A_201 : vector<1x16xf32> to vector<16xf32>
        %swap3A_203 = vector.shape_cast %mul3A_198 : vector<16xf32> to vector<1x16xf32>
        tpu.vector_store %arg10[%swap3A_199, %swap3A_200], %swap3A_203 {strides = array<i32>} : memref<128x128xf32, #tpu.memory_space<vmem>>, vector<1x16xf32>,
        %get3A_204 = arith.index_cast %add3A_140 : i32 to index
        %get3A_205 = arith.constant 96 : index
        %get3A_206 = tpu.vector_load %arg10[%get3A_204, %get3A_205] {strides = array<i32>} : memref<128x128xf32, #tpu.memory_space<vmem>>, vector<1x16xf32>,
        %get3A_207 = vector.shape_cast %get3A_206 : vector<1x16xf32> to vector<16xf32>
        %mul3A_208 = arith.mulf %get3A_207, %broadcast_in_dim3A_143 : vector<16xf32>
        %swap3A_209 = arith.index_cast %add3A_140 : i32 to index
        %swap3A_210 = arith.constant 96 : index
        %swap3A_211 = tpu.vector_load %arg10[%swap3A_209, %swap3A_210] {strides = array<i32>} : memref<128x128xf32, #tpu.memory_space<vmem>>, vector<1x16xf32>,
        %swap3A_212 = vector.shape_cast %swap3A_211 : vector<1x16xf32> to vector<16xf32>
        %swap3A_213 = vector.shape_cast %mul3A_208 : vector<16xf32> to vector<1x16xf32>
        tpu.vector_store %arg10[%swap3A_209, %swap3A_210], %swap3A_213 {strides = array<i32>} : memref<128x128xf32, #tpu.memory_space<vmem>>, vector<1x16xf32>,
        %get3A_214 = arith.index_cast %add3A_140 : i32 to index
        %get3A_215 = arith.constant 112 : index
        %get3A_216 = tpu.vector_load %arg10[%get3A_214, %get3A_215] {strides = array<i32>} : memref<128x128xf32, #tpu.memory_space<vmem>>, vector<1x16xf32>,
        %get3A_217 = vector.shape_cast %get3A_216 : vector<1x16xf32> to vector<16xf32>
        %mul3A_218 = arith.mulf %get3A_217, %broadcast_in_dim3A_143 : vector<16xf32>
        %swap3A_219 = arith.index_cast %add3A_140 : i32 to index
        %swap3A_220 = arith.constant 112 : index
        %swap3A_221 = tpu.vector_load %arg10[%swap3A_219, %swap3A_220] {strides = array<i32>} : memref<128x128xf32, #tpu.memory_space<vmem>>, vector<1x16xf32>,
        %swap3A_222 = vector.shape_cast %swap3A_221 : vector<1x16xf32> to vector<16xf32>
        %swap3A_223 = vector.shape_cast %mul3A_218 : vector<16xf32> to vector<1x16xf32>
        tpu.vector_store %arg10[%swap3A_219, %swap3A_220], %swap3A_223 {strides = array<i32>} : memref<128x128xf32, #tpu.memory_space<vmem>>, vector<1x16xf32>,
        %mul3A_224 = arith.constant 16 : i32
        %mul3A_225 = arith.muli %add3A_49, %mul3A_224 : i32
        %add3A_226 = arith.constant 2 : i32
        %add3A_227 = arith.addi %mul3A_225, %add3A_226 : i32
        %slice3A_228 = vector.extract_strided_slice %get3A_53 {offsets = [2], sizes = [1], strides = [1]} : vector<16xf32> to vector<1xf32>
        %squeeze3A_229 = vector.extract %slice3A_228[0] : f32 from vector<1xf32>
        %broadcast_in_dim3A_230 = vector.broadcast %squeeze3A_229 : f32 to vector<16xf32>
        %get3A_231 = arith.index_cast %add3A_227 : i32 to index
        %get3A_232 = arith.constant 0 : index
        %get3A_233 = tpu.vector_load %arg10[%get3A_231, %get3A_232] {strides = array<i32>} : memref<128x128xf32, #tpu.memory_space<vmem>>, vector<1x16xf32>,
        %get3A_234 = vector.shape_cast %get3A_233 : vector<1x16xf32> to vector<16xf32>
        %mul3A_235 = arith.mulf %get3A_234, %broadcast_in_dim3A_230 : vector<16xf32>
        %swap3A_236 = arith.index_cast %add3A_227 : i32 to index
        %swap3A_237 = arith.constant 0 : index
        %swap3A_238 = tpu.vector_load %arg10[%swap3A_236, %swap3A_237] {strides = array<i32>} : memref<128x128xf32, #tpu.memory_space<vmem>>, vector<1x16xf32>,
        %swap3A_239 = vector.shape_cast %swap3A_238 : vector<1x16xf32> to vector<16xf32>
        %swap3A_240 = vector.shape_cast %mul3A_235 : vector<16xf32> to vector<1x16xf32>
        tpu.vector_store %arg10[%swap3A_236, %swap3A_237], %swap3A_240 {strides = array<i32>} : memref<128x128xf32, #tpu.memory_space<vmem>>, vector<1x16xf32>,
        %get3A_241 = arith.index_cast %add3A_227 : i32 to index
        %get3A_242 = arith.constant 16 : index
        %get3A_243 = tpu.vector_load %arg10[%get3A_241, %get3A_242] {strides = array<i32>} : memref<128x128xf32, #tpu.memory_space<vmem>>, vector<1x16xf32>,
        %get3A_244 = vector.shape_cast %get3A_243 : vector<1x16xf32> to vector<16xf32>
        %mul3A_245 = arith.mulf %get3A_244, %broadcast_in_dim3A_230 : vector<16xf32>
        %swap3A_246 = arith.index_cast %add3A_227 : i32 to index
        %swap3A_247 = arith.constant 16 : index
        %swap3A_248 = tpu.vector_load %arg10[%swap3A_246, %swap3A_247] {strides = array<i32>} : memref<128x128xf32, #tpu.memory_space<vmem>>, vector<1x16xf32>,
        %swap3A_249 = vector.shape_cast %swap3A_248 : vector<1x16xf32> to vector<16xf32>
        %swap3A_250 = vector.shape_cast %mul3A_245 : vector<16xf32> to vector<1x16xf32>
        tpu.vector_store %arg10[%swap3A_246, %swap3A_247], %swap3A_250 {strides = array<i32>} : memref<128x128xf32, #tpu.memory_space<vmem>>, vector<1x16xf32>,
        %get3A_251 = arith.index_cast %add3A_227 : i32 to index
        %get3A_252 = arith.constant 32 : index
        %get3A_253 = tpu.vector_load %arg10[%get3A_251, %get3A_252] {strides = array<i32>} : memref<128x128xf32, #tpu.memory_space<vmem>>, vector<1x16xf32>,
        %get3A_254 = vector.shape_cast %get3A_253 : vector<1x16xf32> to vector<16xf32>
        %mul3A_255 = arith.mulf %get3A_254, %broadcast_in_dim3A_230 : vector<16xf32>
        %swap3A_256 = arith.index_cast %add3A_227 : i32 to index
        %swap3A_257 = arith.constant 32 : index
        %swap3A_258 = tpu.vector_load %arg10[%swap3A_256, %swap3A_257] {strides = array<i32>} : memref<128x128xf32, #tpu.memory_space<vmem>>, vector<1x16xf32>,
        %swap3A_259 = vector.shape_cast %swap3A_258 : vector<1x16xf32> to vector<16xf32>
        %swap3A_260 = vector.shape_cast %mul3A_255 : vector<16xf32> to vector<1x16xf32>
        tpu.vector_store %arg10[%swap3A_256, %swap3A_257], %swap3A_260 {strides = array<i32>} : memref<128x128xf32, #tpu.memory_space<vmem>>, vector<1x16xf32>,
        %get3A_261 = arith.index_cast %add3A_227 : i32 to index
        %get3A_262 = arith.constant 48 : index
        %get3A_263 = tpu.vector_load %arg10[%get3A_261, %get3A_262] {strides = array<i32>} : memref<128x128xf32, #tpu.memory_space<vmem>>, vector<1x16xf32>,
        %get3A_264 = vector.shape_cast %get3A_263 : vector<1x16xf32> to vector<16xf32>
        %mul3A_265 = arith.mulf %get3A_264, %broadcast_in_dim3A_230 : vector<16xf32>
        %swap3A_266 = arith.index_cast %add3A_227 : i32 to index
        %swap3A_267 = arith.constant 48 : index
        %swap3A_268 = tpu.vector_load %arg10[%swap3A_266, %swap3A_267] {strides = array<i32>} : memref<128x128xf32, #tpu.memory_space<vmem>>, vector<1x16xf32>,
        %swap3A_269 = vector.shape_cast %swap3A_268 : vector<1x16xf32> to vector<16xf32>
        %swap3A_270 = vector.shape_cast %mul3A_265 : vector<16xf32> to vector<1x16xf32>
        tpu.vector_store %arg10[%swap3A_266, %swap3A_267], %swap3A_270 {strides = array<i32>} : memref<128x128xf32, #tpu.memory_space<vmem>>, vector<1x16xf32>,
        %get3A_271 = arith.index_cast %add3A_227 : i32 to index
        %get3A_272 = arith.constant 64 : index
        %get3A_273 = tpu.vector_load %arg10[%get3A_271, %get3A_272] {strides = array<i32>} : memref<128x128xf32, #tpu.memory_space<vmem>>, vector<1x16xf32>,
        %get3A_274 = vector.shape_cast %get3A_273 : vector<1x16xf32> to vector<16xf32>
        %mul3A_275 = arith.mulf %get3A_274, %broadcast_in_dim3A_230 : vector<16xf32>
        %swap3A_276 = arith.index_cast %add3A_227 : i32 to index
        %swap3A_277 = arith.constant 64 : index
        %swap3A_278 = tpu.vector_load %arg10[%swap3A_276, %swap3A_277] {strides = array<i32>} : memref<128x128xf32, #tpu.memory_space<vmem>>, vector<1x16xf32>,
        %swap3A_279 = vector.shape_cast %swap3A_278 : vector<1x16xf32> to vector<16xf32>
        %swap3A_280 = vector.shape_cast %mul3A_275 : vector<16xf32> to vector<1x16xf32>
        tpu.vector_store %arg10[%swap3A_276, %swap3A_277], %swap3A_280 {strides = array<i32>} : memref<128x128xf32, #tpu.memory_space<vmem>>, vector<1x16xf32>,
        %get3A_281 = arith.index_cast %add3A_227 : i32 to index
        %get3A_282 = arith.constant 80 : index
        %get3A_283 = tpu.vector_load %arg10[%get3A_281, %get3A_282] {strides = array<i32>} : memref<128x128xf32, #tpu.memory_space<vmem>>, vector<1x16xf32>,
        %get3A_284 = vector.shape_cast %get3A_283 : vector<1x16xf32> to vector<16xf32>
        %mul3A_285 = arith.mulf %get3A_284, %broadcast_in_dim3A_230 : vector<16xf32>
        %swap3A_286 = arith.index_cast %add3A_227 : i32 to index
        %swap3A_287 = arith.constant 80 : index
        %swap3A_288 = tpu.vector_load %arg10[%swap3A_286, %swap3A_287] {strides = array<i32>} : memref<128x128xf32, #tpu.memory_space<vmem>>, vector<1x16xf32>,
        %swap3A_289 = vector.shape_cast %swap3A_288 : vector<1x16xf32> to vector<16xf32>
        %swap3A_290 = vector.shape_cast %mul3A_285 : vector<16xf32> to vector<1x16xf32>
        tpu.vector_store %arg10[%swap3A_286, %swap3A_287], %swap3A_290 {strides = array<i32>} : memref<128x128xf32, #tpu.memory_space<vmem>>, vector<1x16xf32>,
        %get3A_291 = arith.index_cast %add3A_227 : i32 to index
        %get3A_292 = arith.constant 96 : index
        %get3A_293 = tpu.vector_load %arg10[%get3A_291, %get3A_292] {strides = array<i32>} : memref<128x128xf32, #tpu.memory_space<vmem>>, vector<1x16xf32>,
        %get3A_294 = vector.shape_cast %get3A_293 : vector<1x16xf32> to vector<16xf32>
        %mul3A_295 = arith.mulf %get3A_294, %broadcast_in_dim3A_230 : vector<16xf32>
        %swap3A_296 = arith.index_cast %add3A_227 : i32 to index
        %swap3A_297 = arith.constant 96 : index
        %swap3A_298 = tpu.vector_load %arg10[%swap3A_296, %swap3A_297] {strides = array<i32>} : memref<128x128xf32, #tpu.memory_space<vmem>>, vector<1x16xf32>,
        %swap3A_299 = vector.shape_cast %swap3A_298 : vector<1x16xf32> to vector<16xf32>
        %swap3A_300 = vector.shape_cast %mul3A_295 : vector<16xf32> to vector<1x16xf32>
        tpu.vector_store %arg10[%swap3A_296, %swap3A_297], %swap3A_300 {strides = array<i32>} : memref<128x128xf32, #tpu.memory_space<vmem>>, vector<1x16xf32>,
        %get3A_301 = arith.index_cast %add3A_227 : i32 to index
        %get3A_302 = arith.constant 112 : index
        %get3A_303 = tpu.vector_load %arg10[%get3A_301, %get3A_302] {strides = array<i32>} : memref<128x128xf32, #tpu.memory_space<vmem>>, vector<1x16xf32>,
        %get3A_304 = vector.shape_cast %get3A_303 : vector<1x16xf32> to vector<16xf32>
        %mul3A_305 = arith.mulf %get3A_304, %broadcast_in_dim3A_230 : vector<16xf32>
        %swap3A_306 = arith.index_cast %add3A_227 : i32 to index
        %swap3A_307 = arith.constant 112 : index
        %swap3A_308 = tpu.vector_load %arg10[%swap3A_306, %swap3A_307] {strides = array<i32>} : memref<128x128xf32, #tpu.memory_space<vmem>>, vector<1x16xf32>,
        %swap3A_309 = vector.shape_cast %swap3A_308 : vector<1x16xf32> to vector<16xf32>
        %swap3A_310 = vector.shape_cast %mul3A_305 : vector<16xf32> to vector<1x16xf32>
        tpu.vector_store %arg10[%swap3A_306, %swap3A_307], %swap3A_310 {strides = array<i32>} : memref<128x128xf32, #tpu.memory_space<vmem>>, vector<1x16xf32>,
        %mul3A_311 = arith.constant 16 : i32
        %mul3A_312 = arith.muli %add3A_49, %mul3A_311 : i32
        %add3A_313 = arith.constant 3 : i32
        %add3A_314 = arith.addi %mul3A_312, %add3A_313 : i32
        %slice3A_315 = vector.extract_strided_slice %get3A_53 {offsets = [3], sizes = [1], strides = [1]} : vector<16xf32> to vector<1xf32>
        %squeeze3A_316 = vector.extract %slice3A_315[0] : f32 from vector<1xf32>
        %broadcast_in_dim3A_317 = vector.broadcast %squeeze3A_316 : f32 to vector<16xf32>
        %get3A_318 = arith.index_cast %add3A_314 : i32 to index
        %get3A_319 = arith.constant 0 : index
        %get3A_320 = tpu.vector_load %arg10[%get3A_318, %get3A_319] {strides = array<i32>} : memref<128x128xf32, #tpu.memory_space<vmem>>, vector<1x16xf32>,
        %get3A_321 = vector.shape_cast %get3A_320 : vector<1x16xf32> to vector<16xf32>
        %mul3A_322 = arith.mulf %get3A_321, %broadcast_in_dim3A_317 : vector<16xf32>
        %swap3A_323 = arith.index_cast %add3A_314 : i32 to index
        %swap3A_324 = arith.constant 0 : index
        %swap3A_325 = tpu.vector_load %arg10[%swap3A_323, %swap3A_324] {strides = array<i32>} : memref<128x128xf32, #tpu.memory_space<vmem>>, vector<1x16xf32>,
        %swap3A_326 = vector.shape_cast %swap3A_325 : vector<1x16xf32> to vector<16xf32>
        %swap3A_327 = vector.shape_cast %mul3A_322 : vector<16xf32> to vector<1x16xf32>
        tpu.vector_store %arg10[%swap3A_323, %swap3A_324], %swap3A_327 {strides = array<i32>} : memref<128x128xf32, #tpu.memory_space<vmem>>, vector<1x16xf32>,
        %get3A_328 = arith.index_cast %add3A_314 : i32 to index
        %get3A_329 = arith.constant 16 : index
        %get3A_330 = tpu.vector_load %arg10[%get3A_328, %get3A_329] {strides = array<i32>} : memref<128x128xf32, #tpu.memory_space<vmem>>, vector<1x16xf32>,
        %get3A_331 = vector.shape_cast %get3A_330 : vector<1x16xf32> to vector<16xf32>
        %mul3A_332 = arith.mulf %get3A_331, %broadcast_in_dim3A_317 : vector<16xf32>
        %swap3A_333 = arith.index_cast %add3A_314 : i32 to index
        %swap3A_334 = arith.constant 16 : index
        %swap3A_335 = tpu.vector_load %arg10[%swap3A_333, %swap3A_334] {strides = array<i32>} : memref<128x128xf32, #tpu.memory_space<vmem>>, vector<1x16xf32>,
        %swap3A_336 = vector.shape_cast %swap3A_335 : vector<1x16xf32> to vector<16xf32>
        %swap3A_337 = vector.shape_cast %mul3A_332 : vector<16xf32> to vector<1x16xf32>
        tpu.vector_store %arg10[%swap3A_333, %swap3A_334], %swap3A_337 {strides = array<i32>} : memref<128x128xf32, #tpu.memory_space<vmem>>, vector<1x16xf32>,
        %get3A_338 = arith.index_cast %add3A_314 : i32 to index
        %get3A_339 = arith.constant 32 : index
        %get3A_340 = tpu.vector_load %arg10[%get3A_338, %get3A_339] {strides = array<i32>} : memref<128x128xf32, #tpu.memory_space<vmem>>, vector<1x16xf32>,
        %get3A_341 = vector.shape_cast %get3A_340 : vector<1x16xf32> to vector<16xf32>
        %mul3A_342 = arith.mulf %get3A_341, %broadcast_in_dim3A_317 : vector<16xf32>
        %swap3A_343 = arith.index_cast %add3A_314 : i32 to index
        %swap3A_344 = arith.constant 32 : index
        %swap3A_345 = tpu.vector_load %arg10[%swap3A_343, %swap3A_344] {strides = array<i32>} : memref<128x128xf32, #tpu.memory_space<vmem>>, vector<1x16xf32>,
        %swap3A_346 = vector.shape_cast %swap3A_345 : vector<1x16xf32> to vector<16xf32>
        %swap3A_347 = vector.shape_cast %mul3A_342 : vector<16xf32> to vector<1x16xf32>
        tpu.vector_store %arg10[%swap3A_343, %swap3A_344], %swap3A_347 {strides = array<i32>} : memref<128x128xf32, #tpu.memory_space<vmem>>, vector<1x16xf32>,
        %get3A_348 = arith.index_cast %add3A_314 : i32 to index
        %get3A_349 = arith.constant 48 : index
        %get3A_350 = tpu.vector_load %arg10[%get3A_348, %get3A_349] {strides = array<i32>} : memref<128x128xf32, #tpu.memory_space<vmem>>, vector<1x16xf32>,
        %get3A_351 = vector.shape_cast %get3A_350 : vector<1x16xf32> to vector<16xf32>
        %mul3A_352 = arith.mulf %get3A_351, %broadcast_in_dim3A_317 : vector<16xf32>
        %swap3A_353 = arith.index_cast %add3A_314 : i32 to index
        %swap3A_354 = arith.constant 48 : index
        %swap3A_355 = tpu.vector_load %arg10[%swap3A_353, %swap3A_354] {strides = array<i32>} : memref<128x128xf32, #tpu.memory_space<vmem>>, vector<1x16xf32>,
        %swap3A_356 = vector.shape_cast %swap3A_355 : vector<1x16xf32> to vector<16xf32>
        %swap3A_357 = vector.shape_cast %mul3A_352 : vector<16xf32> to vector<1x16xf32>
        tpu.vector_store %arg10[%swap3A_353, %swap3A_354], %swap3A_357 {strides = array<i32>} : memref<128x128xf32, #tpu.memory_space<vmem>>, vector<1x16xf32>,
        %get3A_358 = arith.index_cast %add3A_314 : i32 to index
        %get3A_359 = arith.constant 64 : index
        %get3A_360 = tpu.vector_load %arg10[%get3A_358, %get3A_359] {strides = array<i32>} : memref<128x128xf32, #tpu.memory_space<vmem>>, vector<1x16xf32>,
        %get3A_361 = vector.shape_cast %get3A_360 : vector<1x16xf32> to vector<16xf32>
        %mul3A_362 = arith.mulf %get3A_361, %broadcast_in_dim3A_317 : vector<16xf32>
        %swap3A_363 = arith.index_cast %add3A_314 : i32 to index
        %swap3A_364 = arith.constant 64 : index
        %swap3A_365 = tpu.vector_load %arg10[%swap3A_363, %swap3A_364] {strides = array<i32>} : memref<128x128xf32, #tpu.memory_space<vmem>>, vector<1x16xf32>,
        %swap3A_366 = vector.shape_cast %swap3A_365 : vector<1x16xf32> to vector<16xf32>
        %swap3A_367 = vector.shape_cast %mul3A_362 : vector<16xf32> to vector<1x16xf32>
        tpu.vector_store %arg10[%swap3A_363, %swap3A_364], %swap3A_367 {strides = array<i32>} : memref<128x128xf32, #tpu.memory_space<vmem>>, vector<1x16xf32>,
        %get3A_368 = arith.index_cast %add3A_314 : i32 to index
        %get3A_369 = arith.constant 80 : index
        %get3A_370 = tpu.vector_load %arg10[%get3A_368, %get3A_369] {strides = array<i32>} : memref<128x128xf32, #tpu.memory_space<vmem>>, vector<1x16xf32>,
        %get3A_371 = vector.shape_cast %get3A_370 : vector<1x16xf32> to vector<16xf32>
        %mul3A_372 = arith.mulf %get3A_371, %broadcast_in_dim3A_317 : vector<16xf32>
        %swap3A_373 = arith.index_cast %add3A_314 : i32 to index
        %swap3A_374 = arith.constant 80 : index
        %swap3A_375 = tpu.vector_load %arg10[%swap3A_373, %swap3A_374] {strides = array<i32>} : memref<128x128xf32, #tpu.memory_space<vmem>>, vector<1x16xf32>,
        %swap3A_376 = vector.shape_cast %swap3A_375 : vector<1x16xf32> to vector<16xf32>
        %swap3A_377 = vector.shape_cast %mul3A_372 : vector<16xf32> to vector<1x16xf32>
        tpu.vector_store %arg10[%swap3A_373, %swap3A_374], %swap3A_377 {strides = array<i32>} : memref<128x128xf32, #tpu.memory_space<vmem>>, vector<1x16xf32>,
        %get3A_378 = arith.index_cast %add3A_314 : i32 to index
        %get3A_379 = arith.constant 96 : index
        %get3A_380 = tpu.vector_load %arg10[%get3A_378, %get3A_379] {strides = array<i32>} : memref<128x128xf32, #tpu.memory_space<vmem>>, vector<1x16xf32>,
        %get3A_381 = vector.shape_cast %get3A_380 : vector<1x16xf32> to vector<16xf32>
        %mul3A_382 = arith.mulf %get3A_381, %broadcast_in_dim3A_317 : vector<16xf32>
        %swap3A_383 = arith.index_cast %add3A_314 : i32 to index
        %swap3A_384 = arith.constant 96 : index
        %swap3A_385 = tpu.vector_load %arg10[%swap3A_383, %swap3A_384] {strides = array<i32>} : memref<128x128xf32, #tpu.memory_space<vmem>>, vector<1x16xf32>,
        %swap3A_386 = vector.shape_cast %swap3A_385 : vector<1x16xf32> to vector<16xf32>
        %swap3A_387 = vector.shape_cast %mul3A_382 : vector<16xf32> to vector<1x16xf32>
        tpu.vector_store %arg10[%swap3A_383, %swap3A_384], %swap3A_387 {strides = array<i32>} : memref<128x128xf32, #tpu.memory_space<vmem>>, vector<1x16xf32>,
        %get3A_388 = arith.index_cast %add3A_314 : i32 to index
        %get3A_389 = arith.constant 112 : index
        %get3A_390 = tpu.vector_load %arg10[%get3A_388, %get3A_389] {strides = array<i32>} : memref<128x128xf32, #tpu.memory_space<vmem>>, vector<1x16xf32>,
        %get3A_391 = vector.shape_cast %get3A_390 : vector<1x16xf32> to vector<16xf32>
        %mul3A_392 = arith.mulf %get3A_391, %broadcast_in_dim3A_317 : vector<16xf32>
        %swap3A_393 = arith.index_cast %add3A_314 : i32 to index
        %swap3A_394 = arith.constant 112 : index
        %swap3A_395 = tpu.vector_load %arg10[%swap3A_393, %swap3A_394] {strides = array<i32>} : memref<128x128xf32, #tpu.memory_space<vmem>>, vector<1x16xf32>,
        %swap3A_396 = vector.shape_cast %swap3A_395 : vector<1x16xf32> to vector<16xf32>
        %swap3A_397 = vector.shape_cast %mul3A_392 : vector<16xf32> to vector<1x16xf32>
        tpu.vector_store %arg10[%swap3A_393, %swap3A_394], %swap3A_397 {strides = array<i32>} : memref<128x128xf32, #tpu.memory_space<vmem>>, vector<1x16xf32>,
        %mul3A_398 = arith.constant 16 : i32
        %mul3A_399 = arith.muli %add3A_49, %mul3A_398 : i32
        %add3A_400 = arith.constant 4 : i32
        %add3A_401 = arith.addi %mul3A_399, %add3A_400 : i32
        %slice3A_402 = vector.extract_strided_slice %get3A_53 {offsets = [4], sizes = [1], strides = [1]} : vector<16xf32> to vector<1xf32>
        %squeeze3A_403 = vector.extract %slice3A_402[0] : f32 from vector<1xf32>
        %broadcast_in_dim3A_404 = vector.broadcast %squeeze3A_403 : f32 to vector<16xf32>
        %get3A_405 = arith.index_cast %add3A_401 : i32 to index
        %get3A_406 = arith.constant 0 : index
        %get3A_407 = tpu.vector_load %arg10[%get3A_405, %get3A_406] {strides = array<i32>} : memref<128x128xf32, #tpu.memory_space<vmem>>, vector<1x16xf32>,
        %get3A_408 = vector.shape_cast %get3A_407 : vector<1x16xf32> to vector<16xf32>
        %mul3A_409 = arith.mulf %get3A_408, %broadcast_in_dim3A_404 : vector<16xf32>
        %swap3A_410 = arith.index_cast %add3A_401 : i32 to index
        %swap3A_411 = arith.constant 0 : index
        %swap3A_412 = tpu.vector_load %arg10[%swap3A_410, %swap3A_411] {strides = array<i32>} : memref<128x128xf32, #tpu.memory_space<vmem>>, vector<1x16xf32>,
        %swap3A_413 = vector.shape_cast %swap3A_412 : vector<1x16xf32> to vector<16xf32>
        %swap3A_414 = vector.shape_cast %mul3A_409 : vector<16xf32> to vector<1x16xf32>
        tpu.vector_store %arg10[%swap3A_410, %swap3A_411], %swap3A_414 {strides = array<i32>} : memref<128x128xf32, #tpu.memory_space<vmem>>, vector<1x16xf32>,
        %get3A_415 = arith.index_cast %add3A_401 : i32 to index
        %get3A_416 = arith.constant 16 : index
        %get3A_417 = tpu.vector_load %arg10[%get3A_415, %get3A_416] {strides = array<i32>} : memref<128x128xf32, #tpu.memory_space<vmem>>, vector<1x16xf32>,
        %get3A_418 = vector.shape_cast %get3A_417 : vector<1x16xf32> to vector<16xf32>
        %mul3A_419 = arith.mulf %get3A_418, %broadcast_in_dim3A_404 : vector<16xf32>
        %swap3A_420 = arith.index_cast %add3A_401 : i32 to index
        %swap3A_421 = arith.constant 16 : index
        %swap3A_422 = tpu.vector_load %arg10[%swap3A_420, %swap3A_421] {strides = array<i32>} : memref<128x128xf32, #tpu.memory_space<vmem>>, vector<1x16xf32>,
        %swap3A_423 = vector.shape_cast %swap3A_422 : vector<1x16xf32> to vector<16xf32>
        %swap3A_424 = vector.shape_cast %mul3A_419 : vector<16xf32> to vector<1x16xf32>
        tpu.vector_store %arg10[%swap3A_420, %swap3A_421], %swap3A_424 {strides = array<i32>} : memref<128x128xf32, #tpu.memory_space<vmem>>, vector<1x16xf32>,
        %get3A_425 = arith.index_cast %add3A_401 : i32 to index
        %get3A_426 = arith.constant 32 : index
        %get3A_427 = tpu.vector_load %arg10[%get3A_425, %get3A_426] {strides = array<i32>} : memref<128x128xf32, #tpu.memory_space<vmem>>, vector<1x16xf32>,
        %get3A_428 = vector.shape_cast %get3A_427 : vector<1x16xf32> to vector<16xf32>
        %mul3A_429 = arith.mulf %get3A_428, %broadcast_in_dim3A_404 : vector<16xf32>
        %swap3A_430 = arith.index_cast %add3A_401 : i32 to index
        %swap3A_431 = arith.constant 32 : index
        %swap3A_432 = tpu.vector_load %arg10[%swap3A_430, %swap3A_431] {strides = array<i32>} : memref<128x128xf32, #tpu.memory_space<vmem>>, vector<1x16xf32>,
        %swap3A_433 = vector.shape_cast %swap3A_432 : vector<1x16xf32> to vector<16xf32>
        %swap3A_434 = vector.shape_cast %mul3A_429 : vector<16xf32> to vector<1x16xf32>
        tpu.vector_store %arg10[%swap3A_430, %swap3A_431], %swap3A_434 {strides = array<i32>} : memref<128x128xf32, #tpu.memory_space<vmem>>, vector<1x16xf32>,
        %get3A_435 = arith.index_cast %add3A_401 : i32 to index
        %get3A_436 = arith.constant 48 : index
        %get3A_437 = tpu.vector_load %arg10[%get3A_435, %get3A_436] {strides = array<i32>} : memref<128x128xf32, #tpu.memory_space<vmem>>, vector<1x16xf32>,
        %get3A_438 = vector.shape_cast %get3A_437 : vector<1x16xf32> to vector<16xf32>
        %mul3A_439 = arith.mulf %get3A_438, %broadcast_in_dim3A_404 : vector<16xf32>
        %swap3A_440 = arith.index_cast %add3A_401 : i32 to index
        %swap3A_441 = arith.constant 48 : index
        %swap3A_442 = tpu.vector_load %arg10[%swap3A_440, %swap3A_441] {strides = array<i32>} : memref<128x128xf32, #tpu.memory_space<vmem>>, vector<1x16xf32>,
        %swap3A_443 = vector.shape_cast %swap3A_442 : vector<1x16xf32> to vector<16xf32>
        %swap3A_444 = vector.shape_cast %mul3A_439 : vector<16xf32> to vector<1x16xf32>
        tpu.vector_store %arg10[%swap3A_440, %swap3A_441], %swap3A_444 {strides = array<i32>} : memref<128x128xf32, #tpu.memory_space<vmem>>, vector<1x16xf32>,
        %get3A_445 = arith.index_cast %add3A_401 : i32 to index
        %get3A_446 = arith.constant 64 : index
        %get3A_447 = tpu.vector_load %arg10[%get3A_445, %get3A_446] {strides = array<i32>} : memref<128x128xf32, #tpu.memory_space<vmem>>, vector<1x16xf32>,
        %get3A_448 = vector.shape_cast %get3A_447 : vector<1x16xf32> to vector<16xf32>
        %mul3A_449 = arith.mulf %get3A_448, %broadcast_in_dim3A_404 : vector<16xf32>
        %swap3A_450 = arith.index_cast %add3A_401 : i32 to index
        %swap3A_451 = arith.constant 64 : index
        %swap3A_452 = tpu.vector_load %arg10[%swap3A_450, %swap3A_451] {strides = array<i32>} : memref<128x128xf32, #tpu.memory_space<vmem>>, vector<1x16xf32>,
        %swap3A_453 = vector.shape_cast %swap3A_452 : vector<1x16xf32> to vector<16xf32>
        %swap3A_454 = vector.shape_cast %mul3A_449 : vector<16xf32> to vector<1x16xf32>
        tpu.vector_store %arg10[%swap3A_450, %swap3A_451], %swap3A_454 {strides = array<i32>} : memref<128x128xf32, #tpu.memory_space<vmem>>, vector<1x16xf32>,
        %get3A_455 = arith.index_cast %add3A_401 : i32 to index
        %get3A_456 = arith.constant 80 : index
        %get3A_457 = tpu.vector_load %arg10[%get3A_455, %get3A_456] {strides = array<i32>} : memref<128x128xf32, #tpu.memory_space<vmem>>, vector<1x16xf32>,
        %get3A_458 = vector.shape_cast %get3A_457 : vector<1x16xf32> to vector<16xf32>
        %mul3A_459 = arith.mulf %get3A_458, %broadcast_in_dim3A_404 : vector<16xf32>
        %swap3A_460 = arith.index_cast %add3A_401 : i32 to index
        %swap3A_461 = arith.constant 80 : index
        %swap3A_462 = tpu.vector_load %arg10[%swap3A_460, %swap3A_461] {strides = array<i32>} : memref<128x128xf32, #tpu.memory_space<vmem>>, vector<1x16xf32>,
        %swap3A_463 = vector.shape_cast %swap3A_462 : vector<1x16xf32> to vector<16xf32>
        %swap3A_464 = vector.shape_cast %mul3A_459 : vector<16xf32> to vector<1x16xf32>
        tpu.vector_store %arg10[%swap3A_460, %swap3A_461], %swap3A_464 {strides = array<i32>} : memref<128x128xf32, #tpu.memory_space<vmem>>, vector<1x16xf32>,
        %get3A_465 = arith.index_cast %add3A_401 : i32 to index
        %get3A_466 = arith.constant 96 : index
        %get3A_467 = tpu.vector_load %arg10[%get3A_465, %get3A_466] {strides = array<i32>} : memref<128x128xf32, #tpu.memory_space<vmem>>, vector<1x16xf32>,
        %get3A_468 = vector.shape_cast %get3A_467 : vector<1x16xf32> to vector<16xf32>
        %mul3A_469 = arith.mulf %get3A_468, %broadcast_in_dim3A_404 : vector<16xf32>
        %swap3A_470 = arith.index_cast %add3A_401 : i32 to index
        %swap3A_471 = arith.constant 96 : index
        %swap3A_472 = tpu.vector_load %arg10[%swap3A_470, %swap3A_471] {strides = array<i32>} : memref<128x128xf32, #tpu.memory_space<vmem>>, vector<1x16xf32>,
        %swap3A_473 = vector.shape_cast %swap3A_472 : vector<1x16xf32> to vector<16xf32>
        %swap3A_474 = vector.shape_cast %mul3A_469 : vector<16xf32> to vector<1x16xf32>
        tpu.vector_store %arg10[%swap3A_470, %swap3A_471], %swap3A_474 {strides = array<i32>} : memref<128x128xf32, #tpu.memory_space<vmem>>, vector<1x16xf32>,
        %get3A_475 = arith.index_cast %add3A_401 : i32 to index
        %get3A_476 = arith.constant 112 : index
        %get3A_477 = tpu.vector_load %arg10[%get3A_475, %get3A_476] {strides = array<i32>} : memref<128x128xf32, #tpu.memory_space<vmem>>, vector<1x16xf32>,
        %get3A_478 = vector.shape_cast %get3A_477 : vector<1x16xf32> to vector<16xf32>
        %mul3A_479 = arith.mulf %get3A_478, %broadcast_in_dim3A_404 : vector<16xf32>
        %swap3A_480 = arith.index_cast %add3A_401 : i32 to index
        %swap3A_481 = arith.constant 112 : index
        %swap3A_482 = tpu.vector_load %arg10[%swap3A_480, %swap3A_481] {strides = array<i32>} : memref<128x128xf32, #tpu.memory_space<vmem>>, vector<1x16xf32>,
        %swap3A_483 = vector.shape_cast %swap3A_482 : vector<1x16xf32> to vector<16xf32>
        %swap3A_484 = vector.shape_cast %mul3A_479 : vector<16xf32> to vector<1x16xf32>
        tpu.vector_store %arg10[%swap3A_480, %swap3A_481], %swap3A_484 {strides = array<i32>} : memref<128x128xf32, #tpu.memory_space<vmem>>, vector<1x16xf32>,
        %mul3A_485 = arith.constant 16 : i32
        %mul3A_486 = arith.muli %add3A_49, %mul3A_485 : i32
        %add3A_487 = arith.constant 5 : i32
        %add3A_488 = arith.addi %mul3A_486, %add3A_487 : i32
        %slice3A_489 = vector.extract_strided_slice %get3A_53 {offsets = [5], sizes = [1], strides = [1]} : vector<16xf32> to vector<1xf32>
        %squeeze3A_490 = vector.extract %slice3A_489[0] : f32 from vector<1xf32>
        %broadcast_in_dim3A_491 = vector.broadcast %squeeze3A_490 : f32 to vector<16xf32>
        %get3A_492 = arith.index_cast %add3A_488 : i32 to index
        %get3A_493 = arith.constant 0 : index
        %get3A_494 = tpu.vector_load %arg10[%get3A_492, %get3A_493] {strides = array<i32>} : memref<128x128xf32, #tpu.memory_space<vmem>>, vector<1x16xf32>,
        %get3A_495 = vector.shape_cast %get3A_494 : vector<1x16xf32> to vector<16xf32>
        %mul3A_496 = arith.mulf %get3A_495, %broadcast_in_dim3A_491 : vector<16xf32>
        %swap3A_497 = arith.index_cast %add3A_488 : i32 to index
        %swap3A_498 = arith.constant 0 : index
        %swap3A_499 = tpu.vector_load %arg10[%swap3A_497, %swap3A_498] {strides = array<i32>} : memref<128x128xf32, #tpu.memory_space<vmem>>, vector<1x16xf32>,
        %swap3A_500 = vector.shape_cast %swap3A_499 : vector<1x16xf32> to vector<16xf32>
        %swap3A_501 = vector.shape_cast %mul3A_496 : vector<16xf32> to vector<1x16xf32>
        tpu.vector_store %arg10[%swap3A_497, %swap3A_498], %swap3A_501 {strides = array<i32>} : memref<128x128xf32, #tpu.memory_space<vmem>>, vector<1x16xf32>,
        %get3A_502 = arith.index_cast %add3A_488 : i32 to index
        %get3A_503 = arith.constant 16 : index
        %get3A_504 = tpu.vector_load %arg10[%get3A_502, %get3A_503] {strides = array<i32>} : memref<128x128xf32, #tpu.memory_space<vmem>>, vector<1x16xf32>,
        %get3A_505 = vector.shape_cast %get3A_504 : vector<1x16xf32> to vector<16xf32>
        %mul3A_506 = arith.mulf %get3A_505, %broadcast_in_dim3A_491 : vector<16xf32>
        %swap3A_507 = arith.index_cast %add3A_488 : i32 to index
        %swap3A_508 = arith.constant 16 : index
        %swap3A_509 = tpu.vector_load %arg10[%swap3A_507, %swap3A_508] {strides = array<i32>} : memref<128x128xf32, #tpu.memory_space<vmem>>, vector<1x16xf32>,
        %swap3A_510 = vector.shape_cast %swap3A_509 : vector<1x16xf32> to vector<16xf32>
        %swap3A_511 = vector.shape_cast %mul3A_506 : vector<16xf32> to vector<1x16xf32>
        tpu.vector_store %arg10[%swap3A_507, %swap3A_508], %swap3A_511 {strides = array<i32>} : memref<128x128xf32, #tpu.memory_space<vmem>>, vector<1x16xf32>,
        %get3A_512 = arith.index_cast %add3A_488 : i32 to index
        %get3A_513 = arith.constant 32 : index
        %get3A_514 = tpu.vector_load %arg10[%get3A_512, %get3A_513] {strides = array<i32>} : memref<128x128xf32, #tpu.memory_space<vmem>>, vector<1x16xf32>,
        %get3A_515 = vector.shape_cast %get3A_514 : vector<1x16xf32> to vector<16xf32>
        %mul3A_516 = arith.mulf %get3A_515, %broadcast_in_dim3A_491 : vector<16xf32>
        %swap3A_517 = arith.index_cast %add3A_488 : i32 to index
        %swap3A_518 = arith.constant 32 : index
        %swap3A_519 = tpu.vector_load %arg10[%swap3A_517, %swap3A_518] {strides = array<i32>} : memref<128x128xf32, #tpu.memory_space<vmem>>, vector<1x16xf32>,
        %swap3A_520 = vector.shape_cast %swap3A_519 : vector<1x16xf32> to vector<16xf32>
        %swap3A_521 = vector.shape_cast %mul3A_516 : vector<16xf32> to vector<1x16xf32>
        tpu.vector_store %arg10[%swap3A_517, %swap3A_518], %swap3A_521 {strides = array<i32>} : memref<128x128xf32, #tpu.memory_space<vmem>>, vector<1x16xf32>,
        %get3A_522 = arith.index_cast %add3A_488 : i32 to index
        %get3A_523 = arith.constant 48 : index
        %get3A_524 = tpu.vector_load %arg10[%get3A_522, %get3A_523] {strides = array<i32>} : memref<128x128xf32, #tpu.memory_space<vmem>>, vector<1x16xf32>,
        %get3A_525 = vector.shape_cast %get3A_524 : vector<1x16xf32> to vector<16xf32>
        %mul3A_526 = arith.mulf %get3A_525, %broadcast_in_dim3A_491 : vector<16xf32>
        %swap3A_527 = arith.index_cast %add3A_488 : i32 to index
        %swap3A_528 = arith.constant 48 : index
        %swap3A_529 = tpu.vector_load %arg10[%swap3A_527, %swap3A_528] {strides = array<i32>} : memref<128x128xf32, #tpu.memory_space<vmem>>, vector<1x16xf32>,
        %swap3A_530 = vector.shape_cast %swap3A_529 : vector<1x16xf32> to vector<16xf32>
        %swap3A_531 = vector.shape_cast %mul3A_526 : vector<16xf32> to vector<1x16xf32>
        tpu.vector_store %arg10[%swap3A_527, %swap3A_528], %swap3A_531 {strides = array<i32>} : memref<128x128xf32, #tpu.memory_space<vmem>>, vector<1x16xf32>,
        %get3A_532 = arith.index_cast %add3A_488 : i32 to index
        %get3A_533 = arith.constant 64 : index
        %get3A_534 = tpu.vector_load %arg10[%get3A_532, %get3A_533] {strides = array<i32>} : memref<128x128xf32, #tpu.memory_space<vmem>>, vector<1x16xf32>,
        %get3A_535 = vector.shape_cast %get3A_534 : vector<1x16xf32> to vector<16xf32>
        %mul3A_536 = arith.mulf %get3A_535, %broadcast_in_dim3A_491 : vector<16xf32>
        %swap3A_537 = arith.index_cast %add3A_488 : i32 to index
        %swap3A_538 = arith.constant 64 : index
        %swap3A_539 = tpu.vector_load %arg10[%swap3A_537, %swap3A_538] {strides = array<i32>} : memref<128x128xf32, #tpu.memory_space<vmem>>, vector<1x16xf32>,
        %swap3A_540 = vector.shape_cast %swap3A_539 : vector<1x16xf32> to vector<16xf32>
        %swap3A_541 = vector.shape_cast %mul3A_536 : vector<16xf32> to vector<1x16xf32>
        tpu.vector_store %arg10[%swap3A_537, %swap3A_538], %swap3A_541 {strides = array<i32>} : memref<128x128xf32, #tpu.memory_space<vmem>>, vector<1x16xf32>,
        %get3A_542 = arith.index_cast %add3A_488 : i32 to index
        %get3A_543 = arith.constant 80 : index
        %get3A_544 = tpu.vector_load %arg10[%get3A_542, %get3A_543] {strides = array<i32>} : memref<128x128xf32, #tpu.memory_space<vmem>>, vector<1x16xf32>,
        %get3A_545 = vector.shape_cast %get3A_544 : vector<1x16xf32> to vector<16xf32>
        %mul3A_546 = arith.mulf %get3A_545, %broadcast_in_dim3A_491 : vector<16xf32>
        %swap3A_547 = arith.index_cast %add3A_488 : i32 to index
        %swap3A_548 = arith.constant 80 : index
        %swap3A_549 = tpu.vector_load %arg10[%swap3A_547, %swap3A_548] {strides = array<i32>} : memref<128x128xf32, #tpu.memory_space<vmem>>, vector<1x16xf32>,
        %swap3A_550 = vector.shape_cast %swap3A_549 : vector<1x16xf32> to vector<16xf32>
        %swap3A_551 = vector.shape_cast %mul3A_546 : vector<16xf32> to vector<1x16xf32>
        tpu.vector_store %arg10[%swap3A_547, %swap3A_548], %swap3A_551 {strides = array<i32>} : memref<128x128xf32, #tpu.memory_space<vmem>>, vector<1x16xf32>,
        %get3A_552 = arith.index_cast %add3A_488 : i32 to index
        %get3A_553 = arith.constant 96 : index
        %get3A_554 = tpu.vector_load %arg10[%get3A_552, %get3A_553] {strides = array<i32>} : memref<128x128xf32, #tpu.memory_space<vmem>>, vector<1x16xf32>,
        %get3A_555 = vector.shape_cast %get3A_554 : vector<1x16xf32> to vector<16xf32>
        %mul3A_556 = arith.mulf %get3A_555, %broadcast_in_dim3A_491 : vector<16xf32>
        %swap3A_557 = arith.index_cast %add3A_488 : i32 to index
        %swap3A_558 = arith.constant 96 : index
        %swap3A_559 = tpu.vector_load %arg10[%swap3A_557, %swap3A_558] {strides = array<i32>} : memref<128x128xf32, #tpu.memory_space<vmem>>, vector<1x16xf32>,
        %swap3A_560 = vector.shape_cast %swap3A_559 : vector<1x16xf32> to vector<16xf32>
        %swap3A_561 = vector.shape_cast %mul3A_556 : vector<16xf32> to vector<1x16xf32>
        tpu.vector_store %arg10[%swap3A_557, %swap3A_558], %swap3A_561 {strides = array<i32>} : memref<128x128xf32, #tpu.memory_space<vmem>>, vector<1x16xf32>,
        %get3A_562 = arith.index_cast %add3A_488 : i32 to index
        %get3A_563 = arith.constant 112 : index
        %get3A_564 = tpu.vector_load %arg10[%get3A_562, %get3A_563] {strides = array<i32>} : memref<128x128xf32, #tpu.memory_space<vmem>>, vector<1x16xf32>,
        %get3A_565 = vector.shape_cast %get3A_564 : vector<1x16xf32> to vector<16xf32>
        %mul3A_566 = arith.mulf %get3A_565, %broadcast_in_dim3A_491 : vector<16xf32>
        %swap3A_567 = arith.index_cast %add3A_488 : i32 to index
        %swap3A_568 = arith.constant 112 : index
        %swap3A_569 = tpu.vector_load %arg10[%swap3A_567, %swap3A_568] {strides = array<i32>} : memref<128x128xf32, #tpu.memory_space<vmem>>, vector<1x16xf32>,
        %swap3A_570 = vector.shape_cast %swap3A_569 : vector<1x16xf32> to vector<16xf32>
        %swap3A_571 = vector.shape_cast %mul3A_566 : vector<16xf32> to vector<1x16xf32>
        tpu.vector_store %arg10[%swap3A_567, %swap3A_568], %swap3A_571 {strides = array<i32>} : memref<128x128xf32, #tpu.memory_space<vmem>>, vector<1x16xf32>,
        %mul3A_572 = arith.constant 16 : i32
        %mul3A_573 = arith.muli %add3A_49, %mul3A_572 : i32
        %add3A_574 = arith.constant 6 : i32
        %add3A_575 = arith.addi %mul3A_573, %add3A_574 : i32
        %slice3A_576 = vector.extract_strided_slice %get3A_53 {offsets = [6], sizes = [1], strides = [1]} : vector<16xf32> to vector<1xf32>
        %squeeze3A_577 = vector.extract %slice3A_576[0] : f32 from vector<1xf32>
        %broadcast_in_dim3A_578 = vector.broadcast %squeeze3A_577 : f32 to vector<16xf32>
        %get3A_579 = arith.index_cast %add3A_575 : i32 to index
        %get3A_580 = arith.constant 0 : index
        %get3A_581 = tpu.vector_load %arg10[%get3A_579, %get3A_580] {strides = array<i32>} : memref<128x128xf32, #tpu.memory_space<vmem>>, vector<1x16xf32>,
        %get3A_582 = vector.shape_cast %get3A_581 : vector<1x16xf32> to vector<16xf32>
        %mul3A_583 = arith.mulf %get3A_582, %broadcast_in_dim3A_578 : vector<16xf32>
        %swap3A_584 = arith.index_cast %add3A_575 : i32 to index
        %swap3A_585 = arith.constant 0 : index
        %swap3A_586 = tpu.vector_load %arg10[%swap3A_584, %swap3A_585] {strides = array<i32>} : memref<128x128xf32, #tpu.memory_space<vmem>>, vector<1x16xf32>,
        %swap3A_587 = vector.shape_cast %swap3A_586 : vector<1x16xf32> to vector<16xf32>
        %swap3A_588 = vector.shape_cast %mul3A_583 : vector<16xf32> to vector<1x16xf32>
        tpu.vector_store %arg10[%swap3A_584, %swap3A_585], %swap3A_588 {strides = array<i32>} : memref<128x128xf32, #tpu.memory_space<vmem>>, vector<1x16xf32>,
        %get3A_589 = arith.index_cast %add3A_575 : i32 to index
        %get3A_590 = arith.constant 16 : index
        %get3A_591 = tpu.vector_load %arg10[%get3A_589, %get3A_590] {strides = array<i32>} : memref<128x128xf32, #tpu.memory_space<vmem>>, vector<1x16xf32>,
        %get3A_592 = vector.shape_cast %get3A_591 : vector<1x16xf32> to vector<16xf32>
        %mul3A_593 = arith.mulf %get3A_592, %broadcast_in_dim3A_578 : vector<16xf32>
        %swap3A_594 = arith.index_cast %add3A_575 : i32 to index
        %swap3A_595 = arith.constant 16 : index
        %swap3A_596 = tpu.vector_load %arg10[%swap3A_594, %swap3A_595] {strides = array<i32>} : memref<128x128xf32, #tpu.memory_space<vmem>>, vector<1x16xf32>,
        %swap3A_597 = vector.shape_cast %swap3A_596 : vector<1x16xf32> to vector<16xf32>
        %swap3A_598 = vector.shape_cast %mul3A_593 : vector<16xf32> to vector<1x16xf32>
        tpu.vector_store %arg10[%swap3A_594, %swap3A_595], %swap3A_598 {strides = array<i32>} : memref<128x128xf32, #tpu.memory_space<vmem>>, vector<1x16xf32>,
        %get3A_599 = arith.index_cast %add3A_575 : i32 to index
        %get3A_600 = arith.constant 32 : index
        %get3A_601 = tpu.vector_load %arg10[%get3A_599, %get3A_600] {strides = array<i32>} : memref<128x128xf32, #tpu.memory_space<vmem>>, vector<1x16xf32>,
        %get3A_602 = vector.shape_cast %get3A_601 : vector<1x16xf32> to vector<16xf32>
        %mul3A_603 = arith.mulf %get3A_602, %broadcast_in_dim3A_578 : vector<16xf32>
        %swap3A_604 = arith.index_cast %add3A_575 : i32 to index
        %swap3A_605 = arith.constant 32 : index
        %swap3A_606 = tpu.vector_load %arg10[%swap3A_604, %swap3A_605] {strides = array<i32>} : memref<128x128xf32, #tpu.memory_space<vmem>>, vector<1x16xf32>,
        %swap3A_607 = vector.shape_cast %swap3A_606 : vector<1x16xf32> to vector<16xf32>
        %swap3A_608 = vector.shape_cast %mul3A_603 : vector<16xf32> to vector<1x16xf32>
        tpu.vector_store %arg10[%swap3A_604, %swap3A_605], %swap3A_608 {strides = array<i32>} : memref<128x128xf32, #tpu.memory_space<vmem>>, vector<1x16xf32>,
        %get3A_609 = arith.index_cast %add3A_575 : i32 to index
        %get3A_610 = arith.constant 48 : index
        %get3A_611 = tpu.vector_load %arg10[%get3A_609, %get3A_610] {strides = array<i32>} : memref<128x128xf32, #tpu.memory_space<vmem>>, vector<1x16xf32>,
        %get3A_612 = vector.shape_cast %get3A_611 : vector<1x16xf32> to vector<16xf32>
        %mul3A_613 = arith.mulf %get3A_612, %broadcast_in_dim3A_578 : vector<16xf32>
        %swap3A_614 = arith.index_cast %add3A_575 : i32 to index
        %swap3A_615 = arith.constant 48 : index
        %swap3A_616 = tpu.vector_load %arg10[%swap3A_614, %swap3A_615] {strides = array<i32>} : memref<128x128xf32, #tpu.memory_space<vmem>>, vector<1x16xf32>,
        %swap3A_617 = vector.shape_cast %swap3A_616 : vector<1x16xf32> to vector<16xf32>
        %swap3A_618 = vector.shape_cast %mul3A_613 : vector<16xf32> to vector<1x16xf32>
        tpu.vector_store %arg10[%swap3A_614, %swap3A_615], %swap3A_618 {strides = array<i32>} : memref<128x128xf32, #tpu.memory_space<vmem>>, vector<1x16xf32>,
        %get3A_619 = arith.index_cast %add3A_575 : i32 to index
        %get3A_620 = arith.constant 64 : index
        %get3A_621 = tpu.vector_load %arg10[%get3A_619, %get3A_620] {strides = array<i32>} : memref<128x128xf32, #tpu.memory_space<vmem>>, vector<1x16xf32>,
        %get3A_622 = vector.shape_cast %get3A_621 : vector<1x16xf32> to vector<16xf32>
        %mul3A_623 = arith.mulf %get3A_622, %broadcast_in_dim3A_578 : vector<16xf32>
        %swap3A_624 = arith.index_cast %add3A_575 : i32 to index
        %swap3A_625 = arith.constant 64 : index
        %swap3A_626 = tpu.vector_load %arg10[%swap3A_624, %swap3A_625] {strides = array<i32>} : memref<128x128xf32, #tpu.memory_space<vmem>>, vector<1x16xf32>,
        %swap3A_627 = vector.shape_cast %swap3A_626 : vector<1x16xf32> to vector<16xf32>
        %swap3A_628 = vector.shape_cast %mul3A_623 : vector<16xf32> to vector<1x16xf32>
        tpu.vector_store %arg10[%swap3A_624, %swap3A_625], %swap3A_628 {strides = array<i32>} : memref<128x128xf32, #tpu.memory_space<vmem>>, vector<1x16xf32>,
        %get3A_629 = arith.index_cast %add3A_575 : i32 to index
        %get3A_630 = arith.constant 80 : index
        %get3A_631 = tpu.vector_load %arg10[%get3A_629, %get3A_630] {strides = array<i32>} : memref<128x128xf32, #tpu.memory_space<vmem>>, vector<1x16xf32>,
        %get3A_632 = vector.shape_cast %get3A_631 : vector<1x16xf32> to vector<16xf32>
        %mul3A_633 = arith.mulf %get3A_632, %broadcast_in_dim3A_578 : vector<16xf32>
        %swap3A_634 = arith.index_cast %add3A_575 : i32 to index
        %swap3A_635 = arith.constant 80 : index
        %swap3A_636 = tpu.vector_load %arg10[%swap3A_634, %swap3A_635] {strides = array<i32>} : memref<128x128xf32, #tpu.memory_space<vmem>>, vector<1x16xf32>,
        %swap3A_637 = vector.shape_cast %swap3A_636 : vector<1x16xf32> to vector<16xf32>
        %swap3A_638 = vector.shape_cast %mul3A_633 : vector<16xf32> to vector<1x16xf32>
        tpu.vector_store %arg10[%swap3A_634, %swap3A_635], %swap3A_638 {strides = array<i32>} : memref<128x128xf32, #tpu.memory_space<vmem>>, vector<1x16xf32>,
        %get3A_639 = arith.index_cast %add3A_575 : i32 to index
        %get3A_640 = arith.constant 96 : index
        %get3A_641 = tpu.vector_load %arg10[%get3A_639, %get3A_640] {strides = array<i32>} : memref<128x128xf32, #tpu.memory_space<vmem>>, vector<1x16xf32>,
        %get3A_642 = vector.shape_cast %get3A_641 : vector<1x16xf32> to vector<16xf32>
        %mul3A_643 = arith.mulf %get3A_642, %broadcast_in_dim3A_578 : vector<16xf32>
        %swap3A_644 = arith.index_cast %add3A_575 : i32 to index
        %swap3A_645 = arith.constant 96 : index
        %swap3A_646 = tpu.vector_load %arg10[%swap3A_644, %swap3A_645] {strides = array<i32>} : memref<128x128xf32, #tpu.memory_space<vmem>>, vector<1x16xf32>,
        %swap3A_647 = vector.shape_cast %swap3A_646 : vector<1x16xf32> to vector<16xf32>
        %swap3A_648 = vector.shape_cast %mul3A_643 : vector<16xf32> to vector<1x16xf32>
        tpu.vector_store %arg10[%swap3A_644, %swap3A_645], %swap3A_648 {strides = array<i32>} : memref<128x128xf32, #tpu.memory_space<vmem>>, vector<1x16xf32>,
        %get3A_649 = arith.index_cast %add3A_575 : i32 to index
        %get3A_650 = arith.constant 112 : index
        %get3A_651 = tpu.vector_load %arg10[%get3A_649, %get3A_650] {strides = array<i32>} : memref<128x128xf32, #tpu.memory_space<vmem>>, vector<1x16xf32>,
        %get3A_652 = vector.shape_cast %get3A_651 : vector<1x16xf32> to vector<16xf32>
        %mul3A_653 = arith.mulf %get3A_652, %broadcast_in_dim3A_578 : vector<16xf32>
        %swap3A_654 = arith.index_cast %add3A_575 : i32 to index
        %swap3A_655 = arith.constant 112 : index
        %swap3A_656 = tpu.vector_load %arg10[%swap3A_654, %swap3A_655] {strides = array<i32>} : memref<128x128xf32, #tpu.memory_space<vmem>>, vector<1x16xf32>,
        %swap3A_657 = vector.shape_cast %swap3A_656 : vector<1x16xf32> to vector<16xf32>
        %swap3A_658 = vector.shape_cast %mul3A_653 : vector<16xf32> to vector<1x16xf32>
        tpu.vector_store %arg10[%swap3A_654, %swap3A_655], %swap3A_658 {strides = array<i32>} : memref<128x128xf32, #tpu.memory_space<vmem>>, vector<1x16xf32>,
        %mul3A_659 = arith.constant 16 : i32
        %mul3A_660 = arith.muli %add3A_49, %mul3A_659 : i32
        %add3A_661 = arith.constant 7 : i32
        %add3A_662 = arith.addi %mul3A_660, %add3A_661 : i32
        %slice3A_663 = vector.extract_strided_slice %get3A_53 {offsets = [7], sizes = [1], strides = [1]} : vector<16xf32> to vector<1xf32>
        %squeeze3A_664 = vector.extract %slice3A_663[0] : f32 from vector<1xf32>
        %broadcast_in_dim3A_665 = vector.broadcast %squeeze3A_664 : f32 to vector<16xf32>
        %get3A_666 = arith.index_cast %add3A_662 : i32 to index
        %get3A_667 = arith.constant 0 : index
        %get3A_668 = tpu.vector_load %arg10[%get3A_666, %get3A_667] {strides = array<i32>} : memref<128x128xf32, #tpu.memory_space<vmem>>, vector<1x16xf32>,
        %get3A_669 = vector.shape_cast %get3A_668 : vector<1x16xf32> to vector<16xf32>
        %mul3A_670 = arith.mulf %get3A_669, %broadcast_in_dim3A_665 : vector<16xf32>
        %swap3A_671 = arith.index_cast %add3A_662 : i32 to index
        %swap3A_672 = arith.constant 0 : index
        %swap3A_673 = tpu.vector_load %arg10[%swap3A_671, %swap3A_672] {strides = array<i32>} : memref<128x128xf32, #tpu.memory_space<vmem>>, vector<1x16xf32>,
        %swap3A_674 = vector.shape_cast %swap3A_673 : vector<1x16xf32> to vector<16xf32>
        %swap3A_675 = vector.shape_cast %mul3A_670 : vector<16xf32> to vector<1x16xf32>
        tpu.vector_store %arg10[%swap3A_671, %swap3A_672], %swap3A_675 {strides = array<i32>} : memref<128x128xf32, #tpu.memory_space<vmem>>, vector<1x16xf32>,
        %get3A_676 = arith.index_cast %add3A_662 : i32 to index
        %get3A_677 = arith.constant 16 : index
        %get3A_678 = tpu.vector_load %arg10[%get3A_676, %get3A_677] {strides = array<i32>} : memref<128x128xf32, #tpu.memory_space<vmem>>, vector<1x16xf32>,
        %get3A_679 = vector.shape_cast %get3A_678 : vector<1x16xf32> to vector<16xf32>
        %mul3A_680 = arith.mulf %get3A_679, %broadcast_in_dim3A_665 : vector<16xf32>
        %swap3A_681 = arith.index_cast %add3A_662 : i32 to index
        %swap3A_682 = arith.constant 16 : index
        %swap3A_683 = tpu.vector_load %arg10[%swap3A_681, %swap3A_682] {strides = array<i32>} : memref<128x128xf32, #tpu.memory_space<vmem>>, vector<1x16xf32>,
        %swap3A_684 = vector.shape_cast %swap3A_683 : vector<1x16xf32> to vector<16xf32>
        %swap3A_685 = vector.shape_cast %mul3A_680 : vector<16xf32> to vector<1x16xf32>
        tpu.vector_store %arg10[%swap3A_681, %swap3A_682], %swap3A_685 {strides = array<i32>} : memref<128x128xf32, #tpu.memory_space<vmem>>, vector<1x16xf32>,
        %get3A_686 = arith.index_cast %add3A_662 : i32 to index
        %get3A_687 = arith.constant 32 : index
        %get3A_688 = tpu.vector_load %arg10[%get3A_686, %get3A_687] {strides = array<i32>} : memref<128x128xf32, #tpu.memory_space<vmem>>, vector<1x16xf32>,
        %get3A_689 = vector.shape_cast %get3A_688 : vector<1x16xf32> to vector<16xf32>
        %mul3A_690 = arith.mulf %get3A_689, %broadcast_in_dim3A_665 : vector<16xf32>
        %swap3A_691 = arith.index_cast %add3A_662 : i32 to index
        %swap3A_692 = arith.constant 32 : index
        %swap3A_693 = tpu.vector_load %arg10[%swap3A_691, %swap3A_692] {strides = array<i32>} : memref<128x128xf32, #tpu.memory_space<vmem>>, vector<1x16xf32>,
        %swap3A_694 = vector.shape_cast %swap3A_693 : vector<1x16xf32> to vector<16xf32>
        %swap3A_695 = vector.shape_cast %mul3A_690 : vector<16xf32> to vector<1x16xf32>
        tpu.vector_store %arg10[%swap3A_691, %swap3A_692], %swap3A_695 {strides = array<i32>} : memref<128x128xf32, #tpu.memory_space<vmem>>, vector<1x16xf32>,
        %get3A_696 = arith.index_cast %add3A_662 : i32 to index
        %get3A_697 = arith.constant 48 : index
        %get3A_698 = tpu.vector_load %arg10[%get3A_696, %get3A_697] {strides = array<i32>} : memref<128x128xf32, #tpu.memory_space<vmem>>, vector<1x16xf32>,
        %get3A_699 = vector.shape_cast %get3A_698 : vector<1x16xf32> to vector<16xf32>
        %mul3A_700 = arith.mulf %get3A_699, %broadcast_in_dim3A_665 : vector<16xf32>
        %swap3A_701 = arith.index_cast %add3A_662 : i32 to index
        %swap3A_702 = arith.constant 48 : index
        %swap3A_703 = tpu.vector_load %arg10[%swap3A_701, %swap3A_702] {strides = array<i32>} : memref<128x128xf32, #tpu.memory_space<vmem>>, vector<1x16xf32>,
        %swap3A_704 = vector.shape_cast %swap3A_703 : vector<1x16xf32> to vector<16xf32>
        %swap3A_705 = vector.shape_cast %mul3A_700 : vector<16xf32> to vector<1x16xf32>
        tpu.vector_store %arg10[%swap3A_701, %swap3A_702], %swap3A_705 {strides = array<i32>} : memref<128x128xf32, #tpu.memory_space<vmem>>, vector<1x16xf32>,
        %get3A_706 = arith.index_cast %add3A_662 : i32 to index
        %get3A_707 = arith.constant 64 : index
        %get3A_708 = tpu.vector_load %arg10[%get3A_706, %get3A_707] {strides = array<i32>} : memref<128x128xf32, #tpu.memory_space<vmem>>, vector<1x16xf32>,
        %get3A_709 = vector.shape_cast %get3A_708 : vector<1x16xf32> to vector<16xf32>
        %mul3A_710 = arith.mulf %get3A_709, %broadcast_in_dim3A_665 : vector<16xf32>
        %swap3A_711 = arith.index_cast %add3A_662 : i32 to index
        %swap3A_712 = arith.constant 64 : index
        %swap3A_713 = tpu.vector_load %arg10[%swap3A_711, %swap3A_712] {strides = array<i32>} : memref<128x128xf32, #tpu.memory_space<vmem>>, vector<1x16xf32>,
        %swap3A_714 = vector.shape_cast %swap3A_713 : vector<1x16xf32> to vector<16xf32>
        %swap3A_715 = vector.shape_cast %mul3A_710 : vector<16xf32> to vector<1x16xf32>
        tpu.vector_store %arg10[%swap3A_711, %swap3A_712], %swap3A_715 {strides = array<i32>} : memref<128x128xf32, #tpu.memory_space<vmem>>, vector<1x16xf32>,
        %get3A_716 = arith.index_cast %add3A_662 : i32 to index
        %get3A_717 = arith.constant 80 : index
        %get3A_718 = tpu.vector_load %arg10[%get3A_716, %get3A_717] {strides = array<i32>} : memref<128x128xf32, #tpu.memory_space<vmem>>, vector<1x16xf32>,
        %get3A_719 = vector.shape_cast %get3A_718 : vector<1x16xf32> to vector<16xf32>
        %mul3A_720 = arith.mulf %get3A_719, %broadcast_in_dim3A_665 : vector<16xf32>
        %swap3A_721 = arith.index_cast %add3A_662 : i32 to index
        %swap3A_722 = arith.constant 80 : index
        %swap3A_723 = tpu.vector_load %arg10[%swap3A_721, %swap3A_722] {strides = array<i32>} : memref<128x128xf32, #tpu.memory_space<vmem>>, vector<1x16xf32>,
        %swap3A_724 = vector.shape_cast %swap3A_723 : vector<1x16xf32> to vector<16xf32>
        %swap3A_725 = vector.shape_cast %mul3A_720 : vector<16xf32> to vector<1x16xf32>
        tpu.vector_store %arg10[%swap3A_721, %swap3A_722], %swap3A_725 {strides = array<i32>} : memref<128x128xf32, #tpu.memory_space<vmem>>, vector<1x16xf32>,
        %get3A_726 = arith.index_cast %add3A_662 : i32 to index
        %get3A_727 = arith.constant 96 : index
        %get3A_728 = tpu.vector_load %arg10[%get3A_726, %get3A_727] {strides = array<i32>} : memref<128x128xf32, #tpu.memory_space<vmem>>, vector<1x16xf32>,
        %get3A_729 = vector.shape_cast %get3A_728 : vector<1x16xf32> to vector<16xf32>
        %mul3A_730 = arith.mulf %get3A_729, %broadcast_in_dim3A_665 : vector<16xf32>
        %swap3A_731 = arith.index_cast %add3A_662 : i32 to index
        %swap3A_732 = arith.constant 96 : index
        %swap3A_733 = tpu.vector_load %arg10[%swap3A_731, %swap3A_732] {strides = array<i32>} : memref<128x128xf32, #tpu.memory_space<vmem>>, vector<1x16xf32>,
        %swap3A_734 = vector.shape_cast %swap3A_733 : vector<1x16xf32> to vector<16xf32>
        %swap3A_735 = vector.shape_cast %mul3A_730 : vector<16xf32> to vector<1x16xf32>
        tpu.vector_store %arg10[%swap3A_731, %swap3A_732], %swap3A_735 {strides = array<i32>} : memref<128x128xf32, #tpu.memory_space<vmem>>, vector<1x16xf32>,
        %get3A_736 = arith.index_cast %add3A_662 : i32 to index
        %get3A_737 = arith.constant 112 : index
        %get3A_738 = tpu.vector_load %arg10[%get3A_736, %get3A_737] {strides = array<i32>} : memref<128x128xf32, #tpu.memory_space<vmem>>, vector<1x16xf32>,
        %get3A_739 = vector.shape_cast %get3A_738 : vector<1x16xf32> to vector<16xf32>
        %mul3A_740 = arith.mulf %get3A_739, %broadcast_in_dim3A_665 : vector<16xf32>
        %swap3A_741 = arith.index_cast %add3A_662 : i32 to index
        %swap3A_742 = arith.constant 112 : index
        %swap3A_743 = tpu.vector_load %arg10[%swap3A_741, %swap3A_742] {strides = array<i32>} : memref<128x128xf32, #tpu.memory_space<vmem>>, vector<1x16xf32>,
        %swap3A_744 = vector.shape_cast %swap3A_743 : vector<1x16xf32> to vector<16xf32>
        %swap3A_745 = vector.shape_cast %mul3A_740 : vector<16xf32> to vector<1x16xf32>
        tpu.vector_store %arg10[%swap3A_741, %swap3A_742], %swap3A_745 {strides = array<i32>} : memref<128x128xf32, #tpu.memory_space<vmem>>, vector<1x16xf32>,
        %mul3A_746 = arith.constant 16 : i32
        %mul3A_747 = arith.muli %add3A_49, %mul3A_746 : i32
        %add3A_748 = arith.constant 8 : i32
        %add3A_749 = arith.addi %mul3A_747, %add3A_748 : i32
        %slice3A_750 = vector.extract_strided_slice %get3A_53 {offsets = [8], sizes = [1], strides = [1]} : vector<16xf32> to vector<1xf32>
        %squeeze3A_751 = vector.extract %slice3A_750[0] : f32 from vector<1xf32>
        %broadcast_in_dim3A_752 = vector.broadcast %squeeze3A_751 : f32 to vector<16xf32>
        %get3A_753 = arith.index_cast %add3A_749 : i32 to index
        %get3A_754 = arith.constant 0 : index
        %get3A_755 = tpu.vector_load %arg10[%get3A_753, %get3A_754] {strides = array<i32>} : memref<128x128xf32, #tpu.memory_space<vmem>>, vector<1x16xf32>,
        %get3A_756 = vector.shape_cast %get3A_755 : vector<1x16xf32> to vector<16xf32>
        %mul3A_757 = arith.mulf %get3A_756, %broadcast_in_dim3A_752 : vector<16xf32>
        %swap3A_758 = arith.index_cast %add3A_749 : i32 to index
        %swap3A_759 = arith.constant 0 : index
        %swap3A_760 = tpu.vector_load %arg10[%swap3A_758, %swap3A_759] {strides = array<i32>} : memref<128x128xf32, #tpu.memory_space<vmem>>, vector<1x16xf32>,
        %swap3A_761 = vector.shape_cast %swap3A_760 : vector<1x16xf32> to vector<16xf32>
        %swap3A_762 = vector.shape_cast %mul3A_757 : vector<16xf32> to vector<1x16xf32>
        tpu.vector_store %arg10[%swap3A_758, %swap3A_759], %swap3A_762 {strides = array<i32>} : memref<128x128xf32, #tpu.memory_space<vmem>>, vector<1x16xf32>,
        %get3A_763 = arith.index_cast %add3A_749 : i32 to index
        %get3A_764 = arith.constant 16 : index
        %get3A_765 = tpu.vector_load %arg10[%get3A_763, %get3A_764] {strides = array<i32>} : memref<128x128xf32, #tpu.memory_space<vmem>>, vector<1x16xf32>,
        %get3A_766 = vector.shape_cast %get3A_765 : vector<1x16xf32> to vector<16xf32>
        %mul3A_767 = arith.mulf %get3A_766, %broadcast_in_dim3A_752 : vector<16xf32>
        %swap3A_768 = arith.index_cast %add3A_749 : i32 to index
        %swap3A_769 = arith.constant 16 : index
        %swap3A_770 = tpu.vector_load %arg10[%swap3A_768, %swap3A_769] {strides = array<i32>} : memref<128x128xf32, #tpu.memory_space<vmem>>, vector<1x16xf32>,
        %swap3A_771 = vector.shape_cast %swap3A_770 : vector<1x16xf32> to vector<16xf32>
        %swap3A_772 = vector.shape_cast %mul3A_767 : vector<16xf32> to vector<1x16xf32>
        tpu.vector_store %arg10[%swap3A_768, %swap3A_769], %swap3A_772 {strides = array<i32>} : memref<128x128xf32, #tpu.memory_space<vmem>>, vector<1x16xf32>,
        %get3A_773 = arith.index_cast %add3A_749 : i32 to index
        %get3A_774 = arith.constant 32 : index
        %get3A_775 = tpu.vector_load %arg10[%get3A_773, %get3A_774] {strides = array<i32>} : memref<128x128xf32, #tpu.memory_space<vmem>>, vector<1x16xf32>,
        %get3A_776 = vector.shape_cast %get3A_775 : vector<1x16xf32> to vector<16xf32>
        %mul3A_777 = arith.mulf %get3A_776, %broadcast_in_dim3A_752 : vector<16xf32>
        %swap3A_778 = arith.index_cast %add3A_749 : i32 to index
        %swap3A_779 = arith.constant 32 : index
        %swap3A_780 = tpu.vector_load %arg10[%swap3A_778, %swap3A_779] {strides = array<i32>} : memref<128x128xf32, #tpu.memory_space<vmem>>, vector<1x16xf32>,
        %swap3A_781 = vector.shape_cast %swap3A_780 : vector<1x16xf32> to vector<16xf32>
        %swap3A_782 = vector.shape_cast %mul3A_777 : vector<16xf32> to vector<1x16xf32>
        tpu.vector_store %arg10[%swap3A_778, %swap3A_779], %swap3A_782 {strides = array<i32>} : memref<128x128xf32, #tpu.memory_space<vmem>>, vector<1x16xf32>,
        %get3A_783 = arith.index_cast %add3A_749 : i32 to index
        %get3A_784 = arith.constant 48 : index
        %get3A_785 = tpu.vector_load %arg10[%get3A_783, %get3A_784] {strides = array<i32>} : memref<128x128xf32, #tpu.memory_space<vmem>>, vector<1x16xf32>,
        %get3A_786 = vector.shape_cast %get3A_785 : vector<1x16xf32> to vector<16xf32>
        %mul3A_787 = arith.mulf %get3A_786, %broadcast_in_dim3A_752 : vector<16xf32>
        %swap3A_788 = arith.index_cast %add3A_749 : i32 to index
        %swap3A_789 = arith.constant 48 : index
        %swap3A_790 = tpu.vector_load %arg10[%swap3A_788, %swap3A_789] {strides = array<i32>} : memref<128x128xf32, #tpu.memory_space<vmem>>, vector<1x16xf32>,
        %swap3A_791 = vector.shape_cast %swap3A_790 : vector<1x16xf32> to vector<16xf32>
        %swap3A_792 = vector.shape_cast %mul3A_787 : vector<16xf32> to vector<1x16xf32>
        tpu.vector_store %arg10[%swap3A_788, %swap3A_789], %swap3A_792 {strides = array<i32>} : memref<128x128xf32, #tpu.memory_space<vmem>>, vector<1x16xf32>,
        %get3A_793 = arith.index_cast %add3A_749 : i32 to index
        %get3A_794 = arith.constant 64 : index
        %get3A_795 = tpu.vector_load %arg10[%get3A_793, %get3A_794] {strides = array<i32>} : memref<128x128xf32, #tpu.memory_space<vmem>>, vector<1x16xf32>,
        %get3A_796 = vector.shape_cast %get3A_795 : vector<1x16xf32> to vector<16xf32>
        %mul3A_797 = arith.mulf %get3A_796, %broadcast_in_dim3A_752 : vector<16xf32>
        %swap3A_798 = arith.index_cast %add3A_749 : i32 to index
        %swap3A_799 = arith.constant 64 : index
        %swap3A_800 = tpu.vector_load %arg10[%swap3A_798, %swap3A_799] {strides = array<i32>} : memref<128x128xf32, #tpu.memory_space<vmem>>, vector<1x16xf32>,
        %swap3A_801 = vector.shape_cast %swap3A_800 : vector<1x16xf32> to vector<16xf32>
        %swap3A_802 = vector.shape_cast %mul3A_797 : vector<16xf32> to vector<1x16xf32>
        tpu.vector_store %arg10[%swap3A_798, %swap3A_799], %swap3A_802 {strides = array<i32>} : memref<128x128xf32, #tpu.memory_space<vmem>>, vector<1x16xf32>,
        %get3A_803 = arith.index_cast %add3A_749 : i32 to index
        %get3A_804 = arith.constant 80 : index
        %get3A_805 = tpu.vector_load %arg10[%get3A_803, %get3A_804] {strides = array<i32>} : memref<128x128xf32, #tpu.memory_space<vmem>>, vector<1x16xf32>,
        %get3A_806 = vector.shape_cast %get3A_805 : vector<1x16xf32> to vector<16xf32>
        %mul3A_807 = arith.mulf %get3A_806, %broadcast_in_dim3A_752 : vector<16xf32>
        %swap3A_808 = arith.index_cast %add3A_749 : i32 to index
        %swap3A_809 = arith.constant 80 : index
        %swap3A_810 = tpu.vector_load %arg10[%swap3A_808, %swap3A_809] {strides = array<i32>} : memref<128x128xf32, #tpu.memory_space<vmem>>, vector<1x16xf32>,
        %swap3A_811 = vector.shape_cast %swap3A_810 : vector<1x16xf32> to vector<16xf32>
        %swap3A_812 = vector.shape_cast %mul3A_807 : vector<16xf32> to vector<1x16xf32>
        tpu.vector_store %arg10[%swap3A_808, %swap3A_809], %swap3A_812 {strides = array<i32>} : memref<128x128xf32, #tpu.memory_space<vmem>>, vector<1x16xf32>,
        %get3A_813 = arith.index_cast %add3A_749 : i32 to index
        %get3A_814 = arith.constant 96 : index
        %get3A_815 = tpu.vector_load %arg10[%get3A_813, %get3A_814] {strides = array<i32>} : memref<128x128xf32, #tpu.memory_space<vmem>>, vector<1x16xf32>,
        %get3A_816 = vector.shape_cast %get3A_815 : vector<1x16xf32> to vector<16xf32>
        %mul3A_817 = arith.mulf %get3A_816, %broadcast_in_dim3A_752 : vector<16xf32>
        %swap3A_818 = arith.index_cast %add3A_749 : i32 to index
        %swap3A_819 = arith.constant 96 : index
        %swap3A_820 = tpu.vector_load %arg10[%swap3A_818, %swap3A_819] {strides = array<i32>} : memref<128x128xf32, #tpu.memory_space<vmem>>, vector<1x16xf32>,
        %swap3A_821 = vector.shape_cast %swap3A_820 : vector<1x16xf32> to vector<16xf32>
        %swap3A_822 = vector.shape_cast %mul3A_817 : vector<16xf32> to vector<1x16xf32>
        tpu.vector_store %arg10[%swap3A_818, %swap3A_819], %swap3A_822 {strides = array<i32>} : memref<128x128xf32, #tpu.memory_space<vmem>>, vector<1x16xf32>,
        %get3A_823 = arith.index_cast %add3A_749 : i32 to index
        %get3A_824 = arith.constant 112 : index
        %get3A_825 = tpu.vector_load %arg10[%get3A_823, %get3A_824] {strides = array<i32>} : memref<128x128xf32, #tpu.memory_space<vmem>>, vector<1x16xf32>,
        %get3A_826 = vector.shape_cast %get3A_825 : vector<1x16xf32> to vector<16xf32>
        %mul3A_827 = arith.mulf %get3A_826, %broadcast_in_dim3A_752 : vector<16xf32>
        %swap3A_828 = arith.index_cast %add3A_749 : i32 to index
        %swap3A_829 = arith.constant 112 : index
        %swap3A_830 = tpu.vector_load %arg10[%swap3A_828, %swap3A_829] {strides = array<i32>} : memref<128x128xf32, #tpu.memory_space<vmem>>, vector<1x16xf32>,
        %swap3A_831 = vector.shape_cast %swap3A_830 : vector<1x16xf32> to vector<16xf32>
        %swap3A_832 = vector.shape_cast %mul3A_827 : vector<16xf32> to vector<1x16xf32>
        tpu.vector_store %arg10[%swap3A_828, %swap3A_829], %swap3A_832 {strides = array<i32>} : memref<128x128xf32, #tpu.memory_space<vmem>>, vector<1x16xf32>,
        %mul3A_833 = arith.constant 16 : i32
        %mul3A_834 = arith.muli %add3A_49, %mul3A_833 : i32
        %add3A_835 = arith.constant 9 : i32
        %add3A_836 = arith.addi %mul3A_834, %add3A_835 : i32
        %slice3A_837 = vector.extract_strided_slice %get3A_53 {offsets = [9], sizes = [1], strides = [1]} : vector<16xf32> to vector<1xf32>
        %squeeze3A_838 = vector.extract %slice3A_837[0] : f32 from vector<1xf32>
        %broadcast_in_dim3A_839 = vector.broadcast %squeeze3A_838 : f32 to vector<16xf32>
        %get3A_840 = arith.index_cast %add3A_836 : i32 to index
        %get3A_841 = arith.constant 0 : index
        %get3A_842 = tpu.vector_load %arg10[%get3A_840, %get3A_841] {strides = array<i32>} : memref<128x128xf32, #tpu.memory_space<vmem>>, vector<1x16xf32>,
        %get3A_843 = vector.shape_cast %get3A_842 : vector<1x16xf32> to vector<16xf32>
        %mul3A_844 = arith.mulf %get3A_843, %broadcast_in_dim3A_839 : vector<16xf32>
        %swap3A_845 = arith.index_cast %add3A_836 : i32 to index
        %swap3A_846 = arith.constant 0 : index
        %swap3A_847 = tpu.vector_load %arg10[%swap3A_845, %swap3A_846] {strides = array<i32>} : memref<128x128xf32, #tpu.memory_space<vmem>>, vector<1x16xf32>,
        %swap3A_848 = vector.shape_cast %swap3A_847 : vector<1x16xf32> to vector<16xf32>
        %swap3A_849 = vector.shape_cast %mul3A_844 : vector<16xf32> to vector<1x16xf32>
        tpu.vector_store %arg10[%swap3A_845, %swap3A_846], %swap3A_849 {strides = array<i32>} : memref<128x128xf32, #tpu.memory_space<vmem>>, vector<1x16xf32>,
        %get3A_850 = arith.index_cast %add3A_836 : i32 to index
        %get3A_851 = arith.constant 16 : index
        %get3A_852 = tpu.vector_load %arg10[%get3A_850, %get3A_851] {strides = array<i32>} : memref<128x128xf32, #tpu.memory_space<vmem>>, vector<1x16xf32>,
        %get3A_853 = vector.shape_cast %get3A_852 : vector<1x16xf32> to vector<16xf32>
        %mul3A_854 = arith.mulf %get3A_853, %broadcast_in_dim3A_839 : vector<16xf32>
        %swap3A_855 = arith.index_cast %add3A_836 : i32 to index
        %swap3A_856 = arith.constant 16 : index
        %swap3A_857 = tpu.vector_load %arg10[%swap3A_855, %swap3A_856] {strides = array<i32>} : memref<128x128xf32, #tpu.memory_space<vmem>>, vector<1x16xf32>,
        %swap3A_858 = vector.shape_cast %swap3A_857 : vector<1x16xf32> to vector<16xf32>
        %swap3A_859 = vector.shape_cast %mul3A_854 : vector<16xf32> to vector<1x16xf32>
        tpu.vector_store %arg10[%swap3A_855, %swap3A_856], %swap3A_859 {strides = array<i32>} : memref<128x128xf32, #tpu.memory_space<vmem>>, vector<1x16xf32>,
        %get3A_860 = arith.index_cast %add3A_836 : i32 to index
        %get3A_861 = arith.constant 32 : index
        %get3A_862 = tpu.vector_load %arg10[%get3A_860, %get3A_861] {strides = array<i32>} : memref<128x128xf32, #tpu.memory_space<vmem>>, vector<1x16xf32>,
        %get3A_863 = vector.shape_cast %get3A_862 : vector<1x16xf32> to vector<16xf32>
        %mul3A_864 = arith.mulf %get3A_863, %broadcast_in_dim3A_839 : vector<16xf32>
        %swap3A_865 = arith.index_cast %add3A_836 : i32 to index
        %swap3A_866 = arith.constant 32 : index
        %swap3A_867 = tpu.vector_load %arg10[%swap3A_865, %swap3A_866] {strides = array<i32>} : memref<128x128xf32, #tpu.memory_space<vmem>>, vector<1x16xf32>,
        %swap3A_868 = vector.shape_cast %swap3A_867 : vector<1x16xf32> to vector<16xf32>
        %swap3A_869 = vector.shape_cast %mul3A_864 : vector<16xf32> to vector<1x16xf32>
        tpu.vector_store %arg10[%swap3A_865, %swap3A_866], %swap3A_869 {strides = array<i32>} : memref<128x128xf32, #tpu.memory_space<vmem>>, vector<1x16xf32>,
        %get3A_870 = arith.index_cast %add3A_836 : i32 to index
        %get3A_871 = arith.constant 48 : index
        %get3A_872 = tpu.vector_load %arg10[%get3A_870, %get3A_871] {strides = array<i32>} : memref<128x128xf32, #tpu.memory_space<vmem>>, vector<1x16xf32>,
        %get3A_873 = vector.shape_cast %get3A_872 : vector<1x16xf32> to vector<16xf32>
        %mul3A_874 = arith.mulf %get3A_873, %broadcast_in_dim3A_839 : vector<16xf32>
        %swap3A_875 = arith.index_cast %add3A_836 : i32 to index
        %swap3A_876 = arith.constant 48 : index
        %swap3A_877 = tpu.vector_load %arg10[%swap3A_875, %swap3A_876] {strides = array<i32>} : memref<128x128xf32, #tpu.memory_space<vmem>>, vector<1x16xf32>,
        %swap3A_878 = vector.shape_cast %swap3A_877 : vector<1x16xf32> to vector<16xf32>
        %swap3A_879 = vector.shape_cast %mul3A_874 : vector<16xf32> to vector<1x16xf32>
        tpu.vector_store %arg10[%swap3A_875, %swap3A_876], %swap3A_879 {strides = array<i32>} : memref<128x128xf32, #tpu.memory_space<vmem>>, vector<1x16xf32>,
        %get3A_880 = arith.index_cast %add3A_836 : i32 to index
        %get3A_881 = arith.constant 64 : index
        %get3A_882 = tpu.vector_load %arg10[%get3A_880, %get3A_881] {strides = array<i32>} : memref<128x128xf32, #tpu.memory_space<vmem>>, vector<1x16xf32>,
        %get3A_883 = vector.shape_cast %get3A_882 : vector<1x16xf32> to vector<16xf32>
        %mul3A_884 = arith.mulf %get3A_883, %broadcast_in_dim3A_839 : vector<16xf32>
        %swap3A_885 = arith.index_cast %add3A_836 : i32 to index
        %swap3A_886 = arith.constant 64 : index
        %swap3A_887 = tpu.vector_load %arg10[%swap3A_885, %swap3A_886] {strides = array<i32>} : memref<128x128xf32, #tpu.memory_space<vmem>>, vector<1x16xf32>,
        %swap3A_888 = vector.shape_cast %swap3A_887 : vector<1x16xf32> to vector<16xf32>
        %swap3A_889 = vector.shape_cast %mul3A_884 : vector<16xf32> to vector<1x16xf32>
        tpu.vector_store %arg10[%swap3A_885, %swap3A_886], %swap3A_889 {strides = array<i32>} : memref<128x128xf32, #tpu.memory_space<vmem>>, vector<1x16xf32>,
        %get3A_890 = arith.index_cast %add3A_836 : i32 to index
        %get3A_891 = arith.constant 80 : index
        %get3A_892 = tpu.vector_load %arg10[%get3A_890, %get3A_891] {strides = array<i32>} : memref<128x128xf32, #tpu.memory_space<vmem>>, vector<1x16xf32>,
        %get3A_893 = vector.shape_cast %get3A_892 : vector<1x16xf32> to vector<16xf32>
        %mul3A_894 = arith.mulf %get3A_893, %broadcast_in_dim3A_839 : vector<16xf32>
        %swap3A_895 = arith.index_cast %add3A_836 : i32 to index
        %swap3A_896 = arith.constant 80 : index
        %swap3A_897 = tpu.vector_load %arg10[%swap3A_895, %swap3A_896] {strides = array<i32>} : memref<128x128xf32, #tpu.memory_space<vmem>>, vector<1x16xf32>,
        %swap3A_898 = vector.shape_cast %swap3A_897 : vector<1x16xf32> to vector<16xf32>
        %swap3A_899 = vector.shape_cast %mul3A_894 : vector<16xf32> to vector<1x16xf32>
        tpu.vector_store %arg10[%swap3A_895, %swap3A_896], %swap3A_899 {strides = array<i32>} : memref<128x128xf32, #tpu.memory_space<vmem>>, vector<1x16xf32>,
        %get3A_900 = arith.index_cast %add3A_836 : i32 to index
        %get3A_901 = arith.constant 96 : index
        %get3A_902 = tpu.vector_load %arg10[%get3A_900, %get3A_901] {strides = array<i32>} : memref<128x128xf32, #tpu.memory_space<vmem>>, vector<1x16xf32>,
        %get3A_903 = vector.shape_cast %get3A_902 : vector<1x16xf32> to vector<16xf32>
        %mul3A_904 = arith.mulf %get3A_903, %broadcast_in_dim3A_839 : vector<16xf32>
        %swap3A_905 = arith.index_cast %add3A_836 : i32 to index
        %swap3A_906 = arith.constant 96 : index
        %swap3A_907 = tpu.vector_load %arg10[%swap3A_905, %swap3A_906] {strides = array<i32>} : memref<128x128xf32, #tpu.memory_space<vmem>>, vector<1x16xf32>,
        %swap3A_908 = vector.shape_cast %swap3A_907 : vector<1x16xf32> to vector<16xf32>
        %swap3A_909 = vector.shape_cast %mul3A_904 : vector<16xf32> to vector<1x16xf32>
        tpu.vector_store %arg10[%swap3A_905, %swap3A_906], %swap3A_909 {strides = array<i32>} : memref<128x128xf32, #tpu.memory_space<vmem>>, vector<1x16xf32>,
        %get3A_910 = arith.index_cast %add3A_836 : i32 to index
        %get3A_911 = arith.constant 112 : index
        %get3A_912 = tpu.vector_load %arg10[%get3A_910, %get3A_911] {strides = array<i32>} : memref<128x128xf32, #tpu.memory_space<vmem>>, vector<1x16xf32>,
        %get3A_913 = vector.shape_cast %get3A_912 : vector<1x16xf32> to vector<16xf32>
        %mul3A_914 = arith.mulf %get3A_913, %broadcast_in_dim3A_839 : vector<16xf32>
        %swap3A_915 = arith.index_cast %add3A_836 : i32 to index
        %swap3A_916 = arith.constant 112 : index
        %swap3A_917 = tpu.vector_load %arg10[%swap3A_915, %swap3A_916] {strides = array<i32>} : memref<128x128xf32, #tpu.memory_space<vmem>>, vector<1x16xf32>,
        %swap3A_918 = vector.shape_cast %swap3A_917 : vector<1x16xf32> to vector<16xf32>
        %swap3A_919 = vector.shape_cast %mul3A_914 : vector<16xf32> to vector<1x16xf32>
        tpu.vector_store %arg10[%swap3A_915, %swap3A_916], %swap3A_919 {strides = array<i32>} : memref<128x128xf32, #tpu.memory_space<vmem>>, vector<1x16xf32>,
        %mul3A_920 = arith.constant 16 : i32
        %mul3A_921 = arith.muli %add3A_49, %mul3A_920 : i32
        %add3A_922 = arith.constant 10 : i32
        %add3A_923 = arith.addi %mul3A_921, %add3A_922 : i32
        %slice3A_924 = vector.extract_strided_slice %get3A_53 {offsets = [10], sizes = [1], strides = [1]} : vector<16xf32> to vector<1xf32>
        %squeeze3A_925 = vector.extract %slice3A_924[0] : f32 from vector<1xf32>
        %broadcast_in_dim3A_926 = vector.broadcast %squeeze3A_925 : f32 to vector<16xf32>
        %get3A_927 = arith.index_cast %add3A_923 : i32 to index
        %get3A_928 = arith.constant 0 : index
        %get3A_929 = tpu.vector_load %arg10[%get3A_927, %get3A_928] {strides = array<i32>} : memref<128x128xf32, #tpu.memory_space<vmem>>, vector<1x16xf32>,
        %get3A_930 = vector.shape_cast %get3A_929 : vector<1x16xf32> to vector<16xf32>
        %mul3A_931 = arith.mulf %get3A_930, %broadcast_in_dim3A_926 : vector<16xf32>
        %swap3A_932 = arith.index_cast %add3A_923 : i32 to index
        %swap3A_933 = arith.constant 0 : index
        %swap3A_934 = tpu.vector_load %arg10[%swap3A_932, %swap3A_933] {strides = array<i32>} : memref<128x128xf32, #tpu.memory_space<vmem>>, vector<1x16xf32>,
        %swap3A_935 = vector.shape_cast %swap3A_934 : vector<1x16xf32> to vector<16xf32>
        %swap3A_936 = vector.shape_cast %mul3A_931 : vector<16xf32> to vector<1x16xf32>
        tpu.vector_store %arg10[%swap3A_932, %swap3A_933], %swap3A_936 {strides = array<i32>} : memref<128x128xf32, #tpu.memory_space<vmem>>, vector<1x16xf32>,
        %get3A_937 = arith.index_cast %add3A_923 : i32 to index
        %get3A_938 = arith.constant 16 : index
        %get3A_939 = tpu.vector_load %arg10[%get3A_937, %get3A_938] {strides = array<i32>} : memref<128x128xf32, #tpu.memory_space<vmem>>, vector<1x16xf32>,
        %get3A_940 = vector.shape_cast %get3A_939 : vector<1x16xf32> to vector<16xf32>
        %mul3A_941 = arith.mulf %get3A_940, %broadcast_in_dim3A_926 : vector<16xf32>
        %swap3A_942 = arith.index_cast %add3A_923 : i32 to index
        %swap3A_943 = arith.constant 16 : index
        %swap3A_944 = tpu.vector_load %arg10[%swap3A_942, %swap3A_943] {strides = array<i32>} : memref<128x128xf32, #tpu.memory_space<vmem>>, vector<1x16xf32>,
        %swap3A_945 = vector.shape_cast %swap3A_944 : vector<1x16xf32> to vector<16xf32>
        %swap3A_946 = vector.shape_cast %mul3A_941 : vector<16xf32> to vector<1x16xf32>
        tpu.vector_store %arg10[%swap3A_942, %swap3A_943], %swap3A_946 {strides = array<i32>} : memref<128x128xf32, #tpu.memory_space<vmem>>, vector<1x16xf32>,
        %get3A_947 = arith.index_cast %add3A_923 : i32 to index
        %get3A_948 = arith.constant 32 : index
        %get3A_949 = tpu.vector_load %arg10[%get3A_947, %get3A_948] {strides = array<i32>} : memref<128x128xf32, #tpu.memory_space<vmem>>, vector<1x16xf32>,
        %get3A_950 = vector.shape_cast %get3A_949 : vector<1x16xf32> to vector<16xf32>
        %mul3A_951 = arith.mulf %get3A_950, %broadcast_in_dim3A_926 : vector<16xf32>
        %swap3A_952 = arith.index_cast %add3A_923 : i32 to index
        %swap3A_953 = arith.constant 32 : index
        %swap3A_954 = tpu.vector_load %arg10[%swap3A_952, %swap3A_953] {strides = array<i32>} : memref<128x128xf32, #tpu.memory_space<vmem>>, vector<1x16xf32>,
        %swap3A_955 = vector.shape_cast %swap3A_954 : vector<1x16xf32> to vector<16xf32>
        %swap3A_956 = vector.shape_cast %mul3A_951 : vector<16xf32> to vector<1x16xf32>
        tpu.vector_store %arg10[%swap3A_952, %swap3A_953], %swap3A_956 {strides = array<i32>} : memref<128x128xf32, #tpu.memory_space<vmem>>, vector<1x16xf32>,
        %get3A_957 = arith.index_cast %add3A_923 : i32 to index
        %get3A_958 = arith.constant 48 : index
        %get3A_959 = tpu.vector_load %arg10[%get3A_957, %get3A_958] {strides = array<i32>} : memref<128x128xf32, #tpu.memory_space<vmem>>, vector<1x16xf32>,
        %get3A_960 = vector.shape_cast %get3A_959 : vector<1x16xf32> to vector<16xf32>
        %mul3A_961 = arith.mulf %get3A_960, %broadcast_in_dim3A_926 : vector<16xf32>
        %swap3A_962 = arith.index_cast %add3A_923 : i32 to index
        %swap3A_963 = arith.constant 48 : index
        %swap3A_964 = tpu.vector_load %arg10[%swap3A_962, %swap3A_963] {strides = array<i32>} : memref<128x128xf32, #tpu.memory_space<vmem>>, vector<1x16xf32>,
        %swap3A_965 = vector.shape_cast %swap3A_964 : vector<1x16xf32> to vector<16xf32>
        %swap3A_966 = vector.shape_cast %mul3A_961 : vector<16xf32> to vector<1x16xf32>
        tpu.vector_store %arg10[%swap3A_962, %swap3A_963], %swap3A_966 {strides = array<i32>} : memref<128x128xf32, #tpu.memory_space<vmem>>, vector<1x16xf32>,
        %get3A_967 = arith.index_cast %add3A_923 : i32 to index
        %get3A_968 = arith.constant 64 : index
        %get3A_969 = tpu.vector_load %arg10[%get3A_967, %get3A_968] {strides = array<i32>} : memref<128x128xf32, #tpu.memory_space<vmem>>, vector<1x16xf32>,
        %get3A_970 = vector.shape_cast %get3A_969 : vector<1x16xf32> to vector<16xf32>
        %mul3A_971 = arith.mulf %get3A_970, %broadcast_in_dim3A_926 : vector<16xf32>
        %swap3A_972 = arith.index_cast %add3A_923 : i32 to index
        %swap3A_973 = arith.constant 64 : index
        %swap3A_974 = tpu.vector_load %arg10[%swap3A_972, %swap3A_973] {strides = array<i32>} : memref<128x128xf32, #tpu.memory_space<vmem>>, vector<1x16xf32>,
        %swap3A_975 = vector.shape_cast %swap3A_974 : vector<1x16xf32> to vector<16xf32>
        %swap3A_976 = vector.shape_cast %mul3A_971 : vector<16xf32> to vector<1x16xf32>
        tpu.vector_store %arg10[%swap3A_972, %swap3A_973], %swap3A_976 {strides = array<i32>} : memref<128x128xf32, #tpu.memory_space<vmem>>, vector<1x16xf32>,
        %get3A_977 = arith.index_cast %add3A_923 : i32 to index
        %get3A_978 = arith.constant 80 : index
        %get3A_979 = tpu.vector_load %arg10[%get3A_977, %get3A_978] {strides = array<i32>} : memref<128x128xf32, #tpu.memory_space<vmem>>, vector<1x16xf32>,
        %get3A_980 = vector.shape_cast %get3A_979 : vector<1x16xf32> to vector<16xf32>
        %mul3A_981 = arith.mulf %get3A_980, %broadcast_in_dim3A_926 : vector<16xf32>
        %swap3A_982 = arith.index_cast %add3A_923 : i32 to index
        %swap3A_983 = arith.constant 80 : index
        %swap3A_984 = tpu.vector_load %arg10[%swap3A_982, %swap3A_983] {strides = array<i32>} : memref<128x128xf32, #tpu.memory_space<vmem>>, vector<1x16xf32>,
        %swap3A_985 = vector.shape_cast %swap3A_984 : vector<1x16xf32> to vector<16xf32>
        %swap3A_986 = vector.shape_cast %mul3A_981 : vector<16xf32> to vector<1x16xf32>
        tpu.vector_store %arg10[%swap3A_982, %swap3A_983], %swap3A_986 {strides = array<i32>} : memref<128x128xf32, #tpu.memory_space<vmem>>, vector<1x16xf32>,
        %get3A_987 = arith.index_cast %add3A_923 : i32 to index
        %get3A_988 = arith.constant 96 : index
        %get3A_989 = tpu.vector_load %arg10[%get3A_987, %get3A_988] {strides = array<i32>} : memref<128x128xf32, #tpu.memory_space<vmem>>, vector<1x16xf32>,
        %get3A_990 = vector.shape_cast %get3A_989 : vector<1x16xf32> to vector<16xf32>
        %mul3A_991 = arith.mulf %get3A_990, %broadcast_in_dim3A_926 : vector<16xf32>
        %swap3A_992 = arith.index_cast %add3A_923 : i32 to index
        %swap3A_993 = arith.constant 96 : index
        %swap3A_994 = tpu.vector_load %arg10[%swap3A_992, %swap3A_993] {strides = array<i32>} : memref<128x128xf32, #tpu.memory_space<vmem>>, vector<1x16xf32>,
        %swap3A_995 = vector.shape_cast %swap3A_994 : vector<1x16xf32> to vector<16xf32>
        %swap3A_996 = vector.shape_cast %mul3A_991 : vector<16xf32> to vector<1x16xf32>
        tpu.vector_store %arg10[%swap3A_992, %swap3A_993], %swap3A_996 {strides = array<i32>} : memref<128x128xf32, #tpu.memory_space<vmem>>, vector<1x16xf32>,
        %get3A_997 = arith.index_cast %add3A_923 : i32 to index
        %get3A_998 = arith.constant 112 : index
        %get3A_999 = tpu.vector_load %arg10[%get3A_997, %get3A_998] {strides = array<i32>} : memref<128x128xf32, #tpu.memory_space<vmem>>, vector<1x16xf32>,
        %get3A_1000 = vector.shape_cast %get3A_999 : vector<1x16xf32> to vector<16xf32>
        %mul3A_1001 = arith.mulf %get3A_1000, %broadcast_in_dim3A_926 : vector<16xf32>
        %swap3A_1002 = arith.index_cast %add3A_923 : i32 to index
        %swap3A_1003 = arith.constant 112 : index
        %swap3A_1004 = tpu.vector_load %arg10[%swap3A_1002, %swap3A_1003] {strides = array<i32>} : memref<128x128xf32, #tpu.memory_space<vmem>>, vector<1x16xf32>,
        %swap3A_1005 = vector.shape_cast %swap3A_1004 : vector<1x16xf32> to vector<16xf32>
        %swap3A_1006 = vector.shape_cast %mul3A_1001 : vector<16xf32> to vector<1x16xf32>
        tpu.vector_store %arg10[%swap3A_1002, %swap3A_1003], %swap3A_1006 {strides = array<i32>} : memref<128x128xf32, #tpu.memory_space<vmem>>, vector<1x16xf32>,
        %mul3A_1007 = arith.constant 16 : i32
        %mul3A_1008 = arith.muli %add3A_49, %mul3A_1007 : i32
        %add3A_1009 = arith.constant 11 : i32
        %add3A_1010 = arith.addi %mul3A_1008, %add3A_1009 : i32
        %slice3A_1011 = vector.extract_strided_slice %get3A_53 {offsets = [11], sizes = [1], strides = [1]} : vector<16xf32> to vector<1xf32>
        %squeeze3A_1012 = vector.extract %slice3A_1011[0] : f32 from vector<1xf32>
        %broadcast_in_dim3A_1013 = vector.broadcast %squeeze3A_1012 : f32 to vector<16xf32>
        %get3A_1014 = arith.index_cast %add3A_1010 : i32 to index
        %get3A_1015 = arith.constant 0 : index
        %get3A_1016 = tpu.vector_load %arg10[%get3A_1014, %get3A_1015] {strides = array<i32>} : memref<128x128xf32, #tpu.memory_space<vmem>>, vector<1x16xf32>,
        %get3A_1017 = vector.shape_cast %get3A_1016 : vector<1x16xf32> to vector<16xf32>
        %mul3A_1018 = arith.mulf %get3A_1017, %broadcast_in_dim3A_1013 : vector<16xf32>
        %swap3A_1019 = arith.index_cast %add3A_1010 : i32 to index
        %swap3A_1020 = arith.constant 0 : index
        %swap3A_1021 = tpu.vector_load %arg10[%swap3A_1019, %swap3A_1020] {strides = array<i32>} : memref<128x128xf32, #tpu.memory_space<vmem>>, vector<1x16xf32>,
        %swap3A_1022 = vector.shape_cast %swap3A_1021 : vector<1x16xf32> to vector<16xf32>
        %swap3A_1023 = vector.shape_cast %mul3A_1018 : vector<16xf32> to vector<1x16xf32>
        tpu.vector_store %arg10[%swap3A_1019, %swap3A_1020], %swap3A_1023 {strides = array<i32>} : memref<128x128xf32, #tpu.memory_space<vmem>>, vector<1x16xf32>,
        %get3A_1024 = arith.index_cast %add3A_1010 : i32 to index
        %get3A_1025 = arith.constant 16 : index
        %get3A_1026 = tpu.vector_load %arg10[%get3A_1024, %get3A_1025] {strides = array<i32>} : memref<128x128xf32, #tpu.memory_space<vmem>>, vector<1x16xf32>,
        %get3A_1027 = vector.shape_cast %get3A_1026 : vector<1x16xf32> to vector<16xf32>
        %mul3A_1028 = arith.mulf %get3A_1027, %broadcast_in_dim3A_1013 : vector<16xf32>
        %swap3A_1029 = arith.index_cast %add3A_1010 : i32 to index
        %swap3A_1030 = arith.constant 16 : index
        %swap3A_1031 = tpu.vector_load %arg10[%swap3A_1029, %swap3A_1030] {strides = array<i32>} : memref<128x128xf32, #tpu.memory_space<vmem>>, vector<1x16xf32>,
        %swap3A_1032 = vector.shape_cast %swap3A_1031 : vector<1x16xf32> to vector<16xf32>
        %swap3A_1033 = vector.shape_cast %mul3A_1028 : vector<16xf32> to vector<1x16xf32>
        tpu.vector_store %arg10[%swap3A_1029, %swap3A_1030], %swap3A_1033 {strides = array<i32>} : memref<128x128xf32, #tpu.memory_space<vmem>>, vector<1x16xf32>,
        %get3A_1034 = arith.index_cast %add3A_1010 : i32 to index
        %get3A_1035 = arith.constant 32 : index
        %get3A_1036 = tpu.vector_load %arg10[%get3A_1034, %get3A_1035] {strides = array<i32>} : memref<128x128xf32, #tpu.memory_space<vmem>>, vector<1x16xf32>,
        %get3A_1037 = vector.shape_cast %get3A_1036 : vector<1x16xf32> to vector<16xf32>
        %mul3A_1038 = arith.mulf %get3A_1037, %broadcast_in_dim3A_1013 : vector<16xf32>
        %swap3A_1039 = arith.index_cast %add3A_1010 : i32 to index
        %swap3A_1040 = arith.constant 32 : index
        %swap3A_1041 = tpu.vector_load %arg10[%swap3A_1039, %swap3A_1040] {strides = array<i32>} : memref<128x128xf32, #tpu.memory_space<vmem>>, vector<1x16xf32>,
        %swap3A_1042 = vector.shape_cast %swap3A_1041 : vector<1x16xf32> to vector<16xf32>
        %swap3A_1043 = vector.shape_cast %mul3A_1038 : vector<16xf32> to vector<1x16xf32>
        tpu.vector_store %arg10[%swap3A_1039, %swap3A_1040], %swap3A_1043 {strides = array<i32>} : memref<128x128xf32, #tpu.memory_space<vmem>>, vector<1x16xf32>,
        %get3A_1044 = arith.index_cast %add3A_1010 : i32 to index
        %get3A_1045 = arith.constant 48 : index
        %get3A_1046 = tpu.vector_load %arg10[%get3A_1044, %get3A_1045] {strides = array<i32>} : memref<128x128xf32, #tpu.memory_space<vmem>>, vector<1x16xf32>,
        %get3A_1047 = vector.shape_cast %get3A_1046 : vector<1x16xf32> to vector<16xf32>
        %mul3A_1048 = arith.mulf %get3A_1047, %broadcast_in_dim3A_1013 : vector<16xf32>
        %swap3A_1049 = arith.index_cast %add3A_1010 : i32 to index
        %swap3A_1050 = arith.constant 48 : index
        %swap3A_1051 = tpu.vector_load %arg10[%swap3A_1049, %swap3A_1050] {strides = array<i32>} : memref<128x128xf32, #tpu.memory_space<vmem>>, vector<1x16xf32>,
        %swap3A_1052 = vector.shape_cast %swap3A_1051 : vector<1x16xf32> to vector<16xf32>
        %swap3A_1053 = vector.shape_cast %mul3A_1048 : vector<16xf32> to vector<1x16xf32>
        tpu.vector_store %arg10[%swap3A_1049, %swap3A_1050], %swap3A_1053 {strides = array<i32>} : memref<128x128xf32, #tpu.memory_space<vmem>>, vector<1x16xf32>,
        %get3A_1054 = arith.index_cast %add3A_1010 : i32 to index
        %get3A_1055 = arith.constant 64 : index
        %get3A_1056 = tpu.vector_load %arg10[%get3A_1054, %get3A_1055] {strides = array<i32>} : memref<128x128xf32, #tpu.memory_space<vmem>>, vector<1x16xf32>,
        %get3A_1057 = vector.shape_cast %get3A_1056 : vector<1x16xf32> to vector<16xf32>
        %mul3A_1058 = arith.mulf %get3A_1057, %broadcast_in_dim3A_1013 : vector<16xf32>
        %swap3A_1059 = arith.index_cast %add3A_1010 : i32 to index
        %swap3A_1060 = arith.constant 64 : index
        %swap3A_1061 = tpu.vector_load %arg10[%swap3A_1059, %swap3A_1060] {strides = array<i32>} : memref<128x128xf32, #tpu.memory_space<vmem>>, vector<1x16xf32>,
        %swap3A_1062 = vector.shape_cast %swap3A_1061 : vector<1x16xf32> to vector<16xf32>
        %swap3A_1063 = vector.shape_cast %mul3A_1058 : vector<16xf32> to vector<1x16xf32>
        tpu.vector_store %arg10[%swap3A_1059, %swap3A_1060], %swap3A_1063 {strides = array<i32>} : memref<128x128xf32, #tpu.memory_space<vmem>>, vector<1x16xf32>,
        %get3A_1064 = arith.index_cast %add3A_1010 : i32 to index
        %get3A_1065 = arith.constant 80 : index
        %get3A_1066 = tpu.vector_load %arg10[%get3A_1064, %get3A_1065] {strides = array<i32>} : memref<128x128xf32, #tpu.memory_space<vmem>>, vector<1x16xf32>,
        %get3A_1067 = vector.shape_cast %get3A_1066 : vector<1x16xf32> to vector<16xf32>
        %mul3A_1068 = arith.mulf %get3A_1067, %broadcast_in_dim3A_1013 : vector<16xf32>
        %swap3A_1069 = arith.index_cast %add3A_1010 : i32 to index
        %swap3A_1070 = arith.constant 80 : index
        %swap3A_1071 = tpu.vector_load %arg10[%swap3A_1069, %swap3A_1070] {strides = array<i32>} : memref<128x128xf32, #tpu.memory_space<vmem>>, vector<1x16xf32>,
        %swap3A_1072 = vector.shape_cast %swap3A_1071 : vector<1x16xf32> to vector<16xf32>
        %swap3A_1073 = vector.shape_cast %mul3A_1068 : vector<16xf32> to vector<1x16xf32>
        tpu.vector_store %arg10[%swap3A_1069, %swap3A_1070], %swap3A_1073 {strides = array<i32>} : memref<128x128xf32, #tpu.memory_space<vmem>>, vector<1x16xf32>,
        %get3A_1074 = arith.index_cast %add3A_1010 : i32 to index
        %get3A_1075 = arith.constant 96 : index
        %get3A_1076 = tpu.vector_load %arg10[%get3A_1074, %get3A_1075] {strides = array<i32>} : memref<128x128xf32, #tpu.memory_space<vmem>>, vector<1x16xf32>,
        %get3A_1077 = vector.shape_cast %get3A_1076 : vector<1x16xf32> to vector<16xf32>
        %mul3A_1078 = arith.mulf %get3A_1077, %broadcast_in_dim3A_1013 : vector<16xf32>
        %swap3A_1079 = arith.index_cast %add3A_1010 : i32 to index
        %swap3A_1080 = arith.constant 96 : index
        %swap3A_1081 = tpu.vector_load %arg10[%swap3A_1079, %swap3A_1080] {strides = array<i32>} : memref<128x128xf32, #tpu.memory_space<vmem>>, vector<1x16xf32>,
        %swap3A_1082 = vector.shape_cast %swap3A_1081 : vector<1x16xf32> to vector<16xf32>
        %swap3A_1083 = vector.shape_cast %mul3A_1078 : vector<16xf32> to vector<1x16xf32>
        tpu.vector_store %arg10[%swap3A_1079, %swap3A_1080], %swap3A_1083 {strides = array<i32>} : memref<128x128xf32, #tpu.memory_space<vmem>>, vector<1x16xf32>,
        %get3A_1084 = arith.index_cast %add3A_1010 : i32 to index
        %get3A_1085 = arith.constant 112 : index
        %get3A_1086 = tpu.vector_load %arg10[%get3A_1084, %get3A_1085] {strides = array<i32>} : memref<128x128xf32, #tpu.memory_space<vmem>>, vector<1x16xf32>,
        %get3A_1087 = vector.shape_cast %get3A_1086 : vector<1x16xf32> to vector<16xf32>
        %mul3A_1088 = arith.mulf %get3A_1087, %broadcast_in_dim3A_1013 : vector<16xf32>
        %swap3A_1089 = arith.index_cast %add3A_1010 : i32 to index
        %swap3A_1090 = arith.constant 112 : index
        %swap3A_1091 = tpu.vector_load %arg10[%swap3A_1089, %swap3A_1090] {strides = array<i32>} : memref<128x128xf32, #tpu.memory_space<vmem>>, vector<1x16xf32>,
        %swap3A_1092 = vector.shape_cast %swap3A_1091 : vector<1x16xf32> to vector<16xf32>
        %swap3A_1093 = vector.shape_cast %mul3A_1088 : vector<16xf32> to vector<1x16xf32>
        tpu.vector_store %arg10[%swap3A_1089, %swap3A_1090], %swap3A_1093 {strides = array<i32>} : memref<128x128xf32, #tpu.memory_space<vmem>>, vector<1x16xf32>,
        %mul3A_1094 = arith.constant 16 : i32
        %mul3A_1095 = arith.muli %add3A_49, %mul3A_1094 : i32
        %add3A_1096 = arith.constant 12 : i32
        %add3A_1097 = arith.addi %mul3A_1095, %add3A_1096 : i32
        %slice3A_1098 = vector.extract_strided_slice %get3A_53 {offsets = [12], sizes = [1], strides = [1]} : vector<16xf32> to vector<1xf32>
        %squeeze3A_1099 = vector.extract %slice3A_1098[0] : f32 from vector<1xf32>
        %broadcast_in_dim3A_1100 = vector.broadcast %squeeze3A_1099 : f32 to vector<16xf32>
        %get3A_1101 = arith.index_cast %add3A_1097 : i32 to index
        %get3A_1102 = arith.constant 0 : index
        %get3A_1103 = tpu.vector_load %arg10[%get3A_1101, %get3A_1102] {strides = array<i32>} : memref<128x128xf32, #tpu.memory_space<vmem>>, vector<1x16xf32>,
        %get3A_1104 = vector.shape_cast %get3A_1103 : vector<1x16xf32> to vector<16xf32>
        %mul3A_1105 = arith.mulf %get3A_1104, %broadcast_in_dim3A_1100 : vector<16xf32>
        %swap3A_1106 = arith.index_cast %add3A_1097 : i32 to index
        %swap3A_1107 = arith.constant 0 : index
        %swap3A_1108 = tpu.vector_load %arg10[%swap3A_1106, %swap3A_1107] {strides = array<i32>} : memref<128x128xf32, #tpu.memory_space<vmem>>, vector<1x16xf32>,
        %swap3A_1109 = vector.shape_cast %swap3A_1108 : vector<1x16xf32> to vector<16xf32>
        %swap3A_1110 = vector.shape_cast %mul3A_1105 : vector<16xf32> to vector<1x16xf32>
        tpu.vector_store %arg10[%swap3A_1106, %swap3A_1107], %swap3A_1110 {strides = array<i32>} : memref<128x128xf32, #tpu.memory_space<vmem>>, vector<1x16xf32>,
        %get3A_1111 = arith.index_cast %add3A_1097 : i32 to index
        %get3A_1112 = arith.constant 16 : index
        %get3A_1113 = tpu.vector_load %arg10[%get3A_1111, %get3A_1112] {strides = array<i32>} : memref<128x128xf32, #tpu.memory_space<vmem>>, vector<1x16xf32>,
        %get3A_1114 = vector.shape_cast %get3A_1113 : vector<1x16xf32> to vector<16xf32>
        %mul3A_1115 = arith.mulf %get3A_1114, %broadcast_in_dim3A_1100 : vector<16xf32>
        %swap3A_1116 = arith.index_cast %add3A_1097 : i32 to index
        %swap3A_1117 = arith.constant 16 : index
        %swap3A_1118 = tpu.vector_load %arg10[%swap3A_1116, %swap3A_1117] {strides = array<i32>} : memref<128x128xf32, #tpu.memory_space<vmem>>, vector<1x16xf32>,
        %swap3A_1119 = vector.shape_cast %swap3A_1118 : vector<1x16xf32> to vector<16xf32>
        %swap3A_1120 = vector.shape_cast %mul3A_1115 : vector<16xf32> to vector<1x16xf32>
        tpu.vector_store %arg10[%swap3A_1116, %swap3A_1117], %swap3A_1120 {strides = array<i32>} : memref<128x128xf32, #tpu.memory_space<vmem>>, vector<1x16xf32>,
        %get3A_1121 = arith.index_cast %add3A_1097 : i32 to index
        %get3A_1122 = arith.constant 32 : index
        %get3A_1123 = tpu.vector_load %arg10[%get3A_1121, %get3A_1122] {strides = array<i32>} : memref<128x128xf32, #tpu.memory_space<vmem>>, vector<1x16xf32>,
        %get3A_1124 = vector.shape_cast %get3A_1123 : vector<1x16xf32> to vector<16xf32>
        %mul3A_1125 = arith.mulf %get3A_1124, %broadcast_in_dim3A_1100 : vector<16xf32>
        %swap3A_1126 = arith.index_cast %add3A_1097 : i32 to index
        %swap3A_1127 = arith.constant 32 : index
        %swap3A_1128 = tpu.vector_load %arg10[%swap3A_1126, %swap3A_1127] {strides = array<i32>} : memref<128x128xf32, #tpu.memory_space<vmem>>, vector<1x16xf32>,
        %swap3A_1129 = vector.shape_cast %swap3A_1128 : vector<1x16xf32> to vector<16xf32>
        %swap3A_1130 = vector.shape_cast %mul3A_1125 : vector<16xf32> to vector<1x16xf32>
        tpu.vector_store %arg10[%swap3A_1126, %swap3A_1127], %swap3A_1130 {strides = array<i32>} : memref<128x128xf32, #tpu.memory_space<vmem>>, vector<1x16xf32>,
        %get3A_1131 = arith.index_cast %add3A_1097 : i32 to index
        %get3A_1132 = arith.constant 48 : index
        %get3A_1133 = tpu.vector_load %arg10[%get3A_1131, %get3A_1132] {strides = array<i32>} : memref<128x128xf32, #tpu.memory_space<vmem>>, vector<1x16xf32>,
        %get3A_1134 = vector.shape_cast %get3A_1133 : vector<1x16xf32> to vector<16xf32>
        %mul3A_1135 = arith.mulf %get3A_1134, %broadcast_in_dim3A_1100 : vector<16xf32>
        %swap3A_1136 = arith.index_cast %add3A_1097 : i32 to index
        %swap3A_1137 = arith.constant 48 : index
        %swap3A_1138 = tpu.vector_load %arg10[%swap3A_1136, %swap3A_1137] {strides = array<i32>} : memref<128x128xf32, #tpu.memory_space<vmem>>, vector<1x16xf32>,
        %swap3A_1139 = vector.shape_cast %swap3A_1138 : vector<1x16xf32> to vector<16xf32>
        %swap3A_1140 = vector.shape_cast %mul3A_1135 : vector<16xf32> to vector<1x16xf32>
        tpu.vector_store %arg10[%swap3A_1136, %swap3A_1137], %swap3A_1140 {strides = array<i32>} : memref<128x128xf32, #tpu.memory_space<vmem>>, vector<1x16xf32>,
        %get3A_1141 = arith.index_cast %add3A_1097 : i32 to index
        %get3A_1142 = arith.constant 64 : index
        %get3A_1143 = tpu.vector_load %arg10[%get3A_1141, %get3A_1142] {strides = array<i32>} : memref<128x128xf32, #tpu.memory_space<vmem>>, vector<1x16xf32>,
        %get3A_1144 = vector.shape_cast %get3A_1143 : vector<1x16xf32> to vector<16xf32>
        %mul3A_1145 = arith.mulf %get3A_1144, %broadcast_in_dim3A_1100 : vector<16xf32>
        %swap3A_1146 = arith.index_cast %add3A_1097 : i32 to index
        %swap3A_1147 = arith.constant 64 : index
        %swap3A_1148 = tpu.vector_load %arg10[%swap3A_1146, %swap3A_1147] {strides = array<i32>} : memref<128x128xf32, #tpu.memory_space<vmem>>, vector<1x16xf32>,
        %swap3A_1149 = vector.shape_cast %swap3A_1148 : vector<1x16xf32> to vector<16xf32>
        %swap3A_1150 = vector.shape_cast %mul3A_1145 : vector<16xf32> to vector<1x16xf32>
        tpu.vector_store %arg10[%swap3A_1146, %swap3A_1147], %swap3A_1150 {strides = array<i32>} : memref<128x128xf32, #tpu.memory_space<vmem>>, vector<1x16xf32>,
        %get3A_1151 = arith.index_cast %add3A_1097 : i32 to index
        %get3A_1152 = arith.constant 80 : index
        %get3A_1153 = tpu.vector_load %arg10[%get3A_1151, %get3A_1152] {strides = array<i32>} : memref<128x128xf32, #tpu.memory_space<vmem>>, vector<1x16xf32>,
        %get3A_1154 = vector.shape_cast %get3A_1153 : vector<1x16xf32> to vector<16xf32>
        %mul3A_1155 = arith.mulf %get3A_1154, %broadcast_in_dim3A_1100 : vector<16xf32>
        %swap3A_1156 = arith.index_cast %add3A_1097 : i32 to index
        %swap3A_1157 = arith.constant 80 : index
        %swap3A_1158 = tpu.vector_load %arg10[%swap3A_1156, %swap3A_1157] {strides = array<i32>} : memref<128x128xf32, #tpu.memory_space<vmem>>, vector<1x16xf32>,
        %swap3A_1159 = vector.shape_cast %swap3A_1158 : vector<1x16xf32> to vector<16xf32>
        %swap3A_1160 = vector.shape_cast %mul3A_1155 : vector<16xf32> to vector<1x16xf32>
        tpu.vector_store %arg10[%swap3A_1156, %swap3A_1157], %swap3A_1160 {strides = array<i32>} : memref<128x128xf32, #tpu.memory_space<vmem>>, vector<1x16xf32>,
        %get3A_1161 = arith.index_cast %add3A_1097 : i32 to index
        %get3A_1162 = arith.constant 96 : index
        %get3A_1163 = tpu.vector_load %arg10[%get3A_1161, %get3A_1162] {strides = array<i32>} : memref<128x128xf32, #tpu.memory_space<vmem>>, vector<1x16xf32>,
        %get3A_1164 = vector.shape_cast %get3A_1163 : vector<1x16xf32> to vector<16xf32>
        %mul3A_1165 = arith.mulf %get3A_1164, %broadcast_in_dim3A_1100 : vector<16xf32>
        %swap3A_1166 = arith.index_cast %add3A_1097 : i32 to index
        %swap3A_1167 = arith.constant 96 : index
        %swap3A_1168 = tpu.vector_load %arg10[%swap3A_1166, %swap3A_1167] {strides = array<i32>} : memref<128x128xf32, #tpu.memory_space<vmem>>, vector<1x16xf32>,
        %swap3A_1169 = vector.shape_cast %swap3A_1168 : vector<1x16xf32> to vector<16xf32>
        %swap3A_1170 = vector.shape_cast %mul3A_1165 : vector<16xf32> to vector<1x16xf32>
        tpu.vector_store %arg10[%swap3A_1166, %swap3A_1167], %swap3A_1170 {strides = array<i32>} : memref<128x128xf32, #tpu.memory_space<vmem>>, vector<1x16xf32>,
        %get3A_1171 = arith.index_cast %add3A_1097 : i32 to index
        %get3A_1172 = arith.constant 112 : index
        %get3A_1173 = tpu.vector_load %arg10[%get3A_1171, %get3A_1172] {strides = array<i32>} : memref<128x128xf32, #tpu.memory_space<vmem>>, vector<1x16xf32>,
        %get3A_1174 = vector.shape_cast %get3A_1173 : vector<1x16xf32> to vector<16xf32>
        %mul3A_1175 = arith.mulf %get3A_1174, %broadcast_in_dim3A_1100 : vector<16xf32>
        %swap3A_1176 = arith.index_cast %add3A_1097 : i32 to index
        %swap3A_1177 = arith.constant 112 : index
        %swap3A_1178 = tpu.vector_load %arg10[%swap3A_1176, %swap3A_1177] {strides = array<i32>} : memref<128x128xf32, #tpu.memory_space<vmem>>, vector<1x16xf32>,
        %swap3A_1179 = vector.shape_cast %swap3A_1178 : vector<1x16xf32> to vector<16xf32>
        %swap3A_1180 = vector.shape_cast %mul3A_1175 : vector<16xf32> to vector<1x16xf32>
        tpu.vector_store %arg10[%swap3A_1176, %swap3A_1177], %swap3A_1180 {strides = array<i32>} : memref<128x128xf32, #tpu.memory_space<vmem>>, vector<1x16xf32>,
        %mul3A_1181 = arith.constant 16 : i32
        %mul3A_1182 = arith.muli %add3A_49, %mul3A_1181 : i32
        %add3A_1183 = arith.constant 13 : i32
        %add3A_1184 = arith.addi %mul3A_1182, %add3A_1183 : i32
        %slice3A_1185 = vector.extract_strided_slice %get3A_53 {offsets = [13], sizes = [1], strides = [1]} : vector<16xf32> to vector<1xf32>
        %squeeze3A_1186 = vector.extract %slice3A_1185[0] : f32 from vector<1xf32>
        %broadcast_in_dim3A_1187 = vector.broadcast %squeeze3A_1186 : f32 to vector<16xf32>
        %get3A_1188 = arith.index_cast %add3A_1184 : i32 to index
        %get3A_1189 = arith.constant 0 : index
        %get3A_1190 = tpu.vector_load %arg10[%get3A_1188, %get3A_1189] {strides = array<i32>} : memref<128x128xf32, #tpu.memory_space<vmem>>, vector<1x16xf32>,
        %get3A_1191 = vector.shape_cast %get3A_1190 : vector<1x16xf32> to vector<16xf32>
        %mul3A_1192 = arith.mulf %get3A_1191, %broadcast_in_dim3A_1187 : vector<16xf32>
        %swap3A_1193 = arith.index_cast %add3A_1184 : i32 to index
        %swap3A_1194 = arith.constant 0 : index
        %swap3A_1195 = tpu.vector_load %arg10[%swap3A_1193, %swap3A_1194] {strides = array<i32>} : memref<128x128xf32, #tpu.memory_space<vmem>>, vector<1x16xf32>,
        %swap3A_1196 = vector.shape_cast %swap3A_1195 : vector<1x16xf32> to vector<16xf32>
        %swap3A_1197 = vector.shape_cast %mul3A_1192 : vector<16xf32> to vector<1x16xf32>
        tpu.vector_store %arg10[%swap3A_1193, %swap3A_1194], %swap3A_1197 {strides = array<i32>} : memref<128x128xf32, #tpu.memory_space<vmem>>, vector<1x16xf32>,
        %get3A_1198 = arith.index_cast %add3A_1184 : i32 to index
        %get3A_1199 = arith.constant 16 : index
        %get3A_1200 = tpu.vector_load %arg10[%get3A_1198, %get3A_1199] {strides = array<i32>} : memref<128x128xf32, #tpu.memory_space<vmem>>, vector<1x16xf32>,
        %get3A_1201 = vector.shape_cast %get3A_1200 : vector<1x16xf32> to vector<16xf32>
        %mul3A_1202 = arith.mulf %get3A_1201, %broadcast_in_dim3A_1187 : vector<16xf32>
        %swap3A_1203 = arith.index_cast %add3A_1184 : i32 to index
        %swap3A_1204 = arith.constant 16 : index
        %swap3A_1205 = tpu.vector_load %arg10[%swap3A_1203, %swap3A_1204] {strides = array<i32>} : memref<128x128xf32, #tpu.memory_space<vmem>>, vector<1x16xf32>,
        %swap3A_1206 = vector.shape_cast %swap3A_1205 : vector<1x16xf32> to vector<16xf32>
        %swap3A_1207 = vector.shape_cast %mul3A_1202 : vector<16xf32> to vector<1x16xf32>
        tpu.vector_store %arg10[%swap3A_1203, %swap3A_1204], %swap3A_1207 {strides = array<i32>} : memref<128x128xf32, #tpu.memory_space<vmem>>, vector<1x16xf32>,
        %get3A_1208 = arith.index_cast %add3A_1184 : i32 to index
        %get3A_1209 = arith.constant 32 : index
        %get3A_1210 = tpu.vector_load %arg10[%get3A_1208, %get3A_1209] {strides = array<i32>} : memref<128x128xf32, #tpu.memory_space<vmem>>, vector<1x16xf32>,
        %get3A_1211 = vector.shape_cast %get3A_1210 : vector<1x16xf32> to vector<16xf32>
        %mul3A_1212 = arith.mulf %get3A_1211, %broadcast_in_dim3A_1187 : vector<16xf32>
        %swap3A_1213 = arith.index_cast %add3A_1184 : i32 to index
        %swap3A_1214 = arith.constant 32 : index
        %swap3A_1215 = tpu.vector_load %arg10[%swap3A_1213, %swap3A_1214] {strides = array<i32>} : memref<128x128xf32, #tpu.memory_space<vmem>>, vector<1x16xf32>,
        %swap3A_1216 = vector.shape_cast %swap3A_1215 : vector<1x16xf32> to vector<16xf32>
        %swap3A_1217 = vector.shape_cast %mul3A_1212 : vector<16xf32> to vector<1x16xf32>
        tpu.vector_store %arg10[%swap3A_1213, %swap3A_1214], %swap3A_1217 {strides = array<i32>} : memref<128x128xf32, #tpu.memory_space<vmem>>, vector<1x16xf32>,
        %get3A_1218 = arith.index_cast %add3A_1184 : i32 to index
        %get3A_1219 = arith.constant 48 : index
        %get3A_1220 = tpu.vector_load %arg10[%get3A_1218, %get3A_1219] {strides = array<i32>} : memref<128x128xf32, #tpu.memory_space<vmem>>, vector<1x16xf32>,
        %get3A_1221 = vector.shape_cast %get3A_1220 : vector<1x16xf32> to vector<16xf32>
        %mul3A_1222 = arith.mulf %get3A_1221, %broadcast_in_dim3A_1187 : vector<16xf32>
        %swap3A_1223 = arith.index_cast %add3A_1184 : i32 to index
        %swap3A_1224 = arith.constant 48 : index
        %swap3A_1225 = tpu.vector_load %arg10[%swap3A_1223, %swap3A_1224] {strides = array<i32>} : memref<128x128xf32, #tpu.memory_space<vmem>>, vector<1x16xf32>,
        %swap3A_1226 = vector.shape_cast %swap3A_1225 : vector<1x16xf32> to vector<16xf32>
        %swap3A_1227 = vector.shape_cast %mul3A_1222 : vector<16xf32> to vector<1x16xf32>
        tpu.vector_store %arg10[%swap3A_1223, %swap3A_1224], %swap3A_1227 {strides = array<i32>} : memref<128x128xf32, #tpu.memory_space<vmem>>, vector<1x16xf32>,
        %get3A_1228 = arith.index_cast %add3A_1184 : i32 to index
        %get3A_1229 = arith.constant 64 : index
        %get3A_1230 = tpu.vector_load %arg10[%get3A_1228, %get3A_1229] {strides = array<i32>} : memref<128x128xf32, #tpu.memory_space<vmem>>, vector<1x16xf32>,
        %get3A_1231 = vector.shape_cast %get3A_1230 : vector<1x16xf32> to vector<16xf32>
        %mul3A_1232 = arith.mulf %get3A_1231, %broadcast_in_dim3A_1187 : vector<16xf32>
        %swap3A_1233 = arith.index_cast %add3A_1184 : i32 to index
        %swap3A_1234 = arith.constant 64 : index
        %swap3A_1235 = tpu.vector_load %arg10[%swap3A_1233, %swap3A_1234] {strides = array<i32>} : memref<128x128xf32, #tpu.memory_space<vmem>>, vector<1x16xf32>,
        %swap3A_1236 = vector.shape_cast %swap3A_1235 : vector<1x16xf32> to vector<16xf32>
        %swap3A_1237 = vector.shape_cast %mul3A_1232 : vector<16xf32> to vector<1x16xf32>
        tpu.vector_store %arg10[%swap3A_1233, %swap3A_1234], %swap3A_1237 {strides = array<i32>} : memref<128x128xf32, #tpu.memory_space<vmem>>, vector<1x16xf32>,
        %get3A_1238 = arith.index_cast %add3A_1184 : i32 to index
        %get3A_1239 = arith.constant 80 : index
        %get3A_1240 = tpu.vector_load %arg10[%get3A_1238, %get3A_1239] {strides = array<i32>} : memref<128x128xf32, #tpu.memory_space<vmem>>, vector<1x16xf32>,
        %get3A_1241 = vector.shape_cast %get3A_1240 : vector<1x16xf32> to vector<16xf32>
        %mul3A_1242 = arith.mulf %get3A_1241, %broadcast_in_dim3A_1187 : vector<16xf32>
        %swap3A_1243 = arith.index_cast %add3A_1184 : i32 to index
        %swap3A_1244 = arith.constant 80 : index
        %swap3A_1245 = tpu.vector_load %arg10[%swap3A_1243, %swap3A_1244] {strides = array<i32>} : memref<128x128xf32, #tpu.memory_space<vmem>>, vector<1x16xf32>,
        %swap3A_1246 = vector.shape_cast %swap3A_1245 : vector<1x16xf32> to vector<16xf32>
        %swap3A_1247 = vector.shape_cast %mul3A_1242 : vector<16xf32> to vector<1x16xf32>
        tpu.vector_store %arg10[%swap3A_1243, %swap3A_1244], %swap3A_1247 {strides = array<i32>} : memref<128x128xf32, #tpu.memory_space<vmem>>, vector<1x16xf32>,
        %get3A_1248 = arith.index_cast %add3A_1184 : i32 to index
        %get3A_1249 = arith.constant 96 : index
        %get3A_1250 = tpu.vector_load %arg10[%get3A_1248, %get3A_1249] {strides = array<i32>} : memref<128x128xf32, #tpu.memory_space<vmem>>, vector<1x16xf32>,
        %get3A_1251 = vector.shape_cast %get3A_1250 : vector<1x16xf32> to vector<16xf32>
        %mul3A_1252 = arith.mulf %get3A_1251, %broadcast_in_dim3A_1187 : vector<16xf32>
        %swap3A_1253 = arith.index_cast %add3A_1184 : i32 to index
        %swap3A_1254 = arith.constant 96 : index
        %swap3A_1255 = tpu.vector_load %arg10[%swap3A_1253, %swap3A_1254] {strides = array<i32>} : memref<128x128xf32, #tpu.memory_space<vmem>>, vector<1x16xf32>,
        %swap3A_1256 = vector.shape_cast %swap3A_1255 : vector<1x16xf32> to vector<16xf32>
        %swap3A_1257 = vector.shape_cast %mul3A_1252 : vector<16xf32> to vector<1x16xf32>
        tpu.vector_store %arg10[%swap3A_1253, %swap3A_1254], %swap3A_1257 {strides = array<i32>} : memref<128x128xf32, #tpu.memory_space<vmem>>, vector<1x16xf32>,
        %get3A_1258 = arith.index_cast %add3A_1184 : i32 to index
        %get3A_1259 = arith.constant 112 : index
        %get3A_1260 = tpu.vector_load %arg10[%get3A_1258, %get3A_1259] {strides = array<i32>} : memref<128x128xf32, #tpu.memory_space<vmem>>, vector<1x16xf32>,
        %get3A_1261 = vector.shape_cast %get3A_1260 : vector<1x16xf32> to vector<16xf32>
        %mul3A_1262 = arith.mulf %get3A_1261, %broadcast_in_dim3A_1187 : vector<16xf32>
        %swap3A_1263 = arith.index_cast %add3A_1184 : i32 to index
        %swap3A_1264 = arith.constant 112 : index
        %swap3A_1265 = tpu.vector_load %arg10[%swap3A_1263, %swap3A_1264] {strides = array<i32>} : memref<128x128xf32, #tpu.memory_space<vmem>>, vector<1x16xf32>,
        %swap3A_1266 = vector.shape_cast %swap3A_1265 : vector<1x16xf32> to vector<16xf32>
        %swap3A_1267 = vector.shape_cast %mul3A_1262 : vector<16xf32> to vector<1x16xf32>
        tpu.vector_store %arg10[%swap3A_1263, %swap3A_1264], %swap3A_1267 {strides = array<i32>} : memref<128x128xf32, #tpu.memory_space<vmem>>, vector<1x16xf32>,
        %mul3A_1268 = arith.constant 16 : i32
        %mul3A_1269 = arith.muli %add3A_49, %mul3A_1268 : i32
        %add3A_1270 = arith.constant 14 : i32
        %add3A_1271 = arith.addi %mul3A_1269, %add3A_1270 : i32
        %slice3A_1272 = vector.extract_strided_slice %get3A_53 {offsets = [14], sizes = [1], strides = [1]} : vector<16xf32> to vector<1xf32>
        %squeeze3A_1273 = vector.extract %slice3A_1272[0] : f32 from vector<1xf32>
        %broadcast_in_dim3A_1274 = vector.broadcast %squeeze3A_1273 : f32 to vector<16xf32>
        %get3A_1275 = arith.index_cast %add3A_1271 : i32 to index
        %get3A_1276 = arith.constant 0 : index
        %get3A_1277 = tpu.vector_load %arg10[%get3A_1275, %get3A_1276] {strides = array<i32>} : memref<128x128xf32, #tpu.memory_space<vmem>>, vector<1x16xf32>,
        %get3A_1278 = vector.shape_cast %get3A_1277 : vector<1x16xf32> to vector<16xf32>
        %mul3A_1279 = arith.mulf %get3A_1278, %broadcast_in_dim3A_1274 : vector<16xf32>
        %swap3A_1280 = arith.index_cast %add3A_1271 : i32 to index
        %swap3A_1281 = arith.constant 0 : index
        %swap3A_1282 = tpu.vector_load %arg10[%swap3A_1280, %swap3A_1281] {strides = array<i32>} : memref<128x128xf32, #tpu.memory_space<vmem>>, vector<1x16xf32>,
        %swap3A_1283 = vector.shape_cast %swap3A_1282 : vector<1x16xf32> to vector<16xf32>
        %swap3A_1284 = vector.shape_cast %mul3A_1279 : vector<16xf32> to vector<1x16xf32>
        tpu.vector_store %arg10[%swap3A_1280, %swap3A_1281], %swap3A_1284 {strides = array<i32>} : memref<128x128xf32, #tpu.memory_space<vmem>>, vector<1x16xf32>,
        %get3A_1285 = arith.index_cast %add3A_1271 : i32 to index
        %get3A_1286 = arith.constant 16 : index
        %get3A_1287 = tpu.vector_load %arg10[%get3A_1285, %get3A_1286] {strides = array<i32>} : memref<128x128xf32, #tpu.memory_space<vmem>>, vector<1x16xf32>,
        %get3A_1288 = vector.shape_cast %get3A_1287 : vector<1x16xf32> to vector<16xf32>
        %mul3A_1289 = arith.mulf %get3A_1288, %broadcast_in_dim3A_1274 : vector<16xf32>
        %swap3A_1290 = arith.index_cast %add3A_1271 : i32 to index
        %swap3A_1291 = arith.constant 16 : index
        %swap3A_1292 = tpu.vector_load %arg10[%swap3A_1290, %swap3A_1291] {strides = array<i32>} : memref<128x128xf32, #tpu.memory_space<vmem>>, vector<1x16xf32>,
        %swap3A_1293 = vector.shape_cast %swap3A_1292 : vector<1x16xf32> to vector<16xf32>
        %swap3A_1294 = vector.shape_cast %mul3A_1289 : vector<16xf32> to vector<1x16xf32>
        tpu.vector_store %arg10[%swap3A_1290, %swap3A_1291], %swap3A_1294 {strides = array<i32>} : memref<128x128xf32, #tpu.memory_space<vmem>>, vector<1x16xf32>,
        %get3A_1295 = arith.index_cast %add3A_1271 : i32 to index
        %get3A_1296 = arith.constant 32 : index
        %get3A_1297 = tpu.vector_load %arg10[%get3A_1295, %get3A_1296] {strides = array<i32>} : memref<128x128xf32, #tpu.memory_space<vmem>>, vector<1x16xf32>,
        %get3A_1298 = vector.shape_cast %get3A_1297 : vector<1x16xf32> to vector<16xf32>
        %mul3A_1299 = arith.mulf %get3A_1298, %broadcast_in_dim3A_1274 : vector<16xf32>
        %swap3A_1300 = arith.index_cast %add3A_1271 : i32 to index
        %swap3A_1301 = arith.constant 32 : index
        %swap3A_1302 = tpu.vector_load %arg10[%swap3A_1300, %swap3A_1301] {strides = array<i32>} : memref<128x128xf32, #tpu.memory_space<vmem>>, vector<1x16xf32>,
        %swap3A_1303 = vector.shape_cast %swap3A_1302 : vector<1x16xf32> to vector<16xf32>
        %swap3A_1304 = vector.shape_cast %mul3A_1299 : vector<16xf32> to vector<1x16xf32>
        tpu.vector_store %arg10[%swap3A_1300, %swap3A_1301], %swap3A_1304 {strides = array<i32>} : memref<128x128xf32, #tpu.memory_space<vmem>>, vector<1x16xf32>,
        %get3A_1305 = arith.index_cast %add3A_1271 : i32 to index
        %get3A_1306 = arith.constant 48 : index
        %get3A_1307 = tpu.vector_load %arg10[%get3A_1305, %get3A_1306] {strides = array<i32>} : memref<128x128xf32, #tpu.memory_space<vmem>>, vector<1x16xf32>,
        %get3A_1308 = vector.shape_cast %get3A_1307 : vector<1x16xf32> to vector<16xf32>
        %mul3A_1309 = arith.mulf %get3A_1308, %broadcast_in_dim3A_1274 : vector<16xf32>
        %swap3A_1310 = arith.index_cast %add3A_1271 : i32 to index
        %swap3A_1311 = arith.constant 48 : index
        %swap3A_1312 = tpu.vector_load %arg10[%swap3A_1310, %swap3A_1311] {strides = array<i32>} : memref<128x128xf32, #tpu.memory_space<vmem>>, vector<1x16xf32>,
        %swap3A_1313 = vector.shape_cast %swap3A_1312 : vector<1x16xf32> to vector<16xf32>
        %swap3A_1314 = vector.shape_cast %mul3A_1309 : vector<16xf32> to vector<1x16xf32>
        tpu.vector_store %arg10[%swap3A_1310, %swap3A_1311], %swap3A_1314 {strides = array<i32>} : memref<128x128xf32, #tpu.memory_space<vmem>>, vector<1x16xf32>,
        %get3A_1315 = arith.index_cast %add3A_1271 : i32 to index
        %get3A_1316 = arith.constant 64 : index
        %get3A_1317 = tpu.vector_load %arg10[%get3A_1315, %get3A_1316] {strides = array<i32>} : memref<128x128xf32, #tpu.memory_space<vmem>>, vector<1x16xf32>,
        %get3A_1318 = vector.shape_cast %get3A_1317 : vector<1x16xf32> to vector<16xf32>
        %mul3A_1319 = arith.mulf %get3A_1318, %broadcast_in_dim3A_1274 : vector<16xf32>
        %swap3A_1320 = arith.index_cast %add3A_1271 : i32 to index
        %swap3A_1321 = arith.constant 64 : index
        %swap3A_1322 = tpu.vector_load %arg10[%swap3A_1320, %swap3A_1321] {strides = array<i32>} : memref<128x128xf32, #tpu.memory_space<vmem>>, vector<1x16xf32>,
        %swap3A_1323 = vector.shape_cast %swap3A_1322 : vector<1x16xf32> to vector<16xf32>
        %swap3A_1324 = vector.shape_cast %mul3A_1319 : vector<16xf32> to vector<1x16xf32>
        tpu.vector_store %arg10[%swap3A_1320, %swap3A_1321], %swap3A_1324 {strides = array<i32>} : memref<128x128xf32, #tpu.memory_space<vmem>>, vector<1x16xf32>,
        %get3A_1325 = arith.index_cast %add3A_1271 : i32 to index
        %get3A_1326 = arith.constant 80 : index
        %get3A_1327 = tpu.vector_load %arg10[%get3A_1325, %get3A_1326] {strides = array<i32>} : memref<128x128xf32, #tpu.memory_space<vmem>>, vector<1x16xf32>,
        %get3A_1328 = vector.shape_cast %get3A_1327 : vector<1x16xf32> to vector<16xf32>
        %mul3A_1329 = arith.mulf %get3A_1328, %broadcast_in_dim3A_1274 : vector<16xf32>
        %swap3A_1330 = arith.index_cast %add3A_1271 : i32 to index
        %swap3A_1331 = arith.constant 80 : index
        %swap3A_1332 = tpu.vector_load %arg10[%swap3A_1330, %swap3A_1331] {strides = array<i32>} : memref<128x128xf32, #tpu.memory_space<vmem>>, vector<1x16xf32>,
        %swap3A_1333 = vector.shape_cast %swap3A_1332 : vector<1x16xf32> to vector<16xf32>
        %swap3A_1334 = vector.shape_cast %mul3A_1329 : vector<16xf32> to vector<1x16xf32>
        tpu.vector_store %arg10[%swap3A_1330, %swap3A_1331], %swap3A_1334 {strides = array<i32>} : memref<128x128xf32, #tpu.memory_space<vmem>>, vector<1x16xf32>,
        %get3A_1335 = arith.index_cast %add3A_1271 : i32 to index
        %get3A_1336 = arith.constant 96 : index
        %get3A_1337 = tpu.vector_load %arg10[%get3A_1335, %get3A_1336] {strides = array<i32>} : memref<128x128xf32, #tpu.memory_space<vmem>>, vector<1x16xf32>,
        %get3A_1338 = vector.shape_cast %get3A_1337 : vector<1x16xf32> to vector<16xf32>
        %mul3A_1339 = arith.mulf %get3A_1338, %broadcast_in_dim3A_1274 : vector<16xf32>
        %swap3A_1340 = arith.index_cast %add3A_1271 : i32 to index
        %swap3A_1341 = arith.constant 96 : index
        %swap3A_1342 = tpu.vector_load %arg10[%swap3A_1340, %swap3A_1341] {strides = array<i32>} : memref<128x128xf32, #tpu.memory_space<vmem>>, vector<1x16xf32>,
        %swap3A_1343 = vector.shape_cast %swap3A_1342 : vector<1x16xf32> to vector<16xf32>
        %swap3A_1344 = vector.shape_cast %mul3A_1339 : vector<16xf32> to vector<1x16xf32>
        tpu.vector_store %arg10[%swap3A_1340, %swap3A_1341], %swap3A_1344 {strides = array<i32>} : memref<128x128xf32, #tpu.memory_space<vmem>>, vector<1x16xf32>,
        %get3A_1345 = arith.index_cast %add3A_1271 : i32 to index
        %get3A_1346 = arith.constant 112 : index
        %get3A_1347 = tpu.vector_load %arg10[%get3A_1345, %get3A_1346] {strides = array<i32>} : memref<128x128xf32, #tpu.memory_space<vmem>>, vector<1x16xf32>,
        %get3A_1348 = vector.shape_cast %get3A_1347 : vector<1x16xf32> to vector<16xf32>
        %mul3A_1349 = arith.mulf %get3A_1348, %broadcast_in_dim3A_1274 : vector<16xf32>
        %swap3A_1350 = arith.index_cast %add3A_1271 : i32 to index
        %swap3A_1351 = arith.constant 112 : index
        %swap3A_1352 = tpu.vector_load %arg10[%swap3A_1350, %swap3A_1351] {strides = array<i32>} : memref<128x128xf32, #tpu.memory_space<vmem>>, vector<1x16xf32>,
        %swap3A_1353 = vector.shape_cast %swap3A_1352 : vector<1x16xf32> to vector<16xf32>
        %swap3A_1354 = vector.shape_cast %mul3A_1349 : vector<16xf32> to vector<1x16xf32>
        tpu.vector_store %arg10[%swap3A_1350, %swap3A_1351], %swap3A_1354 {strides = array<i32>} : memref<128x128xf32, #tpu.memory_space<vmem>>, vector<1x16xf32>,
        %mul3A_1355 = arith.constant 16 : i32
        %mul3A_1356 = arith.muli %add3A_49, %mul3A_1355 : i32
        %add3A_1357 = arith.constant 15 : i32
        %add3A_1358 = arith.addi %mul3A_1356, %add3A_1357 : i32
        %slice3A_1359 = vector.extract_strided_slice %get3A_53 {offsets = [15], sizes = [1], strides = [1]} : vector<16xf32> to vector<1xf32>
        %squeeze3A_1360 = vector.extract %slice3A_1359[0] : f32 from vector<1xf32>
        %broadcast_in_dim3A_1361 = vector.broadcast %squeeze3A_1360 : f32 to vector<16xf32>
        %get3A_1362 = arith.index_cast %add3A_1358 : i32 to index
        %get3A_1363 = arith.constant 0 : index
        %get3A_1364 = tpu.vector_load %arg10[%get3A_1362, %get3A_1363] {strides = array<i32>} : memref<128x128xf32, #tpu.memory_space<vmem>>, vector<1x16xf32>,
        %get3A_1365 = vector.shape_cast %get3A_1364 : vector<1x16xf32> to vector<16xf32>
        %mul3A_1366 = arith.mulf %get3A_1365, %broadcast_in_dim3A_1361 : vector<16xf32>
        %swap3A_1367 = arith.index_cast %add3A_1358 : i32 to index
        %swap3A_1368 = arith.constant 0 : index
        %swap3A_1369 = tpu.vector_load %arg10[%swap3A_1367, %swap3A_1368] {strides = array<i32>} : memref<128x128xf32, #tpu.memory_space<vmem>>, vector<1x16xf32>,
        %swap3A_1370 = vector.shape_cast %swap3A_1369 : vector<1x16xf32> to vector<16xf32>
        %swap3A_1371 = vector.shape_cast %mul3A_1366 : vector<16xf32> to vector<1x16xf32>
        tpu.vector_store %arg10[%swap3A_1367, %swap3A_1368], %swap3A_1371 {strides = array<i32>} : memref<128x128xf32, #tpu.memory_space<vmem>>, vector<1x16xf32>,
        %get3A_1372 = arith.index_cast %add3A_1358 : i32 to index
        %get3A_1373 = arith.constant 16 : index
        %get3A_1374 = tpu.vector_load %arg10[%get3A_1372, %get3A_1373] {strides = array<i32>} : memref<128x128xf32, #tpu.memory_space<vmem>>, vector<1x16xf32>,
        %get3A_1375 = vector.shape_cast %get3A_1374 : vector<1x16xf32> to vector<16xf32>
        %mul3A_1376 = arith.mulf %get3A_1375, %broadcast_in_dim3A_1361 : vector<16xf32>
        %swap3A_1377 = arith.index_cast %add3A_1358 : i32 to index
        %swap3A_1378 = arith.constant 16 : index
        %swap3A_1379 = tpu.vector_load %arg10[%swap3A_1377, %swap3A_1378] {strides = array<i32>} : memref<128x128xf32, #tpu.memory_space<vmem>>, vector<1x16xf32>,
        %swap3A_1380 = vector.shape_cast %swap3A_1379 : vector<1x16xf32> to vector<16xf32>
        %swap3A_1381 = vector.shape_cast %mul3A_1376 : vector<16xf32> to vector<1x16xf32>
        tpu.vector_store %arg10[%swap3A_1377, %swap3A_1378], %swap3A_1381 {strides = array<i32>} : memref<128x128xf32, #tpu.memory_space<vmem>>, vector<1x16xf32>,
        %get3A_1382 = arith.index_cast %add3A_1358 : i32 to index
        %get3A_1383 = arith.constant 32 : index
        %get3A_1384 = tpu.vector_load %arg10[%get3A_1382, %get3A_1383] {strides = array<i32>} : memref<128x128xf32, #tpu.memory_space<vmem>>, vector<1x16xf32>,
        %get3A_1385 = vector.shape_cast %get3A_1384 : vector<1x16xf32> to vector<16xf32>
        %mul3A_1386 = arith.mulf %get3A_1385, %broadcast_in_dim3A_1361 : vector<16xf32>
        %swap3A_1387 = arith.index_cast %add3A_1358 : i32 to index
        %swap3A_1388 = arith.constant 32 : index
        %swap3A_1389 = tpu.vector_load %arg10[%swap3A_1387, %swap3A_1388] {strides = array<i32>} : memref<128x128xf32, #tpu.memory_space<vmem>>, vector<1x16xf32>,
        %swap3A_1390 = vector.shape_cast %swap3A_1389 : vector<1x16xf32> to vector<16xf32>
        %swap3A_1391 = vector.shape_cast %mul3A_1386 : vector<16xf32> to vector<1x16xf32>
        tpu.vector_store %arg10[%swap3A_1387, %swap3A_1388], %swap3A_1391 {strides = array<i32>} : memref<128x128xf32, #tpu.memory_space<vmem>>, vector<1x16xf32>,
        %get3A_1392 = arith.index_cast %add3A_1358 : i32 to index
        %get3A_1393 = arith.constant 48 : index
        %get3A_1394 = tpu.vector_load %arg10[%get3A_1392, %get3A_1393] {strides = array<i32>} : memref<128x128xf32, #tpu.memory_space<vmem>>, vector<1x16xf32>,
        %get3A_1395 = vector.shape_cast %get3A_1394 : vector<1x16xf32> to vector<16xf32>
        %mul3A_1396 = arith.mulf %get3A_1395, %broadcast_in_dim3A_1361 : vector<16xf32>
        %swap3A_1397 = arith.index_cast %add3A_1358 : i32 to index
        %swap3A_1398 = arith.constant 48 : index
        %swap3A_1399 = tpu.vector_load %arg10[%swap3A_1397, %swap3A_1398] {strides = array<i32>} : memref<128x128xf32, #tpu.memory_space<vmem>>, vector<1x16xf32>,
        %swap3A_1400 = vector.shape_cast %swap3A_1399 : vector<1x16xf32> to vector<16xf32>
        %swap3A_1401 = vector.shape_cast %mul3A_1396 : vector<16xf32> to vector<1x16xf32>
        tpu.vector_store %arg10[%swap3A_1397, %swap3A_1398], %swap3A_1401 {strides = array<i32>} : memref<128x128xf32, #tpu.memory_space<vmem>>, vector<1x16xf32>,
        %get3A_1402 = arith.index_cast %add3A_1358 : i32 to index
        %get3A_1403 = arith.constant 64 : index
        %get3A_1404 = tpu.vector_load %arg10[%get3A_1402, %get3A_1403] {strides = array<i32>} : memref<128x128xf32, #tpu.memory_space<vmem>>, vector<1x16xf32>,
        %get3A_1405 = vector.shape_cast %get3A_1404 : vector<1x16xf32> to vector<16xf32>
        %mul3A_1406 = arith.mulf %get3A_1405, %broadcast_in_dim3A_1361 : vector<16xf32>
        %swap3A_1407 = arith.index_cast %add3A_1358 : i32 to index
        %swap3A_1408 = arith.constant 64 : index
        %swap3A_1409 = tpu.vector_load %arg10[%swap3A_1407, %swap3A_1408] {strides = array<i32>} : memref<128x128xf32, #tpu.memory_space<vmem>>, vector<1x16xf32>,
        %swap3A_1410 = vector.shape_cast %swap3A_1409 : vector<1x16xf32> to vector<16xf32>
        %swap3A_1411 = vector.shape_cast %mul3A_1406 : vector<16xf32> to vector<1x16xf32>
        tpu.vector_store %arg10[%swap3A_1407, %swap3A_1408], %swap3A_1411 {strides = array<i32>} : memref<128x128xf32, #tpu.memory_space<vmem>>, vector<1x16xf32>,
        %get3A_1412 = arith.index_cast %add3A_1358 : i32 to index
        %get3A_1413 = arith.constant 80 : index
        %get3A_1414 = tpu.vector_load %arg10[%get3A_1412, %get3A_1413] {strides = array<i32>} : memref<128x128xf32, #tpu.memory_space<vmem>>, vector<1x16xf32>,
        %get3A_1415 = vector.shape_cast %get3A_1414 : vector<1x16xf32> to vector<16xf32>
        %mul3A_1416 = arith.mulf %get3A_1415, %broadcast_in_dim3A_1361 : vector<16xf32>
        %swap3A_1417 = arith.index_cast %add3A_1358 : i32 to index
        %swap3A_1418 = arith.constant 80 : index
        %swap3A_1419 = tpu.vector_load %arg10[%swap3A_1417, %swap3A_1418] {strides = array<i32>} : memref<128x128xf32, #tpu.memory_space<vmem>>, vector<1x16xf32>,
        %swap3A_1420 = vector.shape_cast %swap3A_1419 : vector<1x16xf32> to vector<16xf32>
        %swap3A_1421 = vector.shape_cast %mul3A_1416 : vector<16xf32> to vector<1x16xf32>
        tpu.vector_store %arg10[%swap3A_1417, %swap3A_1418], %swap3A_1421 {strides = array<i32>} : memref<128x128xf32, #tpu.memory_space<vmem>>, vector<1x16xf32>,
        %get3A_1422 = arith.index_cast %add3A_1358 : i32 to index
        %get3A_1423 = arith.constant 96 : index
        %get3A_1424 = tpu.vector_load %arg10[%get3A_1422, %get3A_1423] {strides = array<i32>} : memref<128x128xf32, #tpu.memory_space<vmem>>, vector<1x16xf32>,
        %get3A_1425 = vector.shape_cast %get3A_1424 : vector<1x16xf32> to vector<16xf32>
        %mul3A_1426 = arith.mulf %get3A_1425, %broadcast_in_dim3A_1361 : vector<16xf32>
        %swap3A_1427 = arith.index_cast %add3A_1358 : i32 to index
        %swap3A_1428 = arith.constant 96 : index
        %swap3A_1429 = tpu.vector_load %arg10[%swap3A_1427, %swap3A_1428] {strides = array<i32>} : memref<128x128xf32, #tpu.memory_space<vmem>>, vector<1x16xf32>,
        %swap3A_1430 = vector.shape_cast %swap3A_1429 : vector<1x16xf32> to vector<16xf32>
        %swap3A_1431 = vector.shape_cast %mul3A_1426 : vector<16xf32> to vector<1x16xf32>
        tpu.vector_store %arg10[%swap3A_1427, %swap3A_1428], %swap3A_1431 {strides = array<i32>} : memref<128x128xf32, #tpu.memory_space<vmem>>, vector<1x16xf32>,
        %get3A_1432 = arith.index_cast %add3A_1358 : i32 to index
        %get3A_1433 = arith.constant 112 : index
        %get3A_1434 = tpu.vector_load %arg10[%get3A_1432, %get3A_1433] {strides = array<i32>} : memref<128x128xf32, #tpu.memory_space<vmem>>, vector<1x16xf32>,
        %get3A_1435 = vector.shape_cast %get3A_1434 : vector<1x16xf32> to vector<16xf32>
        %mul3A_1436 = arith.mulf %get3A_1435, %broadcast_in_dim3A_1361 : vector<16xf32>
        %swap3A_1437 = arith.index_cast %add3A_1358 : i32 to index
        %swap3A_1438 = arith.constant 112 : index
        %swap3A_1439 = tpu.vector_load %arg10[%swap3A_1437, %swap3A_1438] {strides = array<i32>} : memref<128x128xf32, #tpu.memory_space<vmem>>, vector<1x16xf32>,
        %swap3A_1440 = vector.shape_cast %swap3A_1439 : vector<1x16xf32> to vector<16xf32>
        %swap3A_1441 = vector.shape_cast %mul3A_1436 : vector<16xf32> to vector<1x16xf32>
        tpu.vector_store %arg10[%swap3A_1437, %swap3A_1438], %swap3A_1441 {strides = array<i32>} : memref<128x128xf32, #tpu.memory_space<vmem>>, vector<1x16xf32>,
      }
      %scan3A_44 = arith.constant 8 : i32
      "tpu.region"() ({
        %run_scoped3A = tpu.sem_alloc : memref<!tpu.dma_semaphore, #tpu.memory_space<semaphore_mem>>
        %dma_start3A_45 = arith.constant 0 : i32
        %dma_start3A_46 = arith.constant 0 : i32
        %dma_start3A_47 = tpu.memref_slice %arg11[%dma_start3A_45, %dma_start3A_46] : memref<10000x128xf32, #tpu.memory_space<vmem_shared>> -> memref<10000x128xf32, #tpu.memory_space<vmem_shared>>
        tpu.enqueue_indirect_dma source(%arg10 : memref<128x128xf32, #tpu.memory_space<vmem>>) target(%dma_start3A_47 : memref<10000x128xf32, #tpu.memory_space<vmem_shared>>) offsets(%arg8 : memref<128xi32, #tpu.memory_space<vmem>>) semaphore(%run_scoped3A : memref<!tpu.dma_semaphore, #tpu.memory_space<semaphore_mem>>) {add = true}
        %dma_wait3A_48 = arith.constant 0 : i32
        %dma_wait3A_49 = arith.constant 0 : i32
        %dma_wait3A_50 = tpu.memref_slice %arg11[%dma_wait3A_48, %dma_wait3A_49] : memref<10000x128xf32, #tpu.memory_space<vmem_shared>> -> memref<10000x128xf32, #tpu.memory_space<vmem_shared>>
        tpu.wait_indirect_dma semaphore(%run_scoped3A : memref<!tpu.dma_semaphore, #tpu.memory_space<semaphore_mem>>) src(%arg10 : memref<128x128xf32, #tpu.memory_space<vmem>>) dst(%dma_wait3A_50 : memref<10000x128xf32, #tpu.memory_space<vmem_shared>>)
        tpu.yield
      }) : () -> ()
    } else {
    }
    %barrier3A_28 = arith.constant 0 : index
    tpu.barrier barrier_id(%barrier3A_28)
    "tpu.region"() ({
      %run_scoped3A = tpu.sem_alloc : memref<!tpu.dma_semaphore, #tpu.memory_space<semaphore_mem>>
      %dma_start3A = arith.constant 0 : i32
      %dma_start3A_34 = tpu.memref_slice %arg6[%arg0, %mul3A_6, %dma_start3A] : memref<2x10000x128xf32, #tpu.memory_space<hbm>> -> memref<1x624x128xf32, #tpu.memory_space<hbm>>
      %dma_start3A_35 = tpu.memref_squeeze %dma_start3A_34 : memref<1x624x128xf32, #tpu.memory_space<hbm>> -> memref<624x128xf32, #tpu.memory_space<hbm>>
      %dma_start3A_36 = arith.constant 0 : i32
      %dma_start3A_37 = tpu.memref_slice %arg11[%mul3A_6, %dma_start3A_36] : memref<10000x128xf32, #tpu.memory_space<vmem_shared>> -> memref<624x128xf32, #tpu.memory_space<vmem_shared>>
      tpu.enqueue_dma source(%dma_start3A_37 : memref<624x128xf32, #tpu.memory_space<vmem_shared>>) target(%dma_start3A_35 : memref<624x128xf32, #tpu.memory_space<hbm>>) target_semaphore(%run_scoped3A : memref<!tpu.dma_semaphore, #tpu.memory_space<semaphore_mem>>)
      %dma_wait3A = arith.constant 0 : i32
      %dma_wait3A_38 = tpu.memref_slice %arg6[%arg0, %mul3A_6, %dma_wait3A] : memref<2x10000x128xf32, #tpu.memory_space<hbm>> -> memref<1x624x128xf32, #tpu.memory_space<hbm>>
      %dma_wait3A_39 = tpu.memref_squeeze %dma_wait3A_38 : memref<1x624x128xf32, #tpu.memory_space<hbm>> -> memref<624x128xf32, #tpu.memory_space<hbm>>
      %dma_wait3A_40 = arith.constant 0 : i32
      %dma_wait3A_41 = tpu.memref_slice %arg11[%mul3A_6, %dma_wait3A_40] : memref<10000x128xf32, #tpu.memory_space<vmem_shared>> -> memref<624x128xf32, #tpu.memory_space<vmem_shared>>
      tpu.wait_dma2 semaphore(%run_scoped3A : memref<!tpu.dma_semaphore, #tpu.memory_space<semaphore_mem>>) src(%dma_wait3A_41 : memref<624x128xf32, #tpu.memory_space<vmem_shared>>) dst(%dma_wait3A_39 : memref<624x128xf32, #tpu.memory_space<hbm>>)
      tpu.yield
    }) : () -> ()
    %eq3A_29 = arith.constant 0 : i32
    %eq3A_30 = arith.cmpi eq, %arg1, %eq3A_29 : i32
    %convert_element_type3A_31 = arith.extui %eq3A_30 : i1 to i32
    %cond3A_32 = arith.constant 0 : i32
    %cond3A_33 = arith.cmpi ne, %convert_element_type3A_31, %cond3A_32 : i32
    scf.if %cond3A_33 {
      "tpu.region"() ({
        %run_scoped3A = tpu.sem_alloc : memref<!tpu.dma_semaphore, #tpu.memory_space<semaphore_mem>>
        %dma_start3A = arith.constant 9984 : i32
        %dma_start3A_34 = arith.constant 0 : i32
        %dma_start3A_35 = tpu.memref_slice %arg6[%arg0, %dma_start3A, %dma_start3A_34] : memref<2x10000x128xf32, #tpu.memory_space<hbm>> -> memref<1x16x128xf32, #tpu.memory_space<hbm>>
        %dma_start3A_36 = tpu.memref_squeeze %dma_start3A_35 : memref<1x16x128xf32, #tpu.memory_space<hbm>> -> memref<16x128xf32, #tpu.memory_space<hbm>>
        %dma_start3A_37 = arith.constant 9984 : i32
        %dma_start3A_38 = arith.constant 0 : i32
        %dma_start3A_39 = tpu.memref_slice %arg11[%dma_start3A_37, %dma_start3A_38] : memref<10000x128xf32, #tpu.memory_space<vmem_shared>> -> memref<16x128xf32, #tpu.memory_space<vmem_shared>>
        tpu.enqueue_dma source(%dma_start3A_39 : memref<16x128xf32, #tpu.memory_space<vmem_shared>>) target(%dma_start3A_36 : memref<16x128xf32, #tpu.memory_space<hbm>>) target_semaphore(%run_scoped3A : memref<!tpu.dma_semaphore, #tpu.memory_space<semaphore_mem>>)
        %dma_wait3A = arith.constant 9984 : i32
        %dma_wait3A_40 = arith.constant 0 : i32
        %dma_wait3A_41 = tpu.memref_slice %arg6[%arg0, %dma_wait3A, %dma_wait3A_40] : memref<2x10000x128xf32, #tpu.memory_space<hbm>> -> memref<1x16x128xf32, #tpu.memory_space<hbm>>
        %dma_wait3A_42 = tpu.memref_squeeze %dma_wait3A_41 : memref<1x16x128xf32, #tpu.memory_space<hbm>> -> memref<16x128xf32, #tpu.memory_space<hbm>>
        %dma_wait3A_43 = arith.constant 9984 : i32
        %dma_wait3A_44 = arith.constant 0 : i32
        %dma_wait3A_45 = tpu.memref_slice %arg11[%dma_wait3A_43, %dma_wait3A_44] : memref<10000x128xf32, #tpu.memory_space<vmem_shared>> -> memref<16x128xf32, #tpu.memory_space<vmem_shared>>
        tpu.wait_dma2 semaphore(%run_scoped3A : memref<!tpu.dma_semaphore, #tpu.memory_space<semaphore_mem>>) src(%dma_wait3A_45 : memref<16x128xf32, #tpu.memory_space<vmem_shared>>) dst(%dma_wait3A_42 : memref<16x128xf32, #tpu.memory_space<hbm>>)
        tpu.yield
      }) : () -> ()
    } else {
    }
    return
  }
}

module attributes {stable_mosaic.version = 14 : i64} {
  func.func @_combine_body(%arg0: i32, %arg1: memref<1000x128xf32, #tpu.memory_space<vmem>>, %arg2: memref<1000x128xf32, #tpu.memory_space<vmem>>, %arg3: memref<1000x128xf32, #tpu.memory_space<vmem>>) attributes {dimension_semantics = [#tpu.dimension_semantics<arbitrary>], iteration_bounds = array<i64: 10>, scalar_prefetch = 0 : i64, scratch_operands = 0 : i64, tpu.core_type = #tpu.core_type<tc>, window_params = [{transform_indices = @transform_0, window_bounds = array<i64: 1000, 128>}, {transform_indices = @transform_1, window_bounds = array<i64: 1000, 128>}, {transform_indices = @transform_2, window_bounds = array<i64: 1000, 128>}]} {
    %get3A = arith.constant 0 : index
    %get3A_0 = arith.constant 0 : index
    %get3A_1 = vector.load %arg1[%get3A, %get3A_0] : memref<1000x128xf32, #tpu.memory_space<vmem>>, vector<1000x128xf32>
    %get3A_2 = arith.constant 0 : index
    %get3A_3 = arith.constant 0 : index
    %get3A_4 = vector.load %arg2[%get3A_2, %get3A_3] : memref<1000x128xf32, #tpu.memory_space<vmem>>, vector<1000x128xf32>
    %add3A = arith.addf %get3A_1, %get3A_4 : vector<1000x128xf32>
    %swap3A = arith.constant 0 : index
    %swap3A_5 = arith.constant 0 : index
    %swap3A_6 = vector.load %arg3[%swap3A, %swap3A_5] : memref<1000x128xf32, #tpu.memory_space<vmem>>, vector<1000x128xf32>
    tpu.vector_store %arg3[%swap3A, %swap3A_5], %add3A {strides = array<i32>} : memref<1000x128xf32, #tpu.memory_space<vmem>>, vector<1000x128xf32>,
    return
  }
  func.func @transform_0(%arg0: i32) -> (i32, i32) {
    %c0_i32 = arith.constant 0 : i32
    %c0_i32_0 = arith.constant 0 : i32
    return %arg0, %c0_i32 : i32, i32
  }
  func.func @transform_1(%arg0: i32) -> (i32, i32) {
    %c0_i32 = arith.constant 0 : i32
    %c0_i32_0 = arith.constant 0 : i32
    return %arg0, %c0_i32 : i32, i32
  }
  func.func @transform_2(%arg0: i32) -> (i32, i32) {
    %c0_i32 = arith.constant 0 : i32
    %c0_i32_0 = arith.constant 0 : i32
    return %arg0, %c0_i32 : i32, i32
  }
}

module attributes {stable_mosaic.version = 14 : i64} {
  func.func @_matmul_body(%arg0: i32, %arg1: memref<1000x128xf32, #tpu.memory_space<vmem>>, %arg2: memref<128x128xf32, #tpu.memory_space<vmem>>, %arg3: memref<1000x128xf32, #tpu.memory_space<vmem>>) attributes {dimension_semantics = [#tpu.dimension_semantics<arbitrary>], iteration_bounds = array<i64: 10>, scalar_prefetch = 0 : i64, scratch_operands = 0 : i64, tpu.core_type = #tpu.core_type<tc>, window_params = [{transform_indices = @transform_0, window_bounds = array<i64: 1000, 128>}, {pipeline_mode = #tpu.pipeline_mode<synchronous>, transform_indices = @transform_1, window_bounds = array<i64: 128, 128>}, {transform_indices = @transform_2, window_bounds = array<i64: 1000, 128>}]} {
    %get3A = arith.constant 0 : index
    %get3A_0 = arith.constant 0 : index
    %get3A_1 = vector.load %arg1[%get3A, %get3A_0] : memref<1000x128xf32, #tpu.memory_space<vmem>>, vector<1000x128xf32>
    %get3A_2 = arith.constant 0 : index
    %get3A_3 = arith.constant 0 : index
    %get3A_4 = vector.load %arg2[%get3A_2, %get3A_3] : memref<128x128xf32, #tpu.memory_space<vmem>>, vector<128x128xf32>
    %dot_general3A = arith.constant dense<0.000000e+00> : vector<1000x128xf32>
    %dot_general3A_5 = tpu.matmul %get3A_1, %get3A_4, %dot_general3A {dimension_numbers = #tpu.dot_dimension_numbers<[1], [0], [0], [1], [0, 0, 1, 1], [], []>, transpose_lhs_hint = false} : vector<1000x128xf32>, vector<128x128xf32>, vector<1000x128xf32> -> vector<1000x128xf32>
    %swap3A = arith.constant 0 : index
    %swap3A_6 = arith.constant 0 : index
    %swap3A_7 = vector.load %arg3[%swap3A, %swap3A_6] : memref<1000x128xf32, #tpu.memory_space<vmem>>, vector<1000x128xf32>
    tpu.vector_store %arg3[%swap3A, %swap3A_6], %dot_general3A_5 {strides = array<i32>} : memref<1000x128xf32, #tpu.memory_space<vmem>>, vector<1000x128xf32>,
    return
  }
  func.func @transform_0(%arg0: i32) -> (i32, i32) {
    %c0_i32 = arith.constant 0 : i32
    %c0_i32_0 = arith.constant 0 : i32
    return %arg0, %c0_i32 : i32, i32
  }
  func.func @transform_1(%arg0: i32) -> (i32, i32) {
    %c0_i32 = arith.constant 0 : i32
    %c0_i32_0 = arith.constant 0 : i32
    %c0_i32_1 = arith.constant 0 : i32
    return %c0_i32, %c0_i32_0 : i32, i32
  }
  func.func @transform_2(%arg0: i32) -> (i32, i32) {
    %c0_i32 = arith.constant 0 : i32
    %c0_i32_0 = arith.constant 0 : i32
    return %arg0, %c0_i32 : i32, i32
  }
}

</mosaic_0001>

<sc_bundles>
// kernel: kernel.5.cloned.1.call-start
scs
__scs_entry_jumppad:
0x0: {  	(pc) =	sbr.rel $0x88, $3  }
0x1: {  	(tag) =	ssettag $0x0;
	lr =	simm.s32 $0x1  }
0x2: {  	[smem:$0x3F9D] =	sst lr;
	_ =	strace $0xD0000000  }
0x3: {  	_ = 	snop  }
0x4: {  	_ = 	snop  }
0x5: {  	_ = 	snop  }
0x6: {  	_ = 	snop  }
0x7: {  	_ = 	snop  }
__scs_overlays_trampoline_lowered:
0x8: {  	[smem:$0x3FAC] =	sst s0  }
0x9: {  	[smem:$0x3FAD] =	sst s1  }
0xa: {  	[smem:$0x3FAE] =	sst s2  }
0xb: {  	[smem:$0x3FAF] =	sst s3  }
0xc: {  	[smem:$0x3FB0] =	sst s4  }
0xd: {  	[smem:$0x3FB1] =	sst s5  }
0xe: {  	[smem:$0x3FB2] =	sst s6  }
0xf: {  	[smem:$0x3FB3] =	sst s7  }
0x10: {  	[smem:$0x3FB4] =	sst s8  }
0x11: {  	[smem:$0x3FB5] =	sst s9;
	s0 =	simm.s32 @!p0 $0x0  }
0x12: {  	s1 =	sld [smem:$0x3F9B];
	s0 =	simm.s32 @p0 $0x1  }
0x13: {  	[smem:$0x3FB6] =	sst s0;
	s0 =	simm.s32 @!p1 $0x0  }
0x14: {  	s2 =	sld [smem:$0x3F9A];
	s0 =	simm.s32 @p1 $0x1  }
0x15: {  	[smem:$0x3FB7] =	sst s0;
	s0 =	simm.s32 @!p2 $0x0  }
0x16: {  	s3 =	sld [smem:$0x3FDB];
	s0 =	simm.s32 @p2 $0x1  }
0x17: {  	s4 =	simm.s32 $0x1BF5;
	[smem:$0x3FB9] =	sst s0  }
0x18: {  	s0 =	sld [smem:$0x3F9C];
	_ =	swait.ge [sflag:s4], $0x0  }
0x19: {  	s7 =	sld [smem:$0x3F9D]  }
0x1a: {  	s8 =	sadd.s32 $0xFFFFE003, lr  }
0x1b: {  	s9 =	sadd.s32 $0xFFFFFEF7, lr;
	s5 =	simm.s32 $0xFFFFFFFF;
	p2 =	slt.u32 s8, $0xFFFFF086  }
0x1c: {  	p1 =	slt.u32 s9, $0xF7A;
	s5 =	simm.s32 @!p2 $0x0  }
0x1d: {  	s5 =	simm.s32 @p1 $0x1;
	p0 =	seq.s32 s7, s2  }
0x1e: {  	s7 =	smul.u32 @!p0 $0xF7A, s2;
	p2 =	seq.s32 @!p0 s5, $0x0  }
0x1f: {  	s9 =	smul.u32 $0xF7A, s1;
	s8 =	simm.s32 @!p0 $0x1BF5;
	p2 =	por !p2, p0  }
0x20: {  	[sflag:s8] =	ssyncset.s32 @!p0 $0xFFFFF086;
	s6 =	sadd.s32 @!p0 s3, s7;
	s7 =	simm.s32 @!p0 $0x108  }
0x21: {  	s3 =	sadd.s32 s3, s9;
	s6 =	sadd.s32 @!p0 $0x88, s6;
	s7 =	simm.s32 @p2 $0x1082  }
0x22: {  	[simem:s7], [sflag:s8] =	dma.local @!p0 [hbm:s6], $0xF7A  }
0x23: {  	s9 =	sor.u32 $0xD0000000, s2;
	s6 =	simm.s32 $0x108;
	_ =	swait.ge @!p0 [sflag:s8], $0x0  }
0x24: {  	s3 =	sadd.s32 $0x88, s3;
	s6 =	simm.s32 @!p1 $0x1082;
	[sflag:s4] =	ssyncset.s32 $0xFFFFF086  }
0x25: {  	[simem:s6], [sflag:s4] =	dma.local [hbm:s3], $0xF7A  }
0x26: {  	[smem:$0x3F9D] =	sst s1;
	(tag) =	ssettag s2;
	_ =	strace s9  }
0x27: {  	s1 =	sld [smem:$0x3FAD]  }
0x28: {  	s2 =	sld [smem:$0x3FAE]  }
0x29: {  	s4 =	sld [smem:$0x3FB0]  }
0x2a: {  	p0 =	seq.s32 s5, $0x0;
	s5 =	sld [smem:$0x3FB1]  }
0x2b: {  	s6 =	sld [smem:$0x3FB2]  }
0x2c: {  	s7 =	sld [smem:$0x3FB3]  }
0x2d: {  	s3 =	simm.s32 $0x108;
	s8 =	sld [smem:$0x3FB4]  }
0x2e: {  	s3 =	simm.s32 @!p0 $0x1082;
	s9 =	sld [smem:$0x3FB5]  }
0x2f: {  	lr =	sadd.s32 s0, s3;
	s0 =	sld [smem:$0x3FAC]  }
0x30: {  	s3 =	sld [smem:$0x3FAF]  }
0x31: {  	[smem:$0x3FB8] =	sst s10  }
0x32: {  	s10 =	sld [smem:$0x3FB6];
	_ =	sdelay $0x3  }
0x33: {  	p0 =	seq.s32 s10, $0x1;
	s10 =	sld [smem:$0x3FB8];
	_ =	sdelay $0x3  }
0x34: {  	[smem:$0x3FB8] =	sst s10  }
0x35: {  	s10 =	sld [smem:$0x3FB7];
	_ =	sdelay $0x3  }
0x36: {  	p1 =	seq.s32 s10, $0x1;
	s10 =	sld [smem:$0x3FB8];
	_ =	sdelay $0x3  }
0x37: {  	[smem:$0x3FB8] =	sst s10  }
0x38: {  	s10 =	sld [smem:$0x3FB9]  }
0x39: {  	_ = 	snop;
	(pc) =	sbr.ind lr, $3  }
0x3a: {  	_ = 	snop  }
0x3b: {  	_ = 	snop  }
0x3c: {  	p2 =	seq.s32 s10, $0x1;
	s10 =	sld [smem:$0x3FB8]  }
0x3d: {  	_ =	shalt  }
0x3e: {  	_ =	shalt  }
0x3f: {  	_ =	shalt  }
0x40: {  	_ =	shalt  }
0x41: {  	_ =	shalt  }
0x42: {  	_ =	shalt  }
0x43: {  	_ =	shalt  }
0x44: {  	_ =	shalt  }
0x45: {  	_ =	shalt  }
0x46: {  	_ =	shalt  }
0x47: {  	_ =	shalt  }
0x48: {  	_ =	shalt  }
0x49: {  	_ =	shalt  }
0x4a: {  	_ =	shalt  }
0x4b: {  	_ =	shalt  }
0x4c: {  	_ =	shalt  }
0x4d: {  	_ =	shalt  }
0x4e: {  	_ =	shalt  }
0x4f: {  	_ =	shalt  }
0x50: {  	_ =	shalt  }
0x51: {  	_ =	shalt  }
0x52: {  	_ =	shalt  }
0x53: {  	_ =	shalt  }
0x54: {  	_ =	shalt  }
0x55: {  	_ =	shalt  }
0x56: {  	_ =	shalt  }
0x57: {  	_ =	shalt  }
0x58: {  	_ =	shalt  }
0x59: {  	_ =	shalt  }
0x5a: {  	_ =	shalt  }
0x5b: {  	_ =	shalt  }
0x5c: {  	_ =	shalt  }
0x5d: {  	_ =	shalt  }
0x5e: {  	_ =	shalt  }
0x5f: {  	_ =	shalt  }
0x60: {  	_ =	shalt  }
0x61: {  	_ =	shalt  }
0x62: {  	_ =	shalt  }
0x63: {  	_ =	shalt  }
0x64: {  	_ =	shalt  }
0x65: {  	_ =	shalt  }
0x66: {  	_ =	shalt  }
0x67: {  	_ =	shalt  }
0x68: {  	_ =	shalt  }
0x69: {  	_ =	shalt  }
0x6a: {  	_ =	shalt  }
0x6b: {  	_ =	shalt  }
0x6c: {  	_ =	shalt  }
0x6d: {  	_ =	shalt  }
0x6e: {  	_ =	shalt  }
0x6f: {  	_ =	shalt  }
0x70: {  	_ =	shalt  }
0x71: {  	_ =	shalt  }
0x72: {  	_ =	shalt  }
0x73: {  	_ =	shalt  }
0x74: {  	_ =	shalt  }
0x75: {  	_ =	shalt  }
0x76: {  	_ =	shalt  }
0x77: {  	_ =	shalt  }
0x78: {  	_ =	shalt  }
0x79: {  	_ =	shalt  }
0x7a: {  	_ =	shalt  }
0x7b: {  	_ =	shalt  }
0x7c: {  	_ =	shalt  }
0x7d: {  	_ =	shalt  }
0x7e: {  	_ =	shalt  }
0x7f: {  	_ =	shalt  }
0x80: {  	_ =	shalt  }
0x81: {  	_ =	shalt  }
0x82: {  	_ =	shalt  }
0x83: {  	_ =	shalt  }
0x84: {  	_ =	shalt  }
0x85: {  	_ =	shalt  }
0x86: {  	_ =	shalt  }
0x87: {  	_ =	shalt  }
.Lfunc_end0:
.L_simem_size_0:
called_computation_lowered:
.L_overlay_start_0:
0x88: {  	s2 =	sld [smem:$0x3FD9]  }
0x89: {  	s3 =	sld [smem:$0x3FFE];
	_ =	sdelay $0x1  }
0x8a: {  	s1 =	srdreg.scid  }
0x8b: {  	s0 =	sand.u32 $0x1, s1  }
0x8c: {  	s17 =	sshll.u32 s0, $0xA;
	s2 =	sadd.s32 s3, s2  }
0x8d: {  	s2 =	sadd.s32 s2, s17  }
0x8e: {  	[smem:$0x3FC4] =	sst s2  }
0x8f: {  	_ = 	snop  }
0x90: {  	s2 =	sld [smem:$0x3FC7]  }
0x91: {  	s18 =	sld [smem:$0x3FD0];
	(tm) =	ssettm $0x1  }
0x92: {  	s4 =	sld [smem:$0x3FFB];
	_ =	sdelay $0x3  }
0x93: {  	_ =	strace s4  }
0x94: {  	s4 =	sld [smem:$0x3FFC];
	_ =	sdelay $0x3  }
0x95: {  	_ =	strace s4  }
0x96: {  	s4 =	sld [smem:$0x3FFD];
	_ =	sdelay $0x3  }
0x97: {  	_ =	strace s4  }
0x98: {  	_ =	strace $0x8FFFFFFF  }
0x99: {  	s19 =	sld [smem:$0x3FDB];
	_ =	sdelay $0x1  }
0x9a: {  	s5 =	simm.s32 $_scs_section_size  }
0x9b: {  	s6 =	simm.s32 $_size__tile_overlayer_lowered;
	s7 =	simm.s32 $_tile_overlayer_lowered  }
0x9c: {  	s22 =	simm.s32 $0x1BFF;
	s21 =	sshll.u32 s7, $0x1;
	s4 =	sadd.s32 s5, s19  }
0x9d: {  	s8 =	simm.s32 $0x0;
	s20 =	sshll.u32 s6, $0x1;
	s6 =	sadd.s32 s21, s4  }
0x9e: {  	[timem:s8], [sflag:s22] =	dma.local [hbm:s6], s20  }
0x9f: {  	_ =	swait.ge [sflag:s22], s20  }
0xa0: {  	s5 =	ssub.s32 $0x0, s20;
	[sflag:s22] =	ssyncset.done $0x0  }
0xa1: {  	[sflag:s22] =	ssyncadd.s32 s5;
	_ =	sdelay $0x1  }
0xa2: {  	s23 =	simm.s32 $0x1B8B  }
0xa3: {  	_ =	swait.ge [sflag:s23], $0x1  }
0xa4: {  	[sflag:s23] =	ssyncset.done $0x0  }
0xa5: {  	s25 =	simm.s32 $0x1B8E;
	s24 =	sld [smem:$0x3FFE];
	[sflag:s23] =	ssyncadd.s32 $0xFFFFFFFF  }
0xa6: {  	s26 =	simm.s32 $execute0_lowered;
	[smem:$0x3FD2] =	sst s25  }
0xa7: {  	s6 =	sshll.u32 s26, $0x1;
	_ =	strace $0x80000046;
	[dreg:$0x1] =	wrdreg $0xFFFFFFFF  }
0xa8: {  	s28 =	simm.s32 $_size_execute0_lowered;
	s4 =	sadd.s32 s4, s6;
	[dreg:$0x0] =	wrdreg $0x0  }
0xa9: {  	s6 =	sshll.u32 s28, $0x1;
	[dreg:$0x2] =	wrdreg s4  }
0xaa: {  	[dreg:$0x3] =	wrdreg s6  }
0xab: {  	[dreg:$0x4] =	wrdreg $0xC0  }
0xac: {  	_ =	task [dreg:s8], $0x5FFFF  }
0xad: {  	[dreg:$0x1] =	wrdreg $0xFFFFFFFF  }
0xae: {  	[dreg:$0x0] =	wrdreg $0x60  }
0xaf: {  	[dreg:$0x2] =	wrdreg s18  }
0xb0: {  	[dreg:$0x3] =	wrdreg s24  }
0xb1: {  	[dreg:$0x4] =	wrdreg s2  }
0xb2: {  	[dreg:$0x5] =	wrdreg $0x41800  }
0xb3: {  	[dreg:$0x6] =	wrdreg $0x9  }
0xb4: {  	_ =	task.clear_ibuf [dreg:s8], $0x7FFFF;
	_ =	strace $0x90000046  }
0xb5: {  	s29 =	simm.s32 $0x9;
	_ =	strace $0x80000048  }
0xb6: {  	_ =	swait.ge [sflag:s29], $0x1  }
0xb7: {  	[sflag:s29] =	ssyncadd.s32 $0xFFFFFFFF  }
0xb8: {  	_ =	strace $0x90000048  }
0xb9: {  	_ =	sfence  }
0xba: {  	s30 =	sld [smem:$0x0];
	_ =	sdelay $0x2  }
0xbb: {  	s31 =	sshll.u32 s1, $0xD;
	s1 =	sshrl.u32 s1, $0x2  }
0xbc: {  	s3 =	sand.u32 $0x4000, s31;
	s1 =	sadd.s32 s1, s30  }
0xbd: {  	s0 =	sor.u32 s3, s0;
	s1 =	sshll.u32 s1, $0x11  }
0xbe: {  	s0 =	sor.u32 s1, s0  }
0xbf: {  	s0 =	sadd.s32 $0x8F2B, s0  }
0xc0: {  	[sflag:s0] =	ssyncadd.remote.s32 $0x1  }
0xc1: {  	_ =	sfence.sel $0xFFFF  }
0xc2: {  	[dreg:$0x0] =	wrdreg $0xFFFFFFFF;
	(pc) =	sbr.abs _section_cstart, $3  }
0xc3: {  	[dreg:$0x1] =	wrdreg $0xFFFFFFFF  }
0xc4: {  	_ =	task.clear_ibuf [dreg:s8], $0x2FFFF;
	_ =	strace $0x9FFFFFFF  }
0xc5: {  	(tm) =	ssettm $0x7FFFFFFF  }
tec
execute0_lowered:
.L_overlay_start_1:
0x0: {  	(tag) =	ssettag $0x1  }
0x1: {  	s1 =	rddreg [dreg:$0x0]  }
0x2: {  	s8 =	rddreg [dreg:$0x1]  }
0x3: {  	s2 =	rddreg [dreg:$0x2]  }
0x4: {  	s3 =	rddreg [dreg:$0x3]  }
0x5: {  	s0 =	rddreg [dreg:$0x4]  }
0x6: {  	s4 =	simm.s32 $0x0;
	s7 =	srdreg.scid;
	s5 =	stileid.u32  }
0x7: {  	s23 =	simm.s32 $0x80;
	s24 =	simm.s32 $0x100;
	[smem:$0x7FF] =	sst s4  }
0x8: {  	s6 =	sadd.s32 $0xA200, s8;
	s11 =	sand.u32 $0x1, s7;
	s9 =	smul.u32 $0x4E000, s5  }
0x9: {  	s7 =	sadd.s32 $0x400, s8;
	s19 =	sadd.s32 $0x14000, s8;
	s14 =	sshll.u32 s5, $0x4  }
0xa: {  	s16 =	smul.u32 $0x13800, s5;
	s13 =	sadd.s32 $0x138000, s3;
	p0 =	sne.s32 s5, $0x0  }
0xb: {  	_ =	strace $0x80000047;
	s31 =	ssub.s32 $0x2, s11;
	s12 =	sshll.u32 s11, $0x4  }
0xc: {  	s17 =	smul.u32 $0x138800, s11;
	s18 =	sor.u32 $0x9C00, s14;
	s10 =	sshrl.u32 s31, $0x1  }
0xd: {  	s9 =	sshrl.u32 s9, $0x2;
	s25 =	sor.u32 s5, s12;
	s15 =	sadd.s32 s6, s18  }
0xe: {  	s20 =	ssub.s32 s31, s10;
	s8 =	sadd.s32 s9, s3;
	s14 =	smul.u32 $0x4E, s25  }
0xf: {  	s21 =	sadd.s32 s16, s17;
	s16 =	sadd.s32 s7, s18;
	s22 =	sshrl.u32 s17, $0x3  }
.Ltmp0:
0x10: {  	s17 =	sadd.s32 s2, s18;
	p1 =	sgt.u32 s25, $0x3;
	(pc) =	sbr.rel .LBB2_1-.Ltmp0, $4  }
0x11: {  	s25 =	simm.s32 $0x1;
	s9 =	sadd.s32 $0x4000, s8;
	s10 =	sadd.s32 $0x8000, s8  }
0x12: {  	s11 =	sadd.s32 $0xC000, s8;
	s12 =	sadd.s32 $0x10000, s8;
	s21 =	sshrl.u32 s21, $0x3  }
0x13: {  	s20 =	smax.u32 s20, $0x1;
	s18 =	sadd.s32 s19, s21;
	s19 =	sadd.s32 s19, s22  }
0x14: {  	v0 =	vimm.f32 $0.0e+00;
	s21 =	simm.s32 $0x180;
	s22 =	simm.s32 $0x2;
	s19 =	sadd.s32 $0x27000, s19  }
.LBB2_11:
0x15: {  	s26 =	sshll.u32 s5, $0x6  }
0x16: {  	[bflag:$0x0] =	sbarrier.arrive $0xFFFF;
	s28 =	sshrl.u32 s8, $0x3;
	s26 =	sor.u32 $0x1C02, s26  }
0x17: {  	[hbm:s18], [sflag:s26] =	dma.local [spmem:s28], $0x2700  }
0x18: {  	_ =	swait.ge [sflag:s22], $0x2700  }
0x19: {  	s4 =	sadd.s32 $0x1, s4;
	[sflag:s22] =	ssyncset.done $0x0  }
0x1a: {  	p2 =	sne.s32 s4, s20;
	s28 =	sshrl.u32 @!p0 s13, $0x3;
	[sflag:s22] =	ssyncadd.s32 $0xFFFFD900  }
0x1b: {  	[hbm:s19], [sflag:s26] =	dma.local @!p0 [spmem:s28], $0x100  }
.Ltmp1:
0x1c: {  	_ = 	snop;
	(pc) =	sbr.rel @!p2 .LBB2_12-.Ltmp1, $4  }
0x1d: {  	s26 =	simm.s32 @!p0 $0x2  }
0x1e: {  	_ =	swait.ge @!p0 [sflag:s26], $0x100  }
0x1f: {  	[sflag:s26] =	ssyncset.done @!p0 $0x0  }
0x20: {  	[sflag:s26] =	ssyncadd.s32 @!p0 $0xFFFFFF00  }
.LBB2_1:
0x21: {  	s26 =	simm.s32 $0x0;
	s28 =	simm.s32 $0x200  }
.LBB2_2:
0x22: {  	p2 =	sne.s32 s28, $0xFE00;
	[tilespmem:s26+$0x1F0] =	vst v0  }
0x23: {  	[tilespmem:s26+$0x180] =	vst v0  }
0x24: {  	[tilespmem:s26+$0x190] =	vst v0  }
.Ltmp2:
0x25: {  	[tilespmem:s26+$0x1A0] =	vst v0;
	(pc) =	sbr.rel @p2 .LBB2_2-.Ltmp2, $4  }
0x26: {  	[tilespmem:s26+$0x1B0] =	vst v0  }
0x27: {  	[tilespmem:s26+$0x1C0] =	vst v0  }
0x28: {  	[tilespmem:s26+$0x1D0] =	vst v0  }
0x29: {  	[tilespmem:s26+$0x1E0] =	vst v0;
	s26 =	sshra.s32 s28, $0x2;
	s28 =	sadd.s32 $0x200, s28  }
0x2a: {  	[tilespmem:s26+$0x1F0] =	vst v0  }
0x2b: {  	[tilespmem:s26+$0x180] =	vst v0  }
0x2c: {  	[tilespmem:s26+$0x190] =	vst v0  }
0x2d: {  	[tilespmem:s26+$0x1A0] =	vst v0  }
0x2e: {  	[tilespmem:s26+$0x1B0] =	vst v0  }
0x2f: {  	[tilespmem:s26+$0x1C0] =	vst v0  }
0x30: {  	[tilespmem:s26+$0x1D0] =	vst v0  }
0x31: {  	[tilespmem:s26+$0x1E0] =	vst v0  }
0x32: {  	[spmem:s8] =	stream.linear.scatter [tilespmem:s21], [sflag:$0x2], $0x4000, $0x38;
	[tilespmem:$0x17A00] =	vst v63  }
0x33: {  	_ =	swait.ge [sflag:s22], $0x4000  }
0x34: {  	[sflag:s22] =	ssyncset.done $0x0  }
0x35: {  	[sflag:s22] =	ssyncadd.s32 $0xFFFFC000  }
0x36: {  	[spmem:s9] =	stream.linear.scatter [tilespmem:s21], [sflag:$0x2], $0x4000, $0x38;
	[tilespmem:$0x17A00] =	vst v63  }
0x37: {  	_ =	swait.ge [sflag:s22], $0x4000  }
0x38: {  	[sflag:s22] =	ssyncset.done $0x0  }
0x39: {  	[sflag:s22] =	ssyncadd.s32 $0xFFFFC000  }
0x3a: {  	[spmem:s10] =	stream.linear.scatter [tilespmem:s21], [sflag:$0x2], $0x4000, $0x38;
	[tilespmem:$0x17A00] =	vst v63  }
0x3b: {  	_ =	swait.ge [sflag:s22], $0x4000  }
0x3c: {  	[sflag:s22] =	ssyncset.done $0x0  }
0x3d: {  	[sflag:s22] =	ssyncadd.s32 $0xFFFFC000  }
0x3e: {  	[spmem:s11] =	stream.linear.scatter [tilespmem:s21], [sflag:$0x2], $0x4000, $0x38;
	[tilespmem:$0x17A00] =	vst v63  }
0x3f: {  	_ =	swait.ge [sflag:s22], $0x4000  }
0x40: {  	[sflag:s22] =	ssyncset.done $0x0  }
0x41: {  	[sflag:s22] =	ssyncadd.s32 $0xFFFFC000  }
0x42: {  	[spmem:s12] =	stream.linear.scatter [tilespmem:s21], [sflag:$0x2], $0x3800, $0x38;
	[tilespmem:$0x17A00] =	vst v63  }
0x43: {  	_ =	swait.ge [sflag:s22], $0x3800  }
0x44: {  	[sflag:s22] =	ssyncset.done $0x0  }
0x45: {  	s26 =	simm.s32 @!p0 $0x180;
	[sflag:s22] =	ssyncadd.s32 $0xFFFFC800  }
0x46: {  	[spmem:s13] =	stream.linear.scatter @!p0 [tilespmem:s26], [sflag:$0x2], $0x800, $0x38;
	[tilespmem:$0x17A00] =	vst v63  }
0x47: {  	s26 =	simm.s32 @!p0 $0x2  }
0x48: {  	_ =	swait.ge @!p0 [sflag:s26], $0x800  }
0x49: {  	[sflag:s26] =	ssyncset.done @!p0 $0x0  }
0x4a: {  	[sflag:s26] =	ssyncadd.s32 @!p0 $0xFFFFF800  }
0x4b: {  	s28 =	simm.s32 $0x0;
	s26 =	simm.s32 $0x0;
	[bflag:$0x0] =	sbarrier.arrive $0xFFFF  }
.LBB2_4:
0x4c: {  	s29 =	sadd.s32 s14, s28  }
0x4d: {  	s29 =	sshll.u32 s29, $0x4  }
0x4e: {  	s30 =	sadd.s32 s6, s29  }
0x4f: {  	[tilespmem:s26], [sflag:$0x2] =	stream.linear.gather [hbm4b:s30+s26], $0x80, $0x38;
	[tilespmem:$0x17A00] =	vst v63  }
0x50: {  	_ =	swait.ge [sflag:s22], $0x80  }
0x51: {  	[sflag:s22] =	ssyncset.done $0x0  }
0x52: {  	s31 =	sadd.s32 s7, s29;
	[sflag:s22] =	ssyncadd.s32 $0xFFFFFF80  }
0x53: {  	[tilespmem:s23], [sflag:$0x2] =	stream.linear.gather [hbm4b:s31+s26], $0x80, $0x38;
	[tilespmem:$0x17A00] =	vst v63  }
0x54: {  	_ =	swait.ge [sflag:s22], $0x80  }
0x55: {  	[sflag:s22] =	ssyncset.done $0x0  }
0x56: {  	s29 =	sadd.s32 s2, s29;
	[sflag:s22] =	ssyncadd.s32 $0xFFFFFF80  }
0x57: {  	[tilespmem:s24], [sflag:$0x2] =	stream.linear.gather [hbm4b:s29+s26], $0x80, $0x38;
	[tilespmem:$0x17A00] =	vst v63  }
0x58: {  	_ =	swait.ge [sflag:s22], $0x80  }
0x59: {  	[sflag:s22] =	ssyncset.done $0x0  }
0x5a: {  	[sflag:s22] =	ssyncadd.s32 $0xFFFFFF80  }
0x5b: {  	[tilespmem:s21], [sflag:$0x1] =	stream.indirect.gather [hbm4b:s1+s23], $0x80, s26, s23, $0xb8;
	[tilespmem:$0x17A00] =	vst v63  }
0x5c: {  	_ =	swait.ge [sflag:s25], $0x4000  }
0x5d: {  	[sflag:s25] =	ssyncset.done $0x0  }
0x5e: {  	s29 =	simm.s32 $0x0;
	[sflag:s25] =	ssyncadd.s32 $0xFFFFC000  }
.LBB2_5:
0x5f: {  	s30 =	sshll.u32 s29, $0x4  }
0x60: {  	s30 =	sand.u32 $0x3FFFFFF0, s30  }
0x61: {  	s31 =	sshll.u32 s29, $0xB;
	v1 =	vld [tilespmem:s30+$0x100]  }
0x62: {  	s30 =	sand.u32 $0x3FFFF800, s31  }
0x63: {  	v2 =	vld [tilespmem:s30+$0x180]  }
0x64: {  	v3 =	vld [tilespmem:s30+$0x190]  }
0x65: {  	v4 =	vld [tilespmem:s30+$0x1A0]  }
0x66: {  	v6 =	vld [tilespmem:s30+$0x1B0];
	v5 =	vbroadcast v1, $0x0  }
0x67: {  	v7 =	vld [tilespmem:s30+$0x1C0]  }
0x68: {  	v8 =	vld [tilespmem:s30+$0x1D0];
	v2 =	vmul.f32 v5, v2  }
0x69: {  	v9 =	vld [tilespmem:s30+$0x1E0];
	v3 =	vmul.f32 v3, v5  }
0x6a: {  	v34 =	vld [tilespmem:s30+$0x1F0];
	[tilespmem:s30+$0x180] =	vst v2;
	v2 =	vmul.f32 v4, v5  }
0x6b: {  	v35 =	vld [tilespmem:s30+$0x200];
	[tilespmem:s30+$0x190] =	vst v3;
	v3 =	vmul.f32 v6, v5  }
0x6c: {  	v36 =	vld [tilespmem:s30+$0x210];
	[tilespmem:s30+$0x1A0] =	vst v2;
	v2 =	vmul.f32 v7, v5  }
0x6d: {  	v37 =	vld [tilespmem:s30+$0x220];
	[tilespmem:s30+$0x1B0] =	vst v3;
	v3 =	vmul.f32 v8, v5  }
0x6e: {  	v10 =	vld [tilespmem:s30+$0x230];
	v38 =	vbroadcast v1, $0x1;
	[tilespmem:s30+$0x1C0] =	vst v2;
	v2 =	vmul.f32 v9, v5  }
0x6f: {  	v39 =	vld [tilespmem:s30+$0x240];
	[tilespmem:s30+$0x1D0] =	vst v3;
	v3 =	vmul.f32 v34, v5  }
0x70: {  	v40 =	vld [tilespmem:s30+$0x250];
	[tilespmem:s30+$0x1E0] =	vst v2;
	v2 =	vmul.f32 v35, v38  }
0x71: {  	v41 =	vld [tilespmem:s30+$0x260];
	[tilespmem:s30+$0x1F0] =	vst v3;
	v3 =	vmul.f32 v36, v38  }
0x72: {  	v42 =	vld [tilespmem:s30+$0x270];
	[tilespmem:s30+$0x200] =	vst v2;
	v2 =	vmul.f32 v37, v38  }
0x73: {  	v43 =	vld [tilespmem:s30+$0x280];
	[tilespmem:s30+$0x210] =	vst v3;
	v3 =	vmul.f32 v10, v38  }
0x74: {  	v44 =	vld [tilespmem:s30+$0x290];
	[tilespmem:s30+$0x220] =	vst v2;
	v2 =	vmul.f32 v39, v38  }
0x75: {  	v45 =	vld [tilespmem:s30+$0x2A0];
	[tilespmem:s30+$0x230] =	vst v3;
	v3 =	vmul.f32 v40, v38  }
0x76: {  	v47 =	vld [tilespmem:s30+$0x2B0];
	v46 =	vbroadcast v1, $0x2;
	[tilespmem:s30+$0x240] =	vst v2;
	v2 =	vmul.f32 v41, v38  }
0x77: {  	v48 =	vld [tilespmem:s30+$0x2C0];
	[tilespmem:s30+$0x250] =	vst v3;
	v3 =	vmul.f32 v42, v38  }
0x78: {  	v49 =	vld [tilespmem:s30+$0x2D0];
	[tilespmem:s30+$0x260] =	vst v2;
	v2 =	vmul.f32 v43, v46  }
0x79: {  	v50 =	vld [tilespmem:s30+$0x2E0];
	[tilespmem:s30+$0x270] =	vst v3;
	v3 =	vmul.f32 v44, v46  }
0x7a: {  	v51 =	vld [tilespmem:s30+$0x2F0];
	[tilespmem:s30+$0x280] =	vst v2;
	v2 =	vmul.f32 v45, v46  }
0x7b: {  	v52 =	vld [tilespmem:s30+$0x300];
	[tilespmem:s30+$0x290] =	vst v3;
	v3 =	vmul.f32 v47, v46  }
0x7c: {  	v53 =	vld [tilespmem:s30+$0x310];
	[tilespmem:s30+$0x2A0] =	vst v2;
	v2 =	vmul.f32 v48, v46  }
0x7d: {  	v54 =	vld [tilespmem:s30+$0x320];
	[tilespmem:s30+$0x2B0] =	vst v3;
	v3 =	vmul.f32 v49, v46  }
0x7e: {  	v56 =	vld [tilespmem:s30+$0x330];
	v55 =	vbroadcast v1, $0x3;
	[tilespmem:s30+$0x2C0] =	vst v2;
	v2 =	vmul.f32 v50, v46  }
0x7f: {  	v57 =	vld [tilespmem:s30+$0x340];
	[tilespmem:s30+$0x2D0] =	vst v3;
	v3 =	vmul.f32 v51, v46  }
0x80: {  	v58 =	vld [tilespmem:s30+$0x350];
	[tilespmem:s30+$0x2E0] =	vst v2;
	v2 =	vmul.f32 v52, v55  }
0x81: {  	v59 =	vld [tilespmem:s30+$0x360];
	[tilespmem:s30+$0x2F0] =	vst v3;
	v3 =	vmul.f32 v53, v55  }
0x82: {  	v60 =	vld [tilespmem:s30+$0x370];
	[tilespmem:s30+$0x300] =	vst v2;
	v2 =	vmul.f32 v54, v55  }
0x83: {  	v61 =	vld [tilespmem:s30+$0x380];
	[tilespmem:s30+$0x310] =	vst v3;
	v3 =	vmul.f32 v56, v55  }
0x84: {  	v62 =	vld [tilespmem:s30+$0x390];
	[tilespmem:s30+$0x320] =	vst v2;
	v2 =	vmul.f32 v57, v55  }
0x85: {  	v63 =	vld [tilespmem:s30+$0x3A0];
	[tilespmem:s30+$0x330] =	vst v3;
	v3 =	vmul.f32 v58, v55  }
0x86: {  	v13 =	vld [tilespmem:s30+$0x3B0];
	v12 =	vbroadcast v1, $0x4;
	[tilespmem:s30+$0x340] =	vst v2;
	v2 =	vmul.f32 v59, v55  }
0x87: {  	v14 =	vld [tilespmem:s30+$0x3C0];
	[tilespmem:s30+$0x350] =	vst v3;
	v3 =	vmul.f32 v60, v55  }
0x88: {  	v15 =	vld [tilespmem:s30+$0x3D0];
	[tilespmem:s30+$0x360] =	vst v2;
	v2 =	vmul.f32 v61, v12  }
0x89: {  	v16 =	vld [tilespmem:s30+$0x3E0];
	[tilespmem:s30+$0x370] =	vst v3;
	v3 =	vmul.f32 v62, v12  }
0x8a: {  	v17 =	vld [tilespmem:s30+$0x3F0];
	[tilespmem:s30+$0x380] =	vst v2;
	v2 =	vmul.f32 v63, v12  }
0x8b: {  	v18 =	vld [tilespmem:s30+$0x400];
	[tilespmem:s30+$0x390] =	vst v3;
	v3 =	vmul.f32 v13, v12  }
0x8c: {  	v19 =	vld [tilespmem:s30+$0x410];
	[tilespmem:s30+$0x3A0] =	vst v2;
	v2 =	vmul.f32 v14, v12  }
0x8d: {  	v20 =	vld [tilespmem:s30+$0x420];
	[tilespmem:s30+$0x3B0] =	vst v3;
	v3 =	vmul.f32 v15, v12  }
0x8e: {  	v22 =	vld [tilespmem:s30+$0x430];
	v21 =	vbroadcast v1, $0x5;
	[tilespmem:s30+$0x3C0] =	vst v2;
	v2 =	vmul.f32 v16, v12  }
0x8f: {  	v23 =	vld [tilespmem:s30+$0x440];
	[tilespmem:s30+$0x3D0] =	vst v3;
	v3 =	vmul.f32 v17, v12  }
0x90: {  	v24 =	vld [tilespmem:s30+$0x450];
	[tilespmem:s30+$0x3E0] =	vst v2;
	v2 =	vmul.f32 v18, v21  }
0x91: {  	v25 =	vld [tilespmem:s30+$0x460];
	[tilespmem:s30+$0x3F0] =	vst v3;
	v3 =	vmul.f32 v19, v21  }
0x92: {  	v26 =	vld [tilespmem:s30+$0x470];
	[tilespmem:s30+$0x400] =	vst v2;
	v2 =	vmul.f32 v20, v21  }
0x93: {  	v27 =	vld [tilespmem:s30+$0x480];
	[tilespmem:s30+$0x410] =	vst v3;
	v3 =	vmul.f32 v22, v21  }
0x94: {  	v28 =	vld [tilespmem:s30+$0x490];
	[tilespmem:s30+$0x420] =	vst v2;
	v2 =	vmul.f32 v23, v21  }
0x95: {  	v29 =	vld [tilespmem:s30+$0x4A0];
	[tilespmem:s30+$0x430] =	vst v3;
	v3 =	vmul.f32 v24, v21  }
0x96: {  	v31 =	vld [tilespmem:s30+$0x4B0];
	v30 =	vbroadcast v1, $0x6;
	[tilespmem:s30+$0x440] =	vst v2;
	v2 =	vmul.f32 v25, v21  }
0x97: {  	v32 =	vld [tilespmem:s30+$0x4C0];
	[tilespmem:s30+$0x450] =	vst v3;
	v3 =	vmul.f32 v26, v21  }
0x98: {  	v33 =	vld [tilespmem:s30+$0x4D0];
	[tilespmem:s30+$0x460] =	vst v2;
	v2 =	vmul.f32 v27, v30  }
0x99: {  	v34 =	vld [tilespmem:s30+$0x4E0];
	[tilespmem:s30+$0x470] =	vst v3;
	v3 =	vmul.f32 v28, v30  }
0x9a: {  	v35 =	vld [tilespmem:s30+$0x4F0];
	[tilespmem:s30+$0x480] =	vst v2;
	v2 =	vmul.f32 v29, v30  }
0x9b: {  	v36 =	vld [tilespmem:s30+$0x500];
	[tilespmem:s30+$0x490] =	vst v3;
	v3 =	vmul.f32 v31, v30  }
0x9c: {  	v37 =	vld [tilespmem:s30+$0x510];
	[tilespmem:s30+$0x4A0] =	vst v2;
	v2 =	vmul.f32 v32, v30  }
0x9d: {  	v38 =	vld [tilespmem:s30+$0x520];
	[tilespmem:s30+$0x4B0] =	vst v3;
	v3 =	vmul.f32 v33, v30  }
0x9e: {  	v39 =	vbroadcast v1, $0x7;
	v40 =	vld [tilespmem:s30+$0x530];
	[tilespmem:s30+$0x4C0] =	vst v2;
	v2 =	vmul.f32 v34, v30  }
0x9f: {  	v41 =	vld [tilespmem:s30+$0x540];
	[tilespmem:s30+$0x4D0] =	vst v3;
	v3 =	vmul.f32 v35, v30  }
0xa0: {  	v42 =	vld [tilespmem:s30+$0x550];
	[tilespmem:s30+$0x4E0] =	vst v2;
	v2 =	vmul.f32 v36, v39  }
0xa1: {  	v43 =	vld [tilespmem:s30+$0x560];
	[tilespmem:s30+$0x4F0] =	vst v3;
	v3 =	vmul.f32 v37, v39  }
0xa2: {  	v44 =	vld [tilespmem:s30+$0x570];
	[tilespmem:s30+$0x500] =	vst v2;
	v2 =	vmul.f32 v38, v39  }
0xa3: {  	v45 =	vld [tilespmem:s30+$0x580];
	[tilespmem:s30+$0x510] =	vst v3;
	v3 =	vmul.f32 v40, v39  }
0xa4: {  	v46 =	vld [tilespmem:s30+$0x590];
	[tilespmem:s30+$0x520] =	vst v2;
	v2 =	vmul.f32 v41, v39  }
0xa5: {  	v47 =	vld [tilespmem:s30+$0x5A0];
	[tilespmem:s30+$0x530] =	vst v3;
	v3 =	vmul.f32 v42, v39  }
0xa6: {  	v48 =	vbroadcast v1, $0x8;
	v49 =	vld [tilespmem:s30+$0x5B0];
	[tilespmem:s30+$0x540] =	vst v2;
	v2 =	vmul.f32 v43, v39  }
0xa7: {  	v50 =	vld [tilespmem:s30+$0x5C0];
	[tilespmem:s30+$0x550] =	vst v3;
	v3 =	vmul.f32 v44, v39  }
0xa8: {  	v51 =	vld [tilespmem:s30+$0x5D0];
	[tilespmem:s30+$0x560] =	vst v2;
	v2 =	vmul.f32 v45, v48  }
0xa9: {  	v52 =	vld [tilespmem:s30+$0x5E0];
	[tilespmem:s30+$0x570] =	vst v3;
	v3 =	vmul.f32 v46, v48  }
0xaa: {  	v53 =	vld [tilespmem:s30+$0x5F0];
	[tilespmem:s30+$0x580] =	vst v2;
	v2 =	vmul.f32 v47, v48  }
0xab: {  	v54 =	vld [tilespmem:s30+$0x600];
	[tilespmem:s30+$0x590] =	vst v3;
	v3 =	vmul.f32 v49, v48  }
0xac: {  	v55 =	vld [tilespmem:s30+$0x610];
	[tilespmem:s30+$0x5A0] =	vst v2;
	v2 =	vmul.f32 v50, v48  }
0xad: {  	v56 =	vld [tilespmem:s30+$0x620];
	[tilespmem:s30+$0x5B0] =	vst v3;
	v3 =	vmul.f32 v51, v48  }
0xae: {  	v57 =	vbroadcast v1, $0x9;
	v58 =	vld [tilespmem:s30+$0x630];
	[tilespmem:s30+$0x5C0] =	vst v2;
	v2 =	vmul.f32 v52, v48  }
0xaf: {  	v59 =	vld [tilespmem:s30+$0x640];
	[tilespmem:s30+$0x5D0] =	vst v3;
	v3 =	vmul.f32 v53, v48  }
0xb0: {  	v60 =	vld [tilespmem:s30+$0x650];
	[tilespmem:s30+$0x5E0] =	vst v2;
	v2 =	vmul.f32 v54, v57  }
0xb1: {  	v61 =	vld [tilespmem:s30+$0x660];
	[tilespmem:s30+$0x5F0] =	vst v3;
	v3 =	vmul.f32 v55, v57  }
0xb2: {  	v62 =	vld [tilespmem:s30+$0x670];
	[tilespmem:s30+$0x600] =	vst v2;
	v2 =	vmul.f32 v56, v57  }
0xb3: {  	v63 =	vld [tilespmem:s30+$0x680];
	[tilespmem:s30+$0x610] =	vst v3;
	v3 =	vmul.f32 v58, v57  }
0xb4: {  	v12 =	vld [tilespmem:s30+$0x690];
	[tilespmem:s30+$0x620] =	vst v2;
	v2 =	vmul.f32 v59, v57  }
0xb5: {  	v13 =	vld [tilespmem:s30+$0x6A0];
	[tilespmem:s30+$0x630] =	vst v3;
	v3 =	vmul.f32 v60, v57  }
0xb6: {  	v14 =	vbroadcast v1, $0xA;
	v15 =	vld [tilespmem:s30+$0x6B0];
	[tilespmem:s30+$0x640] =	vst v2;
	v2 =	vmul.f32 v61, v57  }
0xb7: {  	v16 =	vld [tilespmem:s30+$0x6C0];
	[tilespmem:s30+$0x650] =	vst v3;
	v3 =	vmul.f32 v62, v57  }
0xb8: {  	v17 =	vld [tilespmem:s30+$0x6D0];
	[tilespmem:s30+$0x660] =	vst v2;
	v2 =	vmul.f32 v63, v14  }
0xb9: {  	v18 =	vld [tilespmem:s30+$0x6E0];
	[tilespmem:s30+$0x670] =	vst v3;
	v3 =	vmul.f32 v12, v14  }
0xba: {  	v19 =	vld [tilespmem:s30+$0x6F0];
	[tilespmem:s30+$0x680] =	vst v2;
	v2 =	vmul.f32 v13, v14  }
0xbb: {  	v20 =	vld [tilespmem:s30+$0x700];
	[tilespmem:s30+$0x690] =	vst v3;
	v3 =	vmul.f32 v15, v14  }
0xbc: {  	v21 =	vld [tilespmem:s30+$0x710];
	[tilespmem:s30+$0x6A0] =	vst v2;
	v2 =	vmul.f32 v16, v14  }
0xbd: {  	v22 =	vld [tilespmem:s30+$0x720];
	[tilespmem:s30+$0x6B0] =	vst v3;
	v3 =	vmul.f32 v17, v14  }
0xbe: {  	v23 =	vbroadcast v1, $0xB;
	v24 =	vld [tilespmem:s30+$0x730];
	[tilespmem:s30+$0x6C0] =	vst v2;
	v2 =	vmul.f32 v18, v14  }
0xbf: {  	v25 =	vld [tilespmem:s30+$0x740];
	[tilespmem:s30+$0x6D0] =	vst v3;
	v3 =	vmul.f32 v19, v14  }
0xc0: {  	v26 =	vld [tilespmem:s30+$0x750];
	[tilespmem:s30+$0x6E0] =	vst v2;
	v2 =	vmul.f32 v20, v23  }
0xc1: {  	v27 =	vld [tilespmem:s30+$0x760];
	[tilespmem:s30+$0x6F0] =	vst v3;
	v3 =	vmul.f32 v21, v23  }
0xc2: {  	v28 =	vld [tilespmem:s30+$0x770];
	[tilespmem:s30+$0x700] =	vst v2;
	v2 =	vmul.f32 v22, v23  }
0xc3: {  	v29 =	vld [tilespmem:s30+$0x780];
	[tilespmem:s30+$0x710] =	vst v3;
	v3 =	vmul.f32 v24, v23  }
0xc4: {  	v30 =	vld [tilespmem:s30+$0x790];
	[tilespmem:s30+$0x720] =	vst v2;
	v2 =	vmul.f32 v25, v23  }
0xc5: {  	v31 =	vld [tilespmem:s30+$0x7A0];
	[tilespmem:s30+$0x730] =	vst v3;
	v3 =	vmul.f32 v26, v23  }
0xc6: {  	v32 =	vbroadcast v1, $0xC;
	v33 =	vld [tilespmem:s30+$0x7B0];
	[tilespmem:s30+$0x740] =	vst v2;
	v2 =	vmul.f32 v27, v23  }
0xc7: {  	v34 =	vld [tilespmem:s30+$0x7C0];
	[tilespmem:s30+$0x750] =	vst v3;
	v3 =	vmul.f32 v28, v23  }
0xc8: {  	v35 =	vld [tilespmem:s30+$0x7D0];
	[tilespmem:s30+$0x760] =	vst v2;
	v2 =	vmul.f32 v29, v32  }
0xc9: {  	v36 =	vld [tilespmem:s30+$0x7E0];
	[tilespmem:s30+$0x770] =	vst v3;
	v3 =	vmul.f32 v30, v32  }
0xca: {  	v37 =	vld [tilespmem:s30+$0x7F0];
	[tilespmem:s30+$0x780] =	vst v2;
	v2 =	vmul.f32 v31, v32  }
0xcb: {  	v38 =	vld [tilespmem:s30+$0x800];
	[tilespmem:s30+$0x790] =	vst v3;
	v3 =	vmul.f32 v33, v32  }
0xcc: {  	v39 =	vld [tilespmem:s30+$0x810];
	[tilespmem:s30+$0x7A0] =	vst v2;
	v2 =	vmul.f32 v34, v32  }
0xcd: {  	v40 =	vld [tilespmem:s30+$0x820];
	[tilespmem:s30+$0x7B0] =	vst v3;
	v3 =	vmul.f32 v35, v32  }
0xce: {  	v41 =	vbroadcast v1, $0xD;
	v42 =	vld [tilespmem:s30+$0x830];
	[tilespmem:s30+$0x7C0] =	vst v2;
	v2 =	vmul.f32 v36, v32  }
0xcf: {  	v43 =	vld [tilespmem:s30+$0x840];
	[tilespmem:s30+$0x7D0] =	vst v3;
	v3 =	vmul.f32 v37, v32  }
0xd0: {  	v44 =	vld [tilespmem:s30+$0x850];
	[tilespmem:s30+$0x7E0] =	vst v2;
	v2 =	vmul.f32 v38, v41  }
0xd1: {  	v45 =	vld [tilespmem:s30+$0x860];
	[tilespmem:s30+$0x7F0] =	vst v3;
	v3 =	vmul.f32 v39, v41  }
0xd2: {  	v46 =	vld [tilespmem:s30+$0x870];
	[tilespmem:s30+$0x800] =	vst v2;
	v2 =	vmul.f32 v40, v41  }
0xd3: {  	v47 =	vld [tilespmem:s30+$0x880];
	[tilespmem:s30+$0x810] =	vst v3;
	v3 =	vmul.f32 v42, v41  }
0xd4: {  	v48 =	vld [tilespmem:s30+$0x890];
	[tilespmem:s30+$0x820] =	vst v2;
	v2 =	vmul.f32 v43, v41  }
0xd5: {  	v49 =	vld [tilespmem:s30+$0x8A0];
	[tilespmem:s30+$0x830] =	vst v3;
	v3 =	vmul.f32 v44, v41  }
0xd6: {  	v50 =	vbroadcast v1, $0xE;
	v51 =	vld [tilespmem:s30+$0x8B0];
	[tilespmem:s30+$0x840] =	vst v2;
	v2 =	vmul.f32 v45, v41  }
0xd7: {  	v52 =	vld [tilespmem:s30+$0x8C0];
	[tilespmem:s30+$0x850] =	vst v3;
	v3 =	vmul.f32 v46, v41  }
0xd8: {  	v53 =	vld [tilespmem:s30+$0x8D0];
	[tilespmem:s30+$0x860] =	vst v2;
	v2 =	vmul.f32 v47, v50  }
0xd9: {  	v54 =	vld [tilespmem:s30+$0x8E0];
	[tilespmem:s30+$0x870] =	vst v3;
	v3 =	vmul.f32 v48, v50  }
0xda: {  	v55 =	vld [tilespmem:s30+$0x8F0];
	[tilespmem:s30+$0x880] =	vst v2;
	v2 =	vmul.f32 v49, v50  }
0xdb: {  	v56 =	vld [tilespmem:s30+$0x900];
	[tilespmem:s30+$0x890] =	vst v3;
	v3 =	vmul.f32 v51, v50  }
0xdc: {  	v57 =	vld [tilespmem:s30+$0x910];
	[tilespmem:s30+$0x8A0] =	vst v2;
	v2 =	vmul.f32 v52, v50  }
0xdd: {  	v58 =	vld [tilespmem:s30+$0x920];
	[tilespmem:s30+$0x8B0] =	vst v3;
	v3 =	vmul.f32 v53, v50  }
0xde: {  	v1 =	vbroadcast v1, $0xF;
	v59 =	vld [tilespmem:s30+$0x930];
	[tilespmem:s30+$0x8C0] =	vst v2;
	v2 =	vmul.f32 v54, v50  }
0xdf: {  	v60 =	vld [tilespmem:s30+$0x940];
	[tilespmem:s30+$0x8D0] =	vst v3;
	v3 =	vmul.f32 v55, v50  }
0xe0: {  	v61 =	vld [tilespmem:s30+$0x950];
	[tilespmem:s30+$0x8E0] =	vst v2;
	v2 =	vmul.f32 v56, v1  }
0xe1: {  	v62 =	vld [tilespmem:s30+$0x960];
	[tilespmem:s30+$0x8F0] =	vst v3;
	v3 =	vmul.f32 v57, v1  }
0xe2: {  	v63 =	vld [tilespmem:s30+$0x970];
	[tilespmem:s30+$0x900] =	vst v2;
	v2 =	vmul.f32 v58, v1  }
0xe3: {  	[tilespmem:s30+$0x910] =	vst v3;
	v3 =	vmul.f32 v59, v1  }
0xe4: {  	p2 =	sne.s32 s29, $0x7;
	[tilespmem:s30+$0x920] =	vst v2;
	v2 =	vmul.f32 v60, v1  }
.Ltmp3:
0xe5: {  	[tilespmem:s30+$0x930] =	vst v3;
	v3 =	vmul.f32 v61, v1;
	(pc) =	sbr.rel @p2 .LBB2_5-.Ltmp3, $4  }
0xe6: {  	[tilespmem:s30+$0x940] =	vst v2;
	v2 =	vmul.f32 v62, v1  }
0xe7: {  	[tilespmem:s30+$0x950] =	vst v3;
	v1 =	vmul.f32 v63, v1  }
0xe8: {  	[tilespmem:s30+$0x960] =	vst v2  }
0xe9: {  	s29 =	sadd.s32 $0x1, s29;
	[tilespmem:s30+$0x970] =	vst v1  }
0xea: {  	s28 =	sadd.s32 $0x1, s28  }
0xeb: {  	p2 =	sne.s32 s28, $0x4E  }
.Ltmp4:
0xec: {  	_ = 	snop;
	(pc) =	sbr.rel @p2 .LBB2_4-.Ltmp4, $4  }
0xed: {  	[spmem:s3] =	stream.indirect.scatter.add.f32 [tilespmem:s21], [sflag:$0x2], $0x80, s23, s23, $0xb8;
	[tilespmem:$0x17A00] =	vst v63  }
0xee: {  	_ =	swait.ge [sflag:s22], $0x4000  }
0xef: {  	[sflag:s22] =	ssyncset.done $0x0  }
0xf0: {  	[sflag:s22] =	ssyncadd.s32 $0xFFFFC000  }
.Ltmp5:
0xf1: {  	(pc) =	sbr.rel @p1 .LBB2_11-.Ltmp5, $1  }
0xf2: {  	_ =	sdelay $0x3  }
0xf3: {  	s26 =	simm.s32 $0x0  }
0xf4: {  	[tilespmem:s26], [sflag:$0x2] =	stream.linear.gather [hbm4b:s15+s26], $0x80, $0x38;
	[tilespmem:$0x17A00] =	vst v63  }
0xf5: {  	_ =	swait.ge [sflag:s22], $0x80  }
0xf6: {  	[sflag:s22] =	ssyncset.done $0x0  }
0xf7: {  	[sflag:s22] =	ssyncadd.s32 $0xFFFFFF80  }
0xf8: {  	[tilespmem:s23], [sflag:$0x2] =	stream.linear.gather [hbm4b:s16+s26], $0x80, $0x38;
	[tilespmem:$0x17A00] =	vst v63  }
0xf9: {  	_ =	swait.ge [sflag:s22], $0x80  }
0xfa: {  	[sflag:s22] =	ssyncset.done $0x0  }
0xfb: {  	[sflag:s22] =	ssyncadd.s32 $0xFFFFFF80  }
0xfc: {  	[tilespmem:s24], [sflag:$0x2] =	stream.linear.gather [hbm4b:s17+s26], $0x80, $0x38;
	[tilespmem:$0x17A00] =	vst v63  }
0xfd: {  	_ =	swait.ge [sflag:s22], $0x80  }
0xfe: {  	[sflag:s22] =	ssyncset.done $0x0  }
0xff: {  	[sflag:s22] =	ssyncadd.s32 $0xFFFFFF80  }
0x100: {  	[tilespmem:s21], [sflag:$0x1] =	stream.indirect.gather [hbm4b:s1+s23], $0x80, s26, s23, $0xb8;
	[tilespmem:$0x17A00] =	vst v63  }
0x101: {  	_ =	swait.ge [sflag:s25], $0x4000  }
0x102: {  	[sflag:s25] =	ssyncset.done $0x0  }
0x103: {  	[sflag:s25] =	ssyncadd.s32 $0xFFFFC000  }
.LBB2_9:
0x104: {  	s28 =	sshll.u32 s26, $0x4  }
0x105: {  	s28 =	sand.u32 $0x3FFFFFF0, s28  }
0x106: {  	s31 =	sshll.u32 s26, $0xB;
	v1 =	vld [tilespmem:s28+$0x100]  }
0x107: {  	s28 =	sand.u32 $0x3FFFF800, s31  }
0x108: {  	v2 =	vld [tilespmem:s28+$0x180]  }
0x109: {  	v3 =	vld [tilespmem:s28+$0x190]  }
0x10a: {  	v4 =	vld [tilespmem:s28+$0x1A0]  }
0x10b: {  	v6 =	vld [tilespmem:s28+$0x1B0];
	v5 =	vbroadcast v1, $0x0  }
0x10c: {  	v7 =	vld [tilespmem:s28+$0x1C0]  }
0x10d: {  	v8 =	vld [tilespmem:s28+$0x1D0];
	v2 =	vmul.f32 v5, v2  }
0x10e: {  	v9 =	vld [tilespmem:s28+$0x1E0];
	v3 =	vmul.f32 v3, v5  }
0x10f: {  	v34 =	vld [tilespmem:s28+$0x1F0];
	[tilespmem:s28+$0x180] =	vst v2;
	v2 =	vmul.f32 v4, v5  }
0x110: {  	v35 =	vld [tilespmem:s28+$0x200];
	[tilespmem:s28+$0x190] =	vst v3;
	v3 =	vmul.f32 v6, v5  }
0x111: {  	v36 =	vld [tilespmem:s28+$0x210];
	[tilespmem:s28+$0x1A0] =	vst v2;
	v2 =	vmul.f32 v7, v5  }
0x112: {  	v37 =	vld [tilespmem:s28+$0x220];
	[tilespmem:s28+$0x1B0] =	vst v3;
	v3 =	vmul.f32 v8, v5  }
0x113: {  	v10 =	vld [tilespmem:s28+$0x230];
	v38 =	vbroadcast v1, $0x1;
	[tilespmem:s28+$0x1C0] =	vst v2;
	v2 =	vmul.f32 v9, v5  }
0x114: {  	v39 =	vld [tilespmem:s28+$0x240];
	[tilespmem:s28+$0x1D0] =	vst v3;
	v3 =	vmul.f32 v34, v5  }
0x115: {  	v40 =	vld [tilespmem:s28+$0x250];
	[tilespmem:s28+$0x1E0] =	vst v2;
	v2 =	vmul.f32 v35, v38  }
0x116: {  	v41 =	vld [tilespmem:s28+$0x260];
	[tilespmem:s28+$0x1F0] =	vst v3;
	v3 =	vmul.f32 v36, v38  }
0x117: {  	v42 =	vld [tilespmem:s28+$0x270];
	[tilespmem:s28+$0x200] =	vst v2;
	v2 =	vmul.f32 v37, v38  }
0x118: {  	v43 =	vld [tilespmem:s28+$0x280];
	[tilespmem:s28+$0x210] =	vst v3;
	v3 =	vmul.f32 v10, v38  }
0x119: {  	v44 =	vld [tilespmem:s28+$0x290];
	[tilespmem:s28+$0x220] =	vst v2;
	v2 =	vmul.f32 v39, v38  }
0x11a: {  	v45 =	vld [tilespmem:s28+$0x2A0];
	[tilespmem:s28+$0x230] =	vst v3;
	v3 =	vmul.f32 v40, v38  }
0x11b: {  	v47 =	vld [tilespmem:s28+$0x2B0];
	v46 =	vbroadcast v1, $0x2;
	[tilespmem:s28+$0x240] =	vst v2;
	v2 =	vmul.f32 v41, v38  }
0x11c: {  	v48 =	vld [tilespmem:s28+$0x2C0];
	[tilespmem:s28+$0x250] =	vst v3;
	v3 =	vmul.f32 v42, v38  }
0x11d: {  	v49 =	vld [tilespmem:s28+$0x2D0];
	[tilespmem:s28+$0x260] =	vst v2;
	v2 =	vmul.f32 v43, v46  }
0x11e: {  	v50 =	vld [tilespmem:s28+$0x2E0];
	[tilespmem:s28+$0x270] =	vst v3;
	v3 =	vmul.f32 v44, v46  }
0x11f: {  	v51 =	vld [tilespmem:s28+$0x2F0];
	[tilespmem:s28+$0x280] =	vst v2;
	v2 =	vmul.f32 v45, v46  }
0x120: {  	v52 =	vld [tilespmem:s28+$0x300];
	[tilespmem:s28+$0x290] =	vst v3;
	v3 =	vmul.f32 v47, v46  }
0x121: {  	v53 =	vld [tilespmem:s28+$0x310];
	[tilespmem:s28+$0x2A0] =	vst v2;
	v2 =	vmul.f32 v48, v46  }
0x122: {  	v54 =	vld [tilespmem:s28+$0x320];
	[tilespmem:s28+$0x2B0] =	vst v3;
	v3 =	vmul.f32 v49, v46  }
0x123: {  	v56 =	vld [tilespmem:s28+$0x330];
	v55 =	vbroadcast v1, $0x3;
	[tilespmem:s28+$0x2C0] =	vst v2;
	v2 =	vmul.f32 v50, v46  }
0x124: {  	v57 =	vld [tilespmem:s28+$0x340];
	[tilespmem:s28+$0x2D0] =	vst v3;
	v3 =	vmul.f32 v51, v46  }
0x125: {  	v58 =	vld [tilespmem:s28+$0x350];
	[tilespmem:s28+$0x2E0] =	vst v2;
	v2 =	vmul.f32 v52, v55  }
0x126: {  	v59 =	vld [tilespmem:s28+$0x360];
	[tilespmem:s28+$0x2F0] =	vst v3;
	v3 =	vmul.f32 v53, v55  }
0x127: {  	v60 =	vld [tilespmem:s28+$0x370];
	[tilespmem:s28+$0x300] =	vst v2;
	v2 =	vmul.f32 v54, v55  }
0x128: {  	v61 =	vld [tilespmem:s28+$0x380];
	[tilespmem:s28+$0x310] =	vst v3;
	v3 =	vmul.f32 v56, v55  }
0x129: {  	v62 =	vld [tilespmem:s28+$0x390];
	[tilespmem:s28+$0x320] =	vst v2;
	v2 =	vmul.f32 v57, v55  }
0x12a: {  	v63 =	vld [tilespmem:s28+$0x3A0];
	[tilespmem:s28+$0x330] =	vst v3;
	v3 =	vmul.f32 v58, v55  }
0x12b: {  	v13 =	vld [tilespmem:s28+$0x3B0];
	v12 =	vbroadcast v1, $0x4;
	[tilespmem:s28+$0x340] =	vst v2;
	v2 =	vmul.f32 v59, v55  }
0x12c: {  	v14 =	vld [tilespmem:s28+$0x3C0];
	[tilespmem:s28+$0x350] =	vst v3;
	v3 =	vmul.f32 v60, v55  }
0x12d: {  	v15 =	vld [tilespmem:s28+$0x3D0];
	[tilespmem:s28+$0x360] =	vst v2;
	v2 =	vmul.f32 v61, v12  }
0x12e: {  	v16 =	vld [tilespmem:s28+$0x3E0];
	[tilespmem:s28+$0x370] =	vst v3;
	v3 =	vmul.f32 v62, v12  }
0x12f: {  	v17 =	vld [tilespmem:s28+$0x3F0];
	[tilespmem:s28+$0x380] =	vst v2;
	v2 =	vmul.f32 v63, v12  }
0x130: {  	v18 =	vld [tilespmem:s28+$0x400];
	[tilespmem:s28+$0x390] =	vst v3;
	v3 =	vmul.f32 v13, v12  }
0x131: {  	v19 =	vld [tilespmem:s28+$0x410];
	[tilespmem:s28+$0x3A0] =	vst v2;
	v2 =	vmul.f32 v14, v12  }
0x132: {  	v20 =	vld [tilespmem:s28+$0x420];
	[tilespmem:s28+$0x3B0] =	vst v3;
	v3 =	vmul.f32 v15, v12  }
0x133: {  	v22 =	vld [tilespmem:s28+$0x430];
	v21 =	vbroadcast v1, $0x5;
	[tilespmem:s28+$0x3C0] =	vst v2;
	v2 =	vmul.f32 v16, v12  }
0x134: {  	v23 =	vld [tilespmem:s28+$0x440];
	[tilespmem:s28+$0x3D0] =	vst v3;
	v3 =	vmul.f32 v17, v12  }
0x135: {  	v24 =	vld [tilespmem:s28+$0x450];
	[tilespmem:s28+$0x3E0] =	vst v2;
	v2 =	vmul.f32 v18, v21  }
0x136: {  	v25 =	vld [tilespmem:s28+$0x460];
	[tilespmem:s28+$0x3F0] =	vst v3;
	v3 =	vmul.f32 v19, v21  }
0x137: {  	v26 =	vld [tilespmem:s28+$0x470];
	[tilespmem:s28+$0x400] =	vst v2;
	v2 =	vmul.f32 v20, v21  }
0x138: {  	v27 =	vld [tilespmem:s28+$0x480];
	[tilespmem:s28+$0x410] =	vst v3;
	v3 =	vmul.f32 v22, v21  }
0x139: {  	v28 =	vld [tilespmem:s28+$0x490];
	[tilespmem:s28+$0x420] =	vst v2;
	v2 =	vmul.f32 v23, v21  }
0x13a: {  	v29 =	vld [tilespmem:s28+$0x4A0];
	[tilespmem:s28+$0x430] =	vst v3;
	v3 =	vmul.f32 v24, v21  }
0x13b: {  	v31 =	vld [tilespmem:s28+$0x4B0];
	v30 =	vbroadcast v1, $0x6;
	[tilespmem:s28+$0x440] =	vst v2;
	v2 =	vmul.f32 v25, v21  }
0x13c: {  	v32 =	vld [tilespmem:s28+$0x4C0];
	[tilespmem:s28+$0x450] =	vst v3;
	v3 =	vmul.f32 v26, v21  }
0x13d: {  	v33 =	vld [tilespmem:s28+$0x4D0];
	[tilespmem:s28+$0x460] =	vst v2;
	v2 =	vmul.f32 v27, v30  }
0x13e: {  	v34 =	vld [tilespmem:s28+$0x4E0];
	[tilespmem:s28+$0x470] =	vst v3;
	v3 =	vmul.f32 v28, v30  }
0x13f: {  	v35 =	vld [tilespmem:s28+$0x4F0];
	[tilespmem:s28+$0x480] =	vst v2;
	v2 =	vmul.f32 v29, v30  }
0x140: {  	v36 =	vld [tilespmem:s28+$0x500];
	[tilespmem:s28+$0x490] =	vst v3;
	v3 =	vmul.f32 v31, v30  }
0x141: {  	v37 =	vld [tilespmem:s28+$0x510];
	[tilespmem:s28+$0x4A0] =	vst v2;
	v2 =	vmul.f32 v32, v30  }
0x142: {  	v38 =	vld [tilespmem:s28+$0x520];
	[tilespmem:s28+$0x4B0] =	vst v3;
	v3 =	vmul.f32 v33, v30  }
0x143: {  	v39 =	vbroadcast v1, $0x7;
	v40 =	vld [tilespmem:s28+$0x530];
	[tilespmem:s28+$0x4C0] =	vst v2;
	v2 =	vmul.f32 v34, v30  }
0x144: {  	v41 =	vld [tilespmem:s28+$0x540];
	[tilespmem:s28+$0x4D0] =	vst v3;
	v3 =	vmul.f32 v35, v30  }
0x145: {  	v42 =	vld [tilespmem:s28+$0x550];
	[tilespmem:s28+$0x4E0] =	vst v2;
	v2 =	vmul.f32 v36, v39  }
0x146: {  	v43 =	vld [tilespmem:s28+$0x560];
	[tilespmem:s28+$0x4F0] =	vst v3;
	v3 =	vmul.f32 v37, v39  }
0x147: {  	v44 =	vld [tilespmem:s28+$0x570];
	[tilespmem:s28+$0x500] =	vst v2;
	v2 =	vmul.f32 v38, v39  }
0x148: {  	v45 =	vld [tilespmem:s28+$0x580];
	[tilespmem:s28+$0x510] =	vst v3;
	v3 =	vmul.f32 v40, v39  }
0x149: {  	v46 =	vld [tilespmem:s28+$0x590];
	[tilespmem:s28+$0x520] =	vst v2;
	v2 =	vmul.f32 v41, v39  }
0x14a: {  	v47 =	vld [tilespmem:s28+$0x5A0];
	[tilespmem:s28+$0x530] =	vst v3;
	v3 =	vmul.f32 v42, v39  }
0x14b: {  	v48 =	vbroadcast v1, $0x8;
	v49 =	vld [tilespmem:s28+$0x5B0];
	[tilespmem:s28+$0x540] =	vst v2;
	v2 =	vmul.f32 v43, v39  }
0x14c: {  	v50 =	vld [tilespmem:s28+$0x5C0];
	[tilespmem:s28+$0x550] =	vst v3;
	v3 =	vmul.f32 v44, v39  }
0x14d: {  	v51 =	vld [tilespmem:s28+$0x5D0];
	[tilespmem:s28+$0x560] =	vst v2;
	v2 =	vmul.f32 v45, v48  }
0x14e: {  	v52 =	vld [tilespmem:s28+$0x5E0];
	[tilespmem:s28+$0x570] =	vst v3;
	v3 =	vmul.f32 v46, v48  }
0x14f: {  	v53 =	vld [tilespmem:s28+$0x5F0];
	[tilespmem:s28+$0x580] =	vst v2;
	v2 =	vmul.f32 v47, v48  }
0x150: {  	v54 =	vld [tilespmem:s28+$0x600];
	[tilespmem:s28+$0x590] =	vst v3;
	v3 =	vmul.f32 v49, v48  }
0x151: {  	v55 =	vld [tilespmem:s28+$0x610];
	[tilespmem:s28+$0x5A0] =	vst v2;
	v2 =	vmul.f32 v50, v48  }
0x152: {  	v56 =	vld [tilespmem:s28+$0x620];
	[tilespmem:s28+$0x5B0] =	vst v3;
	v3 =	vmul.f32 v51, v48  }
0x153: {  	v57 =	vbroadcast v1, $0x9;
	v58 =	vld [tilespmem:s28+$0x630];
	[tilespmem:s28+$0x5C0] =	vst v2;
	v2 =	vmul.f32 v52, v48  }
0x154: {  	v59 =	vld [tilespmem:s28+$0x640];
	[tilespmem:s28+$0x5D0] =	vst v3;
	v3 =	vmul.f32 v53, v48  }
0x155: {  	v60 =	vld [tilespmem:s28+$0x650];
	[tilespmem:s28+$0x5E0] =	vst v2;
	v2 =	vmul.f32 v54, v57  }
0x156: {  	v61 =	vld [tilespmem:s28+$0x660];
	[tilespmem:s28+$0x5F0] =	vst v3;
	v3 =	vmul.f32 v55, v57  }
0x157: {  	v62 =	vld [tilespmem:s28+$0x670];
	[tilespmem:s28+$0x600] =	vst v2;
	v2 =	vmul.f32 v56, v57  }
0x158: {  	v63 =	vld [tilespmem:s28+$0x680];
	[tilespmem:s28+$0x610] =	vst v3;
	v3 =	vmul.f32 v58, v57  }
0x159: {  	v12 =	vld [tilespmem:s28+$0x690];
	[tilespmem:s28+$0x620] =	vst v2;
	v2 =	vmul.f32 v59, v57  }
0x15a: {  	v13 =	vld [tilespmem:s28+$0x6A0];
	[tilespmem:s28+$0x630] =	vst v3;
	v3 =	vmul.f32 v60, v57  }
0x15b: {  	v14 =	vbroadcast v1, $0xA;
	v15 =	vld [tilespmem:s28+$0x6B0];
	[tilespmem:s28+$0x640] =	vst v2;
	v2 =	vmul.f32 v61, v57  }
0x15c: {  	v16 =	vld [tilespmem:s28+$0x6C0];
	[tilespmem:s28+$0x650] =	vst v3;
	v3 =	vmul.f32 v62, v57  }
0x15d: {  	v17 =	vld [tilespmem:s28+$0x6D0];
	[tilespmem:s28+$0x660] =	vst v2;
	v2 =	vmul.f32 v63, v14  }
0x15e: {  	v18 =	vld [tilespmem:s28+$0x6E0];
	[tilespmem:s28+$0x670] =	vst v3;
	v3 =	vmul.f32 v12, v14  }
0x15f: {  	v19 =	vld [tilespmem:s28+$0x6F0];
	[tilespmem:s28+$0x680] =	vst v2;
	v2 =	vmul.f32 v13, v14  }
0x160: {  	v20 =	vld [tilespmem:s28+$0x700];
	[tilespmem:s28+$0x690] =	vst v3;
	v3 =	vmul.f32 v15, v14  }
0x161: {  	v21 =	vld [tilespmem:s28+$0x710];
	[tilespmem:s28+$0x6A0] =	vst v2;
	v2 =	vmul.f32 v16, v14  }
0x162: {  	v22 =	vld [tilespmem:s28+$0x720];
	[tilespmem:s28+$0x6B0] =	vst v3;
	v3 =	vmul.f32 v17, v14  }
0x163: {  	v23 =	vbroadcast v1, $0xB;
	v24 =	vld [tilespmem:s28+$0x730];
	[tilespmem:s28+$0x6C0] =	vst v2;
	v2 =	vmul.f32 v18, v14  }
0x164: {  	v25 =	vld [tilespmem:s28+$0x740];
	[tilespmem:s28+$0x6D0] =	vst v3;
	v3 =	vmul.f32 v19, v14  }
0x165: {  	v26 =	vld [tilespmem:s28+$0x750];
	[tilespmem:s28+$0x6E0] =	vst v2;
	v2 =	vmul.f32 v20, v23  }
0x166: {  	v27 =	vld [tilespmem:s28+$0x760];
	[tilespmem:s28+$0x6F0] =	vst v3;
	v3 =	vmul.f32 v21, v23  }
0x167: {  	v28 =	vld [tilespmem:s28+$0x770];
	[tilespmem:s28+$0x700] =	vst v2;
	v2 =	vmul.f32 v22, v23  }
0x168: {  	v29 =	vld [tilespmem:s28+$0x780];
	[tilespmem:s28+$0x710] =	vst v3;
	v3 =	vmul.f32 v24, v23  }
0x169: {  	v30 =	vld [tilespmem:s28+$0x790];
	[tilespmem:s28+$0x720] =	vst v2;
	v2 =	vmul.f32 v25, v23  }
0x16a: {  	v31 =	vld [tilespmem:s28+$0x7A0];
	[tilespmem:s28+$0x730] =	vst v3;
	v3 =	vmul.f32 v26, v23  }
0x16b: {  	v32 =	vbroadcast v1, $0xC;
	v33 =	vld [tilespmem:s28+$0x7B0];
	[tilespmem:s28+$0x740] =	vst v2;
	v2 =	vmul.f32 v27, v23  }
0x16c: {  	v34 =	vld [tilespmem:s28+$0x7C0];
	[tilespmem:s28+$0x750] =	vst v3;
	v3 =	vmul.f32 v28, v23  }
0x16d: {  	v35 =	vld [tilespmem:s28+$0x7D0];
	[tilespmem:s28+$0x760] =	vst v2;
	v2 =	vmul.f32 v29, v32  }
0x16e: {  	v36 =	vld [tilespmem:s28+$0x7E0];
	[tilespmem:s28+$0x770] =	vst v3;
	v3 =	vmul.f32 v30, v32  }
0x16f: {  	v37 =	vld [tilespmem:s28+$0x7F0];
	[tilespmem:s28+$0x780] =	vst v2;
	v2 =	vmul.f32 v31, v32  }
0x170: {  	v38 =	vld [tilespmem:s28+$0x800];
	[tilespmem:s28+$0x790] =	vst v3;
	v3 =	vmul.f32 v33, v32  }
0x171: {  	v39 =	vld [tilespmem:s28+$0x810];
	[tilespmem:s28+$0x7A0] =	vst v2;
	v2 =	vmul.f32 v34, v32  }
0x172: {  	v40 =	vld [tilespmem:s28+$0x820];
	[tilespmem:s28+$0x7B0] =	vst v3;
	v3 =	vmul.f32 v35, v32  }
0x173: {  	v41 =	vbroadcast v1, $0xD;
	v42 =	vld [tilespmem:s28+$0x830];
	[tilespmem:s28+$0x7C0] =	vst v2;
	v2 =	vmul.f32 v36, v32  }
0x174: {  	v43 =	vld [tilespmem:s28+$0x840];
	[tilespmem:s28+$0x7D0] =	vst v3;
	v3 =	vmul.f32 v37, v32  }
0x175: {  	v44 =	vld [tilespmem:s28+$0x850];
	[tilespmem:s28+$0x7E0] =	vst v2;
	v2 =	vmul.f32 v38, v41  }
0x176: {  	v45 =	vld [tilespmem:s28+$0x860];
	[tilespmem:s28+$0x7F0] =	vst v3;
	v3 =	vmul.f32 v39, v41  }
0x177: {  	v46 =	vld [tilespmem:s28+$0x870];
	[tilespmem:s28+$0x800] =	vst v2;
	v2 =	vmul.f32 v40, v41  }
0x178: {  	v47 =	vld [tilespmem:s28+$0x880];
	[tilespmem:s28+$0x810] =	vst v3;
	v3 =	vmul.f32 v42, v41  }
0x179: {  	v48 =	vld [tilespmem:s28+$0x890];
	[tilespmem:s28+$0x820] =	vst v2;
	v2 =	vmul.f32 v43, v41  }
0x17a: {  	v49 =	vld [tilespmem:s28+$0x8A0];
	[tilespmem:s28+$0x830] =	vst v3;
	v3 =	vmul.f32 v44, v41  }
0x17b: {  	v50 =	vbroadcast v1, $0xE;
	v51 =	vld [tilespmem:s28+$0x8B0];
	[tilespmem:s28+$0x840] =	vst v2;
	v2 =	vmul.f32 v45, v41  }
0x17c: {  	v52 =	vld [tilespmem:s28+$0x8C0];
	[tilespmem:s28+$0x850] =	vst v3;
	v3 =	vmul.f32 v46, v41  }
0x17d: {  	v53 =	vld [tilespmem:s28+$0x8D0];
	[tilespmem:s28+$0x860] =	vst v2;
	v2 =	vmul.f32 v47, v50  }
0x17e: {  	v54 =	vld [tilespmem:s28+$0x8E0];
	[tilespmem:s28+$0x870] =	vst v3;
	v3 =	vmul.f32 v48, v50  }
0x17f: {  	v55 =	vld [tilespmem:s28+$0x8F0];
	[tilespmem:s28+$0x880] =	vst v2;
	v2 =	vmul.f32 v49, v50  }
0x180: {  	v56 =	vld [tilespmem:s28+$0x900];
	[tilespmem:s28+$0x890] =	vst v3;
	v3 =	vmul.f32 v51, v50  }
0x181: {  	v57 =	vld [tilespmem:s28+$0x910];
	[tilespmem:s28+$0x8A0] =	vst v2;
	v2 =	vmul.f32 v52, v50  }
0x182: {  	v58 =	vld [tilespmem:s28+$0x920];
	[tilespmem:s28+$0x8B0] =	vst v3;
	v3 =	vmul.f32 v53, v50  }
0x183: {  	v1 =	vbroadcast v1, $0xF;
	v59 =	vld [tilespmem:s28+$0x930];
	[tilespmem:s28+$0x8C0] =	vst v2;
	v2 =	vmul.f32 v54, v50  }
0x184: {  	v60 =	vld [tilespmem:s28+$0x940];
	[tilespmem:s28+$0x8D0] =	vst v3;
	v3 =	vmul.f32 v55, v50  }
0x185: {  	v61 =	vld [tilespmem:s28+$0x950];
	[tilespmem:s28+$0x8E0] =	vst v2;
	v2 =	vmul.f32 v56, v1  }
0x186: {  	v62 =	vld [tilespmem:s28+$0x960];
	[tilespmem:s28+$0x8F0] =	vst v3;
	v3 =	vmul.f32 v57, v1  }
0x187: {  	v63 =	vld [tilespmem:s28+$0x970];
	[tilespmem:s28+$0x900] =	vst v2;
	v2 =	vmul.f32 v58, v1  }
0x188: {  	[tilespmem:s28+$0x910] =	vst v3;
	v3 =	vmul.f32 v59, v1  }
0x189: {  	p2 =	sne.s32 s26, $0x7;
	[tilespmem:s28+$0x920] =	vst v2;
	v2 =	vmul.f32 v60, v1  }
.Ltmp6:
0x18a: {  	[tilespmem:s28+$0x930] =	vst v3;
	v3 =	vmul.f32 v61, v1;
	(pc) =	sbr.rel @p2 .LBB2_9-.Ltmp6, $4  }
0x18b: {  	[tilespmem:s28+$0x940] =	vst v2;
	v2 =	vmul.f32 v62, v1  }
0x18c: {  	[tilespmem:s28+$0x950] =	vst v3;
	v1 =	vmul.f32 v63, v1  }
0x18d: {  	[tilespmem:s28+$0x960] =	vst v2  }
0x18e: {  	s26 =	sadd.s32 $0x1, s26;
	[tilespmem:s28+$0x970] =	vst v1  }
.Ltmp7:
0x18f: {  	(pc) =	sbr.rel .LBB2_11-.Ltmp7, $4  }
0x190: {  	[spmem:s3] =	stream.indirect.scatter.add.f32 [tilespmem:s21], [sflag:$0x2], $0x80, s23, s23, $0xb8;
	[tilespmem:$0x17A00] =	vst v63  }
0x191: {  	_ =	swait.ge [sflag:s22], $0x4000  }
0x192: {  	[sflag:s22] =	ssyncset.done $0x0  }
0x193: {  	[sflag:s22] =	ssyncadd.s32 $0xFFFFC000  }
.LBB2_12:
0x194: {  	_ =	sfence.sel $0x180000  }
0x195: {  	[bflag:$0x0] =	sbarrier.arrive $0xFFFF  }
0x196: {  	_ =	strace $0x90000047  }
0x197: {  	s0 =	sadd.s32 @!p0 $0x100000, s0;
	[bflag:$0x2] =	sbarrier.arrive $0xFFFF  }
0x198: {  	[sflag:s0] =	ssyncadd.tile.s32 @!p0 $0x1;
	_ =	shalt  }
.Lfunc_end2:
_tile_overlayer_lowered:
.L_overlay_start_2:
0x199: {  	(tag) =	ssettag $0x2  }
0x19a: {  	s0 =	rddreg [dreg:$0x0];
	s2 =	stileid.u32  }
0x19b: {  	s1 =	rddreg [dreg:$0x1];
	p0 =	sne.s32 s2, $0x0  }
0x19c: {  	s3 =	rddreg [dreg:$0x2];
	[bflag:$0x3] =	sbarrier.arrive $0xFFFF;
	s2 =	simm.s32 @!p0 $0x1C02  }
0x19d: {  	[timem:s3], [sflag:s2] =	dma.local @!p0 [hbm:s0], s1  }
0x19e: {  	s0 =	simm.s32 @!p0 $0x2  }
0x19f: {  	_ =	swait.ge @!p0 [sflag:s0], s1  }
0x1a0: {  	s1 =	ssub.s32 @!p0 $0x0, s1;
	[sflag:s0] =	ssyncset.done @!p0 $0x0  }
0x1a1: {  	[sflag:s0] =	ssyncadd.s32 @!p0 s1  }
0x1a2: {  	[bflag:$0x3] =	sbarrier.arrive $0xFFFF  }
0x1a3: {  	_ =	shalt  }

</sc_bundles>
